<compile_context>
chip_gen: v7x
topology: tpu7x:2x2x1
jax: 0.10.2.dev20260603
libtpu: 0.0.44.dev20260713+nightly
codegen_flags: <defaults>
</compile_context>

<pallas_src>
import functools

import jax
import jax.numpy as jnp
from jax import lax
from jax.experimental import pallas as pl
from jax.experimental.pallas import tpu as pltpu
from jax.experimental.pallas import tpu_sc as plsc

_NC = 2
_NS = 16
_LANES = 16


def _repack_tables(focal_t, context_t, tail_f, tail_c):
    D, V = focal_t.shape
    n_full = V // 128
    tail = V - n_full * 128
    NW = _NC * _NS
    K = -(-n_full // NW)
    if K % 2:
        K += 1

    mesh = plsc.VectorSubcoreMesh(core_axis_name="c", subcore_axis_name="s")
    out_t = jax.ShapeDtypeStruct((V // 4, 128), jnp.float32)

    @functools.partial(
        pl.kernel,
        out_type=(out_t, out_t),
        mesh=mesh,
        scratch_types=[
            pltpu.VMEM((D, 129), jnp.float32),
            pltpu.VMEM((D, 129), jnp.float32),
            pltpu.VMEM((128 // 4, 128), jnp.float32),
            pltpu.VMEM((128 // 4, 128), jnp.float32),
            pltpu.SemaphoreType.DMA,
            pltpu.SemaphoreType.DMA,
            pltpu.SemaphoreType.DMA,
            pltpu.SemaphoreType.DMA,
        ],
        compiler_params=pltpu.CompilerParams(use_tc_tiling_on_sc=True,
                                             needs_layout_passes=False),
    )
    def rk(f_hbm, c_hbm, tf_hbm, tc_hbm, fo_hbm, co_hbm,
           b0, b1, t0, t1, si0, si1, so0, so1):
        wid = lax.axis_index("s") * _NC + lax.axis_index("c")
        bufs, tbufs = (b0, b1), (t0, t1)
        sis, sos = (si0, si1), (so0, so1)
        iota = lax.iota(jnp.int32, _LANES)
        d_half = (iota, iota + _LANES)

        def transpose_block(slot, n_j):
            buf, tbuf = bufs[slot], tbufs[slot]

            @plsc.parallel_loop(0, n_j, step=1, unroll=8)
            def _(j):
                jidx = jnp.full((_LANES,), 0, jnp.int32) + j
                r = j // 4
                q0 = (j % 4) * 32
                for h in range(2):
                    v = plsc.load_gather(buf, [d_half[h], jidx])
                    tbuf[r, pl.ds(q0 + 16 * h, _LANES)] = v

        for src, tsrc, dst in ((f_hbm, tf_hbm, fo_hbm),
                               (c_hbm, tc_hbm, co_hbm)):
            def issue(c, slot):
                pltpu.async_copy(
                    src.at[pl.ds(0, D), pl.ds(c * 128, 128)],
                    bufs[slot].at[:, pl.ds(0, 128)], sis[slot])

            def drain_in(slot):
                pltpu.make_async_copy(
                    src.at[pl.ds(0, D), pl.ds(0, 128)],
                    bufs[slot].at[:, pl.ds(0, 128)], sis[slot]).wait()

            def issue_out(c, slot):
                pltpu.async_copy(tbufs[slot], dst.at[pl.ds(32 * c, 32)],
                                 sos[slot])

            def drain_out(slot):
                pltpu.make_async_copy(tbufs[slot],
                                      dst.at[pl.ds(0, 32)],
                                      sos[slot]).wait()

            def step(k, slot):
                c = wid + NW * k

                @pl.when(c < n_full)
                def _():
                    drain_in(slot)

                    @pl.when(k >= 2)
                    def _():
                        drain_out(slot)

                    transpose_block(slot, 128)
                    issue_out(c, slot)

                    @pl.when(c + 2 * NW < n_full)
                    def _():
                        issue(c + 2 * NW, slot)

            @pl.when(wid < n_full)
            def _():
                issue(wid, 0)

            @pl.when(wid + NW < n_full)
            def _():
                issue(wid + NW, 1)

            @pl.loop(0, K, step=2)
            def _(k):
                step(k, 0)
                step(k + 1, 1)

            drain_out(0)
            drain_out(1)

            if tail:
                @pl.when(wid == 0)
                def _():
                    pltpu.sync_copy(tsrc,
                                    tbufs[0].at[pl.ds(0, tail // 4)])
                    pltpu.sync_copy(tbufs[0].at[pl.ds(0, tail // 4)],
                                    dst.at[pl.ds(32 * n_full, tail // 4)])

    return rk(focal_t, context_t, tail_f, tail_c)


def kernel(tokens, focal_table, context_table):
    B, L = tokens.shape
    V, D = focal_table.shape
    NW = _NC * _NS
    CB = B // (128 * NW)
    W = 128 * CB
    assert W * NW == B and D == 32 and L % 2 == 0

    tokens_t = tokens.T
    n_full128 = (V // 128) * 128
    tail_f = focal_table[n_full128:].reshape(-1, 128)
    tail_c = context_table[n_full128:].reshape(-1, 128)
    f128, c128 = _repack_tables(focal_table.T, context_table.T,
                                tail_f, tail_c)
    f_rm = f128.reshape(V, D)
    c_rm = c128.reshape(V, D)
    mesh = plsc.VectorSubcoreMesh(core_axis_name="c", subcore_axis_name="s")

    @functools.partial(
        pl.kernel,
        out_type=jax.ShapeDtypeStruct((L, D // 8, B // 128, 8, 128),
                                      jnp.float32),
        mesh=mesh,
        scratch_types=[
            pltpu.VMEM((L, W), jnp.int32),
            pltpu.VMEM((W, D), jnp.float32),
            pltpu.VMEM((W, D), jnp.float32),
            pltpu.VMEM((W, D), jnp.float32),
            pltpu.VMEM((W, D), jnp.float32),
            pltpu.VMEM((D, 129), jnp.float32),
            pltpu.VMEM((D, 129), jnp.float32),
            pltpu.SemaphoreType.DMA,
            pltpu.SemaphoreType.DMA,
            pltpu.SemaphoreType.DMA,
            pltpu.SemaphoreType.DMA,
        ],
        compiler_params=pltpu.CompilerParams(use_tc_tiling_on_sc=False,
                                             needs_layout_passes=False),
    )
    def sc_kernel(tok_hbm, focal_hbm, context_hbm, out_hbm,
                  idx_v, f0, c0, f1, c1, t0, t1,
                  sem0, sem1, osem0, osem1):
        wid = lax.axis_index("s") * _NC + lax.axis_index("c")
        b0 = wid * W
        pltpu.sync_copy(tok_hbm.at[:, pl.ds(b0, W)], idx_v)

        f_bufs, c_bufs, sems = (f0, f1), (c0, c1), (sem0, sem1)
        tbufs, osems = (t0, t1), (osem0, osem1)
        iota = lax.iota(jnp.int32, _LANES)

        def issue(l, slot):
            sl = idx_v.at[l]
            pltpu.async_copy(focal_hbm.at[sl], f_bufs[slot], sems[slot])
            pltpu.async_copy(context_hbm.at[sl], c_bufs[slot], sems[slot])

        def drain(l, slot):
            sl = idx_v.at[l]
            pltpu.make_async_copy(focal_hbm.at[sl], f_bufs[slot],
                                  sems[slot]).wait()
            pltpu.make_async_copy(context_hbm.at[sl], c_bufs[slot],
                                  sems[slot]).wait()

        d_half = (iota, iota + _LANES)

        def drain_out(l, ts):
            for a in range(D // 8):
                pltpu.make_async_copy(
                    tbufs[ts].at[pl.ds(8 * a, 8), pl.ds(0, 128)],
                    out_hbm.at[l, a, CB * wid],
                    osems[ts]).wait()

        def process(l, slot):
            f_b, c_b = f_bufs[slot], c_bufs[slot]
            for cp in range(CB):
                ts = cp % 2
                if cp < 2:
                    @pl.when(l > 0)
                    def _():
                        drain_out(l, ts)
                else:
                    drain_out(l, ts)
                t_b = tbufs[ts]

                @plsc.parallel_loop(0, 128, step=1, unroll=4)
                def _(j):
                    jj = 128 * cp + j
                    jidx = jnp.full((_LANES,), 0, jnp.int32) + j
                    for h in range(2):
                        v = (f_b[jj, pl.ds(16 * h, _LANES)]
                             + c_b[jj, pl.ds(16 * h, _LANES)])
                        plsc.store_scatter(t_b, [d_half[h], jidx], v)

                for a in range(D // 8):
                    pltpu.async_copy(
                        t_b.at[pl.ds(8 * a, 8), pl.ds(0, 128)],
                        out_hbm.at[l, a, CB * wid + cp],
                        osems[ts])

        issue(0, 0)
        issue(1, 1)

        @pl.loop(0, L, step=2)
        def _(l):
            drain(l, 0)
            process(l, 0)

            @pl.when(l + 2 < L)
            def _():
                issue(l + 2, 0)

            drain(l + 1, 1)
            process(l + 1, 1)

            @pl.when(l + 3 < L)
            def _():
                issue(l + 3, 1)

        drain_out(L - 1, 0)
        drain_out(L - 1, 1)

    out5 = sc_kernel(tokens_t, f_rm, c_rm)
    return out5.transpose(2, 4, 0, 1, 3).reshape(B, L, D)

# --- scband reference (transcript-rebuilt; emitter-appended) ---
"""Pipeline reference for scband-glo-ve-model-70471823393532 (READ-ONLY COPY).

The authoritative reference and input builder live on the scoring server;
editing this copy changes nothing except your own understanding.
"""

import jax, jax.numpy as jnp
import numpy as np

VOCAB = 1000000
EMBED = 32
B = 16384
L = 50

def setup_inputs(seed: int = 0) -> dict:
    key = jax.random.key(seed)
    k1, k2, k3 = jax.random.split(key, 3)
    tokens = jax.random.randint(k1, (B, L), 0, VOCAB, dtype=jnp.int64 if jax.config.jax_enable_x64 else jnp.int32)
    focal_table = jax.random.uniform(k2, (VOCAB, EMBED), dtype=jnp.float32, minval=-1.0, maxval=1.0)
    context_table = jax.random.uniform(k3, (VOCAB, EMBED), dtype=jnp.float32, minval=-1.0, maxval=1.0)
    return {"tokens": tokens, "focal_table": focal_table, "context_table": context_table}

def reference(tokens, focal_table, context_table):
    # GloVeModel.embedding_for_tensor: focal_embeddings(tokens) + context_embeddings(tokens)
    focal = jnp.take(focal_table, tokens, axis=0)
    context = jnp.take(context_table, tokens, axis=0)
    return focal + context

if __name__ == "__main__":
    import jax
    _d = setup_inputs()
    print(jax.jit(kernel)(*tuple(_d.values())))

</pallas_src>

<mosaic_0001>
#map = affine_map<(d0, d1) -> (0, 0)>
module attributes {stable_mosaic.version = 14 : i64} {
  func.func @rk(%arg0: i32, %arg1: i32, %arg2: memref<32x1000000xf32, #tpu.memory_space<hbm>>, %arg3: memref<32x1000000xf32, #tpu.memory_space<hbm>>, %arg4: memref<16x128xf32, #tpu.memory_space<hbm>>, %arg5: memref<16x128xf32, #tpu.memory_space<hbm>>, %arg6: memref<250000x128xf32, #tpu.memory_space<hbm>>, %arg7: memref<250000x128xf32, #tpu.memory_space<hbm>>, %arg8: memref<32x129xf32, #tpu.memory_space<vmem>>, %arg9: memref<32x129xf32, #tpu.memory_space<vmem>>, %arg10: memref<32x128xf32, #tpu.memory_space<vmem>>, %arg11: memref<32x128xf32, #tpu.memory_space<vmem>>, %arg12: memref<!tpu.dma_semaphore, #tpu.memory_space<semaphore_mem>>, %arg13: memref<!tpu.dma_semaphore, #tpu.memory_space<semaphore_mem>>, %arg14: memref<!tpu.dma_semaphore, #tpu.memory_space<semaphore_mem>>, %arg15: memref<!tpu.dma_semaphore, #tpu.memory_space<semaphore_mem>>) attributes {dimension_semantics = [#tpu.dimension_semantics<core_parallel>, #tpu.dimension_semantics<subcore_parallel>], iteration_bounds = array<i64: 2, 16>, scalar_prefetch = 0 : i64, scratch_operands = 8 : i64, tpu.core_type = #tpu.core_type<sc_vector_subcore>, window_params = [{transform_indices = #map}, {transform_indices = #map}, {transform_indices = #map}, {transform_indices = #map}, {transform_indices = #map}, {transform_indices = #map}]} {
    %mul3A = arith.constant 2 : i32
    %mul3A_0 = arith.muli %arg1, %mul3A : i32
    %add3A = arith.addi %mul3A_0, %arg0 : i32
    %iota3A = tpu.iota {dimensions = array<i32: 0>} : vector<16xi32>
    %add3A_1 = arith.constant 16 : i32
    %add3A_2 = vector.broadcast %add3A_1 : i32 to vector<16xi32>
    %add3A_3 = arith.addi %iota3A, %add3A_2 : vector<16xi32>
    %lt3A = arith.constant 7812 : i32
    %lt3A_4 = arith.cmpi slt, %add3A, %lt3A : i32
    %convert_element_type3A = arith.extui %lt3A_4 : i1 to i32
    %cond3A = arith.constant 0 : i32
    %cond3A_5 = arith.cmpi ne, %convert_element_type3A, %cond3A : i32
    scf.if %cond3A_5 {
      %mul3A_66 = arith.constant 128 : i32
      %mul3A_67 = arith.muli %add3A, %mul3A_66 : i32
      %dma_start3A = arith.constant 0 : i32
      %dma_start3A_68 = arith.constant 0 : i32
      %dma_start3A_69 = tpu.memref_slice %arg8[%dma_start3A, %dma_start3A_68] : memref<32x129xf32, #tpu.memory_space<vmem>> -> memref<32x128xf32, #tpu.memory_space<vmem>>
      %dma_start3A_70 = arith.constant 0 : i32
      %dma_start3A_71 = tpu.memref_slice %arg2[%dma_start3A_70, %mul3A_67] : memref<32x1000000xf32, #tpu.memory_space<hbm>> -> memref<32x128xf32, #tpu.memory_space<hbm>>
      %dma_start3A_72 = arith.constant 0 : i32
      %dma_start3A_73 = arith.constant 0 : i32
      %dma_start3A_74 = tpu.memref_slice %arg8[%dma_start3A_72, %dma_start3A_73] : memref<32x129xf32, #tpu.memory_space<vmem>> -> memref<32x128xf32, #tpu.memory_space<vmem>>
      %dma_start3A_75 = arith.constant 0 : i32
      %dma_start3A_76 = tpu.memref_slice %arg2[%dma_start3A_75, %mul3A_67] : memref<32x1000000xf32, #tpu.memory_space<hbm>> -> memref<32x128xf32, #tpu.memory_space<hbm>>
      tpu.enqueue_dma source(%dma_start3A_76 : memref<32x128xf32, #tpu.memory_space<hbm>>) target(%dma_start3A_74 : memref<32x128xf32, #tpu.memory_space<vmem>>) target_semaphore(%arg12 : memref<!tpu.dma_semaphore, #tpu.memory_space<semaphore_mem>>)
    } else {
    }
    %add3A_6 = arith.constant 32 : i32
    %add3A_7 = arith.addi %add3A, %add3A_6 : i32
    %lt3A_8 = arith.constant 7812 : i32
    %lt3A_9 = arith.cmpi slt, %add3A_7, %lt3A_8 : i32
    %convert_element_type3A_10 = arith.extui %lt3A_9 : i1 to i32
    %cond3A_11 = arith.constant 0 : i32
    %cond3A_12 = arith.cmpi ne, %convert_element_type3A_10, %cond3A_11 : i32
    scf.if %cond3A_12 {
      %add3A_66 = arith.constant 32 : i32
      %add3A_67 = arith.addi %add3A, %add3A_66 : i32
      %mul3A_68 = arith.constant 128 : i32
      %mul3A_69 = arith.muli %add3A_67, %mul3A_68 : i32
      %dma_start3A = arith.constant 0 : i32
      %dma_start3A_70 = arith.constant 0 : i32
      %dma_start3A_71 = tpu.memref_slice %arg9[%dma_start3A, %dma_start3A_70] : memref<32x129xf32, #tpu.memory_space<vmem>> -> memref<32x128xf32, #tpu.memory_space<vmem>>
      %dma_start3A_72 = arith.constant 0 : i32
      %dma_start3A_73 = tpu.memref_slice %arg2[%dma_start3A_72, %mul3A_69] : memref<32x1000000xf32, #tpu.memory_space<hbm>> -> memref<32x128xf32, #tpu.memory_space<hbm>>
      %dma_start3A_74 = arith.constant 0 : i32
      %dma_start3A_75 = arith.constant 0 : i32
      %dma_start3A_76 = tpu.memref_slice %arg9[%dma_start3A_74, %dma_start3A_75] : memref<32x129xf32, #tpu.memory_space<vmem>> -> memref<32x128xf32, #tpu.memory_space<vmem>>
      %dma_start3A_77 = arith.constant 0 : i32
      %dma_start3A_78 = tpu.memref_slice %arg2[%dma_start3A_77, %mul3A_69] : memref<32x1000000xf32, #tpu.memory_space<hbm>> -> memref<32x128xf32, #tpu.memory_space<hbm>>
      tpu.enqueue_dma source(%dma_start3A_78 : memref<32x128xf32, #tpu.memory_space<hbm>>) target(%dma_start3A_76 : memref<32x128xf32, #tpu.memory_space<vmem>>) target_semaphore(%arg13 : memref<!tpu.dma_semaphore, #tpu.memory_space<semaphore_mem>>)
    } else {
    }
    %scan3A = arith.constant 0 : i32
    %scan3A_13 = arith.constant 123 : i32
    %scan3A_14 = arith.addi %scan3A, %scan3A_13 : i32
    %scan3A_15 = arith.constant 1 : i32
    scf.for %scan3A_66 = %scan3A to %scan3A_14 step %scan3A_15  : i32 {
      %mul3A_67 = arith.constant 2 : i32
      %mul3A_68 = arith.muli %scan3A_66, %mul3A_67 : i32
      %add3A_69 = arith.constant 0 : i32
      %add3A_70 = arith.addi %add3A_69, %mul3A_68 : i32
      %mul3A_71 = arith.constant 32 : i32
      %mul3A_72 = arith.muli %mul3A_71, %add3A_70 : i32
      %add3A_73 = arith.addi %add3A, %mul3A_72 : i32
      %lt3A_74 = arith.constant 7812 : i32
      %lt3A_75 = arith.cmpi slt, %add3A_73, %lt3A_74 : i32
      %convert_element_type3A_76 = arith.extui %lt3A_75 : i1 to i32
      %cond3A_77 = arith.constant 0 : i32
      %cond3A_78 = arith.cmpi ne, %convert_element_type3A_76, %cond3A_77 : i32
      scf.if %cond3A_78 {
        %dma_wait3A_89 = arith.constant 0 : i32
        %dma_wait3A_90 = arith.constant 0 : i32
        %dma_wait3A_91 = tpu.memref_slice %arg8[%dma_wait3A_89, %dma_wait3A_90] : memref<32x129xf32, #tpu.memory_space<vmem>> -> memref<32x128xf32, #tpu.memory_space<vmem>>
        %dma_wait3A_92 = arith.constant 0 : i32
        %dma_wait3A_93 = arith.constant 0 : i32
        %dma_wait3A_94 = tpu.memref_slice %arg2[%dma_wait3A_92, %dma_wait3A_93] : memref<32x1000000xf32, #tpu.memory_space<hbm>> -> memref<32x128xf32, #tpu.memory_space<hbm>>
        %dma_wait3A_95 = arith.constant 0 : i32
        %dma_wait3A_96 = arith.constant 0 : i32
        %dma_wait3A_97 = tpu.memref_slice %arg8[%dma_wait3A_95, %dma_wait3A_96] : memref<32x129xf32, #tpu.memory_space<vmem>> -> memref<32x128xf32, #tpu.memory_space<vmem>>
        %dma_wait3A_98 = arith.constant 0 : i32
        %dma_wait3A_99 = arith.constant 0 : i32
        %dma_wait3A_100 = tpu.memref_slice %arg2[%dma_wait3A_98, %dma_wait3A_99] : memref<32x1000000xf32, #tpu.memory_space<hbm>> -> memref<32x128xf32, #tpu.memory_space<hbm>>
        tpu.wait_dma2 semaphore(%arg12 : memref<!tpu.dma_semaphore, #tpu.memory_space<semaphore_mem>>) src(%dma_wait3A_100 : memref<32x128xf32, #tpu.memory_space<hbm>>) dst(%dma_wait3A_97 : memref<32x128xf32, #tpu.memory_space<vmem>>)
        %ge3A = arith.constant 2 : i32
        %ge3A_101 = arith.cmpi sge, %add3A_70, %ge3A : i32
        %convert_element_type3A_102 = arith.extui %ge3A_101 : i1 to i32
        %cond3A_103 = arith.constant 0 : i32
        %cond3A_104 = arith.cmpi ne, %convert_element_type3A_102, %cond3A_103 : i32
        scf.if %cond3A_104 {
          %dma_wait3A_119 = arith.constant 0 : i32
          %dma_wait3A_120 = arith.constant 0 : i32
          %dma_wait3A_121 = tpu.memref_slice %arg6[%dma_wait3A_119, %dma_wait3A_120] : memref<250000x128xf32, #tpu.memory_space<hbm>> -> memref<32x128xf32, #tpu.memory_space<hbm>>
          %dma_wait3A_122 = arith.constant 0 : i32
          %dma_wait3A_123 = arith.constant 0 : i32
          %dma_wait3A_124 = tpu.memref_slice %arg6[%dma_wait3A_122, %dma_wait3A_123] : memref<250000x128xf32, #tpu.memory_space<hbm>> -> memref<32x128xf32, #tpu.memory_space<hbm>>
          tpu.wait_dma2 semaphore(%arg14 : memref<!tpu.dma_semaphore, #tpu.memory_space<semaphore_mem>>) src(%arg10 : memref<32x128xf32, #tpu.memory_space<vmem>>) dst(%dma_wait3A_124 : memref<32x128xf32, #tpu.memory_space<hbm>>)
        } else {
        }
        %parallel_loop3A = arith.constant 0 : i32
        %parallel_loop3A_105 = arith.constant 128 : i32
        %parallel_loop3A_106 = arith.constant 1 : i32
        scf.for %parallel_loop3A_119 = %parallel_loop3A to %parallel_loop3A_105 step %parallel_loop3A_106  : i32 {
          %parallel_loop3A_120 = arith.constant 0 : i32
          %parallel_loop3A_121 = vector.broadcast %parallel_loop3A_120 : i32 to vector<16xi32>
          %parallel_loop3A_122 = vector.broadcast %parallel_loop3A_119 : i32 to vector<16xi32>
          %parallel_loop3A_123 = arith.addi %parallel_loop3A_121, %parallel_loop3A_122 : vector<16xi32>
          %parallel_loop3A_124 = arith.constant 4 : i32
          %parallel_loop3A_125 = arith.divsi %parallel_loop3A_119, %parallel_loop3A_124 : i32
          %parallel_loop3A_126 = arith.constant 0 : i32
          %parallel_loop3A_127 = arith.cmpi sgt, %parallel_loop3A_119, %parallel_loop3A_126 : i32
          %parallel_loop3A_128 = arith.extui %parallel_loop3A_127 : i1 to i32
          %parallel_loop3A_129 = arith.constant 0 : i32
          %parallel_loop3A_130 = arith.cmpi slt, %parallel_loop3A_119, %parallel_loop3A_129 : i32
          %parallel_loop3A_131 = arith.extui %parallel_loop3A_130 : i1 to i32
          %parallel_loop3A_132 = arith.subi %parallel_loop3A_128, %parallel_loop3A_131 : i32
          %parallel_loop3A_133 = arith.constant 0 : i32
          %parallel_loop3A_134 = arith.cmpi sgt, %parallel_loop3A_124, %parallel_loop3A_133 : i32
          %parallel_loop3A_135 = arith.extui %parallel_loop3A_134 : i1 to i32
          %parallel_loop3A_136 = arith.constant 0 : i32
          %parallel_loop3A_137 = arith.cmpi slt, %parallel_loop3A_124, %parallel_loop3A_136 : i32
          %parallel_loop3A_138 = arith.extui %parallel_loop3A_137 : i1 to i32
          %parallel_loop3A_139 = arith.subi %parallel_loop3A_135, %parallel_loop3A_138 : i32
          %parallel_loop3A_140 = arith.cmpi ne, %parallel_loop3A_132, %parallel_loop3A_139 : i32
          %parallel_loop3A_141 = arith.remsi %parallel_loop3A_119, %parallel_loop3A_124 : i32
          %parallel_loop3A_142 = arith.constant 0 : i32
          %parallel_loop3A_143 = arith.cmpi ne, %parallel_loop3A_141, %parallel_loop3A_142 : i32
          %parallel_loop3A_144 = arith.andi %parallel_loop3A_140, %parallel_loop3A_143 : i1
          %parallel_loop3A_145 = arith.constant 1 : i32
          %parallel_loop3A_146 = arith.subi %parallel_loop3A_125, %parallel_loop3A_145 : i32
          %parallel_loop3A_147 = arith.select %parallel_loop3A_144, %parallel_loop3A_146, %parallel_loop3A_125 : i32
          %parallel_loop3A_148 = arith.constant 4 : i32
          %parallel_loop3A_149 = arith.constant 0 : i32
          %parallel_loop3A_150 = arith.cmpi eq, %parallel_loop3A_148, %parallel_loop3A_149 : i32
          %parallel_loop3A_151 = arith.constant 1 : i32
          %parallel_loop3A_152 = arith.select %parallel_loop3A_150, %parallel_loop3A_151, %parallel_loop3A_148 : i32
          %parallel_loop3A_153 = arith.remsi %parallel_loop3A_119, %parallel_loop3A_152 : i32
          %parallel_loop3A_154 = arith.constant 0 : i32
          %parallel_loop3A_155 = arith.cmpi ne, %parallel_loop3A_153, %parallel_loop3A_154 : i32
          %parallel_loop3A_156 = arith.constant 0 : i32
          %parallel_loop3A_157 = arith.cmpi slt, %parallel_loop3A_153, %parallel_loop3A_156 : i32
          %parallel_loop3A_158 = arith.constant 0 : i32
          %parallel_loop3A_159 = arith.cmpi slt, %parallel_loop3A_152, %parallel_loop3A_158 : i32
          %parallel_loop3A_160 = arith.xori %parallel_loop3A_157, %parallel_loop3A_159 : i1
          %parallel_loop3A_161 = arith.andi %parallel_loop3A_160, %parallel_loop3A_155 : i1
          %parallel_loop3A_162 = arith.addi %parallel_loop3A_153, %parallel_loop3A_152 : i32
          %parallel_loop3A_163 = arith.select %parallel_loop3A_161, %parallel_loop3A_162, %parallel_loop3A_153 : i32
          %parallel_loop3A_164 = arith.constant 32 : i32
          %parallel_loop3A_165 = arith.muli %parallel_loop3A_163, %parallel_loop3A_164 : i32
          %parallel_loop3A_166 = tpu.vector_load_idx %arg8[%iota3A, %parallel_loop3A_123] : memref<32x129xf32, #tpu.memory_space<vmem>>[vector<16xi32>, vector<16xi32>], vector<16xf32>,
          %parallel_loop3A_167 = arith.constant 0 : i32
          %parallel_loop3A_168 = arith.addi %parallel_loop3A_165, %parallel_loop3A_167 : i32
          %parallel_loop3A_169 = arith.index_cast %parallel_loop3A_147 : i32 to index
          %parallel_loop3A_170 = arith.index_cast %parallel_loop3A_168 : i32 to index
          %parallel_loop3A_171 = tpu.vector_load %arg10[%parallel_loop3A_169, %parallel_loop3A_170] {strides = array<i32>} : memref<32x128xf32, #tpu.memory_space<vmem>>, vector<16xf32>,
          tpu.vector_store %arg10[%parallel_loop3A_169, %parallel_loop3A_170], %parallel_loop3A_166 {strides = array<i32>} : memref<32x128xf32, #tpu.memory_space<vmem>>, vector<16xf32>,
          %parallel_loop3A_172 = tpu.vector_load_idx %arg8[%add3A_3, %parallel_loop3A_123] : memref<32x129xf32, #tpu.memory_space<vmem>>[vector<16xi32>, vector<16xi32>], vector<16xf32>,
          %parallel_loop3A_173 = arith.constant 16 : i32
          %parallel_loop3A_174 = arith.addi %parallel_loop3A_165, %parallel_loop3A_173 : i32
          %parallel_loop3A_175 = arith.index_cast %parallel_loop3A_147 : i32 to index
          %parallel_loop3A_176 = arith.index_cast %parallel_loop3A_174 : i32 to index
          %parallel_loop3A_177 = tpu.vector_load %arg10[%parallel_loop3A_175, %parallel_loop3A_176] {strides = array<i32>} : memref<32x128xf32, #tpu.memory_space<vmem>>, vector<16xf32>,
          tpu.vector_store %arg10[%parallel_loop3A_175, %parallel_loop3A_176], %parallel_loop3A_172 {strides = array<i32>} : memref<32x128xf32, #tpu.memory_space<vmem>>, vector<16xf32>,
        } {sc.loop_unroll_factor = 8 : i64, sc.parallel_access}
        %mul3A_107 = arith.constant 32 : i32
        %mul3A_108 = arith.muli %mul3A_107, %add3A_73 : i32
        %dma_start3A = arith.constant 0 : i32
        %dma_start3A_109 = tpu.memref_slice %arg6[%mul3A_108, %dma_start3A] : memref<250000x128xf32, #tpu.memory_space<hbm>> -> memref<32x128xf32, #tpu.memory_space<hbm>>
        %dma_start3A_110 = arith.constant 0 : i32
        %dma_start3A_111 = tpu.memref_slice %arg6[%mul3A_108, %dma_start3A_110] : memref<250000x128xf32, #tpu.memory_space<hbm>> -> memref<32x128xf32, #tpu.memory_space<hbm>>
        tpu.enqueue_dma source(%arg10 : memref<32x128xf32, #tpu.memory_space<vmem>>) target(%dma_start3A_111 : memref<32x128xf32, #tpu.memory_space<hbm>>) target_semaphore(%arg14 : memref<!tpu.dma_semaphore, #tpu.memory_space<semaphore_mem>>)
        %add3A_112 = arith.constant 64 : i32
        %add3A_113 = arith.addi %add3A_73, %add3A_112 : i32
        %lt3A_114 = arith.constant 7812 : i32
        %lt3A_115 = arith.cmpi slt, %add3A_113, %lt3A_114 : i32
        %convert_element_type3A_116 = arith.extui %lt3A_115 : i1 to i32
        %cond3A_117 = arith.constant 0 : i32
        %cond3A_118 = arith.cmpi ne, %convert_element_type3A_116, %cond3A_117 : i32
        scf.if %cond3A_118 {
          %add3A_119 = arith.constant 64 : i32
          %add3A_120 = arith.addi %add3A_73, %add3A_119 : i32
          %mul3A_121 = arith.constant 128 : i32
          %mul3A_122 = arith.muli %add3A_120, %mul3A_121 : i32
          %dma_start3A_123 = arith.constant 0 : i32
          %dma_start3A_124 = arith.constant 0 : i32
          %dma_start3A_125 = tpu.memref_slice %arg8[%dma_start3A_123, %dma_start3A_124] : memref<32x129xf32, #tpu.memory_space<vmem>> -> memref<32x128xf32, #tpu.memory_space<vmem>>
          %dma_start3A_126 = arith.constant 0 : i32
          %dma_start3A_127 = tpu.memref_slice %arg2[%dma_start3A_126, %mul3A_122] : memref<32x1000000xf32, #tpu.memory_space<hbm>> -> memref<32x128xf32, #tpu.memory_space<hbm>>
          %dma_start3A_128 = arith.constant 0 : i32
          %dma_start3A_129 = arith.constant 0 : i32
          %dma_start3A_130 = tpu.memref_slice %arg8[%dma_start3A_128, %dma_start3A_129] : memref<32x129xf32, #tpu.memory_space<vmem>> -> memref<32x128xf32, #tpu.memory_space<vmem>>
          %dma_start3A_131 = arith.constant 0 : i32
          %dma_start3A_132 = tpu.memref_slice %arg2[%dma_start3A_131, %mul3A_122] : memref<32x1000000xf32, #tpu.memory_space<hbm>> -> memref<32x128xf32, #tpu.memory_space<hbm>>
          tpu.enqueue_dma source(%dma_start3A_132 : memref<32x128xf32, #tpu.memory_space<hbm>>) target(%dma_start3A_130 : memref<32x128xf32, #tpu.memory_space<vmem>>) target_semaphore(%arg12 : memref<!tpu.dma_semaphore, #tpu.memory_space<semaphore_mem>>)
        } else {
        }
      } else {
      }
      %add3A_79 = arith.constant 1 : i32
      %add3A_80 = arith.addi %add3A_70, %add3A_79 : i32
      %mul3A_81 = arith.constant 32 : i32
      %mul3A_82 = arith.muli %mul3A_81, %add3A_80 : i32
      %add3A_83 = arith.addi %add3A, %mul3A_82 : i32
      %lt3A_84 = arith.constant 7812 : i32
      %lt3A_85 = arith.cmpi slt, %add3A_83, %lt3A_84 : i32
      %convert_element_type3A_86 = arith.extui %lt3A_85 : i1 to i32
      %cond3A_87 = arith.constant 0 : i32
      %cond3A_88 = arith.cmpi ne, %convert_element_type3A_86, %cond3A_87 : i32
      scf.if %cond3A_88 {
        %dma_wait3A_89 = arith.constant 0 : i32
        %dma_wait3A_90 = arith.constant 0 : i32
        %dma_wait3A_91 = tpu.memref_slice %arg9[%dma_wait3A_89, %dma_wait3A_90] : memref<32x129xf32, #tpu.memory_space<vmem>> -> memref<32x128xf32, #tpu.memory_space<vmem>>
        %dma_wait3A_92 = arith.constant 0 : i32
        %dma_wait3A_93 = arith.constant 0 : i32
        %dma_wait3A_94 = tpu.memref_slice %arg2[%dma_wait3A_92, %dma_wait3A_93] : memref<32x1000000xf32, #tpu.memory_space<hbm>> -> memref<32x128xf32, #tpu.memory_space<hbm>>
        %dma_wait3A_95 = arith.constant 0 : i32
        %dma_wait3A_96 = arith.constant 0 : i32
        %dma_wait3A_97 = tpu.memref_slice %arg9[%dma_wait3A_95, %dma_wait3A_96] : memref<32x129xf32, #tpu.memory_space<vmem>> -> memref<32x128xf32, #tpu.memory_space<vmem>>
        %dma_wait3A_98 = arith.constant 0 : i32
        %dma_wait3A_99 = arith.constant 0 : i32
        %dma_wait3A_100 = tpu.memref_slice %arg2[%dma_wait3A_98, %dma_wait3A_99] : memref<32x1000000xf32, #tpu.memory_space<hbm>> -> memref<32x128xf32, #tpu.memory_space<hbm>>
        tpu.wait_dma2 semaphore(%arg13 : memref<!tpu.dma_semaphore, #tpu.memory_space<semaphore_mem>>) src(%dma_wait3A_100 : memref<32x128xf32, #tpu.memory_space<hbm>>) dst(%dma_wait3A_97 : memref<32x128xf32, #tpu.memory_space<vmem>>)
        %ge3A = arith.constant 2 : i32
        %ge3A_101 = arith.cmpi sge, %add3A_80, %ge3A : i32
        %convert_element_type3A_102 = arith.extui %ge3A_101 : i1 to i32
        %cond3A_103 = arith.constant 0 : i32
        %cond3A_104 = arith.cmpi ne, %convert_element_type3A_102, %cond3A_103 : i32
        scf.if %cond3A_104 {
          %dma_wait3A_119 = arith.constant 0 : i32
          %dma_wait3A_120 = arith.constant 0 : i32
          %dma_wait3A_121 = tpu.memref_slice %arg6[%dma_wait3A_119, %dma_wait3A_120] : memref<250000x128xf32, #tpu.memory_space<hbm>> -> memref<32x128xf32, #tpu.memory_space<hbm>>
          %dma_wait3A_122 = arith.constant 0 : i32
          %dma_wait3A_123 = arith.constant 0 : i32
          %dma_wait3A_124 = tpu.memref_slice %arg6[%dma_wait3A_122, %dma_wait3A_123] : memref<250000x128xf32, #tpu.memory_space<hbm>> -> memref<32x128xf32, #tpu.memory_space<hbm>>
          tpu.wait_dma2 semaphore(%arg15 : memref<!tpu.dma_semaphore, #tpu.memory_space<semaphore_mem>>) src(%arg11 : memref<32x128xf32, #tpu.memory_space<vmem>>) dst(%dma_wait3A_124 : memref<32x128xf32, #tpu.memory_space<hbm>>)
        } else {
        }
        %parallel_loop3A = arith.constant 0 : i32
        %parallel_loop3A_105 = arith.constant 128 : i32
        %parallel_loop3A_106 = arith.constant 1 : i32
        scf.for %parallel_loop3A_119 = %parallel_loop3A to %parallel_loop3A_105 step %parallel_loop3A_106  : i32 {
          %parallel_loop3A_120 = arith.constant 0 : i32
          %parallel_loop3A_121 = vector.broadcast %parallel_loop3A_120 : i32 to vector<16xi32>
          %parallel_loop3A_122 = vector.broadcast %parallel_loop3A_119 : i32 to vector<16xi32>
          %parallel_loop3A_123 = arith.addi %parallel_loop3A_121, %parallel_loop3A_122 : vector<16xi32>
          %parallel_loop3A_124 = arith.constant 4 : i32
          %parallel_loop3A_125 = arith.divsi %parallel_loop3A_119, %parallel_loop3A_124 : i32
          %parallel_loop3A_126 = arith.constant 0 : i32
          %parallel_loop3A_127 = arith.cmpi sgt, %parallel_loop3A_119, %parallel_loop3A_126 : i32
          %parallel_loop3A_128 = arith.extui %parallel_loop3A_127 : i1 to i32
          %parallel_loop3A_129 = arith.constant 0 : i32
          %parallel_loop3A_130 = arith.cmpi slt, %parallel_loop3A_119, %parallel_loop3A_129 : i32
          %parallel_loop3A_131 = arith.extui %parallel_loop3A_130 : i1 to i32
          %parallel_loop3A_132 = arith.subi %parallel_loop3A_128, %parallel_loop3A_131 : i32
          %parallel_loop3A_133 = arith.constant 0 : i32
          %parallel_loop3A_134 = arith.cmpi sgt, %parallel_loop3A_124, %parallel_loop3A_133 : i32
          %parallel_loop3A_135 = arith.extui %parallel_loop3A_134 : i1 to i32
          %parallel_loop3A_136 = arith.constant 0 : i32
          %parallel_loop3A_137 = arith.cmpi slt, %parallel_loop3A_124, %parallel_loop3A_136 : i32
          %parallel_loop3A_138 = arith.extui %parallel_loop3A_137 : i1 to i32
          %parallel_loop3A_139 = arith.subi %parallel_loop3A_135, %parallel_loop3A_138 : i32
          %parallel_loop3A_140 = arith.cmpi ne, %parallel_loop3A_132, %parallel_loop3A_139 : i32
          %parallel_loop3A_141 = arith.remsi %parallel_loop3A_119, %parallel_loop3A_124 : i32
          %parallel_loop3A_142 = arith.constant 0 : i32
          %parallel_loop3A_143 = arith.cmpi ne, %parallel_loop3A_141, %parallel_loop3A_142 : i32
          %parallel_loop3A_144 = arith.andi %parallel_loop3A_140, %parallel_loop3A_143 : i1
          %parallel_loop3A_145 = arith.constant 1 : i32
          %parallel_loop3A_146 = arith.subi %parallel_loop3A_125, %parallel_loop3A_145 : i32
          %parallel_loop3A_147 = arith.select %parallel_loop3A_144, %parallel_loop3A_146, %parallel_loop3A_125 : i32
          %parallel_loop3A_148 = arith.constant 4 : i32
          %parallel_loop3A_149 = arith.constant 0 : i32
          %parallel_loop3A_150 = arith.cmpi eq, %parallel_loop3A_148, %parallel_loop3A_149 : i32
          %parallel_loop3A_151 = arith.constant 1 : i32
          %parallel_loop3A_152 = arith.select %parallel_loop3A_150, %parallel_loop3A_151, %parallel_loop3A_148 : i32
          %parallel_loop3A_153 = arith.remsi %parallel_loop3A_119, %parallel_loop3A_152 : i32
          %parallel_loop3A_154 = arith.constant 0 : i32
          %parallel_loop3A_155 = arith.cmpi ne, %parallel_loop3A_153, %parallel_loop3A_154 : i32
          %parallel_loop3A_156 = arith.constant 0 : i32
          %parallel_loop3A_157 = arith.cmpi slt, %parallel_loop3A_153, %parallel_loop3A_156 : i32
          %parallel_loop3A_158 = arith.constant 0 : i32
          %parallel_loop3A_159 = arith.cmpi slt, %parallel_loop3A_152, %parallel_loop3A_158 : i32
          %parallel_loop3A_160 = arith.xori %parallel_loop3A_157, %parallel_loop3A_159 : i1
          %parallel_loop3A_161 = arith.andi %parallel_loop3A_160, %parallel_loop3A_155 : i1
          %parallel_loop3A_162 = arith.addi %parallel_loop3A_153, %parallel_loop3A_152 : i32
          %parallel_loop3A_163 = arith.select %parallel_loop3A_161, %parallel_loop3A_162, %parallel_loop3A_153 : i32
          %parallel_loop3A_164 = arith.constant 32 : i32
          %parallel_loop3A_165 = arith.muli %parallel_loop3A_163, %parallel_loop3A_164 : i32
          %parallel_loop3A_166 = tpu.vector_load_idx %arg9[%iota3A, %parallel_loop3A_123] : memref<32x129xf32, #tpu.memory_space<vmem>>[vector<16xi32>, vector<16xi32>], vector<16xf32>,
          %parallel_loop3A_167 = arith.constant 0 : i32
          %parallel_loop3A_168 = arith.addi %parallel_loop3A_165, %parallel_loop3A_167 : i32
          %parallel_loop3A_169 = arith.index_cast %parallel_loop3A_147 : i32 to index
          %parallel_loop3A_170 = arith.index_cast %parallel_loop3A_168 : i32 to index
          %parallel_loop3A_171 = tpu.vector_load %arg11[%parallel_loop3A_169, %parallel_loop3A_170] {strides = array<i32>} : memref<32x128xf32, #tpu.memory_space<vmem>>, vector<16xf32>,
          tpu.vector_store %arg11[%parallel_loop3A_169, %parallel_loop3A_170], %parallel_loop3A_166 {strides = array<i32>} : memref<32x128xf32, #tpu.memory_space<vmem>>, vector<16xf32>,
          %parallel_loop3A_172 = tpu.vector_load_idx %arg9[%add3A_3, %parallel_loop3A_123] : memref<32x129xf32, #tpu.memory_space<vmem>>[vector<16xi32>, vector<16xi32>], vector<16xf32>,
          %parallel_loop3A_173 = arith.constant 16 : i32
          %parallel_loop3A_174 = arith.addi %parallel_loop3A_165, %parallel_loop3A_173 : i32
          %parallel_loop3A_175 = arith.index_cast %parallel_loop3A_147 : i32 to index
          %parallel_loop3A_176 = arith.index_cast %parallel_loop3A_174 : i32 to index
          %parallel_loop3A_177 = tpu.vector_load %arg11[%parallel_loop3A_175, %parallel_loop3A_176] {strides = array<i32>} : memref<32x128xf32, #tpu.memory_space<vmem>>, vector<16xf32>,
          tpu.vector_store %arg11[%parallel_loop3A_175, %parallel_loop3A_176], %parallel_loop3A_172 {strides = array<i32>} : memref<32x128xf32, #tpu.memory_space<vmem>>, vector<16xf32>,
        } {sc.loop_unroll_factor = 8 : i64, sc.parallel_access}
        %mul3A_107 = arith.constant 32 : i32
        %mul3A_108 = arith.muli %mul3A_107, %add3A_83 : i32
        %dma_start3A = arith.constant 0 : i32
        %dma_start3A_109 = tpu.memref_slice %arg6[%mul3A_108, %dma_start3A] : memref<250000x128xf32, #tpu.memory_space<hbm>> -> memref<32x128xf32, #tpu.memory_space<hbm>>
        %dma_start3A_110 = arith.constant 0 : i32
        %dma_start3A_111 = tpu.memref_slice %arg6[%mul3A_108, %dma_start3A_110] : memref<250000x128xf32, #tpu.memory_space<hbm>> -> memref<32x128xf32, #tpu.memory_space<hbm>>
        tpu.enqueue_dma source(%arg11 : memref<32x128xf32, #tpu.memory_space<vmem>>) target(%dma_start3A_111 : memref<32x128xf32, #tpu.memory_space<hbm>>) target_semaphore(%arg15 : memref<!tpu.dma_semaphore, #tpu.memory_space<semaphore_mem>>)
        %add3A_112 = arith.constant 64 : i32
        %add3A_113 = arith.addi %add3A_83, %add3A_112 : i32
        %lt3A_114 = arith.constant 7812 : i32
        %lt3A_115 = arith.cmpi slt, %add3A_113, %lt3A_114 : i32
        %convert_element_type3A_116 = arith.extui %lt3A_115 : i1 to i32
        %cond3A_117 = arith.constant 0 : i32
        %cond3A_118 = arith.cmpi ne, %convert_element_type3A_116, %cond3A_117 : i32
        scf.if %cond3A_118 {
          %add3A_119 = arith.constant 64 : i32
          %add3A_120 = arith.addi %add3A_83, %add3A_119 : i32
          %mul3A_121 = arith.constant 128 : i32
          %mul3A_122 = arith.muli %add3A_120, %mul3A_121 : i32
          %dma_start3A_123 = arith.constant 0 : i32
          %dma_start3A_124 = arith.constant 0 : i32
          %dma_start3A_125 = tpu.memref_slice %arg9[%dma_start3A_123, %dma_start3A_124] : memref<32x129xf32, #tpu.memory_space<vmem>> -> memref<32x128xf32, #tpu.memory_space<vmem>>
          %dma_start3A_126 = arith.constant 0 : i32
          %dma_start3A_127 = tpu.memref_slice %arg2[%dma_start3A_126, %mul3A_122] : memref<32x1000000xf32, #tpu.memory_space<hbm>> -> memref<32x128xf32, #tpu.memory_space<hbm>>
          %dma_start3A_128 = arith.constant 0 : i32
          %dma_start3A_129 = arith.constant 0 : i32
          %dma_start3A_130 = tpu.memref_slice %arg9[%dma_start3A_128, %dma_start3A_129] : memref<32x129xf32, #tpu.memory_space<vmem>> -> memref<32x128xf32, #tpu.memory_space<vmem>>
          %dma_start3A_131 = arith.constant 0 : i32
          %dma_start3A_132 = tpu.memref_slice %arg2[%dma_start3A_131, %mul3A_122] : memref<32x1000000xf32, #tpu.memory_space<hbm>> -> memref<32x128xf32, #tpu.memory_space<hbm>>
          tpu.enqueue_dma source(%dma_start3A_132 : memref<32x128xf32, #tpu.memory_space<hbm>>) target(%dma_start3A_130 : memref<32x128xf32, #tpu.memory_space<vmem>>) target_semaphore(%arg13 : memref<!tpu.dma_semaphore, #tpu.memory_space<semaphore_mem>>)
        } else {
        }
      } else {
      }
    }
    %scan3A_16 = arith.constant 123 : i32
    %dma_wait3A = arith.constant 0 : i32
    %dma_wait3A_17 = arith.constant 0 : i32
    %dma_wait3A_18 = tpu.memref_slice %arg6[%dma_wait3A, %dma_wait3A_17] : memref<250000x128xf32, #tpu.memory_space<hbm>> -> memref<32x128xf32, #tpu.memory_space<hbm>>
    %dma_wait3A_19 = arith.constant 0 : i32
    %dma_wait3A_20 = arith.constant 0 : i32
    %dma_wait3A_21 = tpu.memref_slice %arg6[%dma_wait3A_19, %dma_wait3A_20] : memref<250000x128xf32, #tpu.memory_space<hbm>> -> memref<32x128xf32, #tpu.memory_space<hbm>>
    tpu.wait_dma2 semaphore(%arg14 : memref<!tpu.dma_semaphore, #tpu.memory_space<semaphore_mem>>) src(%arg10 : memref<32x128xf32, #tpu.memory_space<vmem>>) dst(%dma_wait3A_21 : memref<32x128xf32, #tpu.memory_space<hbm>>)
    %dma_wait3A_22 = arith.constant 0 : i32
    %dma_wait3A_23 = arith.constant 0 : i32
    %dma_wait3A_24 = tpu.memref_slice %arg6[%dma_wait3A_22, %dma_wait3A_23] : memref<250000x128xf32, #tpu.memory_space<hbm>> -> memref<32x128xf32, #tpu.memory_space<hbm>>
    %dma_wait3A_25 = arith.constant 0 : i32
    %dma_wait3A_26 = arith.constant 0 : i32
    %dma_wait3A_27 = tpu.memref_slice %arg6[%dma_wait3A_25, %dma_wait3A_26] : memref<250000x128xf32, #tpu.memory_space<hbm>> -> memref<32x128xf32, #tpu.memory_space<hbm>>
    tpu.wait_dma2 semaphore(%arg15 : memref<!tpu.dma_semaphore, #tpu.memory_space<semaphore_mem>>) src(%arg11 : memref<32x128xf32, #tpu.memory_space<vmem>>) dst(%dma_wait3A_27 : memref<32x128xf32, #tpu.memory_space<hbm>>)
    %eq3A = arith.constant 0 : i32
    %eq3A_28 = arith.cmpi eq, %add3A, %eq3A : i32
    %convert_element_type3A_29 = arith.extui %eq3A_28 : i1 to i32
    %cond3A_30 = arith.constant 0 : i32
    %cond3A_31 = arith.cmpi ne, %convert_element_type3A_29, %cond3A_30 : i32
    scf.if %cond3A_31 {
      "tpu.region"() ({
        %run_scoped3A = tpu.sem_alloc : memref<!tpu.dma_semaphore, #tpu.memory_space<semaphore_mem>>
        %dma_start3A = arith.constant 0 : i32
        %dma_start3A_66 = arith.constant 0 : i32
        %dma_start3A_67 = tpu.memref_slice %arg10[%dma_start3A, %dma_start3A_66] : memref<32x128xf32, #tpu.memory_space<vmem>> -> memref<16x128xf32, #tpu.memory_space<vmem>>
        %dma_start3A_68 = arith.constant 0 : i32
        %dma_start3A_69 = arith.constant 0 : i32
        %dma_start3A_70 = tpu.memref_slice %arg10[%dma_start3A_68, %dma_start3A_69] : memref<32x128xf32, #tpu.memory_space<vmem>> -> memref<16x128xf32, #tpu.memory_space<vmem>>
        tpu.enqueue_dma source(%arg4 : memref<16x128xf32, #tpu.memory_space<hbm>>) target(%dma_start3A_70 : memref<16x128xf32, #tpu.memory_space<vmem>>) target_semaphore(%run_scoped3A : memref<!tpu.dma_semaphore, #tpu.memory_space<semaphore_mem>>)
        %dma_wait3A_71 = arith.constant 0 : i32
        %dma_wait3A_72 = arith.constant 0 : i32
        %dma_wait3A_73 = tpu.memref_slice %arg10[%dma_wait3A_71, %dma_wait3A_72] : memref<32x128xf32, #tpu.memory_space<vmem>> -> memref<16x128xf32, #tpu.memory_space<vmem>>
        %dma_wait3A_74 = arith.constant 0 : i32
        %dma_wait3A_75 = arith.constant 0 : i32
        %dma_wait3A_76 = tpu.memref_slice %arg10[%dma_wait3A_74, %dma_wait3A_75] : memref<32x128xf32, #tpu.memory_space<vmem>> -> memref<16x128xf32, #tpu.memory_space<vmem>>
        tpu.wait_dma2 semaphore(%run_scoped3A : memref<!tpu.dma_semaphore, #tpu.memory_space<semaphore_mem>>) src(%arg4 : memref<16x128xf32, #tpu.memory_space<hbm>>) dst(%dma_wait3A_76 : memref<16x128xf32, #tpu.memory_space<vmem>>)
        tpu.yield
      }) : () -> ()
      "tpu.region"() ({
        %run_scoped3A = tpu.sem_alloc : memref<!tpu.dma_semaphore, #tpu.memory_space<semaphore_mem>>
        %dma_start3A = arith.constant 0 : i32
        %dma_start3A_66 = arith.constant 0 : i32
        %dma_start3A_67 = tpu.memref_slice %arg10[%dma_start3A, %dma_start3A_66] : memref<32x128xf32, #tpu.memory_space<vmem>> -> memref<16x128xf32, #tpu.memory_space<vmem>>
        %dma_start3A_68 = arith.constant 249984 : i32
        %dma_start3A_69 = arith.constant 0 : i32
        %dma_start3A_70 = tpu.memref_slice %arg6[%dma_start3A_68, %dma_start3A_69] : memref<250000x128xf32, #tpu.memory_space<hbm>> -> memref<16x128xf32, #tpu.memory_space<hbm>>
        %dma_start3A_71 = arith.constant 249984 : i32
        %dma_start3A_72 = arith.constant 0 : i32
        %dma_start3A_73 = tpu.memref_slice %arg6[%dma_start3A_71, %dma_start3A_72] : memref<250000x128xf32, #tpu.memory_space<hbm>> -> memref<16x128xf32, #tpu.memory_space<hbm>>
        %dma_start3A_74 = arith.constant 0 : i32
        %dma_start3A_75 = arith.constant 0 : i32
        %dma_start3A_76 = tpu.memref_slice %arg10[%dma_start3A_74, %dma_start3A_75] : memref<32x128xf32, #tpu.memory_space<vmem>> -> memref<16x128xf32, #tpu.memory_space<vmem>>
        tpu.enqueue_dma source(%dma_start3A_76 : memref<16x128xf32, #tpu.memory_space<vmem>>) target(%dma_start3A_73 : memref<16x128xf32, #tpu.memory_space<hbm>>) target_semaphore(%run_scoped3A : memref<!tpu.dma_semaphore, #tpu.memory_space<semaphore_mem>>)
        %dma_wait3A_77 = arith.constant 0 : i32
        %dma_wait3A_78 = arith.constant 0 : i32
        %dma_wait3A_79 = tpu.memref_slice %arg10[%dma_wait3A_77, %dma_wait3A_78] : memref<32x128xf32, #tpu.memory_space<vmem>> -> memref<16x128xf32, #tpu.memory_space<vmem>>
        %dma_wait3A_80 = arith.constant 249984 : i32
        %dma_wait3A_81 = arith.constant 0 : i32
        %dma_wait3A_82 = tpu.memref_slice %arg6[%dma_wait3A_80, %dma_wait3A_81] : memref<250000x128xf32, #tpu.memory_space<hbm>> -> memref<16x128xf32, #tpu.memory_space<hbm>>
        %dma_wait3A_83 = arith.constant 249984 : i32
        %dma_wait3A_84 = arith.constant 0 : i32
        %dma_wait3A_85 = tpu.memref_slice %arg6[%dma_wait3A_83, %dma_wait3A_84] : memref<250000x128xf32, #tpu.memory_space<hbm>> -> memref<16x128xf32, #tpu.memory_space<hbm>>
        %dma_wait3A_86 = arith.constant 0 : i32
        %dma_wait3A_87 = arith.constant 0 : i32
        %dma_wait3A_88 = tpu.memref_slice %arg10[%dma_wait3A_86, %dma_wait3A_87] : memref<32x128xf32, #tpu.memory_space<vmem>> -> memref<16x128xf32, #tpu.memory_space<vmem>>
        tpu.wait_dma2 semaphore(%run_scoped3A : memref<!tpu.dma_semaphore, #tpu.memory_space<semaphore_mem>>) src(%dma_wait3A_88 : memref<16x128xf32, #tpu.memory_space<vmem>>) dst(%dma_wait3A_85 : memref<16x128xf32, #tpu.memory_space<hbm>>)
        tpu.yield
      }) : () -> ()
    } else {
    }
    %lt3A_32 = arith.constant 7812 : i32
    %lt3A_33 = arith.cmpi slt, %add3A, %lt3A_32 : i32
    %convert_element_type3A_34 = arith.extui %lt3A_33 : i1 to i32
    %cond3A_35 = arith.constant 0 : i32
    %cond3A_36 = arith.cmpi ne, %convert_element_type3A_34, %cond3A_35 : i32
    scf.if %cond3A_36 {
      %mul3A_66 = arith.constant 128 : i32
      %mul3A_67 = arith.muli %add3A, %mul3A_66 : i32
      %dma_start3A = arith.constant 0 : i32
      %dma_start3A_68 = arith.constant 0 : i32
      %dma_start3A_69 = tpu.memref_slice %arg8[%dma_start3A, %dma_start3A_68] : memref<32x129xf32, #tpu.memory_space<vmem>> -> memref<32x128xf32, #tpu.memory_space<vmem>>
      %dma_start3A_70 = arith.constant 0 : i32
      %dma_start3A_71 = tpu.memref_slice %arg3[%dma_start3A_70, %mul3A_67] : memref<32x1000000xf32, #tpu.memory_space<hbm>> -> memref<32x128xf32, #tpu.memory_space<hbm>>
      %dma_start3A_72 = arith.constant 0 : i32
      %dma_start3A_73 = arith.constant 0 : i32
      %dma_start3A_74 = tpu.memref_slice %arg8[%dma_start3A_72, %dma_start3A_73] : memref<32x129xf32, #tpu.memory_space<vmem>> -> memref<32x128xf32, #tpu.memory_space<vmem>>
      %dma_start3A_75 = arith.constant 0 : i32
      %dma_start3A_76 = tpu.memref_slice %arg3[%dma_start3A_75, %mul3A_67] : memref<32x1000000xf32, #tpu.memory_space<hbm>> -> memref<32x128xf32, #tpu.memory_space<hbm>>
      tpu.enqueue_dma source(%dma_start3A_76 : memref<32x128xf32, #tpu.memory_space<hbm>>) target(%dma_start3A_74 : memref<32x128xf32, #tpu.memory_space<vmem>>) target_semaphore(%arg12 : memref<!tpu.dma_semaphore, #tpu.memory_space<semaphore_mem>>)
    } else {
    }
    %add3A_37 = arith.constant 32 : i32
    %add3A_38 = arith.addi %add3A, %add3A_37 : i32
    %lt3A_39 = arith.constant 7812 : i32
    %lt3A_40 = arith.cmpi slt, %add3A_38, %lt3A_39 : i32
    %convert_element_type3A_41 = arith.extui %lt3A_40 : i1 to i32
    %cond3A_42 = arith.constant 0 : i32
    %cond3A_43 = arith.cmpi ne, %convert_element_type3A_41, %cond3A_42 : i32
    scf.if %cond3A_43 {
      %add3A_66 = arith.constant 32 : i32
      %add3A_67 = arith.addi %add3A, %add3A_66 : i32
      %mul3A_68 = arith.constant 128 : i32
      %mul3A_69 = arith.muli %add3A_67, %mul3A_68 : i32
      %dma_start3A = arith.constant 0 : i32
      %dma_start3A_70 = arith.constant 0 : i32
      %dma_start3A_71 = tpu.memref_slice %arg9[%dma_start3A, %dma_start3A_70] : memref<32x129xf32, #tpu.memory_space<vmem>> -> memref<32x128xf32, #tpu.memory_space<vmem>>
      %dma_start3A_72 = arith.constant 0 : i32
      %dma_start3A_73 = tpu.memref_slice %arg3[%dma_start3A_72, %mul3A_69] : memref<32x1000000xf32, #tpu.memory_space<hbm>> -> memref<32x128xf32, #tpu.memory_space<hbm>>
      %dma_start3A_74 = arith.constant 0 : i32
      %dma_start3A_75 = arith.constant 0 : i32
      %dma_start3A_76 = tpu.memref_slice %arg9[%dma_start3A_74, %dma_start3A_75] : memref<32x129xf32, #tpu.memory_space<vmem>> -> memref<32x128xf32, #tpu.memory_space<vmem>>
      %dma_start3A_77 = arith.constant 0 : i32
      %dma_start3A_78 = tpu.memref_slice %arg3[%dma_start3A_77, %mul3A_69] : memref<32x1000000xf32, #tpu.memory_space<hbm>> -> memref<32x128xf32, #tpu.memory_space<hbm>>
      tpu.enqueue_dma source(%dma_start3A_78 : memref<32x128xf32, #tpu.memory_space<hbm>>) target(%dma_start3A_76 : memref<32x128xf32, #tpu.memory_space<vmem>>) target_semaphore(%arg13 : memref<!tpu.dma_semaphore, #tpu.memory_space<semaphore_mem>>)
    } else {
    }
    %scan3A_44 = arith.constant 0 : i32
    %scan3A_45 = arith.constant 123 : i32
    %scan3A_46 = arith.addi %scan3A_44, %scan3A_45 : i32
    %scan3A_47 = arith.constant 1 : i32
    scf.for %scan3A_66 = %scan3A_44 to %scan3A_46 step %scan3A_47  : i32 {
      %mul3A_67 = arith.constant 2 : i32
      %mul3A_68 = arith.muli %scan3A_66, %mul3A_67 : i32
      %add3A_69 = arith.constant 0 : i32
      %add3A_70 = arith.addi %add3A_69, %mul3A_68 : i32
      %mul3A_71 = arith.constant 32 : i32
      %mul3A_72 = arith.muli %mul3A_71, %add3A_70 : i32
      %add3A_73 = arith.addi %add3A, %mul3A_72 : i32
      %lt3A_74 = arith.constant 7812 : i32
      %lt3A_75 = arith.cmpi slt, %add3A_73, %lt3A_74 : i32
      %convert_element_type3A_76 = arith.extui %lt3A_75 : i1 to i32
      %cond3A_77 = arith.constant 0 : i32
      %cond3A_78 = arith.cmpi ne, %convert_element_type3A_76, %cond3A_77 : i32
      scf.if %cond3A_78 {
        %dma_wait3A_89 = arith.constant 0 : i32
        %dma_wait3A_90 = arith.constant 0 : i32
        %dma_wait3A_91 = tpu.memref_slice %arg8[%dma_wait3A_89, %dma_wait3A_90] : memref<32x129xf32, #tpu.memory_space<vmem>> -> memref<32x128xf32, #tpu.memory_space<vmem>>
        %dma_wait3A_92 = arith.constant 0 : i32
        %dma_wait3A_93 = arith.constant 0 : i32
        %dma_wait3A_94 = tpu.memref_slice %arg3[%dma_wait3A_92, %dma_wait3A_93] : memref<32x1000000xf32, #tpu.memory_space<hbm>> -> memref<32x128xf32, #tpu.memory_space<hbm>>
        %dma_wait3A_95 = arith.constant 0 : i32
        %dma_wait3A_96 = arith.constant 0 : i32
        %dma_wait3A_97 = tpu.memref_slice %arg8[%dma_wait3A_95, %dma_wait3A_96] : memref<32x129xf32, #tpu.memory_space<vmem>> -> memref<32x128xf32, #tpu.memory_space<vmem>>
        %dma_wait3A_98 = arith.constant 0 : i32
        %dma_wait3A_99 = arith.constant 0 : i32
        %dma_wait3A_100 = tpu.memref_slice %arg3[%dma_wait3A_98, %dma_wait3A_99] : memref<32x1000000xf32, #tpu.memory_space<hbm>> -> memref<32x128xf32, #tpu.memory_space<hbm>>
        tpu.wait_dma2 semaphore(%arg12 : memref<!tpu.dma_semaphore, #tpu.memory_space<semaphore_mem>>) src(%dma_wait3A_100 : memref<32x128xf32, #tpu.memory_space<hbm>>) dst(%dma_wait3A_97 : memref<32x128xf32, #tpu.memory_space<vmem>>)
        %ge3A = arith.constant 2 : i32
        %ge3A_101 = arith.cmpi sge, %add3A_70, %ge3A : i32
        %convert_element_type3A_102 = arith.extui %ge3A_101 : i1 to i32
        %cond3A_103 = arith.constant 0 : i32
        %cond3A_104 = arith.cmpi ne, %convert_element_type3A_102, %cond3A_103 : i32
        scf.if %cond3A_104 {
          %dma_wait3A_119 = arith.constant 0 : i32
          %dma_wait3A_120 = arith.constant 0 : i32
          %dma_wait3A_121 = tpu.memref_slice %arg7[%dma_wait3A_119, %dma_wait3A_120] : memref<250000x128xf32, #tpu.memory_space<hbm>> -> memref<32x128xf32, #tpu.memory_space<hbm>>
          %dma_wait3A_122 = arith.constant 0 : i32
          %dma_wait3A_123 = arith.constant 0 : i32
          %dma_wait3A_124 = tpu.memref_slice %arg7[%dma_wait3A_122, %dma_wait3A_123] : memref<250000x128xf32, #tpu.memory_space<hbm>> -> memref<32x128xf32, #tpu.memory_space<hbm>>
          tpu.wait_dma2 semaphore(%arg14 : memref<!tpu.dma_semaphore, #tpu.memory_space<semaphore_mem>>) src(%arg10 : memref<32x128xf32, #tpu.memory_space<vmem>>) dst(%dma_wait3A_124 : memref<32x128xf32, #tpu.memory_space<hbm>>)
        } else {
        }
        %parallel_loop3A = arith.constant 0 : i32
        %parallel_loop3A_105 = arith.constant 128 : i32
        %parallel_loop3A_106 = arith.constant 1 : i32
        scf.for %parallel_loop3A_119 = %parallel_loop3A to %parallel_loop3A_105 step %parallel_loop3A_106  : i32 {
          %parallel_loop3A_120 = arith.constant 0 : i32
          %parallel_loop3A_121 = vector.broadcast %parallel_loop3A_120 : i32 to vector<16xi32>
          %parallel_loop3A_122 = vector.broadcast %parallel_loop3A_119 : i32 to vector<16xi32>
          %parallel_loop3A_123 = arith.addi %parallel_loop3A_121, %parallel_loop3A_122 : vector<16xi32>
          %parallel_loop3A_124 = arith.constant 4 : i32
          %parallel_loop3A_125 = arith.divsi %parallel_loop3A_119, %parallel_loop3A_124 : i32
          %parallel_loop3A_126 = arith.constant 0 : i32
          %parallel_loop3A_127 = arith.cmpi sgt, %parallel_loop3A_119, %parallel_loop3A_126 : i32
          %parallel_loop3A_128 = arith.extui %parallel_loop3A_127 : i1 to i32
          %parallel_loop3A_129 = arith.constant 0 : i32
          %parallel_loop3A_130 = arith.cmpi slt, %parallel_loop3A_119, %parallel_loop3A_129 : i32
          %parallel_loop3A_131 = arith.extui %parallel_loop3A_130 : i1 to i32
          %parallel_loop3A_132 = arith.subi %parallel_loop3A_128, %parallel_loop3A_131 : i32
          %parallel_loop3A_133 = arith.constant 0 : i32
          %parallel_loop3A_134 = arith.cmpi sgt, %parallel_loop3A_124, %parallel_loop3A_133 : i32
          %parallel_loop3A_135 = arith.extui %parallel_loop3A_134 : i1 to i32
          %parallel_loop3A_136 = arith.constant 0 : i32
          %parallel_loop3A_137 = arith.cmpi slt, %parallel_loop3A_124, %parallel_loop3A_136 : i32
          %parallel_loop3A_138 = arith.extui %parallel_loop3A_137 : i1 to i32
          %parallel_loop3A_139 = arith.subi %parallel_loop3A_135, %parallel_loop3A_138 : i32
          %parallel_loop3A_140 = arith.cmpi ne, %parallel_loop3A_132, %parallel_loop3A_139 : i32
          %parallel_loop3A_141 = arith.remsi %parallel_loop3A_119, %parallel_loop3A_124 : i32
          %parallel_loop3A_142 = arith.constant 0 : i32
          %parallel_loop3A_143 = arith.cmpi ne, %parallel_loop3A_141, %parallel_loop3A_142 : i32
          %parallel_loop3A_144 = arith.andi %parallel_loop3A_140, %parallel_loop3A_143 : i1
          %parallel_loop3A_145 = arith.constant 1 : i32
          %parallel_loop3A_146 = arith.subi %parallel_loop3A_125, %parallel_loop3A_145 : i32
          %parallel_loop3A_147 = arith.select %parallel_loop3A_144, %parallel_loop3A_146, %parallel_loop3A_125 : i32
          %parallel_loop3A_148 = arith.constant 4 : i32
          %parallel_loop3A_149 = arith.constant 0 : i32
          %parallel_loop3A_150 = arith.cmpi eq, %parallel_loop3A_148, %parallel_loop3A_149 : i32
          %parallel_loop3A_151 = arith.constant 1 : i32
          %parallel_loop3A_152 = arith.select %parallel_loop3A_150, %parallel_loop3A_151, %parallel_loop3A_148 : i32
          %parallel_loop3A_153 = arith.remsi %parallel_loop3A_119, %parallel_loop3A_152 : i32
          %parallel_loop3A_154 = arith.constant 0 : i32
          %parallel_loop3A_155 = arith.cmpi ne, %parallel_loop3A_153, %parallel_loop3A_154 : i32
          %parallel_loop3A_156 = arith.constant 0 : i32
          %parallel_loop3A_157 = arith.cmpi slt, %parallel_loop3A_153, %parallel_loop3A_156 : i32
          %parallel_loop3A_158 = arith.constant 0 : i32
          %parallel_loop3A_159 = arith.cmpi slt, %parallel_loop3A_152, %parallel_loop3A_158 : i32
          %parallel_loop3A_160 = arith.xori %parallel_loop3A_157, %parallel_loop3A_159 : i1
          %parallel_loop3A_161 = arith.andi %parallel_loop3A_160, %parallel_loop3A_155 : i1
          %parallel_loop3A_162 = arith.addi %parallel_loop3A_153, %parallel_loop3A_152 : i32
          %parallel_loop3A_163 = arith.select %parallel_loop3A_161, %parallel_loop3A_162, %parallel_loop3A_153 : i32
          %parallel_loop3A_164 = arith.constant 32 : i32
          %parallel_loop3A_165 = arith.muli %parallel_loop3A_163, %parallel_loop3A_164 : i32
          %parallel_loop3A_166 = tpu.vector_load_idx %arg8[%iota3A, %parallel_loop3A_123] : memref<32x129xf32, #tpu.memory_space<vmem>>[vector<16xi32>, vector<16xi32>], vector<16xf32>,
          %parallel_loop3A_167 = arith.constant 0 : i32
          %parallel_loop3A_168 = arith.addi %parallel_loop3A_165, %parallel_loop3A_167 : i32
          %parallel_loop3A_169 = arith.index_cast %parallel_loop3A_147 : i32 to index
          %parallel_loop3A_170 = arith.index_cast %parallel_loop3A_168 : i32 to index
          %parallel_loop3A_171 = tpu.vector_load %arg10[%parallel_loop3A_169, %parallel_loop3A_170] {strides = array<i32>} : memref<32x128xf32, #tpu.memory_space<vmem>>, vector<16xf32>,
          tpu.vector_store %arg10[%parallel_loop3A_169, %parallel_loop3A_170], %parallel_loop3A_166 {strides = array<i32>} : memref<32x128xf32, #tpu.memory_space<vmem>>, vector<16xf32>,
          %parallel_loop3A_172 = tpu.vector_load_idx %arg8[%add3A_3, %parallel_loop3A_123] : memref<32x129xf32, #tpu.memory_space<vmem>>[vector<16xi32>, vector<16xi32>], vector<16xf32>,
          %parallel_loop3A_173 = arith.constant 16 : i32
          %parallel_loop3A_174 = arith.addi %parallel_loop3A_165, %parallel_loop3A_173 : i32
          %parallel_loop3A_175 = arith.index_cast %parallel_loop3A_147 : i32 to index
          %parallel_loop3A_176 = arith.index_cast %parallel_loop3A_174 : i32 to index
          %parallel_loop3A_177 = tpu.vector_load %arg10[%parallel_loop3A_175, %parallel_loop3A_176] {strides = array<i32>} : memref<32x128xf32, #tpu.memory_space<vmem>>, vector<16xf32>,
          tpu.vector_store %arg10[%parallel_loop3A_175, %parallel_loop3A_176], %parallel_loop3A_172 {strides = array<i32>} : memref<32x128xf32, #tpu.memory_space<vmem>>, vector<16xf32>,
        } {sc.loop_unroll_factor = 8 : i64, sc.parallel_access}
        %mul3A_107 = arith.constant 32 : i32
        %mul3A_108 = arith.muli %mul3A_107, %add3A_73 : i32
        %dma_start3A = arith.constant 0 : i32
        %dma_start3A_109 = tpu.memref_slice %arg7[%mul3A_108, %dma_start3A] : memref<250000x128xf32, #tpu.memory_space<hbm>> -> memref<32x128xf32, #tpu.memory_space<hbm>>
        %dma_start3A_110 = arith.constant 0 : i32
        %dma_start3A_111 = tpu.memref_slice %arg7[%mul3A_108, %dma_start3A_110] : memref<250000x128xf32, #tpu.memory_space<hbm>> -> memref<32x128xf32, #tpu.memory_space<hbm>>
        tpu.enqueue_dma source(%arg10 : memref<32x128xf32, #tpu.memory_space<vmem>>) target(%dma_start3A_111 : memref<32x128xf32, #tpu.memory_space<hbm>>) target_semaphore(%arg14 : memref<!tpu.dma_semaphore, #tpu.memory_space<semaphore_mem>>)
        %add3A_112 = arith.constant 64 : i32
        %add3A_113 = arith.addi %add3A_73, %add3A_112 : i32
        %lt3A_114 = arith.constant 7812 : i32
        %lt3A_115 = arith.cmpi slt, %add3A_113, %lt3A_114 : i32
        %convert_element_type3A_116 = arith.extui %lt3A_115 : i1 to i32
        %cond3A_117 = arith.constant 0 : i32
        %cond3A_118 = arith.cmpi ne, %convert_element_type3A_116, %cond3A_117 : i32
        scf.if %cond3A_118 {
          %add3A_119 = arith.constant 64 : i32
          %add3A_120 = arith.addi %add3A_73, %add3A_119 : i32
          %mul3A_121 = arith.constant 128 : i32
          %mul3A_122 = arith.muli %add3A_120, %mul3A_121 : i32
          %dma_start3A_123 = arith.constant 0 : i32
          %dma_start3A_124 = arith.constant 0 : i32
          %dma_start3A_125 = tpu.memref_slice %arg8[%dma_start3A_123, %dma_start3A_124] : memref<32x129xf32, #tpu.memory_space<vmem>> -> memref<32x128xf32, #tpu.memory_space<vmem>>
          %dma_start3A_126 = arith.constant 0 : i32
          %dma_start3A_127 = tpu.memref_slice %arg3[%dma_start3A_126, %mul3A_122] : memref<32x1000000xf32, #tpu.memory_space<hbm>> -> memref<32x128xf32, #tpu.memory_space<hbm>>
          %dma_start3A_128 = arith.constant 0 : i32
          %dma_start3A_129 = arith.constant 0 : i32
          %dma_start3A_130 = tpu.memref_slice %arg8[%dma_start3A_128, %dma_start3A_129] : memref<32x129xf32, #tpu.memory_space<vmem>> -> memref<32x128xf32, #tpu.memory_space<vmem>>
          %dma_start3A_131 = arith.constant 0 : i32
          %dma_start3A_132 = tpu.memref_slice %arg3[%dma_start3A_131, %mul3A_122] : memref<32x1000000xf32, #tpu.memory_space<hbm>> -> memref<32x128xf32, #tpu.memory_space<hbm>>
          tpu.enqueue_dma source(%dma_start3A_132 : memref<32x128xf32, #tpu.memory_space<hbm>>) target(%dma_start3A_130 : memref<32x128xf32, #tpu.memory_space<vmem>>) target_semaphore(%arg12 : memref<!tpu.dma_semaphore, #tpu.memory_space<semaphore_mem>>)
        } else {
        }
      } else {
      }
      %add3A_79 = arith.constant 1 : i32
      %add3A_80 = arith.addi %add3A_70, %add3A_79 : i32
      %mul3A_81 = arith.constant 32 : i32
      %mul3A_82 = arith.muli %mul3A_81, %add3A_80 : i32
      %add3A_83 = arith.addi %add3A, %mul3A_82 : i32
      %lt3A_84 = arith.constant 7812 : i32
      %lt3A_85 = arith.cmpi slt, %add3A_83, %lt3A_84 : i32
      %convert_element_type3A_86 = arith.extui %lt3A_85 : i1 to i32
      %cond3A_87 = arith.constant 0 : i32
      %cond3A_88 = arith.cmpi ne, %convert_element_type3A_86, %cond3A_87 : i32
      scf.if %cond3A_88 {
        %dma_wait3A_89 = arith.constant 0 : i32
        %dma_wait3A_90 = arith.constant 0 : i32
        %dma_wait3A_91 = tpu.memref_slice %arg9[%dma_wait3A_89, %dma_wait3A_90] : memref<32x129xf32, #tpu.memory_space<vmem>> -> memref<32x128xf32, #tpu.memory_space<vmem>>
        %dma_wait3A_92 = arith.constant 0 : i32
        %dma_wait3A_93 = arith.constant 0 : i32
        %dma_wait3A_94 = tpu.memref_slice %arg3[%dma_wait3A_92, %dma_wait3A_93] : memref<32x1000000xf32, #tpu.memory_space<hbm>> -> memref<32x128xf32, #tpu.memory_space<hbm>>
        %dma_wait3A_95 = arith.constant 0 : i32
        %dma_wait3A_96 = arith.constant 0 : i32
        %dma_wait3A_97 = tpu.memref_slice %arg9[%dma_wait3A_95, %dma_wait3A_96] : memref<32x129xf32, #tpu.memory_space<vmem>> -> memref<32x128xf32, #tpu.memory_space<vmem>>
        %dma_wait3A_98 = arith.constant 0 : i32
        %dma_wait3A_99 = arith.constant 0 : i32
        %dma_wait3A_100 = tpu.memref_slice %arg3[%dma_wait3A_98, %dma_wait3A_99] : memref<32x1000000xf32, #tpu.memory_space<hbm>> -> memref<32x128xf32, #tpu.memory_space<hbm>>
        tpu.wait_dma2 semaphore(%arg13 : memref<!tpu.dma_semaphore, #tpu.memory_space<semaphore_mem>>) src(%dma_wait3A_100 : memref<32x128xf32, #tpu.memory_space<hbm>>) dst(%dma_wait3A_97 : memref<32x128xf32, #tpu.memory_space<vmem>>)
        %ge3A = arith.constant 2 : i32
        %ge3A_101 = arith.cmpi sge, %add3A_80, %ge3A : i32
        %convert_element_type3A_102 = arith.extui %ge3A_101 : i1 to i32
        %cond3A_103 = arith.constant 0 : i32
        %cond3A_104 = arith.cmpi ne, %convert_element_type3A_102, %cond3A_103 : i32
        scf.if %cond3A_104 {
          %dma_wait3A_119 = arith.constant 0 : i32
          %dma_wait3A_120 = arith.constant 0 : i32
          %dma_wait3A_121 = tpu.memref_slice %arg7[%dma_wait3A_119, %dma_wait3A_120] : memref<250000x128xf32, #tpu.memory_space<hbm>> -> memref<32x128xf32, #tpu.memory_space<hbm>>
          %dma_wait3A_122 = arith.constant 0 : i32
          %dma_wait3A_123 = arith.constant 0 : i32
          %dma_wait3A_124 = tpu.memref_slice %arg7[%dma_wait3A_122, %dma_wait3A_123] : memref<250000x128xf32, #tpu.memory_space<hbm>> -> memref<32x128xf32, #tpu.memory_space<hbm>>
          tpu.wait_dma2 semaphore(%arg15 : memref<!tpu.dma_semaphore, #tpu.memory_space<semaphore_mem>>) src(%arg11 : memref<32x128xf32, #tpu.memory_space<vmem>>) dst(%dma_wait3A_124 : memref<32x128xf32, #tpu.memory_space<hbm>>)
        } else {
        }
        %parallel_loop3A = arith.constant 0 : i32
        %parallel_loop3A_105 = arith.constant 128 : i32
        %parallel_loop3A_106 = arith.constant 1 : i32
        scf.for %parallel_loop3A_119 = %parallel_loop3A to %parallel_loop3A_105 step %parallel_loop3A_106  : i32 {
          %parallel_loop3A_120 = arith.constant 0 : i32
          %parallel_loop3A_121 = vector.broadcast %parallel_loop3A_120 : i32 to vector<16xi32>
          %parallel_loop3A_122 = vector.broadcast %parallel_loop3A_119 : i32 to vector<16xi32>
          %parallel_loop3A_123 = arith.addi %parallel_loop3A_121, %parallel_loop3A_122 : vector<16xi32>
          %parallel_loop3A_124 = arith.constant 4 : i32
          %parallel_loop3A_125 = arith.divsi %parallel_loop3A_119, %parallel_loop3A_124 : i32
          %parallel_loop3A_126 = arith.constant 0 : i32
          %parallel_loop3A_127 = arith.cmpi sgt, %parallel_loop3A_119, %parallel_loop3A_126 : i32
          %parallel_loop3A_128 = arith.extui %parallel_loop3A_127 : i1 to i32
          %parallel_loop3A_129 = arith.constant 0 : i32
          %parallel_loop3A_130 = arith.cmpi slt, %parallel_loop3A_119, %parallel_loop3A_129 : i32
          %parallel_loop3A_131 = arith.extui %parallel_loop3A_130 : i1 to i32
          %parallel_loop3A_132 = arith.subi %parallel_loop3A_128, %parallel_loop3A_131 : i32
          %parallel_loop3A_133 = arith.constant 0 : i32
          %parallel_loop3A_134 = arith.cmpi sgt, %parallel_loop3A_124, %parallel_loop3A_133 : i32
          %parallel_loop3A_135 = arith.extui %parallel_loop3A_134 : i1 to i32
          %parallel_loop3A_136 = arith.constant 0 : i32
          %parallel_loop3A_137 = arith.cmpi slt, %parallel_loop3A_124, %parallel_loop3A_136 : i32
          %parallel_loop3A_138 = arith.extui %parallel_loop3A_137 : i1 to i32
          %parallel_loop3A_139 = arith.subi %parallel_loop3A_135, %parallel_loop3A_138 : i32
          %parallel_loop3A_140 = arith.cmpi ne, %parallel_loop3A_132, %parallel_loop3A_139 : i32
          %parallel_loop3A_141 = arith.remsi %parallel_loop3A_119, %parallel_loop3A_124 : i32
          %parallel_loop3A_142 = arith.constant 0 : i32
          %parallel_loop3A_143 = arith.cmpi ne, %parallel_loop3A_141, %parallel_loop3A_142 : i32
          %parallel_loop3A_144 = arith.andi %parallel_loop3A_140, %parallel_loop3A_143 : i1
          %parallel_loop3A_145 = arith.constant 1 : i32
          %parallel_loop3A_146 = arith.subi %parallel_loop3A_125, %parallel_loop3A_145 : i32
          %parallel_loop3A_147 = arith.select %parallel_loop3A_144, %parallel_loop3A_146, %parallel_loop3A_125 : i32
          %parallel_loop3A_148 = arith.constant 4 : i32
          %parallel_loop3A_149 = arith.constant 0 : i32
          %parallel_loop3A_150 = arith.cmpi eq, %parallel_loop3A_148, %parallel_loop3A_149 : i32
          %parallel_loop3A_151 = arith.constant 1 : i32
          %parallel_loop3A_152 = arith.select %parallel_loop3A_150, %parallel_loop3A_151, %parallel_loop3A_148 : i32
          %parallel_loop3A_153 = arith.remsi %parallel_loop3A_119, %parallel_loop3A_152 : i32
          %parallel_loop3A_154 = arith.constant 0 : i32
          %parallel_loop3A_155 = arith.cmpi ne, %parallel_loop3A_153, %parallel_loop3A_154 : i32
          %parallel_loop3A_156 = arith.constant 0 : i32
          %parallel_loop3A_157 = arith.cmpi slt, %parallel_loop3A_153, %parallel_loop3A_156 : i32
          %parallel_loop3A_158 = arith.constant 0 : i32
          %parallel_loop3A_159 = arith.cmpi slt, %parallel_loop3A_152, %parallel_loop3A_158 : i32
          %parallel_loop3A_160 = arith.xori %parallel_loop3A_157, %parallel_loop3A_159 : i1
          %parallel_loop3A_161 = arith.andi %parallel_loop3A_160, %parallel_loop3A_155 : i1
          %parallel_loop3A_162 = arith.addi %parallel_loop3A_153, %parallel_loop3A_152 : i32
          %parallel_loop3A_163 = arith.select %parallel_loop3A_161, %parallel_loop3A_162, %parallel_loop3A_153 : i32
          %parallel_loop3A_164 = arith.constant 32 : i32
          %parallel_loop3A_165 = arith.muli %parallel_loop3A_163, %parallel_loop3A_164 : i32
          %parallel_loop3A_166 = tpu.vector_load_idx %arg9[%iota3A, %parallel_loop3A_123] : memref<32x129xf32, #tpu.memory_space<vmem>>[vector<16xi32>, vector<16xi32>], vector<16xf32>,
          %parallel_loop3A_167 = arith.constant 0 : i32
          %parallel_loop3A_168 = arith.addi %parallel_loop3A_165, %parallel_loop3A_167 : i32
          %parallel_loop3A_169 = arith.index_cast %parallel_loop3A_147 : i32 to index
          %parallel_loop3A_170 = arith.index_cast %parallel_loop3A_168 : i32 to index
          %parallel_loop3A_171 = tpu.vector_load %arg11[%parallel_loop3A_169, %parallel_loop3A_170] {strides = array<i32>} : memref<32x128xf32, #tpu.memory_space<vmem>>, vector<16xf32>,
          tpu.vector_store %arg11[%parallel_loop3A_169, %parallel_loop3A_170], %parallel_loop3A_166 {strides = array<i32>} : memref<32x128xf32, #tpu.memory_space<vmem>>, vector<16xf32>,
          %parallel_loop3A_172 = tpu.vector_load_idx %arg9[%add3A_3, %parallel_loop3A_123] : memref<32x129xf32, #tpu.memory_space<vmem>>[vector<16xi32>, vector<16xi32>], vector<16xf32>,
          %parallel_loop3A_173 = arith.constant 16 : i32
          %parallel_loop3A_174 = arith.addi %parallel_loop3A_165, %parallel_loop3A_173 : i32
          %parallel_loop3A_175 = arith.index_cast %parallel_loop3A_147 : i32 to index
          %parallel_loop3A_176 = arith.index_cast %parallel_loop3A_174 : i32 to index
          %parallel_loop3A_177 = tpu.vector_load %arg11[%parallel_loop3A_175, %parallel_loop3A_176] {strides = array<i32>} : memref<32x128xf32, #tpu.memory_space<vmem>>, vector<16xf32>,
          tpu.vector_store %arg11[%parallel_loop3A_175, %parallel_loop3A_176], %parallel_loop3A_172 {strides = array<i32>} : memref<32x128xf32, #tpu.memory_space<vmem>>, vector<16xf32>,
        } {sc.loop_unroll_factor = 8 : i64, sc.parallel_access}
        %mul3A_107 = arith.constant 32 : i32
        %mul3A_108 = arith.muli %mul3A_107, %add3A_83 : i32
        %dma_start3A = arith.constant 0 : i32
        %dma_start3A_109 = tpu.memref_slice %arg7[%mul3A_108, %dma_start3A] : memref<250000x128xf32, #tpu.memory_space<hbm>> -> memref<32x128xf32, #tpu.memory_space<hbm>>
        %dma_start3A_110 = arith.constant 0 : i32
        %dma_start3A_111 = tpu.memref_slice %arg7[%mul3A_108, %dma_start3A_110] : memref<250000x128xf32, #tpu.memory_space<hbm>> -> memref<32x128xf32, #tpu.memory_space<hbm>>
        tpu.enqueue_dma source(%arg11 : memref<32x128xf32, #tpu.memory_space<vmem>>) target(%dma_start3A_111 : memref<32x128xf32, #tpu.memory_space<hbm>>) target_semaphore(%arg15 : memref<!tpu.dma_semaphore, #tpu.memory_space<semaphore_mem>>)
        %add3A_112 = arith.constant 64 : i32
        %add3A_113 = arith.addi %add3A_83, %add3A_112 : i32
        %lt3A_114 = arith.constant 7812 : i32
        %lt3A_115 = arith.cmpi slt, %add3A_113, %lt3A_114 : i32
        %convert_element_type3A_116 = arith.extui %lt3A_115 : i1 to i32
        %cond3A_117 = arith.constant 0 : i32
        %cond3A_118 = arith.cmpi ne, %convert_element_type3A_116, %cond3A_117 : i32
        scf.if %cond3A_118 {
          %add3A_119 = arith.constant 64 : i32
          %add3A_120 = arith.addi %add3A_83, %add3A_119 : i32
          %mul3A_121 = arith.constant 128 : i32
          %mul3A_122 = arith.muli %add3A_120, %mul3A_121 : i32
          %dma_start3A_123 = arith.constant 0 : i32
          %dma_start3A_124 = arith.constant 0 : i32
          %dma_start3A_125 = tpu.memref_slice %arg9[%dma_start3A_123, %dma_start3A_124] : memref<32x129xf32, #tpu.memory_space<vmem>> -> memref<32x128xf32, #tpu.memory_space<vmem>>
          %dma_start3A_126 = arith.constant 0 : i32
          %dma_start3A_127 = tpu.memref_slice %arg3[%dma_start3A_126, %mul3A_122] : memref<32x1000000xf32, #tpu.memory_space<hbm>> -> memref<32x128xf32, #tpu.memory_space<hbm>>
          %dma_start3A_128 = arith.constant 0 : i32
          %dma_start3A_129 = arith.constant 0 : i32
          %dma_start3A_130 = tpu.memref_slice %arg9[%dma_start3A_128, %dma_start3A_129] : memref<32x129xf32, #tpu.memory_space<vmem>> -> memref<32x128xf32, #tpu.memory_space<vmem>>
          %dma_start3A_131 = arith.constant 0 : i32
          %dma_start3A_132 = tpu.memref_slice %arg3[%dma_start3A_131, %mul3A_122] : memref<32x1000000xf32, #tpu.memory_space<hbm>> -> memref<32x128xf32, #tpu.memory_space<hbm>>
          tpu.enqueue_dma source(%dma_start3A_132 : memref<32x128xf32, #tpu.memory_space<hbm>>) target(%dma_start3A_130 : memref<32x128xf32, #tpu.memory_space<vmem>>) target_semaphore(%arg13 : memref<!tpu.dma_semaphore, #tpu.memory_space<semaphore_mem>>)
        } else {
        }
      } else {
      }
    }
    %scan3A_48 = arith.constant 123 : i32
    %dma_wait3A_49 = arith.constant 0 : i32
    %dma_wait3A_50 = arith.constant 0 : i32
    %dma_wait3A_51 = tpu.memref_slice %arg7[%dma_wait3A_49, %dma_wait3A_50] : memref<250000x128xf32, #tpu.memory_space<hbm>> -> memref<32x128xf32, #tpu.memory_space<hbm>>
    %dma_wait3A_52 = arith.constant 0 : i32
    %dma_wait3A_53 = arith.constant 0 : i32
    %dma_wait3A_54 = tpu.memref_slice %arg7[%dma_wait3A_52, %dma_wait3A_53] : memref<250000x128xf32, #tpu.memory_space<hbm>> -> memref<32x128xf32, #tpu.memory_space<hbm>>
    tpu.wait_dma2 semaphore(%arg14 : memref<!tpu.dma_semaphore, #tpu.memory_space<semaphore_mem>>) src(%arg10 : memref<32x128xf32, #tpu.memory_space<vmem>>) dst(%dma_wait3A_54 : memref<32x128xf32, #tpu.memory_space<hbm>>)
    %dma_wait3A_55 = arith.constant 0 : i32
    %dma_wait3A_56 = arith.constant 0 : i32
    %dma_wait3A_57 = tpu.memref_slice %arg7[%dma_wait3A_55, %dma_wait3A_56] : memref<250000x128xf32, #tpu.memory_space<hbm>> -> memref<32x128xf32, #tpu.memory_space<hbm>>
    %dma_wait3A_58 = arith.constant 0 : i32
    %dma_wait3A_59 = arith.constant 0 : i32
    %dma_wait3A_60 = tpu.memref_slice %arg7[%dma_wait3A_58, %dma_wait3A_59] : memref<250000x128xf32, #tpu.memory_space<hbm>> -> memref<32x128xf32, #tpu.memory_space<hbm>>
    tpu.wait_dma2 semaphore(%arg15 : memref<!tpu.dma_semaphore, #tpu.memory_space<semaphore_mem>>) src(%arg11 : memref<32x128xf32, #tpu.memory_space<vmem>>) dst(%dma_wait3A_60 : memref<32x128xf32, #tpu.memory_space<hbm>>)
    %eq3A_61 = arith.constant 0 : i32
    %eq3A_62 = arith.cmpi eq, %add3A, %eq3A_61 : i32
    %convert_element_type3A_63 = arith.extui %eq3A_62 : i1 to i32
    %cond3A_64 = arith.constant 0 : i32
    %cond3A_65 = arith.cmpi ne, %convert_element_type3A_63, %cond3A_64 : i32
    scf.if %cond3A_65 {
      "tpu.region"() ({
        %run_scoped3A = tpu.sem_alloc : memref<!tpu.dma_semaphore, #tpu.memory_space<semaphore_mem>>
        %dma_start3A = arith.constant 0 : i32
        %dma_start3A_66 = arith.constant 0 : i32
        %dma_start3A_67 = tpu.memref_slice %arg10[%dma_start3A, %dma_start3A_66] : memref<32x128xf32, #tpu.memory_space<vmem>> -> memref<16x128xf32, #tpu.memory_space<vmem>>
        %dma_start3A_68 = arith.constant 0 : i32
        %dma_start3A_69 = arith.constant 0 : i32
        %dma_start3A_70 = tpu.memref_slice %arg10[%dma_start3A_68, %dma_start3A_69] : memref<32x128xf32, #tpu.memory_space<vmem>> -> memref<16x128xf32, #tpu.memory_space<vmem>>
        tpu.enqueue_dma source(%arg5 : memref<16x128xf32, #tpu.memory_space<hbm>>) target(%dma_start3A_70 : memref<16x128xf32, #tpu.memory_space<vmem>>) target_semaphore(%run_scoped3A : memref<!tpu.dma_semaphore, #tpu.memory_space<semaphore_mem>>)
        %dma_wait3A_71 = arith.constant 0 : i32
        %dma_wait3A_72 = arith.constant 0 : i32
        %dma_wait3A_73 = tpu.memref_slice %arg10[%dma_wait3A_71, %dma_wait3A_72] : memref<32x128xf32, #tpu.memory_space<vmem>> -> memref<16x128xf32, #tpu.memory_space<vmem>>
        %dma_wait3A_74 = arith.constant 0 : i32
        %dma_wait3A_75 = arith.constant 0 : i32
        %dma_wait3A_76 = tpu.memref_slice %arg10[%dma_wait3A_74, %dma_wait3A_75] : memref<32x128xf32, #tpu.memory_space<vmem>> -> memref<16x128xf32, #tpu.memory_space<vmem>>
        tpu.wait_dma2 semaphore(%run_scoped3A : memref<!tpu.dma_semaphore, #tpu.memory_space<semaphore_mem>>) src(%arg5 : memref<16x128xf32, #tpu.memory_space<hbm>>) dst(%dma_wait3A_76 : memref<16x128xf32, #tpu.memory_space<vmem>>)
        tpu.yield
      }) : () -> ()
      "tpu.region"() ({
        %run_scoped3A = tpu.sem_alloc : memref<!tpu.dma_semaphore, #tpu.memory_space<semaphore_mem>>
        %dma_start3A = arith.constant 0 : i32
        %dma_start3A_66 = arith.constant 0 : i32
        %dma_start3A_67 = tpu.memref_slice %arg10[%dma_start3A, %dma_start3A_66] : memref<32x128xf32, #tpu.memory_space<vmem>> -> memref<16x128xf32, #tpu.memory_space<vmem>>
        %dma_start3A_68 = arith.constant 249984 : i32
        %dma_start3A_69 = arith.constant 0 : i32
        %dma_start3A_70 = tpu.memref_slice %arg7[%dma_start3A_68, %dma_start3A_69] : memref<250000x128xf32, #tpu.memory_space<hbm>> -> memref<16x128xf32, #tpu.memory_space<hbm>>
        %dma_start3A_71 = arith.constant 249984 : i32
        %dma_start3A_72 = arith.constant 0 : i32
        %dma_start3A_73 = tpu.memref_slice %arg7[%dma_start3A_71, %dma_start3A_72] : memref<250000x128xf32, #tpu.memory_space<hbm>> -> memref<16x128xf32, #tpu.memory_space<hbm>>
        %dma_start3A_74 = arith.constant 0 : i32
        %dma_start3A_75 = arith.constant 0 : i32
        %dma_start3A_76 = tpu.memref_slice %arg10[%dma_start3A_74, %dma_start3A_75] : memref<32x128xf32, #tpu.memory_space<vmem>> -> memref<16x128xf32, #tpu.memory_space<vmem>>
        tpu.enqueue_dma source(%dma_start3A_76 : memref<16x128xf32, #tpu.memory_space<vmem>>) target(%dma_start3A_73 : memref<16x128xf32, #tpu.memory_space<hbm>>) target_semaphore(%run_scoped3A : memref<!tpu.dma_semaphore, #tpu.memory_space<semaphore_mem>>)
        %dma_wait3A_77 = arith.constant 0 : i32
        %dma_wait3A_78 = arith.constant 0 : i32
        %dma_wait3A_79 = tpu.memref_slice %arg10[%dma_wait3A_77, %dma_wait3A_78] : memref<32x128xf32, #tpu.memory_space<vmem>> -> memref<16x128xf32, #tpu.memory_space<vmem>>
        %dma_wait3A_80 = arith.constant 249984 : i32
        %dma_wait3A_81 = arith.constant 0 : i32
        %dma_wait3A_82 = tpu.memref_slice %arg7[%dma_wait3A_80, %dma_wait3A_81] : memref<250000x128xf32, #tpu.memory_space<hbm>> -> memref<16x128xf32, #tpu.memory_space<hbm>>
        %dma_wait3A_83 = arith.constant 249984 : i32
        %dma_wait3A_84 = arith.constant 0 : i32
        %dma_wait3A_85 = tpu.memref_slice %arg7[%dma_wait3A_83, %dma_wait3A_84] : memref<250000x128xf32, #tpu.memory_space<hbm>> -> memref<16x128xf32, #tpu.memory_space<hbm>>
        %dma_wait3A_86 = arith.constant 0 : i32
        %dma_wait3A_87 = arith.constant 0 : i32
        %dma_wait3A_88 = tpu.memref_slice %arg10[%dma_wait3A_86, %dma_wait3A_87] : memref<32x128xf32, #tpu.memory_space<vmem>> -> memref<16x128xf32, #tpu.memory_space<vmem>>
        tpu.wait_dma2 semaphore(%run_scoped3A : memref<!tpu.dma_semaphore, #tpu.memory_space<semaphore_mem>>) src(%dma_wait3A_88 : memref<16x128xf32, #tpu.memory_space<vmem>>) dst(%dma_wait3A_85 : memref<16x128xf32, #tpu.memory_space<hbm>>)
        tpu.yield
      }) : () -> ()
    } else {
    }
    return
  }
}

#map = affine_map<(d0, d1) -> (0, 0)>
#map1 = affine_map<(d0, d1) -> (0, 0, 0, 0, 0)>
module attributes {stable_mosaic.version = 14 : i64} {
  func.func @sc_kernel(%arg0: i32, %arg1: i32, %arg2: memref<50x16384xi32, #tpu.memory_space<hbm>>, %arg3: memref<1000000x32xf32, #tpu.memory_space<hbm>>, %arg4: memref<1000000x32xf32, #tpu.memory_space<hbm>>, %arg5: memref<50x4x128x8x128xf32, #tpu.memory_space<hbm>>, %arg6: memref<50x512xi32, #tpu.memory_space<vmem>>, %arg7: memref<512x32xf32, #tpu.memory_space<vmem>>, %arg8: memref<512x32xf32, #tpu.memory_space<vmem>>, %arg9: memref<512x32xf32, #tpu.memory_space<vmem>>, %arg10: memref<512x32xf32, #tpu.memory_space<vmem>>, %arg11: memref<32x129xf32, #tpu.memory_space<vmem>>, %arg12: memref<32x129xf32, #tpu.memory_space<vmem>>, %arg13: memref<!tpu.dma_semaphore, #tpu.memory_space<semaphore_mem>>, %arg14: memref<!tpu.dma_semaphore, #tpu.memory_space<semaphore_mem>>, %arg15: memref<!tpu.dma_semaphore, #tpu.memory_space<semaphore_mem>>, %arg16: memref<!tpu.dma_semaphore, #tpu.memory_space<semaphore_mem>>) attributes {dimension_semantics = [#tpu.dimension_semantics<core_parallel>, #tpu.dimension_semantics<subcore_parallel>], iteration_bounds = array<i64: 2, 16>, scalar_prefetch = 0 : i64, scratch_operands = 11 : i64, tpu.core_type = #tpu.core_type<sc_vector_subcore>, window_params = [{transform_indices = #map}, {transform_indices = #map}, {transform_indices = #map}, {transform_indices = #map1}]} {
    %mul3A = arith.constant 2 : i32
    %mul3A_0 = arith.muli %arg1, %mul3A : i32
    %add3A = arith.addi %mul3A_0, %arg0 : i32
    %mul3A_1 = arith.constant 512 : i32
    %mul3A_2 = arith.muli %add3A, %mul3A_1 : i32
    "tpu.region"() ({
      %run_scoped3A = tpu.sem_alloc : memref<!tpu.dma_semaphore, #tpu.memory_space<semaphore_mem>>
      %dma_start3A_180 = arith.constant 0 : i32
      %dma_start3A_181 = tpu.memref_slice %arg2[%dma_start3A_180, %mul3A_2] : memref<50x16384xi32, #tpu.memory_space<hbm>> -> memref<50x512xi32, #tpu.memory_space<hbm>>
      %dma_start3A_182 = arith.constant 0 : i32
      %dma_start3A_183 = tpu.memref_slice %arg2[%dma_start3A_182, %mul3A_2] : memref<50x16384xi32, #tpu.memory_space<hbm>> -> memref<50x512xi32, #tpu.memory_space<hbm>>
      tpu.enqueue_dma source(%dma_start3A_183 : memref<50x512xi32, #tpu.memory_space<hbm>>) target(%arg6 : memref<50x512xi32, #tpu.memory_space<vmem>>) target_semaphore(%run_scoped3A : memref<!tpu.dma_semaphore, #tpu.memory_space<semaphore_mem>>)
      %dma_wait3A_184 = arith.constant 0 : i32
      %dma_wait3A_185 = tpu.memref_slice %arg2[%dma_wait3A_184, %mul3A_2] : memref<50x16384xi32, #tpu.memory_space<hbm>> -> memref<50x512xi32, #tpu.memory_space<hbm>>
      %dma_wait3A_186 = arith.constant 0 : i32
      %dma_wait3A_187 = tpu.memref_slice %arg2[%dma_wait3A_186, %mul3A_2] : memref<50x16384xi32, #tpu.memory_space<hbm>> -> memref<50x512xi32, #tpu.memory_space<hbm>>
      tpu.wait_dma2 semaphore(%run_scoped3A : memref<!tpu.dma_semaphore, #tpu.memory_space<semaphore_mem>>) src(%dma_wait3A_187 : memref<50x512xi32, #tpu.memory_space<hbm>>) dst(%arg6 : memref<50x512xi32, #tpu.memory_space<vmem>>)
      tpu.yield
    }) : () -> ()
    %iota3A = tpu.iota {dimensions = array<i32: 0>} : vector<16xi32>
    %add3A_3 = arith.constant 16 : i32
    %add3A_4 = vector.broadcast %add3A_3 : i32 to vector<16xi32>
    %add3A_5 = arith.addi %iota3A, %add3A_4 : vector<16xi32>
    %dma_start3A = arith.constant 0 : i32
    %dma_start3A_6 = arith.constant 0 : i32
    %dma_start3A_7 = tpu.memref_slice %arg6[%dma_start3A, %dma_start3A_6] : memref<50x512xi32, #tpu.memory_space<vmem>> -> memref<1x512xi32, #tpu.memory_space<vmem>>
    %dma_start3A_8 = tpu.memref_squeeze %dma_start3A_7 : memref<1x512xi32, #tpu.memory_space<vmem>> -> memref<512xi32, #tpu.memory_space<vmem>>
    %dma_start3A_9 = arith.constant 0 : i32
    %dma_start3A_10 = arith.constant 0 : i32
    %dma_start3A_11 = tpu.memref_slice %arg3[%dma_start3A_9, %dma_start3A_10] : memref<1000000x32xf32, #tpu.memory_space<hbm>> -> memref<1000000x32xf32, #tpu.memory_space<hbm>>
    tpu.enqueue_indirect_dma source(%dma_start3A_11 : memref<1000000x32xf32, #tpu.memory_space<hbm>>) target(%arg7 : memref<512x32xf32, #tpu.memory_space<vmem>>) offsets(%dma_start3A_8 : memref<512xi32, #tpu.memory_space<vmem>>) semaphore(%arg13 : memref<!tpu.dma_semaphore, #tpu.memory_space<semaphore_mem>>)
    %dma_start3A_12 = arith.constant 0 : i32
    %dma_start3A_13 = arith.constant 0 : i32
    %dma_start3A_14 = tpu.memref_slice %arg6[%dma_start3A_12, %dma_start3A_13] : memref<50x512xi32, #tpu.memory_space<vmem>> -> memref<1x512xi32, #tpu.memory_space<vmem>>
    %dma_start3A_15 = tpu.memref_squeeze %dma_start3A_14 : memref<1x512xi32, #tpu.memory_space<vmem>> -> memref<512xi32, #tpu.memory_space<vmem>>
    %dma_start3A_16 = arith.constant 0 : i32
    %dma_start3A_17 = arith.constant 0 : i32
    %dma_start3A_18 = tpu.memref_slice %arg4[%dma_start3A_16, %dma_start3A_17] : memref<1000000x32xf32, #tpu.memory_space<hbm>> -> memref<1000000x32xf32, #tpu.memory_space<hbm>>
    tpu.enqueue_indirect_dma source(%dma_start3A_18 : memref<1000000x32xf32, #tpu.memory_space<hbm>>) target(%arg8 : memref<512x32xf32, #tpu.memory_space<vmem>>) offsets(%dma_start3A_15 : memref<512xi32, #tpu.memory_space<vmem>>) semaphore(%arg13 : memref<!tpu.dma_semaphore, #tpu.memory_space<semaphore_mem>>)
    %dma_start3A_19 = arith.constant 1 : i32
    %dma_start3A_20 = arith.constant 0 : i32
    %dma_start3A_21 = tpu.memref_slice %arg6[%dma_start3A_19, %dma_start3A_20] : memref<50x512xi32, #tpu.memory_space<vmem>> -> memref<1x512xi32, #tpu.memory_space<vmem>>
    %dma_start3A_22 = tpu.memref_squeeze %dma_start3A_21 : memref<1x512xi32, #tpu.memory_space<vmem>> -> memref<512xi32, #tpu.memory_space<vmem>>
    %dma_start3A_23 = arith.constant 0 : i32
    %dma_start3A_24 = arith.constant 0 : i32
    %dma_start3A_25 = tpu.memref_slice %arg3[%dma_start3A_23, %dma_start3A_24] : memref<1000000x32xf32, #tpu.memory_space<hbm>> -> memref<1000000x32xf32, #tpu.memory_space<hbm>>
    tpu.enqueue_indirect_dma source(%dma_start3A_25 : memref<1000000x32xf32, #tpu.memory_space<hbm>>) target(%arg9 : memref<512x32xf32, #tpu.memory_space<vmem>>) offsets(%dma_start3A_22 : memref<512xi32, #tpu.memory_space<vmem>>) semaphore(%arg14 : memref<!tpu.dma_semaphore, #tpu.memory_space<semaphore_mem>>)
    %dma_start3A_26 = arith.constant 1 : i32
    %dma_start3A_27 = arith.constant 0 : i32
    %dma_start3A_28 = tpu.memref_slice %arg6[%dma_start3A_26, %dma_start3A_27] : memref<50x512xi32, #tpu.memory_space<vmem>> -> memref<1x512xi32, #tpu.memory_space<vmem>>
    %dma_start3A_29 = tpu.memref_squeeze %dma_start3A_28 : memref<1x512xi32, #tpu.memory_space<vmem>> -> memref<512xi32, #tpu.memory_space<vmem>>
    %dma_start3A_30 = arith.constant 0 : i32
    %dma_start3A_31 = arith.constant 0 : i32
    %dma_start3A_32 = tpu.memref_slice %arg4[%dma_start3A_30, %dma_start3A_31] : memref<1000000x32xf32, #tpu.memory_space<hbm>> -> memref<1000000x32xf32, #tpu.memory_space<hbm>>
    tpu.enqueue_indirect_dma source(%dma_start3A_32 : memref<1000000x32xf32, #tpu.memory_space<hbm>>) target(%arg10 : memref<512x32xf32, #tpu.memory_space<vmem>>) offsets(%dma_start3A_29 : memref<512xi32, #tpu.memory_space<vmem>>) semaphore(%arg14 : memref<!tpu.dma_semaphore, #tpu.memory_space<semaphore_mem>>)
    %scan3A = arith.constant 0 : i32
    %scan3A_33 = arith.constant 25 : i32
    %scan3A_34 = arith.addi %scan3A, %scan3A_33 : i32
    %scan3A_35 = arith.constant 1 : i32
    scf.for %scan3A_180 = %scan3A to %scan3A_34 step %scan3A_35  : i32 {
      %mul3A_181 = arith.constant 2 : i32
      %mul3A_182 = arith.muli %scan3A_180, %mul3A_181 : i32
      %add3A_183 = arith.constant 0 : i32
      %add3A_184 = arith.addi %add3A_183, %mul3A_182 : i32
      %dma_wait3A_185 = arith.constant 0 : i32
      %dma_wait3A_186 = tpu.memref_slice %arg6[%add3A_184, %dma_wait3A_185] : memref<50x512xi32, #tpu.memory_space<vmem>> -> memref<1x512xi32, #tpu.memory_space<vmem>>
      %dma_wait3A_187 = tpu.memref_squeeze %dma_wait3A_186 : memref<1x512xi32, #tpu.memory_space<vmem>> -> memref<512xi32, #tpu.memory_space<vmem>>
      %dma_wait3A_188 = arith.constant 0 : i32
      %dma_wait3A_189 = arith.constant 0 : i32
      %dma_wait3A_190 = tpu.memref_slice %arg3[%dma_wait3A_188, %dma_wait3A_189] : memref<1000000x32xf32, #tpu.memory_space<hbm>> -> memref<1000000x32xf32, #tpu.memory_space<hbm>>
      tpu.wait_indirect_dma semaphore(%arg13 : memref<!tpu.dma_semaphore, #tpu.memory_space<semaphore_mem>>) src(%dma_wait3A_190 : memref<1000000x32xf32, #tpu.memory_space<hbm>>) dst(%arg7 : memref<512x32xf32, #tpu.memory_space<vmem>>)
      %dma_wait3A_191 = arith.constant 0 : i32
      %dma_wait3A_192 = tpu.memref_slice %arg6[%add3A_184, %dma_wait3A_191] : memref<50x512xi32, #tpu.memory_space<vmem>> -> memref<1x512xi32, #tpu.memory_space<vmem>>
      %dma_wait3A_193 = tpu.memref_squeeze %dma_wait3A_192 : memref<1x512xi32, #tpu.memory_space<vmem>> -> memref<512xi32, #tpu.memory_space<vmem>>
      %dma_wait3A_194 = arith.constant 0 : i32
      %dma_wait3A_195 = arith.constant 0 : i32
      %dma_wait3A_196 = tpu.memref_slice %arg4[%dma_wait3A_194, %dma_wait3A_195] : memref<1000000x32xf32, #tpu.memory_space<hbm>> -> memref<1000000x32xf32, #tpu.memory_space<hbm>>
      tpu.wait_indirect_dma semaphore(%arg13 : memref<!tpu.dma_semaphore, #tpu.memory_space<semaphore_mem>>) src(%dma_wait3A_196 : memref<1000000x32xf32, #tpu.memory_space<hbm>>) dst(%arg8 : memref<512x32xf32, #tpu.memory_space<vmem>>)
      %gt3A = arith.constant 0 : i32
      %gt3A_197 = arith.cmpi sgt, %add3A_184, %gt3A : i32
      %convert_element_type3A = arith.extui %gt3A_197 : i1 to i32
      %cond3A = arith.constant 0 : i32
      %cond3A_198 = arith.cmpi ne, %convert_element_type3A, %cond3A : i32
      scf.if %cond3A_198 {
        %mul3A_1146 = arith.constant 4 : i32
        %mul3A_1147 = arith.muli %mul3A_1146, %add3A : i32
        %dma_wait3A_1148 = arith.constant 0 : i32
        %dma_wait3A_1149 = arith.constant 0 : i32
        %dma_wait3A_1150 = arith.constant 0 : i32
        %dma_wait3A_1151 = tpu.memref_slice %arg11[%dma_wait3A_1149, %dma_wait3A_1150] : memref<32x129xf32, #tpu.memory_space<vmem>> -> memref<8x128xf32, #tpu.memory_space<vmem>>
        %dma_wait3A_1152 = arith.constant 0 : i32
        %dma_wait3A_1153 = arith.constant 0 : i32
        %dma_wait3A_1154 = tpu.memref_slice %arg5[%add3A_184, %dma_wait3A_1148, %mul3A_1147, %dma_wait3A_1152, %dma_wait3A_1153] : memref<50x4x128x8x128xf32, #tpu.memory_space<hbm>> -> memref<1x1x1x8x128xf32, #tpu.memory_space<hbm>>
        %dma_wait3A_1155 = tpu.memref_squeeze %dma_wait3A_1154 : memref<1x1x1x8x128xf32, #tpu.memory_space<hbm>> -> memref<8x128xf32, #tpu.memory_space<hbm>>
        %dma_wait3A_1156 = arith.constant 0 : i32
        %dma_wait3A_1157 = arith.constant 0 : i32
        %dma_wait3A_1158 = tpu.memref_slice %arg5[%add3A_184, %dma_wait3A_1148, %mul3A_1147, %dma_wait3A_1156, %dma_wait3A_1157] : memref<50x4x128x8x128xf32, #tpu.memory_space<hbm>> -> memref<1x1x1x8x128xf32, #tpu.memory_space<hbm>>
        %dma_wait3A_1159 = tpu.memref_squeeze %dma_wait3A_1158 : memref<1x1x1x8x128xf32, #tpu.memory_space<hbm>> -> memref<8x128xf32, #tpu.memory_space<hbm>>
        %dma_wait3A_1160 = arith.constant 0 : i32
        %dma_wait3A_1161 = arith.constant 0 : i32
        %dma_wait3A_1162 = tpu.memref_slice %arg11[%dma_wait3A_1160, %dma_wait3A_1161] : memref<32x129xf32, #tpu.memory_space<vmem>> -> memref<8x128xf32, #tpu.memory_space<vmem>>
        tpu.wait_dma2 semaphore(%arg15 : memref<!tpu.dma_semaphore, #tpu.memory_space<semaphore_mem>>) src(%dma_wait3A_1162 : memref<8x128xf32, #tpu.memory_space<vmem>>) dst(%dma_wait3A_1159 : memref<8x128xf32, #tpu.memory_space<hbm>>)
        %mul3A_1163 = arith.constant 4 : i32
        %mul3A_1164 = arith.muli %mul3A_1163, %add3A : i32
        %dma_wait3A_1165 = arith.constant 1 : i32
        %dma_wait3A_1166 = arith.constant 8 : i32
        %dma_wait3A_1167 = arith.constant 0 : i32
        %dma_wait3A_1168 = tpu.memref_slice %arg11[%dma_wait3A_1166, %dma_wait3A_1167] : memref<32x129xf32, #tpu.memory_space<vmem>> -> memref<8x128xf32, #tpu.memory_space<vmem>>
        %dma_wait3A_1169 = arith.constant 0 : i32
        %dma_wait3A_1170 = arith.constant 0 : i32
        %dma_wait3A_1171 = tpu.memref_slice %arg5[%add3A_184, %dma_wait3A_1165, %mul3A_1164, %dma_wait3A_1169, %dma_wait3A_1170] : memref<50x4x128x8x128xf32, #tpu.memory_space<hbm>> -> memref<1x1x1x8x128xf32, #tpu.memory_space<hbm>>
        %dma_wait3A_1172 = tpu.memref_squeeze %dma_wait3A_1171 : memref<1x1x1x8x128xf32, #tpu.memory_space<hbm>> -> memref<8x128xf32, #tpu.memory_space<hbm>>
        %dma_wait3A_1173 = arith.constant 0 : i32
        %dma_wait3A_1174 = arith.constant 0 : i32
        %dma_wait3A_1175 = tpu.memref_slice %arg5[%add3A_184, %dma_wait3A_1165, %mul3A_1164, %dma_wait3A_1173, %dma_wait3A_1174] : memref<50x4x128x8x128xf32, #tpu.memory_space<hbm>> -> memref<1x1x1x8x128xf32, #tpu.memory_space<hbm>>
        %dma_wait3A_1176 = tpu.memref_squeeze %dma_wait3A_1175 : memref<1x1x1x8x128xf32, #tpu.memory_space<hbm>> -> memref<8x128xf32, #tpu.memory_space<hbm>>
        %dma_wait3A_1177 = arith.constant 8 : i32
        %dma_wait3A_1178 = arith.constant 0 : i32
        %dma_wait3A_1179 = tpu.memref_slice %arg11[%dma_wait3A_1177, %dma_wait3A_1178] : memref<32x129xf32, #tpu.memory_space<vmem>> -> memref<8x128xf32, #tpu.memory_space<vmem>>
        tpu.wait_dma2 semaphore(%arg15 : memref<!tpu.dma_semaphore, #tpu.memory_space<semaphore_mem>>) src(%dma_wait3A_1179 : memref<8x128xf32, #tpu.memory_space<vmem>>) dst(%dma_wait3A_1176 : memref<8x128xf32, #tpu.memory_space<hbm>>)
        %mul3A_1180 = arith.constant 4 : i32
        %mul3A_1181 = arith.muli %mul3A_1180, %add3A : i32
        %dma_wait3A_1182 = arith.constant 2 : i32
        %dma_wait3A_1183 = arith.constant 16 : i32
        %dma_wait3A_1184 = arith.constant 0 : i32
        %dma_wait3A_1185 = tpu.memref_slice %arg11[%dma_wait3A_1183, %dma_wait3A_1184] : memref<32x129xf32, #tpu.memory_space<vmem>> -> memref<8x128xf32, #tpu.memory_space<vmem>>
        %dma_wait3A_1186 = arith.constant 0 : i32
        %dma_wait3A_1187 = arith.constant 0 : i32
        %dma_wait3A_1188 = tpu.memref_slice %arg5[%add3A_184, %dma_wait3A_1182, %mul3A_1181, %dma_wait3A_1186, %dma_wait3A_1187] : memref<50x4x128x8x128xf32, #tpu.memory_space<hbm>> -> memref<1x1x1x8x128xf32, #tpu.memory_space<hbm>>
        %dma_wait3A_1189 = tpu.memref_squeeze %dma_wait3A_1188 : memref<1x1x1x8x128xf32, #tpu.memory_space<hbm>> -> memref<8x128xf32, #tpu.memory_space<hbm>>
        %dma_wait3A_1190 = arith.constant 0 : i32
        %dma_wait3A_1191 = arith.constant 0 : i32
        %dma_wait3A_1192 = tpu.memref_slice %arg5[%add3A_184, %dma_wait3A_1182, %mul3A_1181, %dma_wait3A_1190, %dma_wait3A_1191] : memref<50x4x128x8x128xf32, #tpu.memory_space<hbm>> -> memref<1x1x1x8x128xf32, #tpu.memory_space<hbm>>
        %dma_wait3A_1193 = tpu.memref_squeeze %dma_wait3A_1192 : memref<1x1x1x8x128xf32, #tpu.memory_space<hbm>> -> memref<8x128xf32, #tpu.memory_space<hbm>>
        %dma_wait3A_1194 = arith.constant 16 : i32
        %dma_wait3A_1195 = arith.constant 0 : i32
        %dma_wait3A_1196 = tpu.memref_slice %arg11[%dma_wait3A_1194, %dma_wait3A_1195] : memref<32x129xf32, #tpu.memory_space<vmem>> -> memref<8x128xf32, #tpu.memory_space<vmem>>
        tpu.wait_dma2 semaphore(%arg15 : memref<!tpu.dma_semaphore, #tpu.memory_space<semaphore_mem>>) src(%dma_wait3A_1196 : memref<8x128xf32, #tpu.memory_space<vmem>>) dst(%dma_wait3A_1193 : memref<8x128xf32, #tpu.memory_space<hbm>>)
        %mul3A_1197 = arith.constant 4 : i32
        %mul3A_1198 = arith.muli %mul3A_1197, %add3A : i32
        %dma_wait3A_1199 = arith.constant 3 : i32
        %dma_wait3A_1200 = arith.constant 24 : i32
        %dma_wait3A_1201 = arith.constant 0 : i32
        %dma_wait3A_1202 = tpu.memref_slice %arg11[%dma_wait3A_1200, %dma_wait3A_1201] : memref<32x129xf32, #tpu.memory_space<vmem>> -> memref<8x128xf32, #tpu.memory_space<vmem>>
        %dma_wait3A_1203 = arith.constant 0 : i32
        %dma_wait3A_1204 = arith.constant 0 : i32
        %dma_wait3A_1205 = tpu.memref_slice %arg5[%add3A_184, %dma_wait3A_1199, %mul3A_1198, %dma_wait3A_1203, %dma_wait3A_1204] : memref<50x4x128x8x128xf32, #tpu.memory_space<hbm>> -> memref<1x1x1x8x128xf32, #tpu.memory_space<hbm>>
        %dma_wait3A_1206 = tpu.memref_squeeze %dma_wait3A_1205 : memref<1x1x1x8x128xf32, #tpu.memory_space<hbm>> -> memref<8x128xf32, #tpu.memory_space<hbm>>
        %dma_wait3A_1207 = arith.constant 0 : i32
        %dma_wait3A_1208 = arith.constant 0 : i32
        %dma_wait3A_1209 = tpu.memref_slice %arg5[%add3A_184, %dma_wait3A_1199, %mul3A_1198, %dma_wait3A_1207, %dma_wait3A_1208] : memref<50x4x128x8x128xf32, #tpu.memory_space<hbm>> -> memref<1x1x1x8x128xf32, #tpu.memory_space<hbm>>
        %dma_wait3A_1210 = tpu.memref_squeeze %dma_wait3A_1209 : memref<1x1x1x8x128xf32, #tpu.memory_space<hbm>> -> memref<8x128xf32, #tpu.memory_space<hbm>>
        %dma_wait3A_1211 = arith.constant 24 : i32
        %dma_wait3A_1212 = arith.constant 0 : i32
        %dma_wait3A_1213 = tpu.memref_slice %arg11[%dma_wait3A_1211, %dma_wait3A_1212] : memref<32x129xf32, #tpu.memory_space<vmem>> -> memref<8x128xf32, #tpu.memory_space<vmem>>
        tpu.wait_dma2 semaphore(%arg15 : memref<!tpu.dma_semaphore, #tpu.memory_space<semaphore_mem>>) src(%dma_wait3A_1213 : memref<8x128xf32, #tpu.memory_space<vmem>>) dst(%dma_wait3A_1210 : memref<8x128xf32, #tpu.memory_space<hbm>>)
      } else {
      }
      %parallel_loop3A = arith.constant 0 : i32
      %parallel_loop3A_199 = arith.constant 128 : i32
      %parallel_loop3A_200 = arith.constant 1 : i32
      scf.for %parallel_loop3A_1146 = %parallel_loop3A to %parallel_loop3A_199 step %parallel_loop3A_200  : i32 {
        %parallel_loop3A_1147 = arith.constant 0 : i32
        %parallel_loop3A_1148 = arith.addi %parallel_loop3A_1147, %parallel_loop3A_1146 : i32
        %parallel_loop3A_1149 = arith.constant 0 : i32
        %parallel_loop3A_1150 = vector.broadcast %parallel_loop3A_1149 : i32 to vector<16xi32>
        %parallel_loop3A_1151 = vector.broadcast %parallel_loop3A_1146 : i32 to vector<16xi32>
        %parallel_loop3A_1152 = arith.addi %parallel_loop3A_1150, %parallel_loop3A_1151 : vector<16xi32>
        %parallel_loop3A_1153 = arith.index_cast %parallel_loop3A_1148 : i32 to index
        %parallel_loop3A_1154 = arith.constant 0 : index
        %parallel_loop3A_1155 = tpu.vector_load %arg7[%parallel_loop3A_1153, %parallel_loop3A_1154] {strides = array<i32>} : memref<512x32xf32, #tpu.memory_space<vmem>>, vector<16xf32>,
        %parallel_loop3A_1156 = arith.index_cast %parallel_loop3A_1148 : i32 to index
        %parallel_loop3A_1157 = arith.constant 0 : index
        %parallel_loop3A_1158 = tpu.vector_load %arg8[%parallel_loop3A_1156, %parallel_loop3A_1157] {strides = array<i32>} : memref<512x32xf32, #tpu.memory_space<vmem>>, vector<16xf32>,
        %parallel_loop3A_1159 = arith.addf %parallel_loop3A_1155, %parallel_loop3A_1158 : vector<16xf32>
        tpu.vector_store_idx %arg11[%iota3A, %parallel_loop3A_1152], %parallel_loop3A_1159 : memref<32x129xf32, #tpu.memory_space<vmem>>[vector<16xi32>, vector<16xi32>], vector<16xf32>,
        %parallel_loop3A_1160 = arith.index_cast %parallel_loop3A_1148 : i32 to index
        %parallel_loop3A_1161 = arith.constant 16 : index
        %parallel_loop3A_1162 = tpu.vector_load %arg7[%parallel_loop3A_1160, %parallel_loop3A_1161] {strides = array<i32>} : memref<512x32xf32, #tpu.memory_space<vmem>>, vector<16xf32>,
        %parallel_loop3A_1163 = arith.index_cast %parallel_loop3A_1148 : i32 to index
        %parallel_loop3A_1164 = arith.constant 16 : index
        %parallel_loop3A_1165 = tpu.vector_load %arg8[%parallel_loop3A_1163, %parallel_loop3A_1164] {strides = array<i32>} : memref<512x32xf32, #tpu.memory_space<vmem>>, vector<16xf32>,
        %parallel_loop3A_1166 = arith.addf %parallel_loop3A_1162, %parallel_loop3A_1165 : vector<16xf32>
        tpu.vector_store_idx %arg11[%add3A_5, %parallel_loop3A_1152], %parallel_loop3A_1166 : memref<32x129xf32, #tpu.memory_space<vmem>>[vector<16xi32>, vector<16xi32>], vector<16xf32>,
      } {sc.loop_unroll_factor = 4 : i64, sc.parallel_access}
      %mul3A_201 = arith.constant 4 : i32
      %mul3A_202 = arith.muli %mul3A_201, %add3A : i32
      %add3A_203 = arith.constant 0 : i32
      %add3A_204 = arith.addi %mul3A_202, %add3A_203 : i32
      %dma_start3A_205 = arith.constant 0 : i32
      %dma_start3A_206 = arith.constant 0 : i32
      %dma_start3A_207 = arith.constant 0 : i32
      %dma_start3A_208 = tpu.memref_slice %arg11[%dma_start3A_206, %dma_start3A_207] : memref<32x129xf32, #tpu.memory_space<vmem>> -> memref<8x128xf32, #tpu.memory_space<vmem>>
      %dma_start3A_209 = arith.constant 0 : i32
      %dma_start3A_210 = arith.constant 0 : i32
      %dma_start3A_211 = tpu.memref_slice %arg5[%add3A_184, %dma_start3A_205, %add3A_204, %dma_start3A_209, %dma_start3A_210] : memref<50x4x128x8x128xf32, #tpu.memory_space<hbm>> -> memref<1x1x1x8x128xf32, #tpu.memory_space<hbm>>
      %dma_start3A_212 = tpu.memref_squeeze %dma_start3A_211 : memref<1x1x1x8x128xf32, #tpu.memory_space<hbm>> -> memref<8x128xf32, #tpu.memory_space<hbm>>
      %dma_start3A_213 = arith.constant 0 : i32
      %dma_start3A_214 = arith.constant 0 : i32
      %dma_start3A_215 = tpu.memref_slice %arg5[%add3A_184, %dma_start3A_205, %add3A_204, %dma_start3A_213, %dma_start3A_214] : memref<50x4x128x8x128xf32, #tpu.memory_space<hbm>> -> memref<1x1x1x8x128xf32, #tpu.memory_space<hbm>>
      %dma_start3A_216 = tpu.memref_squeeze %dma_start3A_215 : memref<1x1x1x8x128xf32, #tpu.memory_space<hbm>> -> memref<8x128xf32, #tpu.memory_space<hbm>>
      %dma_start3A_217 = arith.constant 0 : i32
      %dma_start3A_218 = arith.constant 0 : i32
      %dma_start3A_219 = tpu.memref_slice %arg11[%dma_start3A_217, %dma_start3A_218] : memref<32x129xf32, #tpu.memory_space<vmem>> -> memref<8x128xf32, #tpu.memory_space<vmem>>
      tpu.enqueue_dma source(%dma_start3A_219 : memref<8x128xf32, #tpu.memory_space<vmem>>) target(%dma_start3A_216 : memref<8x128xf32, #tpu.memory_space<hbm>>) target_semaphore(%arg15 : memref<!tpu.dma_semaphore, #tpu.memory_space<semaphore_mem>>)
      %mul3A_220 = arith.constant 4 : i32
      %mul3A_221 = arith.muli %mul3A_220, %add3A : i32
      %add3A_222 = arith.constant 0 : i32
      %add3A_223 = arith.addi %mul3A_221, %add3A_222 : i32
      %dma_start3A_224 = arith.constant 1 : i32
      %dma_start3A_225 = arith.constant 8 : i32
      %dma_start3A_226 = arith.constant 0 : i32
      %dma_start3A_227 = tpu.memref_slice %arg11[%dma_start3A_225, %dma_start3A_226] : memref<32x129xf32, #tpu.memory_space<vmem>> -> memref<8x128xf32, #tpu.memory_space<vmem>>
      %dma_start3A_228 = arith.constant 0 : i32
      %dma_start3A_229 = arith.constant 0 : i32
      %dma_start3A_230 = tpu.memref_slice %arg5[%add3A_184, %dma_start3A_224, %add3A_223, %dma_start3A_228, %dma_start3A_229] : memref<50x4x128x8x128xf32, #tpu.memory_space<hbm>> -> memref<1x1x1x8x128xf32, #tpu.memory_space<hbm>>
      %dma_start3A_231 = tpu.memref_squeeze %dma_start3A_230 : memref<1x1x1x8x128xf32, #tpu.memory_space<hbm>> -> memref<8x128xf32, #tpu.memory_space<hbm>>
      %dma_start3A_232 = arith.constant 0 : i32
      %dma_start3A_233 = arith.constant 0 : i32
      %dma_start3A_234 = tpu.memref_slice %arg5[%add3A_184, %dma_start3A_224, %add3A_223, %dma_start3A_232, %dma_start3A_233] : memref<50x4x128x8x128xf32, #tpu.memory_space<hbm>> -> memref<1x1x1x8x128xf32, #tpu.memory_space<hbm>>
      %dma_start3A_235 = tpu.memref_squeeze %dma_start3A_234 : memref<1x1x1x8x128xf32, #tpu.memory_space<hbm>> -> memref<8x128xf32, #tpu.memory_space<hbm>>
      %dma_start3A_236 = arith.constant 8 : i32
      %dma_start3A_237 = arith.constant 0 : i32
      %dma_start3A_238 = tpu.memref_slice %arg11[%dma_start3A_236, %dma_start3A_237] : memref<32x129xf32, #tpu.memory_space<vmem>> -> memref<8x128xf32, #tpu.memory_space<vmem>>
      tpu.enqueue_dma source(%dma_start3A_238 : memref<8x128xf32, #tpu.memory_space<vmem>>) target(%dma_start3A_235 : memref<8x128xf32, #tpu.memory_space<hbm>>) target_semaphore(%arg15 : memref<!tpu.dma_semaphore, #tpu.memory_space<semaphore_mem>>)
      %mul3A_239 = arith.constant 4 : i32
      %mul3A_240 = arith.muli %mul3A_239, %add3A : i32
      %add3A_241 = arith.constant 0 : i32
      %add3A_242 = arith.addi %mul3A_240, %add3A_241 : i32
      %dma_start3A_243 = arith.constant 2 : i32
      %dma_start3A_244 = arith.constant 16 : i32
      %dma_start3A_245 = arith.constant 0 : i32
      %dma_start3A_246 = tpu.memref_slice %arg11[%dma_start3A_244, %dma_start3A_245] : memref<32x129xf32, #tpu.memory_space<vmem>> -> memref<8x128xf32, #tpu.memory_space<vmem>>
      %dma_start3A_247 = arith.constant 0 : i32
      %dma_start3A_248 = arith.constant 0 : i32
      %dma_start3A_249 = tpu.memref_slice %arg5[%add3A_184, %dma_start3A_243, %add3A_242, %dma_start3A_247, %dma_start3A_248] : memref<50x4x128x8x128xf32, #tpu.memory_space<hbm>> -> memref<1x1x1x8x128xf32, #tpu.memory_space<hbm>>
      %dma_start3A_250 = tpu.memref_squeeze %dma_start3A_249 : memref<1x1x1x8x128xf32, #tpu.memory_space<hbm>> -> memref<8x128xf32, #tpu.memory_space<hbm>>
      %dma_start3A_251 = arith.constant 0 : i32
      %dma_start3A_252 = arith.constant 0 : i32
      %dma_start3A_253 = tpu.memref_slice %arg5[%add3A_184, %dma_start3A_243, %add3A_242, %dma_start3A_251, %dma_start3A_252] : memref<50x4x128x8x128xf32, #tpu.memory_space<hbm>> -> memref<1x1x1x8x128xf32, #tpu.memory_space<hbm>>
      %dma_start3A_254 = tpu.memref_squeeze %dma_start3A_253 : memref<1x1x1x8x128xf32, #tpu.memory_space<hbm>> -> memref<8x128xf32, #tpu.memory_space<hbm>>
      %dma_start3A_255 = arith.constant 16 : i32
      %dma_start3A_256 = arith.constant 0 : i32
      %dma_start3A_257 = tpu.memref_slice %arg11[%dma_start3A_255, %dma_start3A_256] : memref<32x129xf32, #tpu.memory_space<vmem>> -> memref<8x128xf32, #tpu.memory_space<vmem>>
      tpu.enqueue_dma source(%dma_start3A_257 : memref<8x128xf32, #tpu.memory_space<vmem>>) target(%dma_start3A_254 : memref<8x128xf32, #tpu.memory_space<hbm>>) target_semaphore(%arg15 : memref<!tpu.dma_semaphore, #tpu.memory_space<semaphore_mem>>)
      %mul3A_258 = arith.constant 4 : i32
      %mul3A_259 = arith.muli %mul3A_258, %add3A : i32
      %add3A_260 = arith.constant 0 : i32
      %add3A_261 = arith.addi %mul3A_259, %add3A_260 : i32
      %dma_start3A_262 = arith.constant 3 : i32
      %dma_start3A_263 = arith.constant 24 : i32
      %dma_start3A_264 = arith.constant 0 : i32
      %dma_start3A_265 = tpu.memref_slice %arg11[%dma_start3A_263, %dma_start3A_264] : memref<32x129xf32, #tpu.memory_space<vmem>> -> memref<8x128xf32, #tpu.memory_space<vmem>>
      %dma_start3A_266 = arith.constant 0 : i32
      %dma_start3A_267 = arith.constant 0 : i32
      %dma_start3A_268 = tpu.memref_slice %arg5[%add3A_184, %dma_start3A_262, %add3A_261, %dma_start3A_266, %dma_start3A_267] : memref<50x4x128x8x128xf32, #tpu.memory_space<hbm>> -> memref<1x1x1x8x128xf32, #tpu.memory_space<hbm>>
      %dma_start3A_269 = tpu.memref_squeeze %dma_start3A_268 : memref<1x1x1x8x128xf32, #tpu.memory_space<hbm>> -> memref<8x128xf32, #tpu.memory_space<hbm>>
      %dma_start3A_270 = arith.constant 0 : i32
      %dma_start3A_271 = arith.constant 0 : i32
      %dma_start3A_272 = tpu.memref_slice %arg5[%add3A_184, %dma_start3A_262, %add3A_261, %dma_start3A_270, %dma_start3A_271] : memref<50x4x128x8x128xf32, #tpu.memory_space<hbm>> -> memref<1x1x1x8x128xf32, #tpu.memory_space<hbm>>
      %dma_start3A_273 = tpu.memref_squeeze %dma_start3A_272 : memref<1x1x1x8x128xf32, #tpu.memory_space<hbm>> -> memref<8x128xf32, #tpu.memory_space<hbm>>
      %dma_start3A_274 = arith.constant 24 : i32
      %dma_start3A_275 = arith.constant 0 : i32
      %dma_start3A_276 = tpu.memref_slice %arg11[%dma_start3A_274, %dma_start3A_275] : memref<32x129xf32, #tpu.memory_space<vmem>> -> memref<8x128xf32, #tpu.memory_space<vmem>>
      tpu.enqueue_dma source(%dma_start3A_276 : memref<8x128xf32, #tpu.memory_space<vmem>>) target(%dma_start3A_273 : memref<8x128xf32, #tpu.memory_space<hbm>>) target_semaphore(%arg15 : memref<!tpu.dma_semaphore, #tpu.memory_space<semaphore_mem>>)
      %gt3A_277 = arith.constant 0 : i32
      %gt3A_278 = arith.cmpi sgt, %add3A_184, %gt3A_277 : i32
      %convert_element_type3A_279 = arith.extui %gt3A_278 : i1 to i32
      %cond3A_280 = arith.constant 0 : i32
      %cond3A_281 = arith.cmpi ne, %convert_element_type3A_279, %cond3A_280 : i32
      scf.if %cond3A_281 {
        %mul3A_1146 = arith.constant 4 : i32
        %mul3A_1147 = arith.muli %mul3A_1146, %add3A : i32
        %dma_wait3A_1148 = arith.constant 0 : i32
        %dma_wait3A_1149 = arith.constant 0 : i32
        %dma_wait3A_1150 = arith.constant 0 : i32
        %dma_wait3A_1151 = tpu.memref_slice %arg12[%dma_wait3A_1149, %dma_wait3A_1150] : memref<32x129xf32, #tpu.memory_space<vmem>> -> memref<8x128xf32, #tpu.memory_space<vmem>>
        %dma_wait3A_1152 = arith.constant 0 : i32
        %dma_wait3A_1153 = arith.constant 0 : i32
        %dma_wait3A_1154 = tpu.memref_slice %arg5[%add3A_184, %dma_wait3A_1148, %mul3A_1147, %dma_wait3A_1152, %dma_wait3A_1153] : memref<50x4x128x8x128xf32, #tpu.memory_space<hbm>> -> memref<1x1x1x8x128xf32, #tpu.memory_space<hbm>>
        %dma_wait3A_1155 = tpu.memref_squeeze %dma_wait3A_1154 : memref<1x1x1x8x128xf32, #tpu.memory_space<hbm>> -> memref<8x128xf32, #tpu.memory_space<hbm>>
        %dma_wait3A_1156 = arith.constant 0 : i32
        %dma_wait3A_1157 = arith.constant 0 : i32
        %dma_wait3A_1158 = tpu.memref_slice %arg5[%add3A_184, %dma_wait3A_1148, %mul3A_1147, %dma_wait3A_1156, %dma_wait3A_1157] : memref<50x4x128x8x128xf32, #tpu.memory_space<hbm>> -> memref<1x1x1x8x128xf32, #tpu.memory_space<hbm>>
        %dma_wait3A_1159 = tpu.memref_squeeze %dma_wait3A_1158 : memref<1x1x1x8x128xf32, #tpu.memory_space<hbm>> -> memref<8x128xf32, #tpu.memory_space<hbm>>
        %dma_wait3A_1160 = arith.constant 0 : i32
        %dma_wait3A_1161 = arith.constant 0 : i32
        %dma_wait3A_1162 = tpu.memref_slice %arg12[%dma_wait3A_1160, %dma_wait3A_1161] : memref<32x129xf32, #tpu.memory_space<vmem>> -> memref<8x128xf32, #tpu.memory_space<vmem>>
        tpu.wait_dma2 semaphore(%arg16 : memref<!tpu.dma_semaphore, #tpu.memory_space<semaphore_mem>>) src(%dma_wait3A_1162 : memref<8x128xf32, #tpu.memory_space<vmem>>) dst(%dma_wait3A_1159 : memref<8x128xf32, #tpu.memory_space<hbm>>)
        %mul3A_1163 = arith.constant 4 : i32
        %mul3A_1164 = arith.muli %mul3A_1163, %add3A : i32
        %dma_wait3A_1165 = arith.constant 1 : i32
        %dma_wait3A_1166 = arith.constant 8 : i32
        %dma_wait3A_1167 = arith.constant 0 : i32
        %dma_wait3A_1168 = tpu.memref_slice %arg12[%dma_wait3A_1166, %dma_wait3A_1167] : memref<32x129xf32, #tpu.memory_space<vmem>> -> memref<8x128xf32, #tpu.memory_space<vmem>>
        %dma_wait3A_1169 = arith.constant 0 : i32
        %dma_wait3A_1170 = arith.constant 0 : i32
        %dma_wait3A_1171 = tpu.memref_slice %arg5[%add3A_184, %dma_wait3A_1165, %mul3A_1164, %dma_wait3A_1169, %dma_wait3A_1170] : memref<50x4x128x8x128xf32, #tpu.memory_space<hbm>> -> memref<1x1x1x8x128xf32, #tpu.memory_space<hbm>>
        %dma_wait3A_1172 = tpu.memref_squeeze %dma_wait3A_1171 : memref<1x1x1x8x128xf32, #tpu.memory_space<hbm>> -> memref<8x128xf32, #tpu.memory_space<hbm>>
        %dma_wait3A_1173 = arith.constant 0 : i32
        %dma_wait3A_1174 = arith.constant 0 : i32
        %dma_wait3A_1175 = tpu.memref_slice %arg5[%add3A_184, %dma_wait3A_1165, %mul3A_1164, %dma_wait3A_1173, %dma_wait3A_1174] : memref<50x4x128x8x128xf32, #tpu.memory_space<hbm>> -> memref<1x1x1x8x128xf32, #tpu.memory_space<hbm>>
        %dma_wait3A_1176 = tpu.memref_squeeze %dma_wait3A_1175 : memref<1x1x1x8x128xf32, #tpu.memory_space<hbm>> -> memref<8x128xf32, #tpu.memory_space<hbm>>
        %dma_wait3A_1177 = arith.constant 8 : i32
        %dma_wait3A_1178 = arith.constant 0 : i32
        %dma_wait3A_1179 = tpu.memref_slice %arg12[%dma_wait3A_1177, %dma_wait3A_1178] : memref<32x129xf32, #tpu.memory_space<vmem>> -> memref<8x128xf32, #tpu.memory_space<vmem>>
        tpu.wait_dma2 semaphore(%arg16 : memref<!tpu.dma_semaphore, #tpu.memory_space<semaphore_mem>>) src(%dma_wait3A_1179 : memref<8x128xf32, #tpu.memory_space<vmem>>) dst(%dma_wait3A_1176 : memref<8x128xf32, #tpu.memory_space<hbm>>)
        %mul3A_1180 = arith.constant 4 : i32
        %mul3A_1181 = arith.muli %mul3A_1180, %add3A : i32
        %dma_wait3A_1182 = arith.constant 2 : i32
        %dma_wait3A_1183 = arith.constant 16 : i32
        %dma_wait3A_1184 = arith.constant 0 : i32
        %dma_wait3A_1185 = tpu.memref_slice %arg12[%dma_wait3A_1183, %dma_wait3A_1184] : memref<32x129xf32, #tpu.memory_space<vmem>> -> memref<8x128xf32, #tpu.memory_space<vmem>>
        %dma_wait3A_1186 = arith.constant 0 : i32
        %dma_wait3A_1187 = arith.constant 0 : i32
        %dma_wait3A_1188 = tpu.memref_slice %arg5[%add3A_184, %dma_wait3A_1182, %mul3A_1181, %dma_wait3A_1186, %dma_wait3A_1187] : memref<50x4x128x8x128xf32, #tpu.memory_space<hbm>> -> memref<1x1x1x8x128xf32, #tpu.memory_space<hbm>>
        %dma_wait3A_1189 = tpu.memref_squeeze %dma_wait3A_1188 : memref<1x1x1x8x128xf32, #tpu.memory_space<hbm>> -> memref<8x128xf32, #tpu.memory_space<hbm>>
        %dma_wait3A_1190 = arith.constant 0 : i32
        %dma_wait3A_1191 = arith.constant 0 : i32
        %dma_wait3A_1192 = tpu.memref_slice %arg5[%add3A_184, %dma_wait3A_1182, %mul3A_1181, %dma_wait3A_1190, %dma_wait3A_1191] : memref<50x4x128x8x128xf32, #tpu.memory_space<hbm>> -> memref<1x1x1x8x128xf32, #tpu.memory_space<hbm>>
        %dma_wait3A_1193 = tpu.memref_squeeze %dma_wait3A_1192 : memref<1x1x1x8x128xf32, #tpu.memory_space<hbm>> -> memref<8x128xf32, #tpu.memory_space<hbm>>
        %dma_wait3A_1194 = arith.constant 16 : i32
        %dma_wait3A_1195 = arith.constant 0 : i32
        %dma_wait3A_1196 = tpu.memref_slice %arg12[%dma_wait3A_1194, %dma_wait3A_1195] : memref<32x129xf32, #tpu.memory_space<vmem>> -> memref<8x128xf32, #tpu.memory_space<vmem>>
        tpu.wait_dma2 semaphore(%arg16 : memref<!tpu.dma_semaphore, #tpu.memory_space<semaphore_mem>>) src(%dma_wait3A_1196 : memref<8x128xf32, #tpu.memory_space<vmem>>) dst(%dma_wait3A_1193 : memref<8x128xf32, #tpu.memory_space<hbm>>)
        %mul3A_1197 = arith.constant 4 : i32
        %mul3A_1198 = arith.muli %mul3A_1197, %add3A : i32
        %dma_wait3A_1199 = arith.constant 3 : i32
        %dma_wait3A_1200 = arith.constant 24 : i32
        %dma_wait3A_1201 = arith.constant 0 : i32
        %dma_wait3A_1202 = tpu.memref_slice %arg12[%dma_wait3A_1200, %dma_wait3A_1201] : memref<32x129xf32, #tpu.memory_space<vmem>> -> memref<8x128xf32, #tpu.memory_space<vmem>>
        %dma_wait3A_1203 = arith.constant 0 : i32
        %dma_wait3A_1204 = arith.constant 0 : i32
        %dma_wait3A_1205 = tpu.memref_slice %arg5[%add3A_184, %dma_wait3A_1199, %mul3A_1198, %dma_wait3A_1203, %dma_wait3A_1204] : memref<50x4x128x8x128xf32, #tpu.memory_space<hbm>> -> memref<1x1x1x8x128xf32, #tpu.memory_space<hbm>>
        %dma_wait3A_1206 = tpu.memref_squeeze %dma_wait3A_1205 : memref<1x1x1x8x128xf32, #tpu.memory_space<hbm>> -> memref<8x128xf32, #tpu.memory_space<hbm>>
        %dma_wait3A_1207 = arith.constant 0 : i32
        %dma_wait3A_1208 = arith.constant 0 : i32
        %dma_wait3A_1209 = tpu.memref_slice %arg5[%add3A_184, %dma_wait3A_1199, %mul3A_1198, %dma_wait3A_1207, %dma_wait3A_1208] : memref<50x4x128x8x128xf32, #tpu.memory_space<hbm>> -> memref<1x1x1x8x128xf32, #tpu.memory_space<hbm>>
        %dma_wait3A_1210 = tpu.memref_squeeze %dma_wait3A_1209 : memref<1x1x1x8x128xf32, #tpu.memory_space<hbm>> -> memref<8x128xf32, #tpu.memory_space<hbm>>
        %dma_wait3A_1211 = arith.constant 24 : i32
        %dma_wait3A_1212 = arith.constant 0 : i32
        %dma_wait3A_1213 = tpu.memref_slice %arg12[%dma_wait3A_1211, %dma_wait3A_1212] : memref<32x129xf32, #tpu.memory_space<vmem>> -> memref<8x128xf32, #tpu.memory_space<vmem>>
        tpu.wait_dma2 semaphore(%arg16 : memref<!tpu.dma_semaphore, #tpu.memory_space<semaphore_mem>>) src(%dma_wait3A_1213 : memref<8x128xf32, #tpu.memory_space<vmem>>) dst(%dma_wait3A_1210 : memref<8x128xf32, #tpu.memory_space<hbm>>)
      } else {
      }
      %parallel_loop3A_282 = arith.constant 0 : i32
      %parallel_loop3A_283 = arith.constant 128 : i32
      %parallel_loop3A_284 = arith.constant 1 : i32
      scf.for %parallel_loop3A_1146 = %parallel_loop3A_282 to %parallel_loop3A_283 step %parallel_loop3A_284  : i32 {
        %parallel_loop3A_1147 = arith.constant 128 : i32
        %parallel_loop3A_1148 = arith.addi %parallel_loop3A_1147, %parallel_loop3A_1146 : i32
        %parallel_loop3A_1149 = arith.constant 0 : i32
        %parallel_loop3A_1150 = vector.broadcast %parallel_loop3A_1149 : i32 to vector<16xi32>
        %parallel_loop3A_1151 = vector.broadcast %parallel_loop3A_1146 : i32 to vector<16xi32>
        %parallel_loop3A_1152 = arith.addi %parallel_loop3A_1150, %parallel_loop3A_1151 : vector<16xi32>
        %parallel_loop3A_1153 = arith.index_cast %parallel_loop3A_1148 : i32 to index
        %parallel_loop3A_1154 = arith.constant 0 : index
        %parallel_loop3A_1155 = tpu.vector_load %arg7[%parallel_loop3A_1153, %parallel_loop3A_1154] {strides = array<i32>} : memref<512x32xf32, #tpu.memory_space<vmem>>, vector<16xf32>,
        %parallel_loop3A_1156 = arith.index_cast %parallel_loop3A_1148 : i32 to index
        %parallel_loop3A_1157 = arith.constant 0 : index
        %parallel_loop3A_1158 = tpu.vector_load %arg8[%parallel_loop3A_1156, %parallel_loop3A_1157] {strides = array<i32>} : memref<512x32xf32, #tpu.memory_space<vmem>>, vector<16xf32>,
        %parallel_loop3A_1159 = arith.addf %parallel_loop3A_1155, %parallel_loop3A_1158 : vector<16xf32>
        tpu.vector_store_idx %arg12[%iota3A, %parallel_loop3A_1152], %parallel_loop3A_1159 : memref<32x129xf32, #tpu.memory_space<vmem>>[vector<16xi32>, vector<16xi32>], vector<16xf32>,
        %parallel_loop3A_1160 = arith.index_cast %parallel_loop3A_1148 : i32 to index
        %parallel_loop3A_1161 = arith.constant 16 : index
        %parallel_loop3A_1162 = tpu.vector_load %arg7[%parallel_loop3A_1160, %parallel_loop3A_1161] {strides = array<i32>} : memref<512x32xf32, #tpu.memory_space<vmem>>, vector<16xf32>,
        %parallel_loop3A_1163 = arith.index_cast %parallel_loop3A_1148 : i32 to index
        %parallel_loop3A_1164 = arith.constant 16 : index
        %parallel_loop3A_1165 = tpu.vector_load %arg8[%parallel_loop3A_1163, %parallel_loop3A_1164] {strides = array<i32>} : memref<512x32xf32, #tpu.memory_space<vmem>>, vector<16xf32>,
        %parallel_loop3A_1166 = arith.addf %parallel_loop3A_1162, %parallel_loop3A_1165 : vector<16xf32>
        tpu.vector_store_idx %arg12[%add3A_5, %parallel_loop3A_1152], %parallel_loop3A_1166 : memref<32x129xf32, #tpu.memory_space<vmem>>[vector<16xi32>, vector<16xi32>], vector<16xf32>,
      } {sc.loop_unroll_factor = 4 : i64, sc.parallel_access}
      %mul3A_285 = arith.constant 4 : i32
      %mul3A_286 = arith.muli %mul3A_285, %add3A : i32
      %add3A_287 = arith.constant 1 : i32
      %add3A_288 = arith.addi %mul3A_286, %add3A_287 : i32
      %dma_start3A_289 = arith.constant 0 : i32
      %dma_start3A_290 = arith.constant 0 : i32
      %dma_start3A_291 = arith.constant 0 : i32
      %dma_start3A_292 = tpu.memref_slice %arg12[%dma_start3A_290, %dma_start3A_291] : memref<32x129xf32, #tpu.memory_space<vmem>> -> memref<8x128xf32, #tpu.memory_space<vmem>>
      %dma_start3A_293 = arith.constant 0 : i32
      %dma_start3A_294 = arith.constant 0 : i32
      %dma_start3A_295 = tpu.memref_slice %arg5[%add3A_184, %dma_start3A_289, %add3A_288, %dma_start3A_293, %dma_start3A_294] : memref<50x4x128x8x128xf32, #tpu.memory_space<hbm>> -> memref<1x1x1x8x128xf32, #tpu.memory_space<hbm>>
      %dma_start3A_296 = tpu.memref_squeeze %dma_start3A_295 : memref<1x1x1x8x128xf32, #tpu.memory_space<hbm>> -> memref<8x128xf32, #tpu.memory_space<hbm>>
      %dma_start3A_297 = arith.constant 0 : i32
      %dma_start3A_298 = arith.constant 0 : i32
      %dma_start3A_299 = tpu.memref_slice %arg5[%add3A_184, %dma_start3A_289, %add3A_288, %dma_start3A_297, %dma_start3A_298] : memref<50x4x128x8x128xf32, #tpu.memory_space<hbm>> -> memref<1x1x1x8x128xf32, #tpu.memory_space<hbm>>
      %dma_start3A_300 = tpu.memref_squeeze %dma_start3A_299 : memref<1x1x1x8x128xf32, #tpu.memory_space<hbm>> -> memref<8x128xf32, #tpu.memory_space<hbm>>
      %dma_start3A_301 = arith.constant 0 : i32
      %dma_start3A_302 = arith.constant 0 : i32
      %dma_start3A_303 = tpu.memref_slice %arg12[%dma_start3A_301, %dma_start3A_302] : memref<32x129xf32, #tpu.memory_space<vmem>> -> memref<8x128xf32, #tpu.memory_space<vmem>>
      tpu.enqueue_dma source(%dma_start3A_303 : memref<8x128xf32, #tpu.memory_space<vmem>>) target(%dma_start3A_300 : memref<8x128xf32, #tpu.memory_space<hbm>>) target_semaphore(%arg16 : memref<!tpu.dma_semaphore, #tpu.memory_space<semaphore_mem>>)
      %mul3A_304 = arith.constant 4 : i32
      %mul3A_305 = arith.muli %mul3A_304, %add3A : i32
      %add3A_306 = arith.constant 1 : i32
      %add3A_307 = arith.addi %mul3A_305, %add3A_306 : i32
      %dma_start3A_308 = arith.constant 1 : i32
      %dma_start3A_309 = arith.constant 8 : i32
      %dma_start3A_310 = arith.constant 0 : i32
      %dma_start3A_311 = tpu.memref_slice %arg12[%dma_start3A_309, %dma_start3A_310] : memref<32x129xf32, #tpu.memory_space<vmem>> -> memref<8x128xf32, #tpu.memory_space<vmem>>
      %dma_start3A_312 = arith.constant 0 : i32
      %dma_start3A_313 = arith.constant 0 : i32
      %dma_start3A_314 = tpu.memref_slice %arg5[%add3A_184, %dma_start3A_308, %add3A_307, %dma_start3A_312, %dma_start3A_313] : memref<50x4x128x8x128xf32, #tpu.memory_space<hbm>> -> memref<1x1x1x8x128xf32, #tpu.memory_space<hbm>>
      %dma_start3A_315 = tpu.memref_squeeze %dma_start3A_314 : memref<1x1x1x8x128xf32, #tpu.memory_space<hbm>> -> memref<8x128xf32, #tpu.memory_space<hbm>>
      %dma_start3A_316 = arith.constant 0 : i32
      %dma_start3A_317 = arith.constant 0 : i32
      %dma_start3A_318 = tpu.memref_slice %arg5[%add3A_184, %dma_start3A_308, %add3A_307, %dma_start3A_316, %dma_start3A_317] : memref<50x4x128x8x128xf32, #tpu.memory_space<hbm>> -> memref<1x1x1x8x128xf32, #tpu.memory_space<hbm>>
      %dma_start3A_319 = tpu.memref_squeeze %dma_start3A_318 : memref<1x1x1x8x128xf32, #tpu.memory_space<hbm>> -> memref<8x128xf32, #tpu.memory_space<hbm>>
      %dma_start3A_320 = arith.constant 8 : i32
      %dma_start3A_321 = arith.constant 0 : i32
      %dma_start3A_322 = tpu.memref_slice %arg12[%dma_start3A_320, %dma_start3A_321] : memref<32x129xf32, #tpu.memory_space<vmem>> -> memref<8x128xf32, #tpu.memory_space<vmem>>
      tpu.enqueue_dma source(%dma_start3A_322 : memref<8x128xf32, #tpu.memory_space<vmem>>) target(%dma_start3A_319 : memref<8x128xf32, #tpu.memory_space<hbm>>) target_semaphore(%arg16 : memref<!tpu.dma_semaphore, #tpu.memory_space<semaphore_mem>>)
      %mul3A_323 = arith.constant 4 : i32
      %mul3A_324 = arith.muli %mul3A_323, %add3A : i32
      %add3A_325 = arith.constant 1 : i32
      %add3A_326 = arith.addi %mul3A_324, %add3A_325 : i32
      %dma_start3A_327 = arith.constant 2 : i32
      %dma_start3A_328 = arith.constant 16 : i32
      %dma_start3A_329 = arith.constant 0 : i32
      %dma_start3A_330 = tpu.memref_slice %arg12[%dma_start3A_328, %dma_start3A_329] : memref<32x129xf32, #tpu.memory_space<vmem>> -> memref<8x128xf32, #tpu.memory_space<vmem>>
      %dma_start3A_331 = arith.constant 0 : i32
      %dma_start3A_332 = arith.constant 0 : i32
      %dma_start3A_333 = tpu.memref_slice %arg5[%add3A_184, %dma_start3A_327, %add3A_326, %dma_start3A_331, %dma_start3A_332] : memref<50x4x128x8x128xf32, #tpu.memory_space<hbm>> -> memref<1x1x1x8x128xf32, #tpu.memory_space<hbm>>
      %dma_start3A_334 = tpu.memref_squeeze %dma_start3A_333 : memref<1x1x1x8x128xf32, #tpu.memory_space<hbm>> -> memref<8x128xf32, #tpu.memory_space<hbm>>
      %dma_start3A_335 = arith.constant 0 : i32
      %dma_start3A_336 = arith.constant 0 : i32
      %dma_start3A_337 = tpu.memref_slice %arg5[%add3A_184, %dma_start3A_327, %add3A_326, %dma_start3A_335, %dma_start3A_336] : memref<50x4x128x8x128xf32, #tpu.memory_space<hbm>> -> memref<1x1x1x8x128xf32, #tpu.memory_space<hbm>>
      %dma_start3A_338 = tpu.memref_squeeze %dma_start3A_337 : memref<1x1x1x8x128xf32, #tpu.memory_space<hbm>> -> memref<8x128xf32, #tpu.memory_space<hbm>>
      %dma_start3A_339 = arith.constant 16 : i32
      %dma_start3A_340 = arith.constant 0 : i32
      %dma_start3A_341 = tpu.memref_slice %arg12[%dma_start3A_339, %dma_start3A_340] : memref<32x129xf32, #tpu.memory_space<vmem>> -> memref<8x128xf32, #tpu.memory_space<vmem>>
      tpu.enqueue_dma source(%dma_start3A_341 : memref<8x128xf32, #tpu.memory_space<vmem>>) target(%dma_start3A_338 : memref<8x128xf32, #tpu.memory_space<hbm>>) target_semaphore(%arg16 : memref<!tpu.dma_semaphore, #tpu.memory_space<semaphore_mem>>)
      %mul3A_342 = arith.constant 4 : i32
      %mul3A_343 = arith.muli %mul3A_342, %add3A : i32
      %add3A_344 = arith.constant 1 : i32
      %add3A_345 = arith.addi %mul3A_343, %add3A_344 : i32
      %dma_start3A_346 = arith.constant 3 : i32
      %dma_start3A_347 = arith.constant 24 : i32
      %dma_start3A_348 = arith.constant 0 : i32
      %dma_start3A_349 = tpu.memref_slice %arg12[%dma_start3A_347, %dma_start3A_348] : memref<32x129xf32, #tpu.memory_space<vmem>> -> memref<8x128xf32, #tpu.memory_space<vmem>>
      %dma_start3A_350 = arith.constant 0 : i32
      %dma_start3A_351 = arith.constant 0 : i32
      %dma_start3A_352 = tpu.memref_slice %arg5[%add3A_184, %dma_start3A_346, %add3A_345, %dma_start3A_350, %dma_start3A_351] : memref<50x4x128x8x128xf32, #tpu.memory_space<hbm>> -> memref<1x1x1x8x128xf32, #tpu.memory_space<hbm>>
      %dma_start3A_353 = tpu.memref_squeeze %dma_start3A_352 : memref<1x1x1x8x128xf32, #tpu.memory_space<hbm>> -> memref<8x128xf32, #tpu.memory_space<hbm>>
      %dma_start3A_354 = arith.constant 0 : i32
      %dma_start3A_355 = arith.constant 0 : i32
      %dma_start3A_356 = tpu.memref_slice %arg5[%add3A_184, %dma_start3A_346, %add3A_345, %dma_start3A_354, %dma_start3A_355] : memref<50x4x128x8x128xf32, #tpu.memory_space<hbm>> -> memref<1x1x1x8x128xf32, #tpu.memory_space<hbm>>
      %dma_start3A_357 = tpu.memref_squeeze %dma_start3A_356 : memref<1x1x1x8x128xf32, #tpu.memory_space<hbm>> -> memref<8x128xf32, #tpu.memory_space<hbm>>
      %dma_start3A_358 = arith.constant 24 : i32
      %dma_start3A_359 = arith.constant 0 : i32
      %dma_start3A_360 = tpu.memref_slice %arg12[%dma_start3A_358, %dma_start3A_359] : memref<32x129xf32, #tpu.memory_space<vmem>> -> memref<8x128xf32, #tpu.memory_space<vmem>>
      tpu.enqueue_dma source(%dma_start3A_360 : memref<8x128xf32, #tpu.memory_space<vmem>>) target(%dma_start3A_357 : memref<8x128xf32, #tpu.memory_space<hbm>>) target_semaphore(%arg16 : memref<!tpu.dma_semaphore, #tpu.memory_space<semaphore_mem>>)
      %mul3A_361 = arith.constant 4 : i32
      %mul3A_362 = arith.muli %mul3A_361, %add3A : i32
      %dma_wait3A_363 = arith.constant 0 : i32
      %dma_wait3A_364 = arith.constant 0 : i32
      %dma_wait3A_365 = arith.constant 0 : i32
      %dma_wait3A_366 = tpu.memref_slice %arg11[%dma_wait3A_364, %dma_wait3A_365] : memref<32x129xf32, #tpu.memory_space<vmem>> -> memref<8x128xf32, #tpu.memory_space<vmem>>
      %dma_wait3A_367 = arith.constant 0 : i32
      %dma_wait3A_368 = arith.constant 0 : i32
      %dma_wait3A_369 = tpu.memref_slice %arg5[%add3A_184, %dma_wait3A_363, %mul3A_362, %dma_wait3A_367, %dma_wait3A_368] : memref<50x4x128x8x128xf32, #tpu.memory_space<hbm>> -> memref<1x1x1x8x128xf32, #tpu.memory_space<hbm>>
      %dma_wait3A_370 = tpu.memref_squeeze %dma_wait3A_369 : memref<1x1x1x8x128xf32, #tpu.memory_space<hbm>> -> memref<8x128xf32, #tpu.memory_space<hbm>>
      %dma_wait3A_371 = arith.constant 0 : i32
      %dma_wait3A_372 = arith.constant 0 : i32
      %dma_wait3A_373 = tpu.memref_slice %arg5[%add3A_184, %dma_wait3A_363, %mul3A_362, %dma_wait3A_371, %dma_wait3A_372] : memref<50x4x128x8x128xf32, #tpu.memory_space<hbm>> -> memref<1x1x1x8x128xf32, #tpu.memory_space<hbm>>
      %dma_wait3A_374 = tpu.memref_squeeze %dma_wait3A_373 : memref<1x1x1x8x128xf32, #tpu.memory_space<hbm>> -> memref<8x128xf32, #tpu.memory_space<hbm>>
      %dma_wait3A_375 = arith.constant 0 : i32
      %dma_wait3A_376 = arith.constant 0 : i32
      %dma_wait3A_377 = tpu.memref_slice %arg11[%dma_wait3A_375, %dma_wait3A_376] : memref<32x129xf32, #tpu.memory_space<vmem>> -> memref<8x128xf32, #tpu.memory_space<vmem>>
      tpu.wait_dma2 semaphore(%arg15 : memref<!tpu.dma_semaphore, #tpu.memory_space<semaphore_mem>>) src(%dma_wait3A_377 : memref<8x128xf32, #tpu.memory_space<vmem>>) dst(%dma_wait3A_374 : memref<8x128xf32, #tpu.memory_space<hbm>>)
      %mul3A_378 = arith.constant 4 : i32
      %mul3A_379 = arith.muli %mul3A_378, %add3A : i32
      %dma_wait3A_380 = arith.constant 1 : i32
      %dma_wait3A_381 = arith.constant 8 : i32
      %dma_wait3A_382 = arith.constant 0 : i32
      %dma_wait3A_383 = tpu.memref_slice %arg11[%dma_wait3A_381, %dma_wait3A_382] : memref<32x129xf32, #tpu.memory_space<vmem>> -> memref<8x128xf32, #tpu.memory_space<vmem>>
      %dma_wait3A_384 = arith.constant 0 : i32
      %dma_wait3A_385 = arith.constant 0 : i32
      %dma_wait3A_386 = tpu.memref_slice %arg5[%add3A_184, %dma_wait3A_380, %mul3A_379, %dma_wait3A_384, %dma_wait3A_385] : memref<50x4x128x8x128xf32, #tpu.memory_space<hbm>> -> memref<1x1x1x8x128xf32, #tpu.memory_space<hbm>>
      %dma_wait3A_387 = tpu.memref_squeeze %dma_wait3A_386 : memref<1x1x1x8x128xf32, #tpu.memory_space<hbm>> -> memref<8x128xf32, #tpu.memory_space<hbm>>
      %dma_wait3A_388 = arith.constant 0 : i32
      %dma_wait3A_389 = arith.constant 0 : i32
      %dma_wait3A_390 = tpu.memref_slice %arg5[%add3A_184, %dma_wait3A_380, %mul3A_379, %dma_wait3A_388, %dma_wait3A_389] : memref<50x4x128x8x128xf32, #tpu.memory_space<hbm>> -> memref<1x1x1x8x128xf32, #tpu.memory_space<hbm>>
      %dma_wait3A_391 = tpu.memref_squeeze %dma_wait3A_390 : memref<1x1x1x8x128xf32, #tpu.memory_space<hbm>> -> memref<8x128xf32, #tpu.memory_space<hbm>>
      %dma_wait3A_392 = arith.constant 8 : i32
      %dma_wait3A_393 = arith.constant 0 : i32
      %dma_wait3A_394 = tpu.memref_slice %arg11[%dma_wait3A_392, %dma_wait3A_393] : memref<32x129xf32, #tpu.memory_space<vmem>> -> memref<8x128xf32, #tpu.memory_space<vmem>>
      tpu.wait_dma2 semaphore(%arg15 : memref<!tpu.dma_semaphore, #tpu.memory_space<semaphore_mem>>) src(%dma_wait3A_394 : memref<8x128xf32, #tpu.memory_space<vmem>>) dst(%dma_wait3A_391 : memref<8x128xf32, #tpu.memory_space<hbm>>)
      %mul3A_395 = arith.constant 4 : i32
      %mul3A_396 = arith.muli %mul3A_395, %add3A : i32
      %dma_wait3A_397 = arith.constant 2 : i32
      %dma_wait3A_398 = arith.constant 16 : i32
      %dma_wait3A_399 = arith.constant 0 : i32
      %dma_wait3A_400 = tpu.memref_slice %arg11[%dma_wait3A_398, %dma_wait3A_399] : memref<32x129xf32, #tpu.memory_space<vmem>> -> memref<8x128xf32, #tpu.memory_space<vmem>>
      %dma_wait3A_401 = arith.constant 0 : i32
      %dma_wait3A_402 = arith.constant 0 : i32
      %dma_wait3A_403 = tpu.memref_slice %arg5[%add3A_184, %dma_wait3A_397, %mul3A_396, %dma_wait3A_401, %dma_wait3A_402] : memref<50x4x128x8x128xf32, #tpu.memory_space<hbm>> -> memref<1x1x1x8x128xf32, #tpu.memory_space<hbm>>
      %dma_wait3A_404 = tpu.memref_squeeze %dma_wait3A_403 : memref<1x1x1x8x128xf32, #tpu.memory_space<hbm>> -> memref<8x128xf32, #tpu.memory_space<hbm>>
      %dma_wait3A_405 = arith.constant 0 : i32
      %dma_wait3A_406 = arith.constant 0 : i32
      %dma_wait3A_407 = tpu.memref_slice %arg5[%add3A_184, %dma_wait3A_397, %mul3A_396, %dma_wait3A_405, %dma_wait3A_406] : memref<50x4x128x8x128xf32, #tpu.memory_space<hbm>> -> memref<1x1x1x8x128xf32, #tpu.memory_space<hbm>>
      %dma_wait3A_408 = tpu.memref_squeeze %dma_wait3A_407 : memref<1x1x1x8x128xf32, #tpu.memory_space<hbm>> -> memref<8x128xf32, #tpu.memory_space<hbm>>
      %dma_wait3A_409 = arith.constant 16 : i32
      %dma_wait3A_410 = arith.constant 0 : i32
      %dma_wait3A_411 = tpu.memref_slice %arg11[%dma_wait3A_409, %dma_wait3A_410] : memref<32x129xf32, #tpu.memory_space<vmem>> -> memref<8x128xf32, #tpu.memory_space<vmem>>
      tpu.wait_dma2 semaphore(%arg15 : memref<!tpu.dma_semaphore, #tpu.memory_space<semaphore_mem>>) src(%dma_wait3A_411 : memref<8x128xf32, #tpu.memory_space<vmem>>) dst(%dma_wait3A_408 : memref<8x128xf32, #tpu.memory_space<hbm>>)
      %mul3A_412 = arith.constant 4 : i32
      %mul3A_413 = arith.muli %mul3A_412, %add3A : i32
      %dma_wait3A_414 = arith.constant 3 : i32
      %dma_wait3A_415 = arith.constant 24 : i32
      %dma_wait3A_416 = arith.constant 0 : i32
      %dma_wait3A_417 = tpu.memref_slice %arg11[%dma_wait3A_415, %dma_wait3A_416] : memref<32x129xf32, #tpu.memory_space<vmem>> -> memref<8x128xf32, #tpu.memory_space<vmem>>
      %dma_wait3A_418 = arith.constant 0 : i32
      %dma_wait3A_419 = arith.constant 0 : i32
      %dma_wait3A_420 = tpu.memref_slice %arg5[%add3A_184, %dma_wait3A_414, %mul3A_413, %dma_wait3A_418, %dma_wait3A_419] : memref<50x4x128x8x128xf32, #tpu.memory_space<hbm>> -> memref<1x1x1x8x128xf32, #tpu.memory_space<hbm>>
      %dma_wait3A_421 = tpu.memref_squeeze %dma_wait3A_420 : memref<1x1x1x8x128xf32, #tpu.memory_space<hbm>> -> memref<8x128xf32, #tpu.memory_space<hbm>>
      %dma_wait3A_422 = arith.constant 0 : i32
      %dma_wait3A_423 = arith.constant 0 : i32
      %dma_wait3A_424 = tpu.memref_slice %arg5[%add3A_184, %dma_wait3A_414, %mul3A_413, %dma_wait3A_422, %dma_wait3A_423] : memref<50x4x128x8x128xf32, #tpu.memory_space<hbm>> -> memref<1x1x1x8x128xf32, #tpu.memory_space<hbm>>
      %dma_wait3A_425 = tpu.memref_squeeze %dma_wait3A_424 : memref<1x1x1x8x128xf32, #tpu.memory_space<hbm>> -> memref<8x128xf32, #tpu.memory_space<hbm>>
      %dma_wait3A_426 = arith.constant 24 : i32
      %dma_wait3A_427 = arith.constant 0 : i32
      %dma_wait3A_428 = tpu.memref_slice %arg11[%dma_wait3A_426, %dma_wait3A_427] : memref<32x129xf32, #tpu.memory_space<vmem>> -> memref<8x128xf32, #tpu.memory_space<vmem>>
      tpu.wait_dma2 semaphore(%arg15 : memref<!tpu.dma_semaphore, #tpu.memory_space<semaphore_mem>>) src(%dma_wait3A_428 : memref<8x128xf32, #tpu.memory_space<vmem>>) dst(%dma_wait3A_425 : memref<8x128xf32, #tpu.memory_space<hbm>>)
      %parallel_loop3A_429 = arith.constant 0 : i32
      %parallel_loop3A_430 = arith.constant 128 : i32
      %parallel_loop3A_431 = arith.constant 1 : i32
      scf.for %parallel_loop3A_1146 = %parallel_loop3A_429 to %parallel_loop3A_430 step %parallel_loop3A_431  : i32 {
        %parallel_loop3A_1147 = arith.constant 256 : i32
        %parallel_loop3A_1148 = arith.addi %parallel_loop3A_1147, %parallel_loop3A_1146 : i32
        %parallel_loop3A_1149 = arith.constant 0 : i32
        %parallel_loop3A_1150 = vector.broadcast %parallel_loop3A_1149 : i32 to vector<16xi32>
        %parallel_loop3A_1151 = vector.broadcast %parallel_loop3A_1146 : i32 to vector<16xi32>
        %parallel_loop3A_1152 = arith.addi %parallel_loop3A_1150, %parallel_loop3A_1151 : vector<16xi32>
        %parallel_loop3A_1153 = arith.index_cast %parallel_loop3A_1148 : i32 to index
        %parallel_loop3A_1154 = arith.constant 0 : index
        %parallel_loop3A_1155 = tpu.vector_load %arg7[%parallel_loop3A_1153, %parallel_loop3A_1154] {strides = array<i32>} : memref<512x32xf32, #tpu.memory_space<vmem>>, vector<16xf32>,
        %parallel_loop3A_1156 = arith.index_cast %parallel_loop3A_1148 : i32 to index
        %parallel_loop3A_1157 = arith.constant 0 : index
        %parallel_loop3A_1158 = tpu.vector_load %arg8[%parallel_loop3A_1156, %parallel_loop3A_1157] {strides = array<i32>} : memref<512x32xf32, #tpu.memory_space<vmem>>, vector<16xf32>,
        %parallel_loop3A_1159 = arith.addf %parallel_loop3A_1155, %parallel_loop3A_1158 : vector<16xf32>
        tpu.vector_store_idx %arg11[%iota3A, %parallel_loop3A_1152], %parallel_loop3A_1159 : memref<32x129xf32, #tpu.memory_space<vmem>>[vector<16xi32>, vector<16xi32>], vector<16xf32>,
        %parallel_loop3A_1160 = arith.index_cast %parallel_loop3A_1148 : i32 to index
        %parallel_loop3A_1161 = arith.constant 16 : index
        %parallel_loop3A_1162 = tpu.vector_load %arg7[%parallel_loop3A_1160, %parallel_loop3A_1161] {strides = array<i32>} : memref<512x32xf32, #tpu.memory_space<vmem>>, vector<16xf32>,
        %parallel_loop3A_1163 = arith.index_cast %parallel_loop3A_1148 : i32 to index
        %parallel_loop3A_1164 = arith.constant 16 : index
        %parallel_loop3A_1165 = tpu.vector_load %arg8[%parallel_loop3A_1163, %parallel_loop3A_1164] {strides = array<i32>} : memref<512x32xf32, #tpu.memory_space<vmem>>, vector<16xf32>,
        %parallel_loop3A_1166 = arith.addf %parallel_loop3A_1162, %parallel_loop3A_1165 : vector<16xf32>
        tpu.vector_store_idx %arg11[%add3A_5, %parallel_loop3A_1152], %parallel_loop3A_1166 : memref<32x129xf32, #tpu.memory_space<vmem>>[vector<16xi32>, vector<16xi32>], vector<16xf32>,
      } {sc.loop_unroll_factor = 4 : i64, sc.parallel_access}
      %mul3A_432 = arith.constant 4 : i32
      %mul3A_433 = arith.muli %mul3A_432, %add3A : i32
      %add3A_434 = arith.constant 2 : i32
      %add3A_435 = arith.addi %mul3A_433, %add3A_434 : i32
      %dma_start3A_436 = arith.constant 0 : i32
      %dma_start3A_437 = arith.constant 0 : i32
      %dma_start3A_438 = arith.constant 0 : i32
      %dma_start3A_439 = tpu.memref_slice %arg11[%dma_start3A_437, %dma_start3A_438] : memref<32x129xf32, #tpu.memory_space<vmem>> -> memref<8x128xf32, #tpu.memory_space<vmem>>
      %dma_start3A_440 = arith.constant 0 : i32
      %dma_start3A_441 = arith.constant 0 : i32
      %dma_start3A_442 = tpu.memref_slice %arg5[%add3A_184, %dma_start3A_436, %add3A_435, %dma_start3A_440, %dma_start3A_441] : memref<50x4x128x8x128xf32, #tpu.memory_space<hbm>> -> memref<1x1x1x8x128xf32, #tpu.memory_space<hbm>>
      %dma_start3A_443 = tpu.memref_squeeze %dma_start3A_442 : memref<1x1x1x8x128xf32, #tpu.memory_space<hbm>> -> memref<8x128xf32, #tpu.memory_space<hbm>>
      %dma_start3A_444 = arith.constant 0 : i32
      %dma_start3A_445 = arith.constant 0 : i32
      %dma_start3A_446 = tpu.memref_slice %arg5[%add3A_184, %dma_start3A_436, %add3A_435, %dma_start3A_444, %dma_start3A_445] : memref<50x4x128x8x128xf32, #tpu.memory_space<hbm>> -> memref<1x1x1x8x128xf32, #tpu.memory_space<hbm>>
      %dma_start3A_447 = tpu.memref_squeeze %dma_start3A_446 : memref<1x1x1x8x128xf32, #tpu.memory_space<hbm>> -> memref<8x128xf32, #tpu.memory_space<hbm>>
      %dma_start3A_448 = arith.constant 0 : i32
      %dma_start3A_449 = arith.constant 0 : i32
      %dma_start3A_450 = tpu.memref_slice %arg11[%dma_start3A_448, %dma_start3A_449] : memref<32x129xf32, #tpu.memory_space<vmem>> -> memref<8x128xf32, #tpu.memory_space<vmem>>
      tpu.enqueue_dma source(%dma_start3A_450 : memref<8x128xf32, #tpu.memory_space<vmem>>) target(%dma_start3A_447 : memref<8x128xf32, #tpu.memory_space<hbm>>) target_semaphore(%arg15 : memref<!tpu.dma_semaphore, #tpu.memory_space<semaphore_mem>>)
      %mul3A_451 = arith.constant 4 : i32
      %mul3A_452 = arith.muli %mul3A_451, %add3A : i32
      %add3A_453 = arith.constant 2 : i32
      %add3A_454 = arith.addi %mul3A_452, %add3A_453 : i32
      %dma_start3A_455 = arith.constant 1 : i32
      %dma_start3A_456 = arith.constant 8 : i32
      %dma_start3A_457 = arith.constant 0 : i32
      %dma_start3A_458 = tpu.memref_slice %arg11[%dma_start3A_456, %dma_start3A_457] : memref<32x129xf32, #tpu.memory_space<vmem>> -> memref<8x128xf32, #tpu.memory_space<vmem>>
      %dma_start3A_459 = arith.constant 0 : i32
      %dma_start3A_460 = arith.constant 0 : i32
      %dma_start3A_461 = tpu.memref_slice %arg5[%add3A_184, %dma_start3A_455, %add3A_454, %dma_start3A_459, %dma_start3A_460] : memref<50x4x128x8x128xf32, #tpu.memory_space<hbm>> -> memref<1x1x1x8x128xf32, #tpu.memory_space<hbm>>
      %dma_start3A_462 = tpu.memref_squeeze %dma_start3A_461 : memref<1x1x1x8x128xf32, #tpu.memory_space<hbm>> -> memref<8x128xf32, #tpu.memory_space<hbm>>
      %dma_start3A_463 = arith.constant 0 : i32
      %dma_start3A_464 = arith.constant 0 : i32
      %dma_start3A_465 = tpu.memref_slice %arg5[%add3A_184, %dma_start3A_455, %add3A_454, %dma_start3A_463, %dma_start3A_464] : memref<50x4x128x8x128xf32, #tpu.memory_space<hbm>> -> memref<1x1x1x8x128xf32, #tpu.memory_space<hbm>>
      %dma_start3A_466 = tpu.memref_squeeze %dma_start3A_465 : memref<1x1x1x8x128xf32, #tpu.memory_space<hbm>> -> memref<8x128xf32, #tpu.memory_space<hbm>>
      %dma_start3A_467 = arith.constant 8 : i32
      %dma_start3A_468 = arith.constant 0 : i32
      %dma_start3A_469 = tpu.memref_slice %arg11[%dma_start3A_467, %dma_start3A_468] : memref<32x129xf32, #tpu.memory_space<vmem>> -> memref<8x128xf32, #tpu.memory_space<vmem>>
      tpu.enqueue_dma source(%dma_start3A_469 : memref<8x128xf32, #tpu.memory_space<vmem>>) target(%dma_start3A_466 : memref<8x128xf32, #tpu.memory_space<hbm>>) target_semaphore(%arg15 : memref<!tpu.dma_semaphore, #tpu.memory_space<semaphore_mem>>)
      %mul3A_470 = arith.constant 4 : i32
      %mul3A_471 = arith.muli %mul3A_470, %add3A : i32
      %add3A_472 = arith.constant 2 : i32
      %add3A_473 = arith.addi %mul3A_471, %add3A_472 : i32
      %dma_start3A_474 = arith.constant 2 : i32
      %dma_start3A_475 = arith.constant 16 : i32
      %dma_start3A_476 = arith.constant 0 : i32
      %dma_start3A_477 = tpu.memref_slice %arg11[%dma_start3A_475, %dma_start3A_476] : memref<32x129xf32, #tpu.memory_space<vmem>> -> memref<8x128xf32, #tpu.memory_space<vmem>>
      %dma_start3A_478 = arith.constant 0 : i32
      %dma_start3A_479 = arith.constant 0 : i32
      %dma_start3A_480 = tpu.memref_slice %arg5[%add3A_184, %dma_start3A_474, %add3A_473, %dma_start3A_478, %dma_start3A_479] : memref<50x4x128x8x128xf32, #tpu.memory_space<hbm>> -> memref<1x1x1x8x128xf32, #tpu.memory_space<hbm>>
      %dma_start3A_481 = tpu.memref_squeeze %dma_start3A_480 : memref<1x1x1x8x128xf32, #tpu.memory_space<hbm>> -> memref<8x128xf32, #tpu.memory_space<hbm>>
      %dma_start3A_482 = arith.constant 0 : i32
      %dma_start3A_483 = arith.constant 0 : i32
      %dma_start3A_484 = tpu.memref_slice %arg5[%add3A_184, %dma_start3A_474, %add3A_473, %dma_start3A_482, %dma_start3A_483] : memref<50x4x128x8x128xf32, #tpu.memory_space<hbm>> -> memref<1x1x1x8x128xf32, #tpu.memory_space<hbm>>
      %dma_start3A_485 = tpu.memref_squeeze %dma_start3A_484 : memref<1x1x1x8x128xf32, #tpu.memory_space<hbm>> -> memref<8x128xf32, #tpu.memory_space<hbm>>
      %dma_start3A_486 = arith.constant 16 : i32
      %dma_start3A_487 = arith.constant 0 : i32
      %dma_start3A_488 = tpu.memref_slice %arg11[%dma_start3A_486, %dma_start3A_487] : memref<32x129xf32, #tpu.memory_space<vmem>> -> memref<8x128xf32, #tpu.memory_space<vmem>>
      tpu.enqueue_dma source(%dma_start3A_488 : memref<8x128xf32, #tpu.memory_space<vmem>>) target(%dma_start3A_485 : memref<8x128xf32, #tpu.memory_space<hbm>>) target_semaphore(%arg15 : memref<!tpu.dma_semaphore, #tpu.memory_space<semaphore_mem>>)
      %mul3A_489 = arith.constant 4 : i32
      %mul3A_490 = arith.muli %mul3A_489, %add3A : i32
      %add3A_491 = arith.constant 2 : i32
      %add3A_492 = arith.addi %mul3A_490, %add3A_491 : i32
      %dma_start3A_493 = arith.constant 3 : i32
      %dma_start3A_494 = arith.constant 24 : i32
      %dma_start3A_495 = arith.constant 0 : i32
      %dma_start3A_496 = tpu.memref_slice %arg11[%dma_start3A_494, %dma_start3A_495] : memref<32x129xf32, #tpu.memory_space<vmem>> -> memref<8x128xf32, #tpu.memory_space<vmem>>
      %dma_start3A_497 = arith.constant 0 : i32
      %dma_start3A_498 = arith.constant 0 : i32
      %dma_start3A_499 = tpu.memref_slice %arg5[%add3A_184, %dma_start3A_493, %add3A_492, %dma_start3A_497, %dma_start3A_498] : memref<50x4x128x8x128xf32, #tpu.memory_space<hbm>> -> memref<1x1x1x8x128xf32, #tpu.memory_space<hbm>>
      %dma_start3A_500 = tpu.memref_squeeze %dma_start3A_499 : memref<1x1x1x8x128xf32, #tpu.memory_space<hbm>> -> memref<8x128xf32, #tpu.memory_space<hbm>>
      %dma_start3A_501 = arith.constant 0 : i32
      %dma_start3A_502 = arith.constant 0 : i32
      %dma_start3A_503 = tpu.memref_slice %arg5[%add3A_184, %dma_start3A_493, %add3A_492, %dma_start3A_501, %dma_start3A_502] : memref<50x4x128x8x128xf32, #tpu.memory_space<hbm>> -> memref<1x1x1x8x128xf32, #tpu.memory_space<hbm>>
      %dma_start3A_504 = tpu.memref_squeeze %dma_start3A_503 : memref<1x1x1x8x128xf32, #tpu.memory_space<hbm>> -> memref<8x128xf32, #tpu.memory_space<hbm>>
      %dma_start3A_505 = arith.constant 24 : i32
      %dma_start3A_506 = arith.constant 0 : i32
      %dma_start3A_507 = tpu.memref_slice %arg11[%dma_start3A_505, %dma_start3A_506] : memref<32x129xf32, #tpu.memory_space<vmem>> -> memref<8x128xf32, #tpu.memory_space<vmem>>
      tpu.enqueue_dma source(%dma_start3A_507 : memref<8x128xf32, #tpu.memory_space<vmem>>) target(%dma_start3A_504 : memref<8x128xf32, #tpu.memory_space<hbm>>) target_semaphore(%arg15 : memref<!tpu.dma_semaphore, #tpu.memory_space<semaphore_mem>>)
      %mul3A_508 = arith.constant 4 : i32
      %mul3A_509 = arith.muli %mul3A_508, %add3A : i32
      %dma_wait3A_510 = arith.constant 0 : i32
      %dma_wait3A_511 = arith.constant 0 : i32
      %dma_wait3A_512 = arith.constant 0 : i32
      %dma_wait3A_513 = tpu.memref_slice %arg12[%dma_wait3A_511, %dma_wait3A_512] : memref<32x129xf32, #tpu.memory_space<vmem>> -> memref<8x128xf32, #tpu.memory_space<vmem>>
      %dma_wait3A_514 = arith.constant 0 : i32
      %dma_wait3A_515 = arith.constant 0 : i32
      %dma_wait3A_516 = tpu.memref_slice %arg5[%add3A_184, %dma_wait3A_510, %mul3A_509, %dma_wait3A_514, %dma_wait3A_515] : memref<50x4x128x8x128xf32, #tpu.memory_space<hbm>> -> memref<1x1x1x8x128xf32, #tpu.memory_space<hbm>>
      %dma_wait3A_517 = tpu.memref_squeeze %dma_wait3A_516 : memref<1x1x1x8x128xf32, #tpu.memory_space<hbm>> -> memref<8x128xf32, #tpu.memory_space<hbm>>
      %dma_wait3A_518 = arith.constant 0 : i32
      %dma_wait3A_519 = arith.constant 0 : i32
      %dma_wait3A_520 = tpu.memref_slice %arg5[%add3A_184, %dma_wait3A_510, %mul3A_509, %dma_wait3A_518, %dma_wait3A_519] : memref<50x4x128x8x128xf32, #tpu.memory_space<hbm>> -> memref<1x1x1x8x128xf32, #tpu.memory_space<hbm>>
      %dma_wait3A_521 = tpu.memref_squeeze %dma_wait3A_520 : memref<1x1x1x8x128xf32, #tpu.memory_space<hbm>> -> memref<8x128xf32, #tpu.memory_space<hbm>>
      %dma_wait3A_522 = arith.constant 0 : i32
      %dma_wait3A_523 = arith.constant 0 : i32
      %dma_wait3A_524 = tpu.memref_slice %arg12[%dma_wait3A_522, %dma_wait3A_523] : memref<32x129xf32, #tpu.memory_space<vmem>> -> memref<8x128xf32, #tpu.memory_space<vmem>>
      tpu.wait_dma2 semaphore(%arg16 : memref<!tpu.dma_semaphore, #tpu.memory_space<semaphore_mem>>) src(%dma_wait3A_524 : memref<8x128xf32, #tpu.memory_space<vmem>>) dst(%dma_wait3A_521 : memref<8x128xf32, #tpu.memory_space<hbm>>)
      %mul3A_525 = arith.constant 4 : i32
      %mul3A_526 = arith.muli %mul3A_525, %add3A : i32
      %dma_wait3A_527 = arith.constant 1 : i32
      %dma_wait3A_528 = arith.constant 8 : i32
      %dma_wait3A_529 = arith.constant 0 : i32
      %dma_wait3A_530 = tpu.memref_slice %arg12[%dma_wait3A_528, %dma_wait3A_529] : memref<32x129xf32, #tpu.memory_space<vmem>> -> memref<8x128xf32, #tpu.memory_space<vmem>>
      %dma_wait3A_531 = arith.constant 0 : i32
      %dma_wait3A_532 = arith.constant 0 : i32
      %dma_wait3A_533 = tpu.memref_slice %arg5[%add3A_184, %dma_wait3A_527, %mul3A_526, %dma_wait3A_531, %dma_wait3A_532] : memref<50x4x128x8x128xf32, #tpu.memory_space<hbm>> -> memref<1x1x1x8x128xf32, #tpu.memory_space<hbm>>
      %dma_wait3A_534 = tpu.memref_squeeze %dma_wait3A_533 : memref<1x1x1x8x128xf32, #tpu.memory_space<hbm>> -> memref<8x128xf32, #tpu.memory_space<hbm>>
      %dma_wait3A_535 = arith.constant 0 : i32
      %dma_wait3A_536 = arith.constant 0 : i32
      %dma_wait3A_537 = tpu.memref_slice %arg5[%add3A_184, %dma_wait3A_527, %mul3A_526, %dma_wait3A_535, %dma_wait3A_536] : memref<50x4x128x8x128xf32, #tpu.memory_space<hbm>> -> memref<1x1x1x8x128xf32, #tpu.memory_space<hbm>>
      %dma_wait3A_538 = tpu.memref_squeeze %dma_wait3A_537 : memref<1x1x1x8x128xf32, #tpu.memory_space<hbm>> -> memref<8x128xf32, #tpu.memory_space<hbm>>
      %dma_wait3A_539 = arith.constant 8 : i32
      %dma_wait3A_540 = arith.constant 0 : i32
      %dma_wait3A_541 = tpu.memref_slice %arg12[%dma_wait3A_539, %dma_wait3A_540] : memref<32x129xf32, #tpu.memory_space<vmem>> -> memref<8x128xf32, #tpu.memory_space<vmem>>
      tpu.wait_dma2 semaphore(%arg16 : memref<!tpu.dma_semaphore, #tpu.memory_space<semaphore_mem>>) src(%dma_wait3A_541 : memref<8x128xf32, #tpu.memory_space<vmem>>) dst(%dma_wait3A_538 : memref<8x128xf32, #tpu.memory_space<hbm>>)
      %mul3A_542 = arith.constant 4 : i32
      %mul3A_543 = arith.muli %mul3A_542, %add3A : i32
      %dma_wait3A_544 = arith.constant 2 : i32
      %dma_wait3A_545 = arith.constant 16 : i32
      %dma_wait3A_546 = arith.constant 0 : i32
      %dma_wait3A_547 = tpu.memref_slice %arg12[%dma_wait3A_545, %dma_wait3A_546] : memref<32x129xf32, #tpu.memory_space<vmem>> -> memref<8x128xf32, #tpu.memory_space<vmem>>
      %dma_wait3A_548 = arith.constant 0 : i32
      %dma_wait3A_549 = arith.constant 0 : i32
      %dma_wait3A_550 = tpu.memref_slice %arg5[%add3A_184, %dma_wait3A_544, %mul3A_543, %dma_wait3A_548, %dma_wait3A_549] : memref<50x4x128x8x128xf32, #tpu.memory_space<hbm>> -> memref<1x1x1x8x128xf32, #tpu.memory_space<hbm>>
      %dma_wait3A_551 = tpu.memref_squeeze %dma_wait3A_550 : memref<1x1x1x8x128xf32, #tpu.memory_space<hbm>> -> memref<8x128xf32, #tpu.memory_space<hbm>>
      %dma_wait3A_552 = arith.constant 0 : i32
      %dma_wait3A_553 = arith.constant 0 : i32
      %dma_wait3A_554 = tpu.memref_slice %arg5[%add3A_184, %dma_wait3A_544, %mul3A_543, %dma_wait3A_552, %dma_wait3A_553] : memref<50x4x128x8x128xf32, #tpu.memory_space<hbm>> -> memref<1x1x1x8x128xf32, #tpu.memory_space<hbm>>
      %dma_wait3A_555 = tpu.memref_squeeze %dma_wait3A_554 : memref<1x1x1x8x128xf32, #tpu.memory_space<hbm>> -> memref<8x128xf32, #tpu.memory_space<hbm>>
      %dma_wait3A_556 = arith.constant 16 : i32
      %dma_wait3A_557 = arith.constant 0 : i32
      %dma_wait3A_558 = tpu.memref_slice %arg12[%dma_wait3A_556, %dma_wait3A_557] : memref<32x129xf32, #tpu.memory_space<vmem>> -> memref<8x128xf32, #tpu.memory_space<vmem>>
      tpu.wait_dma2 semaphore(%arg16 : memref<!tpu.dma_semaphore, #tpu.memory_space<semaphore_mem>>) src(%dma_wait3A_558 : memref<8x128xf32, #tpu.memory_space<vmem>>) dst(%dma_wait3A_555 : memref<8x128xf32, #tpu.memory_space<hbm>>)
      %mul3A_559 = arith.constant 4 : i32
      %mul3A_560 = arith.muli %mul3A_559, %add3A : i32
      %dma_wait3A_561 = arith.constant 3 : i32
      %dma_wait3A_562 = arith.constant 24 : i32
      %dma_wait3A_563 = arith.constant 0 : i32
      %dma_wait3A_564 = tpu.memref_slice %arg12[%dma_wait3A_562, %dma_wait3A_563] : memref<32x129xf32, #tpu.memory_space<vmem>> -> memref<8x128xf32, #tpu.memory_space<vmem>>
      %dma_wait3A_565 = arith.constant 0 : i32
      %dma_wait3A_566 = arith.constant 0 : i32
      %dma_wait3A_567 = tpu.memref_slice %arg5[%add3A_184, %dma_wait3A_561, %mul3A_560, %dma_wait3A_565, %dma_wait3A_566] : memref<50x4x128x8x128xf32, #tpu.memory_space<hbm>> -> memref<1x1x1x8x128xf32, #tpu.memory_space<hbm>>
      %dma_wait3A_568 = tpu.memref_squeeze %dma_wait3A_567 : memref<1x1x1x8x128xf32, #tpu.memory_space<hbm>> -> memref<8x128xf32, #tpu.memory_space<hbm>>
      %dma_wait3A_569 = arith.constant 0 : i32
      %dma_wait3A_570 = arith.constant 0 : i32
      %dma_wait3A_571 = tpu.memref_slice %arg5[%add3A_184, %dma_wait3A_561, %mul3A_560, %dma_wait3A_569, %dma_wait3A_570] : memref<50x4x128x8x128xf32, #tpu.memory_space<hbm>> -> memref<1x1x1x8x128xf32, #tpu.memory_space<hbm>>
      %dma_wait3A_572 = tpu.memref_squeeze %dma_wait3A_571 : memref<1x1x1x8x128xf32, #tpu.memory_space<hbm>> -> memref<8x128xf32, #tpu.memory_space<hbm>>
      %dma_wait3A_573 = arith.constant 24 : i32
      %dma_wait3A_574 = arith.constant 0 : i32
      %dma_wait3A_575 = tpu.memref_slice %arg12[%dma_wait3A_573, %dma_wait3A_574] : memref<32x129xf32, #tpu.memory_space<vmem>> -> memref<8x128xf32, #tpu.memory_space<vmem>>
      tpu.wait_dma2 semaphore(%arg16 : memref<!tpu.dma_semaphore, #tpu.memory_space<semaphore_mem>>) src(%dma_wait3A_575 : memref<8x128xf32, #tpu.memory_space<vmem>>) dst(%dma_wait3A_572 : memref<8x128xf32, #tpu.memory_space<hbm>>)
      %parallel_loop3A_576 = arith.constant 0 : i32
      %parallel_loop3A_577 = arith.constant 128 : i32
      %parallel_loop3A_578 = arith.constant 1 : i32
      scf.for %parallel_loop3A_1146 = %parallel_loop3A_576 to %parallel_loop3A_577 step %parallel_loop3A_578  : i32 {
        %parallel_loop3A_1147 = arith.constant 384 : i32
        %parallel_loop3A_1148 = arith.addi %parallel_loop3A_1147, %parallel_loop3A_1146 : i32
        %parallel_loop3A_1149 = arith.constant 0 : i32
        %parallel_loop3A_1150 = vector.broadcast %parallel_loop3A_1149 : i32 to vector<16xi32>
        %parallel_loop3A_1151 = vector.broadcast %parallel_loop3A_1146 : i32 to vector<16xi32>
        %parallel_loop3A_1152 = arith.addi %parallel_loop3A_1150, %parallel_loop3A_1151 : vector<16xi32>
        %parallel_loop3A_1153 = arith.index_cast %parallel_loop3A_1148 : i32 to index
        %parallel_loop3A_1154 = arith.constant 0 : index
        %parallel_loop3A_1155 = tpu.vector_load %arg7[%parallel_loop3A_1153, %parallel_loop3A_1154] {strides = array<i32>} : memref<512x32xf32, #tpu.memory_space<vmem>>, vector<16xf32>,
        %parallel_loop3A_1156 = arith.index_cast %parallel_loop3A_1148 : i32 to index
        %parallel_loop3A_1157 = arith.constant 0 : index
        %parallel_loop3A_1158 = tpu.vector_load %arg8[%parallel_loop3A_1156, %parallel_loop3A_1157] {strides = array<i32>} : memref<512x32xf32, #tpu.memory_space<vmem>>, vector<16xf32>,
        %parallel_loop3A_1159 = arith.addf %parallel_loop3A_1155, %parallel_loop3A_1158 : vector<16xf32>
        tpu.vector_store_idx %arg12[%iota3A, %parallel_loop3A_1152], %parallel_loop3A_1159 : memref<32x129xf32, #tpu.memory_space<vmem>>[vector<16xi32>, vector<16xi32>], vector<16xf32>,
        %parallel_loop3A_1160 = arith.index_cast %parallel_loop3A_1148 : i32 to index
        %parallel_loop3A_1161 = arith.constant 16 : index
        %parallel_loop3A_1162 = tpu.vector_load %arg7[%parallel_loop3A_1160, %parallel_loop3A_1161] {strides = array<i32>} : memref<512x32xf32, #tpu.memory_space<vmem>>, vector<16xf32>,
        %parallel_loop3A_1163 = arith.index_cast %parallel_loop3A_1148 : i32 to index
        %parallel_loop3A_1164 = arith.constant 16 : index
        %parallel_loop3A_1165 = tpu.vector_load %arg8[%parallel_loop3A_1163, %parallel_loop3A_1164] {strides = array<i32>} : memref<512x32xf32, #tpu.memory_space<vmem>>, vector<16xf32>,
        %parallel_loop3A_1166 = arith.addf %parallel_loop3A_1162, %parallel_loop3A_1165 : vector<16xf32>
        tpu.vector_store_idx %arg12[%add3A_5, %parallel_loop3A_1152], %parallel_loop3A_1166 : memref<32x129xf32, #tpu.memory_space<vmem>>[vector<16xi32>, vector<16xi32>], vector<16xf32>,
      } {sc.loop_unroll_factor = 4 : i64, sc.parallel_access}
      %mul3A_579 = arith.constant 4 : i32
      %mul3A_580 = arith.muli %mul3A_579, %add3A : i32
      %add3A_581 = arith.constant 3 : i32
      %add3A_582 = arith.addi %mul3A_580, %add3A_581 : i32
      %dma_start3A_583 = arith.constant 0 : i32
      %dma_start3A_584 = arith.constant 0 : i32
      %dma_start3A_585 = arith.constant 0 : i32
      %dma_start3A_586 = tpu.memref_slice %arg12[%dma_start3A_584, %dma_start3A_585] : memref<32x129xf32, #tpu.memory_space<vmem>> -> memref<8x128xf32, #tpu.memory_space<vmem>>
      %dma_start3A_587 = arith.constant 0 : i32
      %dma_start3A_588 = arith.constant 0 : i32
      %dma_start3A_589 = tpu.memref_slice %arg5[%add3A_184, %dma_start3A_583, %add3A_582, %dma_start3A_587, %dma_start3A_588] : memref<50x4x128x8x128xf32, #tpu.memory_space<hbm>> -> memref<1x1x1x8x128xf32, #tpu.memory_space<hbm>>
      %dma_start3A_590 = tpu.memref_squeeze %dma_start3A_589 : memref<1x1x1x8x128xf32, #tpu.memory_space<hbm>> -> memref<8x128xf32, #tpu.memory_space<hbm>>
      %dma_start3A_591 = arith.constant 0 : i32
      %dma_start3A_592 = arith.constant 0 : i32
      %dma_start3A_593 = tpu.memref_slice %arg5[%add3A_184, %dma_start3A_583, %add3A_582, %dma_start3A_591, %dma_start3A_592] : memref<50x4x128x8x128xf32, #tpu.memory_space<hbm>> -> memref<1x1x1x8x128xf32, #tpu.memory_space<hbm>>
      %dma_start3A_594 = tpu.memref_squeeze %dma_start3A_593 : memref<1x1x1x8x128xf32, #tpu.memory_space<hbm>> -> memref<8x128xf32, #tpu.memory_space<hbm>>
      %dma_start3A_595 = arith.constant 0 : i32
      %dma_start3A_596 = arith.constant 0 : i32
      %dma_start3A_597 = tpu.memref_slice %arg12[%dma_start3A_595, %dma_start3A_596] : memref<32x129xf32, #tpu.memory_space<vmem>> -> memref<8x128xf32, #tpu.memory_space<vmem>>
      tpu.enqueue_dma source(%dma_start3A_597 : memref<8x128xf32, #tpu.memory_space<vmem>>) target(%dma_start3A_594 : memref<8x128xf32, #tpu.memory_space<hbm>>) target_semaphore(%arg16 : memref<!tpu.dma_semaphore, #tpu.memory_space<semaphore_mem>>)
      %mul3A_598 = arith.constant 4 : i32
      %mul3A_599 = arith.muli %mul3A_598, %add3A : i32
      %add3A_600 = arith.constant 3 : i32
      %add3A_601 = arith.addi %mul3A_599, %add3A_600 : i32
      %dma_start3A_602 = arith.constant 1 : i32
      %dma_start3A_603 = arith.constant 8 : i32
      %dma_start3A_604 = arith.constant 0 : i32
      %dma_start3A_605 = tpu.memref_slice %arg12[%dma_start3A_603, %dma_start3A_604] : memref<32x129xf32, #tpu.memory_space<vmem>> -> memref<8x128xf32, #tpu.memory_space<vmem>>
      %dma_start3A_606 = arith.constant 0 : i32
      %dma_start3A_607 = arith.constant 0 : i32
      %dma_start3A_608 = tpu.memref_slice %arg5[%add3A_184, %dma_start3A_602, %add3A_601, %dma_start3A_606, %dma_start3A_607] : memref<50x4x128x8x128xf32, #tpu.memory_space<hbm>> -> memref<1x1x1x8x128xf32, #tpu.memory_space<hbm>>
      %dma_start3A_609 = tpu.memref_squeeze %dma_start3A_608 : memref<1x1x1x8x128xf32, #tpu.memory_space<hbm>> -> memref<8x128xf32, #tpu.memory_space<hbm>>
      %dma_start3A_610 = arith.constant 0 : i32
      %dma_start3A_611 = arith.constant 0 : i32
      %dma_start3A_612 = tpu.memref_slice %arg5[%add3A_184, %dma_start3A_602, %add3A_601, %dma_start3A_610, %dma_start3A_611] : memref<50x4x128x8x128xf32, #tpu.memory_space<hbm>> -> memref<1x1x1x8x128xf32, #tpu.memory_space<hbm>>
      %dma_start3A_613 = tpu.memref_squeeze %dma_start3A_612 : memref<1x1x1x8x128xf32, #tpu.memory_space<hbm>> -> memref<8x128xf32, #tpu.memory_space<hbm>>
      %dma_start3A_614 = arith.constant 8 : i32
      %dma_start3A_615 = arith.constant 0 : i32
      %dma_start3A_616 = tpu.memref_slice %arg12[%dma_start3A_614, %dma_start3A_615] : memref<32x129xf32, #tpu.memory_space<vmem>> -> memref<8x128xf32, #tpu.memory_space<vmem>>
      tpu.enqueue_dma source(%dma_start3A_616 : memref<8x128xf32, #tpu.memory_space<vmem>>) target(%dma_start3A_613 : memref<8x128xf32, #tpu.memory_space<hbm>>) target_semaphore(%arg16 : memref<!tpu.dma_semaphore, #tpu.memory_space<semaphore_mem>>)
      %mul3A_617 = arith.constant 4 : i32
      %mul3A_618 = arith.muli %mul3A_617, %add3A : i32
      %add3A_619 = arith.constant 3 : i32
      %add3A_620 = arith.addi %mul3A_618, %add3A_619 : i32
      %dma_start3A_621 = arith.constant 2 : i32
      %dma_start3A_622 = arith.constant 16 : i32
      %dma_start3A_623 = arith.constant 0 : i32
      %dma_start3A_624 = tpu.memref_slice %arg12[%dma_start3A_622, %dma_start3A_623] : memref<32x129xf32, #tpu.memory_space<vmem>> -> memref<8x128xf32, #tpu.memory_space<vmem>>
      %dma_start3A_625 = arith.constant 0 : i32
      %dma_start3A_626 = arith.constant 0 : i32
      %dma_start3A_627 = tpu.memref_slice %arg5[%add3A_184, %dma_start3A_621, %add3A_620, %dma_start3A_625, %dma_start3A_626] : memref<50x4x128x8x128xf32, #tpu.memory_space<hbm>> -> memref<1x1x1x8x128xf32, #tpu.memory_space<hbm>>
      %dma_start3A_628 = tpu.memref_squeeze %dma_start3A_627 : memref<1x1x1x8x128xf32, #tpu.memory_space<hbm>> -> memref<8x128xf32, #tpu.memory_space<hbm>>
      %dma_start3A_629 = arith.constant 0 : i32
      %dma_start3A_630 = arith.constant 0 : i32
      %dma_start3A_631 = tpu.memref_slice %arg5[%add3A_184, %dma_start3A_621, %add3A_620, %dma_start3A_629, %dma_start3A_630] : memref<50x4x128x8x128xf32, #tpu.memory_space<hbm>> -> memref<1x1x1x8x128xf32, #tpu.memory_space<hbm>>
      %dma_start3A_632 = tpu.memref_squeeze %dma_start3A_631 : memref<1x1x1x8x128xf32, #tpu.memory_space<hbm>> -> memref<8x128xf32, #tpu.memory_space<hbm>>
      %dma_start3A_633 = arith.constant 16 : i32
      %dma_start3A_634 = arith.constant 0 : i32
      %dma_start3A_635 = tpu.memref_slice %arg12[%dma_start3A_633, %dma_start3A_634] : memref<32x129xf32, #tpu.memory_space<vmem>> -> memref<8x128xf32, #tpu.memory_space<vmem>>
      tpu.enqueue_dma source(%dma_start3A_635 : memref<8x128xf32, #tpu.memory_space<vmem>>) target(%dma_start3A_632 : memref<8x128xf32, #tpu.memory_space<hbm>>) target_semaphore(%arg16 : memref<!tpu.dma_semaphore, #tpu.memory_space<semaphore_mem>>)
      %mul3A_636 = arith.constant 4 : i32
      %mul3A_637 = arith.muli %mul3A_636, %add3A : i32
      %add3A_638 = arith.constant 3 : i32
      %add3A_639 = arith.addi %mul3A_637, %add3A_638 : i32
      %dma_start3A_640 = arith.constant 3 : i32
      %dma_start3A_641 = arith.constant 24 : i32
      %dma_start3A_642 = arith.constant 0 : i32
      %dma_start3A_643 = tpu.memref_slice %arg12[%dma_start3A_641, %dma_start3A_642] : memref<32x129xf32, #tpu.memory_space<vmem>> -> memref<8x128xf32, #tpu.memory_space<vmem>>
      %dma_start3A_644 = arith.constant 0 : i32
      %dma_start3A_645 = arith.constant 0 : i32
      %dma_start3A_646 = tpu.memref_slice %arg5[%add3A_184, %dma_start3A_640, %add3A_639, %dma_start3A_644, %dma_start3A_645] : memref<50x4x128x8x128xf32, #tpu.memory_space<hbm>> -> memref<1x1x1x8x128xf32, #tpu.memory_space<hbm>>
      %dma_start3A_647 = tpu.memref_squeeze %dma_start3A_646 : memref<1x1x1x8x128xf32, #tpu.memory_space<hbm>> -> memref<8x128xf32, #tpu.memory_space<hbm>>
      %dma_start3A_648 = arith.constant 0 : i32
      %dma_start3A_649 = arith.constant 0 : i32
      %dma_start3A_650 = tpu.memref_slice %arg5[%add3A_184, %dma_start3A_640, %add3A_639, %dma_start3A_648, %dma_start3A_649] : memref<50x4x128x8x128xf32, #tpu.memory_space<hbm>> -> memref<1x1x1x8x128xf32, #tpu.memory_space<hbm>>
      %dma_start3A_651 = tpu.memref_squeeze %dma_start3A_650 : memref<1x1x1x8x128xf32, #tpu.memory_space<hbm>> -> memref<8x128xf32, #tpu.memory_space<hbm>>
      %dma_start3A_652 = arith.constant 24 : i32
      %dma_start3A_653 = arith.constant 0 : i32
      %dma_start3A_654 = tpu.memref_slice %arg12[%dma_start3A_652, %dma_start3A_653] : memref<32x129xf32, #tpu.memory_space<vmem>> -> memref<8x128xf32, #tpu.memory_space<vmem>>
      tpu.enqueue_dma source(%dma_start3A_654 : memref<8x128xf32, #tpu.memory_space<vmem>>) target(%dma_start3A_651 : memref<8x128xf32, #tpu.memory_space<hbm>>) target_semaphore(%arg16 : memref<!tpu.dma_semaphore, #tpu.memory_space<semaphore_mem>>)
      %add3A_655 = arith.constant 2 : i32
      %add3A_656 = arith.addi %add3A_184, %add3A_655 : i32
      %lt3A = arith.constant 50 : i32
      %lt3A_657 = arith.cmpi slt, %add3A_656, %lt3A : i32
      %convert_element_type3A_658 = arith.extui %lt3A_657 : i1 to i32
      %cond3A_659 = arith.constant 0 : i32
      %cond3A_660 = arith.cmpi ne, %convert_element_type3A_658, %cond3A_659 : i32
      scf.if %cond3A_660 {
        %add3A_1146 = arith.constant 2 : i32
        %add3A_1147 = arith.addi %add3A_184, %add3A_1146 : i32
        %dma_start3A_1148 = arith.constant 0 : i32
        %dma_start3A_1149 = tpu.memref_slice %arg6[%add3A_1147, %dma_start3A_1148] : memref<50x512xi32, #tpu.memory_space<vmem>> -> memref<1x512xi32, #tpu.memory_space<vmem>>
        %dma_start3A_1150 = tpu.memref_squeeze %dma_start3A_1149 : memref<1x512xi32, #tpu.memory_space<vmem>> -> memref<512xi32, #tpu.memory_space<vmem>>
        %dma_start3A_1151 = arith.constant 0 : i32
        %dma_start3A_1152 = arith.constant 0 : i32
        %dma_start3A_1153 = tpu.memref_slice %arg3[%dma_start3A_1151, %dma_start3A_1152] : memref<1000000x32xf32, #tpu.memory_space<hbm>> -> memref<1000000x32xf32, #tpu.memory_space<hbm>>
        tpu.enqueue_indirect_dma source(%dma_start3A_1153 : memref<1000000x32xf32, #tpu.memory_space<hbm>>) target(%arg7 : memref<512x32xf32, #tpu.memory_space<vmem>>) offsets(%dma_start3A_1150 : memref<512xi32, #tpu.memory_space<vmem>>) semaphore(%arg13 : memref<!tpu.dma_semaphore, #tpu.memory_space<semaphore_mem>>)
        %dma_start3A_1154 = arith.constant 0 : i32
        %dma_start3A_1155 = tpu.memref_slice %arg6[%add3A_1147, %dma_start3A_1154] : memref<50x512xi32, #tpu.memory_space<vmem>> -> memref<1x512xi32, #tpu.memory_space<vmem>>
        %dma_start3A_1156 = tpu.memref_squeeze %dma_start3A_1155 : memref<1x512xi32, #tpu.memory_space<vmem>> -> memref<512xi32, #tpu.memory_space<vmem>>
        %dma_start3A_1157 = arith.constant 0 : i32
        %dma_start3A_1158 = arith.constant 0 : i32
        %dma_start3A_1159 = tpu.memref_slice %arg4[%dma_start3A_1157, %dma_start3A_1158] : memref<1000000x32xf32, #tpu.memory_space<hbm>> -> memref<1000000x32xf32, #tpu.memory_space<hbm>>
        tpu.enqueue_indirect_dma source(%dma_start3A_1159 : memref<1000000x32xf32, #tpu.memory_space<hbm>>) target(%arg8 : memref<512x32xf32, #tpu.memory_space<vmem>>) offsets(%dma_start3A_1156 : memref<512xi32, #tpu.memory_space<vmem>>) semaphore(%arg13 : memref<!tpu.dma_semaphore, #tpu.memory_space<semaphore_mem>>)
      } else {
      }
      %add3A_661 = arith.constant 1 : i32
      %add3A_662 = arith.addi %add3A_184, %add3A_661 : i32
      %dma_wait3A_663 = arith.constant 0 : i32
      %dma_wait3A_664 = tpu.memref_slice %arg6[%add3A_662, %dma_wait3A_663] : memref<50x512xi32, #tpu.memory_space<vmem>> -> memref<1x512xi32, #tpu.memory_space<vmem>>
      %dma_wait3A_665 = tpu.memref_squeeze %dma_wait3A_664 : memref<1x512xi32, #tpu.memory_space<vmem>> -> memref<512xi32, #tpu.memory_space<vmem>>
      %dma_wait3A_666 = arith.constant 0 : i32
      %dma_wait3A_667 = arith.constant 0 : i32
      %dma_wait3A_668 = tpu.memref_slice %arg3[%dma_wait3A_666, %dma_wait3A_667] : memref<1000000x32xf32, #tpu.memory_space<hbm>> -> memref<1000000x32xf32, #tpu.memory_space<hbm>>
      tpu.wait_indirect_dma semaphore(%arg14 : memref<!tpu.dma_semaphore, #tpu.memory_space<semaphore_mem>>) src(%dma_wait3A_668 : memref<1000000x32xf32, #tpu.memory_space<hbm>>) dst(%arg9 : memref<512x32xf32, #tpu.memory_space<vmem>>)
      %dma_wait3A_669 = arith.constant 0 : i32
      %dma_wait3A_670 = tpu.memref_slice %arg6[%add3A_662, %dma_wait3A_669] : memref<50x512xi32, #tpu.memory_space<vmem>> -> memref<1x512xi32, #tpu.memory_space<vmem>>
      %dma_wait3A_671 = tpu.memref_squeeze %dma_wait3A_670 : memref<1x512xi32, #tpu.memory_space<vmem>> -> memref<512xi32, #tpu.memory_space<vmem>>
      %dma_wait3A_672 = arith.constant 0 : i32
      %dma_wait3A_673 = arith.constant 0 : i32
      %dma_wait3A_674 = tpu.memref_slice %arg4[%dma_wait3A_672, %dma_wait3A_673] : memref<1000000x32xf32, #tpu.memory_space<hbm>> -> memref<1000000x32xf32, #tpu.memory_space<hbm>>
      tpu.wait_indirect_dma semaphore(%arg14 : memref<!tpu.dma_semaphore, #tpu.memory_space<semaphore_mem>>) src(%dma_wait3A_674 : memref<1000000x32xf32, #tpu.memory_space<hbm>>) dst(%arg10 : memref<512x32xf32, #tpu.memory_space<vmem>>)
      %add3A_675 = arith.constant 1 : i32
      %add3A_676 = arith.addi %add3A_184, %add3A_675 : i32
      %gt3A_677 = arith.constant 0 : i32
      %gt3A_678 = arith.cmpi sgt, %add3A_676, %gt3A_677 : i32
      %convert_element_type3A_679 = arith.extui %gt3A_678 : i1 to i32
      %cond3A_680 = arith.constant 0 : i32
      %cond3A_681 = arith.cmpi ne, %convert_element_type3A_679, %cond3A_680 : i32
      scf.if %cond3A_681 {
        %mul3A_1146 = arith.constant 4 : i32
        %mul3A_1147 = arith.muli %mul3A_1146, %add3A : i32
        %dma_wait3A_1148 = arith.constant 0 : i32
        %dma_wait3A_1149 = arith.constant 0 : i32
        %dma_wait3A_1150 = arith.constant 0 : i32
        %dma_wait3A_1151 = tpu.memref_slice %arg11[%dma_wait3A_1149, %dma_wait3A_1150] : memref<32x129xf32, #tpu.memory_space<vmem>> -> memref<8x128xf32, #tpu.memory_space<vmem>>
        %dma_wait3A_1152 = arith.constant 0 : i32
        %dma_wait3A_1153 = arith.constant 0 : i32
        %dma_wait3A_1154 = tpu.memref_slice %arg5[%add3A_676, %dma_wait3A_1148, %mul3A_1147, %dma_wait3A_1152, %dma_wait3A_1153] : memref<50x4x128x8x128xf32, #tpu.memory_space<hbm>> -> memref<1x1x1x8x128xf32, #tpu.memory_space<hbm>>
        %dma_wait3A_1155 = tpu.memref_squeeze %dma_wait3A_1154 : memref<1x1x1x8x128xf32, #tpu.memory_space<hbm>> -> memref<8x128xf32, #tpu.memory_space<hbm>>
        %dma_wait3A_1156 = arith.constant 0 : i32
        %dma_wait3A_1157 = arith.constant 0 : i32
        %dma_wait3A_1158 = tpu.memref_slice %arg5[%add3A_676, %dma_wait3A_1148, %mul3A_1147, %dma_wait3A_1156, %dma_wait3A_1157] : memref<50x4x128x8x128xf32, #tpu.memory_space<hbm>> -> memref<1x1x1x8x128xf32, #tpu.memory_space<hbm>>
        %dma_wait3A_1159 = tpu.memref_squeeze %dma_wait3A_1158 : memref<1x1x1x8x128xf32, #tpu.memory_space<hbm>> -> memref<8x128xf32, #tpu.memory_space<hbm>>
        %dma_wait3A_1160 = arith.constant 0 : i32
        %dma_wait3A_1161 = arith.constant 0 : i32
        %dma_wait3A_1162 = tpu.memref_slice %arg11[%dma_wait3A_1160, %dma_wait3A_1161] : memref<32x129xf32, #tpu.memory_space<vmem>> -> memref<8x128xf32, #tpu.memory_space<vmem>>
        tpu.wait_dma2 semaphore(%arg15 : memref<!tpu.dma_semaphore, #tpu.memory_space<semaphore_mem>>) src(%dma_wait3A_1162 : memref<8x128xf32, #tpu.memory_space<vmem>>) dst(%dma_wait3A_1159 : memref<8x128xf32, #tpu.memory_space<hbm>>)
        %mul3A_1163 = arith.constant 4 : i32
        %mul3A_1164 = arith.muli %mul3A_1163, %add3A : i32
        %dma_wait3A_1165 = arith.constant 1 : i32
        %dma_wait3A_1166 = arith.constant 8 : i32
        %dma_wait3A_1167 = arith.constant 0 : i32
        %dma_wait3A_1168 = tpu.memref_slice %arg11[%dma_wait3A_1166, %dma_wait3A_1167] : memref<32x129xf32, #tpu.memory_space<vmem>> -> memref<8x128xf32, #tpu.memory_space<vmem>>
        %dma_wait3A_1169 = arith.constant 0 : i32
        %dma_wait3A_1170 = arith.constant 0 : i32
        %dma_wait3A_1171 = tpu.memref_slice %arg5[%add3A_676, %dma_wait3A_1165, %mul3A_1164, %dma_wait3A_1169, %dma_wait3A_1170] : memref<50x4x128x8x128xf32, #tpu.memory_space<hbm>> -> memref<1x1x1x8x128xf32, #tpu.memory_space<hbm>>
        %dma_wait3A_1172 = tpu.memref_squeeze %dma_wait3A_1171 : memref<1x1x1x8x128xf32, #tpu.memory_space<hbm>> -> memref<8x128xf32, #tpu.memory_space<hbm>>
        %dma_wait3A_1173 = arith.constant 0 : i32
        %dma_wait3A_1174 = arith.constant 0 : i32
        %dma_wait3A_1175 = tpu.memref_slice %arg5[%add3A_676, %dma_wait3A_1165, %mul3A_1164, %dma_wait3A_1173, %dma_wait3A_1174] : memref<50x4x128x8x128xf32, #tpu.memory_space<hbm>> -> memref<1x1x1x8x128xf32, #tpu.memory_space<hbm>>
        %dma_wait3A_1176 = tpu.memref_squeeze %dma_wait3A_1175 : memref<1x1x1x8x128xf32, #tpu.memory_space<hbm>> -> memref<8x128xf32, #tpu.memory_space<hbm>>
        %dma_wait3A_1177 = arith.constant 8 : i32
        %dma_wait3A_1178 = arith.constant 0 : i32
        %dma_wait3A_1179 = tpu.memref_slice %arg11[%dma_wait3A_1177, %dma_wait3A_1178] : memref<32x129xf32, #tpu.memory_space<vmem>> -> memref<8x128xf32, #tpu.memory_space<vmem>>
        tpu.wait_dma2 semaphore(%arg15 : memref<!tpu.dma_semaphore, #tpu.memory_space<semaphore_mem>>) src(%dma_wait3A_1179 : memref<8x128xf32, #tpu.memory_space<vmem>>) dst(%dma_wait3A_1176 : memref<8x128xf32, #tpu.memory_space<hbm>>)
        %mul3A_1180 = arith.constant 4 : i32
        %mul3A_1181 = arith.muli %mul3A_1180, %add3A : i32
        %dma_wait3A_1182 = arith.constant 2 : i32
        %dma_wait3A_1183 = arith.constant 16 : i32
        %dma_wait3A_1184 = arith.constant 0 : i32
        %dma_wait3A_1185 = tpu.memref_slice %arg11[%dma_wait3A_1183, %dma_wait3A_1184] : memref<32x129xf32, #tpu.memory_space<vmem>> -> memref<8x128xf32, #tpu.memory_space<vmem>>
        %dma_wait3A_1186 = arith.constant 0 : i32
        %dma_wait3A_1187 = arith.constant 0 : i32
        %dma_wait3A_1188 = tpu.memref_slice %arg5[%add3A_676, %dma_wait3A_1182, %mul3A_1181, %dma_wait3A_1186, %dma_wait3A_1187] : memref<50x4x128x8x128xf32, #tpu.memory_space<hbm>> -> memref<1x1x1x8x128xf32, #tpu.memory_space<hbm>>
        %dma_wait3A_1189 = tpu.memref_squeeze %dma_wait3A_1188 : memref<1x1x1x8x128xf32, #tpu.memory_space<hbm>> -> memref<8x128xf32, #tpu.memory_space<hbm>>
        %dma_wait3A_1190 = arith.constant 0 : i32
        %dma_wait3A_1191 = arith.constant 0 : i32
        %dma_wait3A_1192 = tpu.memref_slice %arg5[%add3A_676, %dma_wait3A_1182, %mul3A_1181, %dma_wait3A_1190, %dma_wait3A_1191] : memref<50x4x128x8x128xf32, #tpu.memory_space<hbm>> -> memref<1x1x1x8x128xf32, #tpu.memory_space<hbm>>
        %dma_wait3A_1193 = tpu.memref_squeeze %dma_wait3A_1192 : memref<1x1x1x8x128xf32, #tpu.memory_space<hbm>> -> memref<8x128xf32, #tpu.memory_space<hbm>>
        %dma_wait3A_1194 = arith.constant 16 : i32
        %dma_wait3A_1195 = arith.constant 0 : i32
        %dma_wait3A_1196 = tpu.memref_slice %arg11[%dma_wait3A_1194, %dma_wait3A_1195] : memref<32x129xf32, #tpu.memory_space<vmem>> -> memref<8x128xf32, #tpu.memory_space<vmem>>
        tpu.wait_dma2 semaphore(%arg15 : memref<!tpu.dma_semaphore, #tpu.memory_space<semaphore_mem>>) src(%dma_wait3A_1196 : memref<8x128xf32, #tpu.memory_space<vmem>>) dst(%dma_wait3A_1193 : memref<8x128xf32, #tpu.memory_space<hbm>>)
        %mul3A_1197 = arith.constant 4 : i32
        %mul3A_1198 = arith.muli %mul3A_1197, %add3A : i32
        %dma_wait3A_1199 = arith.constant 3 : i32
        %dma_wait3A_1200 = arith.constant 24 : i32
        %dma_wait3A_1201 = arith.constant 0 : i32
        %dma_wait3A_1202 = tpu.memref_slice %arg11[%dma_wait3A_1200, %dma_wait3A_1201] : memref<32x129xf32, #tpu.memory_space<vmem>> -> memref<8x128xf32, #tpu.memory_space<vmem>>
        %dma_wait3A_1203 = arith.constant 0 : i32
        %dma_wait3A_1204 = arith.constant 0 : i32
        %dma_wait3A_1205 = tpu.memref_slice %arg5[%add3A_676, %dma_wait3A_1199, %mul3A_1198, %dma_wait3A_1203, %dma_wait3A_1204] : memref<50x4x128x8x128xf32, #tpu.memory_space<hbm>> -> memref<1x1x1x8x128xf32, #tpu.memory_space<hbm>>
        %dma_wait3A_1206 = tpu.memref_squeeze %dma_wait3A_1205 : memref<1x1x1x8x128xf32, #tpu.memory_space<hbm>> -> memref<8x128xf32, #tpu.memory_space<hbm>>
        %dma_wait3A_1207 = arith.constant 0 : i32
        %dma_wait3A_1208 = arith.constant 0 : i32
        %dma_wait3A_1209 = tpu.memref_slice %arg5[%add3A_676, %dma_wait3A_1199, %mul3A_1198, %dma_wait3A_1207, %dma_wait3A_1208] : memref<50x4x128x8x128xf32, #tpu.memory_space<hbm>> -> memref<1x1x1x8x128xf32, #tpu.memory_space<hbm>>
        %dma_wait3A_1210 = tpu.memref_squeeze %dma_wait3A_1209 : memref<1x1x1x8x128xf32, #tpu.memory_space<hbm>> -> memref<8x128xf32, #tpu.memory_space<hbm>>
        %dma_wait3A_1211 = arith.constant 24 : i32
        %dma_wait3A_1212 = arith.constant 0 : i32
        %dma_wait3A_1213 = tpu.memref_slice %arg11[%dma_wait3A_1211, %dma_wait3A_1212] : memref<32x129xf32, #tpu.memory_space<vmem>> -> memref<8x128xf32, #tpu.memory_space<vmem>>
        tpu.wait_dma2 semaphore(%arg15 : memref<!tpu.dma_semaphore, #tpu.memory_space<semaphore_mem>>) src(%dma_wait3A_1213 : memref<8x128xf32, #tpu.memory_space<vmem>>) dst(%dma_wait3A_1210 : memref<8x128xf32, #tpu.memory_space<hbm>>)
      } else {
      }
      %parallel_loop3A_682 = arith.constant 0 : i32
      %parallel_loop3A_683 = arith.constant 128 : i32
      %parallel_loop3A_684 = arith.constant 1 : i32
      scf.for %parallel_loop3A_1146 = %parallel_loop3A_682 to %parallel_loop3A_683 step %parallel_loop3A_684  : i32 {
        %parallel_loop3A_1147 = arith.constant 0 : i32
        %parallel_loop3A_1148 = arith.addi %parallel_loop3A_1147, %parallel_loop3A_1146 : i32
        %parallel_loop3A_1149 = arith.constant 0 : i32
        %parallel_loop3A_1150 = vector.broadcast %parallel_loop3A_1149 : i32 to vector<16xi32>
        %parallel_loop3A_1151 = vector.broadcast %parallel_loop3A_1146 : i32 to vector<16xi32>
        %parallel_loop3A_1152 = arith.addi %parallel_loop3A_1150, %parallel_loop3A_1151 : vector<16xi32>
        %parallel_loop3A_1153 = arith.index_cast %parallel_loop3A_1148 : i32 to index
        %parallel_loop3A_1154 = arith.constant 0 : index
        %parallel_loop3A_1155 = tpu.vector_load %arg9[%parallel_loop3A_1153, %parallel_loop3A_1154] {strides = array<i32>} : memref<512x32xf32, #tpu.memory_space<vmem>>, vector<16xf32>,
        %parallel_loop3A_1156 = arith.index_cast %parallel_loop3A_1148 : i32 to index
        %parallel_loop3A_1157 = arith.constant 0 : index
        %parallel_loop3A_1158 = tpu.vector_load %arg10[%parallel_loop3A_1156, %parallel_loop3A_1157] {strides = array<i32>} : memref<512x32xf32, #tpu.memory_space<vmem>>, vector<16xf32>,
        %parallel_loop3A_1159 = arith.addf %parallel_loop3A_1155, %parallel_loop3A_1158 : vector<16xf32>
        tpu.vector_store_idx %arg11[%iota3A, %parallel_loop3A_1152], %parallel_loop3A_1159 : memref<32x129xf32, #tpu.memory_space<vmem>>[vector<16xi32>, vector<16xi32>], vector<16xf32>,
        %parallel_loop3A_1160 = arith.index_cast %parallel_loop3A_1148 : i32 to index
        %parallel_loop3A_1161 = arith.constant 16 : index
        %parallel_loop3A_1162 = tpu.vector_load %arg9[%parallel_loop3A_1160, %parallel_loop3A_1161] {strides = array<i32>} : memref<512x32xf32, #tpu.memory_space<vmem>>, vector<16xf32>,
        %parallel_loop3A_1163 = arith.index_cast %parallel_loop3A_1148 : i32 to index
        %parallel_loop3A_1164 = arith.constant 16 : index
        %parallel_loop3A_1165 = tpu.vector_load %arg10[%parallel_loop3A_1163, %parallel_loop3A_1164] {strides = array<i32>} : memref<512x32xf32, #tpu.memory_space<vmem>>, vector<16xf32>,
        %parallel_loop3A_1166 = arith.addf %parallel_loop3A_1162, %parallel_loop3A_1165 : vector<16xf32>
        tpu.vector_store_idx %arg11[%add3A_5, %parallel_loop3A_1152], %parallel_loop3A_1166 : memref<32x129xf32, #tpu.memory_space<vmem>>[vector<16xi32>, vector<16xi32>], vector<16xf32>,
      } {sc.loop_unroll_factor = 4 : i64, sc.parallel_access}
      %mul3A_685 = arith.constant 4 : i32
      %mul3A_686 = arith.muli %mul3A_685, %add3A : i32
      %add3A_687 = arith.constant 0 : i32
      %add3A_688 = arith.addi %mul3A_686, %add3A_687 : i32
      %dma_start3A_689 = arith.constant 0 : i32
      %dma_start3A_690 = arith.constant 0 : i32
      %dma_start3A_691 = arith.constant 0 : i32
      %dma_start3A_692 = tpu.memref_slice %arg11[%dma_start3A_690, %dma_start3A_691] : memref<32x129xf32, #tpu.memory_space<vmem>> -> memref<8x128xf32, #tpu.memory_space<vmem>>
      %dma_start3A_693 = arith.constant 0 : i32
      %dma_start3A_694 = arith.constant 0 : i32
      %dma_start3A_695 = tpu.memref_slice %arg5[%add3A_676, %dma_start3A_689, %add3A_688, %dma_start3A_693, %dma_start3A_694] : memref<50x4x128x8x128xf32, #tpu.memory_space<hbm>> -> memref<1x1x1x8x128xf32, #tpu.memory_space<hbm>>
      %dma_start3A_696 = tpu.memref_squeeze %dma_start3A_695 : memref<1x1x1x8x128xf32, #tpu.memory_space<hbm>> -> memref<8x128xf32, #tpu.memory_space<hbm>>
      %dma_start3A_697 = arith.constant 0 : i32
      %dma_start3A_698 = arith.constant 0 : i32
      %dma_start3A_699 = tpu.memref_slice %arg5[%add3A_676, %dma_start3A_689, %add3A_688, %dma_start3A_697, %dma_start3A_698] : memref<50x4x128x8x128xf32, #tpu.memory_space<hbm>> -> memref<1x1x1x8x128xf32, #tpu.memory_space<hbm>>
      %dma_start3A_700 = tpu.memref_squeeze %dma_start3A_699 : memref<1x1x1x8x128xf32, #tpu.memory_space<hbm>> -> memref<8x128xf32, #tpu.memory_space<hbm>>
      %dma_start3A_701 = arith.constant 0 : i32
      %dma_start3A_702 = arith.constant 0 : i32
      %dma_start3A_703 = tpu.memref_slice %arg11[%dma_start3A_701, %dma_start3A_702] : memref<32x129xf32, #tpu.memory_space<vmem>> -> memref<8x128xf32, #tpu.memory_space<vmem>>
      tpu.enqueue_dma source(%dma_start3A_703 : memref<8x128xf32, #tpu.memory_space<vmem>>) target(%dma_start3A_700 : memref<8x128xf32, #tpu.memory_space<hbm>>) target_semaphore(%arg15 : memref<!tpu.dma_semaphore, #tpu.memory_space<semaphore_mem>>)
      %mul3A_704 = arith.constant 4 : i32
      %mul3A_705 = arith.muli %mul3A_704, %add3A : i32
      %add3A_706 = arith.constant 0 : i32
      %add3A_707 = arith.addi %mul3A_705, %add3A_706 : i32
      %dma_start3A_708 = arith.constant 1 : i32
      %dma_start3A_709 = arith.constant 8 : i32
      %dma_start3A_710 = arith.constant 0 : i32
      %dma_start3A_711 = tpu.memref_slice %arg11[%dma_start3A_709, %dma_start3A_710] : memref<32x129xf32, #tpu.memory_space<vmem>> -> memref<8x128xf32, #tpu.memory_space<vmem>>
      %dma_start3A_712 = arith.constant 0 : i32
      %dma_start3A_713 = arith.constant 0 : i32
      %dma_start3A_714 = tpu.memref_slice %arg5[%add3A_676, %dma_start3A_708, %add3A_707, %dma_start3A_712, %dma_start3A_713] : memref<50x4x128x8x128xf32, #tpu.memory_space<hbm>> -> memref<1x1x1x8x128xf32, #tpu.memory_space<hbm>>
      %dma_start3A_715 = tpu.memref_squeeze %dma_start3A_714 : memref<1x1x1x8x128xf32, #tpu.memory_space<hbm>> -> memref<8x128xf32, #tpu.memory_space<hbm>>
      %dma_start3A_716 = arith.constant 0 : i32
      %dma_start3A_717 = arith.constant 0 : i32
      %dma_start3A_718 = tpu.memref_slice %arg5[%add3A_676, %dma_start3A_708, %add3A_707, %dma_start3A_716, %dma_start3A_717] : memref<50x4x128x8x128xf32, #tpu.memory_space<hbm>> -> memref<1x1x1x8x128xf32, #tpu.memory_space<hbm>>
      %dma_start3A_719 = tpu.memref_squeeze %dma_start3A_718 : memref<1x1x1x8x128xf32, #tpu.memory_space<hbm>> -> memref<8x128xf32, #tpu.memory_space<hbm>>
      %dma_start3A_720 = arith.constant 8 : i32
      %dma_start3A_721 = arith.constant 0 : i32
      %dma_start3A_722 = tpu.memref_slice %arg11[%dma_start3A_720, %dma_start3A_721] : memref<32x129xf32, #tpu.memory_space<vmem>> -> memref<8x128xf32, #tpu.memory_space<vmem>>
      tpu.enqueue_dma source(%dma_start3A_722 : memref<8x128xf32, #tpu.memory_space<vmem>>) target(%dma_start3A_719 : memref<8x128xf32, #tpu.memory_space<hbm>>) target_semaphore(%arg15 : memref<!tpu.dma_semaphore, #tpu.memory_space<semaphore_mem>>)
      %mul3A_723 = arith.constant 4 : i32
      %mul3A_724 = arith.muli %mul3A_723, %add3A : i32
      %add3A_725 = arith.constant 0 : i32
      %add3A_726 = arith.addi %mul3A_724, %add3A_725 : i32
      %dma_start3A_727 = arith.constant 2 : i32
      %dma_start3A_728 = arith.constant 16 : i32
      %dma_start3A_729 = arith.constant 0 : i32
      %dma_start3A_730 = tpu.memref_slice %arg11[%dma_start3A_728, %dma_start3A_729] : memref<32x129xf32, #tpu.memory_space<vmem>> -> memref<8x128xf32, #tpu.memory_space<vmem>>
      %dma_start3A_731 = arith.constant 0 : i32
      %dma_start3A_732 = arith.constant 0 : i32
      %dma_start3A_733 = tpu.memref_slice %arg5[%add3A_676, %dma_start3A_727, %add3A_726, %dma_start3A_731, %dma_start3A_732] : memref<50x4x128x8x128xf32, #tpu.memory_space<hbm>> -> memref<1x1x1x8x128xf32, #tpu.memory_space<hbm>>
      %dma_start3A_734 = tpu.memref_squeeze %dma_start3A_733 : memref<1x1x1x8x128xf32, #tpu.memory_space<hbm>> -> memref<8x128xf32, #tpu.memory_space<hbm>>
      %dma_start3A_735 = arith.constant 0 : i32
      %dma_start3A_736 = arith.constant 0 : i32
      %dma_start3A_737 = tpu.memref_slice %arg5[%add3A_676, %dma_start3A_727, %add3A_726, %dma_start3A_735, %dma_start3A_736] : memref<50x4x128x8x128xf32, #tpu.memory_space<hbm>> -> memref<1x1x1x8x128xf32, #tpu.memory_space<hbm>>
      %dma_start3A_738 = tpu.memref_squeeze %dma_start3A_737 : memref<1x1x1x8x128xf32, #tpu.memory_space<hbm>> -> memref<8x128xf32, #tpu.memory_space<hbm>>
      %dma_start3A_739 = arith.constant 16 : i32
      %dma_start3A_740 = arith.constant 0 : i32
      %dma_start3A_741 = tpu.memref_slice %arg11[%dma_start3A_739, %dma_start3A_740] : memref<32x129xf32, #tpu.memory_space<vmem>> -> memref<8x128xf32, #tpu.memory_space<vmem>>
      tpu.enqueue_dma source(%dma_start3A_741 : memref<8x128xf32, #tpu.memory_space<vmem>>) target(%dma_start3A_738 : memref<8x128xf32, #tpu.memory_space<hbm>>) target_semaphore(%arg15 : memref<!tpu.dma_semaphore, #tpu.memory_space<semaphore_mem>>)
      %mul3A_742 = arith.constant 4 : i32
      %mul3A_743 = arith.muli %mul3A_742, %add3A : i32
      %add3A_744 = arith.constant 0 : i32
      %add3A_745 = arith.addi %mul3A_743, %add3A_744 : i32
      %dma_start3A_746 = arith.constant 3 : i32
      %dma_start3A_747 = arith.constant 24 : i32
      %dma_start3A_748 = arith.constant 0 : i32
      %dma_start3A_749 = tpu.memref_slice %arg11[%dma_start3A_747, %dma_start3A_748] : memref<32x129xf32, #tpu.memory_space<vmem>> -> memref<8x128xf32, #tpu.memory_space<vmem>>
      %dma_start3A_750 = arith.constant 0 : i32
      %dma_start3A_751 = arith.constant 0 : i32
      %dma_start3A_752 = tpu.memref_slice %arg5[%add3A_676, %dma_start3A_746, %add3A_745, %dma_start3A_750, %dma_start3A_751] : memref<50x4x128x8x128xf32, #tpu.memory_space<hbm>> -> memref<1x1x1x8x128xf32, #tpu.memory_space<hbm>>
      %dma_start3A_753 = tpu.memref_squeeze %dma_start3A_752 : memref<1x1x1x8x128xf32, #tpu.memory_space<hbm>> -> memref<8x128xf32, #tpu.memory_space<hbm>>
      %dma_start3A_754 = arith.constant 0 : i32
      %dma_start3A_755 = arith.constant 0 : i32
      %dma_start3A_756 = tpu.memref_slice %arg5[%add3A_676, %dma_start3A_746, %add3A_745, %dma_start3A_754, %dma_start3A_755] : memref<50x4x128x8x128xf32, #tpu.memory_space<hbm>> -> memref<1x1x1x8x128xf32, #tpu.memory_space<hbm>>
      %dma_start3A_757 = tpu.memref_squeeze %dma_start3A_756 : memref<1x1x1x8x128xf32, #tpu.memory_space<hbm>> -> memref<8x128xf32, #tpu.memory_space<hbm>>
      %dma_start3A_758 = arith.constant 24 : i32
      %dma_start3A_759 = arith.constant 0 : i32
      %dma_start3A_760 = tpu.memref_slice %arg11[%dma_start3A_758, %dma_start3A_759] : memref<32x129xf32, #tpu.memory_space<vmem>> -> memref<8x128xf32, #tpu.memory_space<vmem>>
      tpu.enqueue_dma source(%dma_start3A_760 : memref<8x128xf32, #tpu.memory_space<vmem>>) target(%dma_start3A_757 : memref<8x128xf32, #tpu.memory_space<hbm>>) target_semaphore(%arg15 : memref<!tpu.dma_semaphore, #tpu.memory_space<semaphore_mem>>)
      %gt3A_761 = arith.constant 0 : i32
      %gt3A_762 = arith.cmpi sgt, %add3A_676, %gt3A_761 : i32
      %convert_element_type3A_763 = arith.extui %gt3A_762 : i1 to i32
      %cond3A_764 = arith.constant 0 : i32
      %cond3A_765 = arith.cmpi ne, %convert_element_type3A_763, %cond3A_764 : i32
      scf.if %cond3A_765 {
        %mul3A_1146 = arith.constant 4 : i32
        %mul3A_1147 = arith.muli %mul3A_1146, %add3A : i32
        %dma_wait3A_1148 = arith.constant 0 : i32
        %dma_wait3A_1149 = arith.constant 0 : i32
        %dma_wait3A_1150 = arith.constant 0 : i32
        %dma_wait3A_1151 = tpu.memref_slice %arg12[%dma_wait3A_1149, %dma_wait3A_1150] : memref<32x129xf32, #tpu.memory_space<vmem>> -> memref<8x128xf32, #tpu.memory_space<vmem>>
        %dma_wait3A_1152 = arith.constant 0 : i32
        %dma_wait3A_1153 = arith.constant 0 : i32
        %dma_wait3A_1154 = tpu.memref_slice %arg5[%add3A_676, %dma_wait3A_1148, %mul3A_1147, %dma_wait3A_1152, %dma_wait3A_1153] : memref<50x4x128x8x128xf32, #tpu.memory_space<hbm>> -> memref<1x1x1x8x128xf32, #tpu.memory_space<hbm>>
        %dma_wait3A_1155 = tpu.memref_squeeze %dma_wait3A_1154 : memref<1x1x1x8x128xf32, #tpu.memory_space<hbm>> -> memref<8x128xf32, #tpu.memory_space<hbm>>
        %dma_wait3A_1156 = arith.constant 0 : i32
        %dma_wait3A_1157 = arith.constant 0 : i32
        %dma_wait3A_1158 = tpu.memref_slice %arg5[%add3A_676, %dma_wait3A_1148, %mul3A_1147, %dma_wait3A_1156, %dma_wait3A_1157] : memref<50x4x128x8x128xf32, #tpu.memory_space<hbm>> -> memref<1x1x1x8x128xf32, #tpu.memory_space<hbm>>
        %dma_wait3A_1159 = tpu.memref_squeeze %dma_wait3A_1158 : memref<1x1x1x8x128xf32, #tpu.memory_space<hbm>> -> memref<8x128xf32, #tpu.memory_space<hbm>>
        %dma_wait3A_1160 = arith.constant 0 : i32
        %dma_wait3A_1161 = arith.constant 0 : i32
        %dma_wait3A_1162 = tpu.memref_slice %arg12[%dma_wait3A_1160, %dma_wait3A_1161] : memref<32x129xf32, #tpu.memory_space<vmem>> -> memref<8x128xf32, #tpu.memory_space<vmem>>
        tpu.wait_dma2 semaphore(%arg16 : memref<!tpu.dma_semaphore, #tpu.memory_space<semaphore_mem>>) src(%dma_wait3A_1162 : memref<8x128xf32, #tpu.memory_space<vmem>>) dst(%dma_wait3A_1159 : memref<8x128xf32, #tpu.memory_space<hbm>>)
        %mul3A_1163 = arith.constant 4 : i32
        %mul3A_1164 = arith.muli %mul3A_1163, %add3A : i32
        %dma_wait3A_1165 = arith.constant 1 : i32
        %dma_wait3A_1166 = arith.constant 8 : i32
        %dma_wait3A_1167 = arith.constant 0 : i32
        %dma_wait3A_1168 = tpu.memref_slice %arg12[%dma_wait3A_1166, %dma_wait3A_1167] : memref<32x129xf32, #tpu.memory_space<vmem>> -> memref<8x128xf32, #tpu.memory_space<vmem>>
        %dma_wait3A_1169 = arith.constant 0 : i32
        %dma_wait3A_1170 = arith.constant 0 : i32
        %dma_wait3A_1171 = tpu.memref_slice %arg5[%add3A_676, %dma_wait3A_1165, %mul3A_1164, %dma_wait3A_1169, %dma_wait3A_1170] : memref<50x4x128x8x128xf32, #tpu.memory_space<hbm>> -> memref<1x1x1x8x128xf32, #tpu.memory_space<hbm>>
        %dma_wait3A_1172 = tpu.memref_squeeze %dma_wait3A_1171 : memref<1x1x1x8x128xf32, #tpu.memory_space<hbm>> -> memref<8x128xf32, #tpu.memory_space<hbm>>
        %dma_wait3A_1173 = arith.constant 0 : i32
        %dma_wait3A_1174 = arith.constant 0 : i32
        %dma_wait3A_1175 = tpu.memref_slice %arg5[%add3A_676, %dma_wait3A_1165, %mul3A_1164, %dma_wait3A_1173, %dma_wait3A_1174] : memref<50x4x128x8x128xf32, #tpu.memory_space<hbm>> -> memref<1x1x1x8x128xf32, #tpu.memory_space<hbm>>
        %dma_wait3A_1176 = tpu.memref_squeeze %dma_wait3A_1175 : memref<1x1x1x8x128xf32, #tpu.memory_space<hbm>> -> memref<8x128xf32, #tpu.memory_space<hbm>>
        %dma_wait3A_1177 = arith.constant 8 : i32
        %dma_wait3A_1178 = arith.constant 0 : i32
        %dma_wait3A_1179 = tpu.memref_slice %arg12[%dma_wait3A_1177, %dma_wait3A_1178] : memref<32x129xf32, #tpu.memory_space<vmem>> -> memref<8x128xf32, #tpu.memory_space<vmem>>
        tpu.wait_dma2 semaphore(%arg16 : memref<!tpu.dma_semaphore, #tpu.memory_space<semaphore_mem>>) src(%dma_wait3A_1179 : memref<8x128xf32, #tpu.memory_space<vmem>>) dst(%dma_wait3A_1176 : memref<8x128xf32, #tpu.memory_space<hbm>>)
        %mul3A_1180 = arith.constant 4 : i32
        %mul3A_1181 = arith.muli %mul3A_1180, %add3A : i32
        %dma_wait3A_1182 = arith.constant 2 : i32
        %dma_wait3A_1183 = arith.constant 16 : i32
        %dma_wait3A_1184 = arith.constant 0 : i32
        %dma_wait3A_1185 = tpu.memref_slice %arg12[%dma_wait3A_1183, %dma_wait3A_1184] : memref<32x129xf32, #tpu.memory_space<vmem>> -> memref<8x128xf32, #tpu.memory_space<vmem>>
        %dma_wait3A_1186 = arith.constant 0 : i32
        %dma_wait3A_1187 = arith.constant 0 : i32
        %dma_wait3A_1188 = tpu.memref_slice %arg5[%add3A_676, %dma_wait3A_1182, %mul3A_1181, %dma_wait3A_1186, %dma_wait3A_1187] : memref<50x4x128x8x128xf32, #tpu.memory_space<hbm>> -> memref<1x1x1x8x128xf32, #tpu.memory_space<hbm>>
        %dma_wait3A_1189 = tpu.memref_squeeze %dma_wait3A_1188 : memref<1x1x1x8x128xf32, #tpu.memory_space<hbm>> -> memref<8x128xf32, #tpu.memory_space<hbm>>
        %dma_wait3A_1190 = arith.constant 0 : i32
        %dma_wait3A_1191 = arith.constant 0 : i32
        %dma_wait3A_1192 = tpu.memref_slice %arg5[%add3A_676, %dma_wait3A_1182, %mul3A_1181, %dma_wait3A_1190, %dma_wait3A_1191] : memref<50x4x128x8x128xf32, #tpu.memory_space<hbm>> -> memref<1x1x1x8x128xf32, #tpu.memory_space<hbm>>
        %dma_wait3A_1193 = tpu.memref_squeeze %dma_wait3A_1192 : memref<1x1x1x8x128xf32, #tpu.memory_space<hbm>> -> memref<8x128xf32, #tpu.memory_space<hbm>>
        %dma_wait3A_1194 = arith.constant 16 : i32
        %dma_wait3A_1195 = arith.constant 0 : i32
        %dma_wait3A_1196 = tpu.memref_slice %arg12[%dma_wait3A_1194, %dma_wait3A_1195] : memref<32x129xf32, #tpu.memory_space<vmem>> -> memref<8x128xf32, #tpu.memory_space<vmem>>
        tpu.wait_dma2 semaphore(%arg16 : memref<!tpu.dma_semaphore, #tpu.memory_space<semaphore_mem>>) src(%dma_wait3A_1196 : memref<8x128xf32, #tpu.memory_space<vmem>>) dst(%dma_wait3A_1193 : memref<8x128xf32, #tpu.memory_space<hbm>>)
        %mul3A_1197 = arith.constant 4 : i32
        %mul3A_1198 = arith.muli %mul3A_1197, %add3A : i32
        %dma_wait3A_1199 = arith.constant 3 : i32
        %dma_wait3A_1200 = arith.constant 24 : i32
        %dma_wait3A_1201 = arith.constant 0 : i32
        %dma_wait3A_1202 = tpu.memref_slice %arg12[%dma_wait3A_1200, %dma_wait3A_1201] : memref<32x129xf32, #tpu.memory_space<vmem>> -> memref<8x128xf32, #tpu.memory_space<vmem>>
        %dma_wait3A_1203 = arith.constant 0 : i32
        %dma_wait3A_1204 = arith.constant 0 : i32
        %dma_wait3A_1205 = tpu.memref_slice %arg5[%add3A_676, %dma_wait3A_1199, %mul3A_1198, %dma_wait3A_1203, %dma_wait3A_1204] : memref<50x4x128x8x128xf32, #tpu.memory_space<hbm>> -> memref<1x1x1x8x128xf32, #tpu.memory_space<hbm>>
        %dma_wait3A_1206 = tpu.memref_squeeze %dma_wait3A_1205 : memref<1x1x1x8x128xf32, #tpu.memory_space<hbm>> -> memref<8x128xf32, #tpu.memory_space<hbm>>
        %dma_wait3A_1207 = arith.constant 0 : i32
        %dma_wait3A_1208 = arith.constant 0 : i32
        %dma_wait3A_1209 = tpu.memref_slice %arg5[%add3A_676, %dma_wait3A_1199, %mul3A_1198, %dma_wait3A_1207, %dma_wait3A_1208] : memref<50x4x128x8x128xf32, #tpu.memory_space<hbm>> -> memref<1x1x1x8x128xf32, #tpu.memory_space<hbm>>
        %dma_wait3A_1210 = tpu.memref_squeeze %dma_wait3A_1209 : memref<1x1x1x8x128xf32, #tpu.memory_space<hbm>> -> memref<8x128xf32, #tpu.memory_space<hbm>>
        %dma_wait3A_1211 = arith.constant 24 : i32
        %dma_wait3A_1212 = arith.constant 0 : i32
        %dma_wait3A_1213 = tpu.memref_slice %arg12[%dma_wait3A_1211, %dma_wait3A_1212] : memref<32x129xf32, #tpu.memory_space<vmem>> -> memref<8x128xf32, #tpu.memory_space<vmem>>
        tpu.wait_dma2 semaphore(%arg16 : memref<!tpu.dma_semaphore, #tpu.memory_space<semaphore_mem>>) src(%dma_wait3A_1213 : memref<8x128xf32, #tpu.memory_space<vmem>>) dst(%dma_wait3A_1210 : memref<8x128xf32, #tpu.memory_space<hbm>>)
      } else {
      }
      %parallel_loop3A_766 = arith.constant 0 : i32
      %parallel_loop3A_767 = arith.constant 128 : i32
      %parallel_loop3A_768 = arith.constant 1 : i32
      scf.for %parallel_loop3A_1146 = %parallel_loop3A_766 to %parallel_loop3A_767 step %parallel_loop3A_768  : i32 {
        %parallel_loop3A_1147 = arith.constant 128 : i32
        %parallel_loop3A_1148 = arith.addi %parallel_loop3A_1147, %parallel_loop3A_1146 : i32
        %parallel_loop3A_1149 = arith.constant 0 : i32
        %parallel_loop3A_1150 = vector.broadcast %parallel_loop3A_1149 : i32 to vector<16xi32>
        %parallel_loop3A_1151 = vector.broadcast %parallel_loop3A_1146 : i32 to vector<16xi32>
        %parallel_loop3A_1152 = arith.addi %parallel_loop3A_1150, %parallel_loop3A_1151 : vector<16xi32>
        %parallel_loop3A_1153 = arith.index_cast %parallel_loop3A_1148 : i32 to index
        %parallel_loop3A_1154 = arith.constant 0 : index
        %parallel_loop3A_1155 = tpu.vector_load %arg9[%parallel_loop3A_1153, %parallel_loop3A_1154] {strides = array<i32>} : memref<512x32xf32, #tpu.memory_space<vmem>>, vector<16xf32>,
        %parallel_loop3A_1156 = arith.index_cast %parallel_loop3A_1148 : i32 to index
        %parallel_loop3A_1157 = arith.constant 0 : index
        %parallel_loop3A_1158 = tpu.vector_load %arg10[%parallel_loop3A_1156, %parallel_loop3A_1157] {strides = array<i32>} : memref<512x32xf32, #tpu.memory_space<vmem>>, vector<16xf32>,
        %parallel_loop3A_1159 = arith.addf %parallel_loop3A_1155, %parallel_loop3A_1158 : vector<16xf32>
        tpu.vector_store_idx %arg12[%iota3A, %parallel_loop3A_1152], %parallel_loop3A_1159 : memref<32x129xf32, #tpu.memory_space<vmem>>[vector<16xi32>, vector<16xi32>], vector<16xf32>,
        %parallel_loop3A_1160 = arith.index_cast %parallel_loop3A_1148 : i32 to index
        %parallel_loop3A_1161 = arith.constant 16 : index
        %parallel_loop3A_1162 = tpu.vector_load %arg9[%parallel_loop3A_1160, %parallel_loop3A_1161] {strides = array<i32>} : memref<512x32xf32, #tpu.memory_space<vmem>>, vector<16xf32>,
        %parallel_loop3A_1163 = arith.index_cast %parallel_loop3A_1148 : i32 to index
        %parallel_loop3A_1164 = arith.constant 16 : index
        %parallel_loop3A_1165 = tpu.vector_load %arg10[%parallel_loop3A_1163, %parallel_loop3A_1164] {strides = array<i32>} : memref<512x32xf32, #tpu.memory_space<vmem>>, vector<16xf32>,
        %parallel_loop3A_1166 = arith.addf %parallel_loop3A_1162, %parallel_loop3A_1165 : vector<16xf32>
        tpu.vector_store_idx %arg12[%add3A_5, %parallel_loop3A_1152], %parallel_loop3A_1166 : memref<32x129xf32, #tpu.memory_space<vmem>>[vector<16xi32>, vector<16xi32>], vector<16xf32>,
      } {sc.loop_unroll_factor = 4 : i64, sc.parallel_access}
      %mul3A_769 = arith.constant 4 : i32
      %mul3A_770 = arith.muli %mul3A_769, %add3A : i32
      %add3A_771 = arith.constant 1 : i32
      %add3A_772 = arith.addi %mul3A_770, %add3A_771 : i32
      %dma_start3A_773 = arith.constant 0 : i32
      %dma_start3A_774 = arith.constant 0 : i32
      %dma_start3A_775 = arith.constant 0 : i32
      %dma_start3A_776 = tpu.memref_slice %arg12[%dma_start3A_774, %dma_start3A_775] : memref<32x129xf32, #tpu.memory_space<vmem>> -> memref<8x128xf32, #tpu.memory_space<vmem>>
      %dma_start3A_777 = arith.constant 0 : i32
      %dma_start3A_778 = arith.constant 0 : i32
      %dma_start3A_779 = tpu.memref_slice %arg5[%add3A_676, %dma_start3A_773, %add3A_772, %dma_start3A_777, %dma_start3A_778] : memref<50x4x128x8x128xf32, #tpu.memory_space<hbm>> -> memref<1x1x1x8x128xf32, #tpu.memory_space<hbm>>
      %dma_start3A_780 = tpu.memref_squeeze %dma_start3A_779 : memref<1x1x1x8x128xf32, #tpu.memory_space<hbm>> -> memref<8x128xf32, #tpu.memory_space<hbm>>
      %dma_start3A_781 = arith.constant 0 : i32
      %dma_start3A_782 = arith.constant 0 : i32
      %dma_start3A_783 = tpu.memref_slice %arg5[%add3A_676, %dma_start3A_773, %add3A_772, %dma_start3A_781, %dma_start3A_782] : memref<50x4x128x8x128xf32, #tpu.memory_space<hbm>> -> memref<1x1x1x8x128xf32, #tpu.memory_space<hbm>>
      %dma_start3A_784 = tpu.memref_squeeze %dma_start3A_783 : memref<1x1x1x8x128xf32, #tpu.memory_space<hbm>> -> memref<8x128xf32, #tpu.memory_space<hbm>>
      %dma_start3A_785 = arith.constant 0 : i32
      %dma_start3A_786 = arith.constant 0 : i32
      %dma_start3A_787 = tpu.memref_slice %arg12[%dma_start3A_785, %dma_start3A_786] : memref<32x129xf32, #tpu.memory_space<vmem>> -> memref<8x128xf32, #tpu.memory_space<vmem>>
      tpu.enqueue_dma source(%dma_start3A_787 : memref<8x128xf32, #tpu.memory_space<vmem>>) target(%dma_start3A_784 : memref<8x128xf32, #tpu.memory_space<hbm>>) target_semaphore(%arg16 : memref<!tpu.dma_semaphore, #tpu.memory_space<semaphore_mem>>)
      %mul3A_788 = arith.constant 4 : i32
      %mul3A_789 = arith.muli %mul3A_788, %add3A : i32
      %add3A_790 = arith.constant 1 : i32
      %add3A_791 = arith.addi %mul3A_789, %add3A_790 : i32
      %dma_start3A_792 = arith.constant 1 : i32
      %dma_start3A_793 = arith.constant 8 : i32
      %dma_start3A_794 = arith.constant 0 : i32
      %dma_start3A_795 = tpu.memref_slice %arg12[%dma_start3A_793, %dma_start3A_794] : memref<32x129xf32, #tpu.memory_space<vmem>> -> memref<8x128xf32, #tpu.memory_space<vmem>>
      %dma_start3A_796 = arith.constant 0 : i32
      %dma_start3A_797 = arith.constant 0 : i32
      %dma_start3A_798 = tpu.memref_slice %arg5[%add3A_676, %dma_start3A_792, %add3A_791, %dma_start3A_796, %dma_start3A_797] : memref<50x4x128x8x128xf32, #tpu.memory_space<hbm>> -> memref<1x1x1x8x128xf32, #tpu.memory_space<hbm>>
      %dma_start3A_799 = tpu.memref_squeeze %dma_start3A_798 : memref<1x1x1x8x128xf32, #tpu.memory_space<hbm>> -> memref<8x128xf32, #tpu.memory_space<hbm>>
      %dma_start3A_800 = arith.constant 0 : i32
      %dma_start3A_801 = arith.constant 0 : i32
      %dma_start3A_802 = tpu.memref_slice %arg5[%add3A_676, %dma_start3A_792, %add3A_791, %dma_start3A_800, %dma_start3A_801] : memref<50x4x128x8x128xf32, #tpu.memory_space<hbm>> -> memref<1x1x1x8x128xf32, #tpu.memory_space<hbm>>
      %dma_start3A_803 = tpu.memref_squeeze %dma_start3A_802 : memref<1x1x1x8x128xf32, #tpu.memory_space<hbm>> -> memref<8x128xf32, #tpu.memory_space<hbm>>
      %dma_start3A_804 = arith.constant 8 : i32
      %dma_start3A_805 = arith.constant 0 : i32
      %dma_start3A_806 = tpu.memref_slice %arg12[%dma_start3A_804, %dma_start3A_805] : memref<32x129xf32, #tpu.memory_space<vmem>> -> memref<8x128xf32, #tpu.memory_space<vmem>>
      tpu.enqueue_dma source(%dma_start3A_806 : memref<8x128xf32, #tpu.memory_space<vmem>>) target(%dma_start3A_803 : memref<8x128xf32, #tpu.memory_space<hbm>>) target_semaphore(%arg16 : memref<!tpu.dma_semaphore, #tpu.memory_space<semaphore_mem>>)
      %mul3A_807 = arith.constant 4 : i32
      %mul3A_808 = arith.muli %mul3A_807, %add3A : i32
      %add3A_809 = arith.constant 1 : i32
      %add3A_810 = arith.addi %mul3A_808, %add3A_809 : i32
      %dma_start3A_811 = arith.constant 2 : i32
      %dma_start3A_812 = arith.constant 16 : i32
      %dma_start3A_813 = arith.constant 0 : i32
      %dma_start3A_814 = tpu.memref_slice %arg12[%dma_start3A_812, %dma_start3A_813] : memref<32x129xf32, #tpu.memory_space<vmem>> -> memref<8x128xf32, #tpu.memory_space<vmem>>
      %dma_start3A_815 = arith.constant 0 : i32
      %dma_start3A_816 = arith.constant 0 : i32
      %dma_start3A_817 = tpu.memref_slice %arg5[%add3A_676, %dma_start3A_811, %add3A_810, %dma_start3A_815, %dma_start3A_816] : memref<50x4x128x8x128xf32, #tpu.memory_space<hbm>> -> memref<1x1x1x8x128xf32, #tpu.memory_space<hbm>>
      %dma_start3A_818 = tpu.memref_squeeze %dma_start3A_817 : memref<1x1x1x8x128xf32, #tpu.memory_space<hbm>> -> memref<8x128xf32, #tpu.memory_space<hbm>>
      %dma_start3A_819 = arith.constant 0 : i32
      %dma_start3A_820 = arith.constant 0 : i32
      %dma_start3A_821 = tpu.memref_slice %arg5[%add3A_676, %dma_start3A_811, %add3A_810, %dma_start3A_819, %dma_start3A_820] : memref<50x4x128x8x128xf32, #tpu.memory_space<hbm>> -> memref<1x1x1x8x128xf32, #tpu.memory_space<hbm>>
      %dma_start3A_822 = tpu.memref_squeeze %dma_start3A_821 : memref<1x1x1x8x128xf32, #tpu.memory_space<hbm>> -> memref<8x128xf32, #tpu.memory_space<hbm>>
      %dma_start3A_823 = arith.constant 16 : i32
      %dma_start3A_824 = arith.constant 0 : i32
      %dma_start3A_825 = tpu.memref_slice %arg12[%dma_start3A_823, %dma_start3A_824] : memref<32x129xf32, #tpu.memory_space<vmem>> -> memref<8x128xf32, #tpu.memory_space<vmem>>
      tpu.enqueue_dma source(%dma_start3A_825 : memref<8x128xf32, #tpu.memory_space<vmem>>) target(%dma_start3A_822 : memref<8x128xf32, #tpu.memory_space<hbm>>) target_semaphore(%arg16 : memref<!tpu.dma_semaphore, #tpu.memory_space<semaphore_mem>>)
      %mul3A_826 = arith.constant 4 : i32
      %mul3A_827 = arith.muli %mul3A_826, %add3A : i32
      %add3A_828 = arith.constant 1 : i32
      %add3A_829 = arith.addi %mul3A_827, %add3A_828 : i32
      %dma_start3A_830 = arith.constant 3 : i32
      %dma_start3A_831 = arith.constant 24 : i32
      %dma_start3A_832 = arith.constant 0 : i32
      %dma_start3A_833 = tpu.memref_slice %arg12[%dma_start3A_831, %dma_start3A_832] : memref<32x129xf32, #tpu.memory_space<vmem>> -> memref<8x128xf32, #tpu.memory_space<vmem>>
      %dma_start3A_834 = arith.constant 0 : i32
      %dma_start3A_835 = arith.constant 0 : i32
      %dma_start3A_836 = tpu.memref_slice %arg5[%add3A_676, %dma_start3A_830, %add3A_829, %dma_start3A_834, %dma_start3A_835] : memref<50x4x128x8x128xf32, #tpu.memory_space<hbm>> -> memref<1x1x1x8x128xf32, #tpu.memory_space<hbm>>
      %dma_start3A_837 = tpu.memref_squeeze %dma_start3A_836 : memref<1x1x1x8x128xf32, #tpu.memory_space<hbm>> -> memref<8x128xf32, #tpu.memory_space<hbm>>
      %dma_start3A_838 = arith.constant 0 : i32
      %dma_start3A_839 = arith.constant 0 : i32
      %dma_start3A_840 = tpu.memref_slice %arg5[%add3A_676, %dma_start3A_830, %add3A_829, %dma_start3A_838, %dma_start3A_839] : memref<50x4x128x8x128xf32, #tpu.memory_space<hbm>> -> memref<1x1x1x8x128xf32, #tpu.memory_space<hbm>>
      %dma_start3A_841 = tpu.memref_squeeze %dma_start3A_840 : memref<1x1x1x8x128xf32, #tpu.memory_space<hbm>> -> memref<8x128xf32, #tpu.memory_space<hbm>>
      %dma_start3A_842 = arith.constant 24 : i32
      %dma_start3A_843 = arith.constant 0 : i32
      %dma_start3A_844 = tpu.memref_slice %arg12[%dma_start3A_842, %dma_start3A_843] : memref<32x129xf32, #tpu.memory_space<vmem>> -> memref<8x128xf32, #tpu.memory_space<vmem>>
      tpu.enqueue_dma source(%dma_start3A_844 : memref<8x128xf32, #tpu.memory_space<vmem>>) target(%dma_start3A_841 : memref<8x128xf32, #tpu.memory_space<hbm>>) target_semaphore(%arg16 : memref<!tpu.dma_semaphore, #tpu.memory_space<semaphore_mem>>)
      %mul3A_845 = arith.constant 4 : i32
      %mul3A_846 = arith.muli %mul3A_845, %add3A : i32
      %dma_wait3A_847 = arith.constant 0 : i32
      %dma_wait3A_848 = arith.constant 0 : i32
      %dma_wait3A_849 = arith.constant 0 : i32
      %dma_wait3A_850 = tpu.memref_slice %arg11[%dma_wait3A_848, %dma_wait3A_849] : memref<32x129xf32, #tpu.memory_space<vmem>> -> memref<8x128xf32, #tpu.memory_space<vmem>>
      %dma_wait3A_851 = arith.constant 0 : i32
      %dma_wait3A_852 = arith.constant 0 : i32
      %dma_wait3A_853 = tpu.memref_slice %arg5[%add3A_676, %dma_wait3A_847, %mul3A_846, %dma_wait3A_851, %dma_wait3A_852] : memref<50x4x128x8x128xf32, #tpu.memory_space<hbm>> -> memref<1x1x1x8x128xf32, #tpu.memory_space<hbm>>
      %dma_wait3A_854 = tpu.memref_squeeze %dma_wait3A_853 : memref<1x1x1x8x128xf32, #tpu.memory_space<hbm>> -> memref<8x128xf32, #tpu.memory_space<hbm>>
      %dma_wait3A_855 = arith.constant 0 : i32
      %dma_wait3A_856 = arith.constant 0 : i32
      %dma_wait3A_857 = tpu.memref_slice %arg5[%add3A_676, %dma_wait3A_847, %mul3A_846, %dma_wait3A_855, %dma_wait3A_856] : memref<50x4x128x8x128xf32, #tpu.memory_space<hbm>> -> memref<1x1x1x8x128xf32, #tpu.memory_space<hbm>>
      %dma_wait3A_858 = tpu.memref_squeeze %dma_wait3A_857 : memref<1x1x1x8x128xf32, #tpu.memory_space<hbm>> -> memref<8x128xf32, #tpu.memory_space<hbm>>
      %dma_wait3A_859 = arith.constant 0 : i32
      %dma_wait3A_860 = arith.constant 0 : i32
      %dma_wait3A_861 = tpu.memref_slice %arg11[%dma_wait3A_859, %dma_wait3A_860] : memref<32x129xf32, #tpu.memory_space<vmem>> -> memref<8x128xf32, #tpu.memory_space<vmem>>
      tpu.wait_dma2 semaphore(%arg15 : memref<!tpu.dma_semaphore, #tpu.memory_space<semaphore_mem>>) src(%dma_wait3A_861 : memref<8x128xf32, #tpu.memory_space<vmem>>) dst(%dma_wait3A_858 : memref<8x128xf32, #tpu.memory_space<hbm>>)
      %mul3A_862 = arith.constant 4 : i32
      %mul3A_863 = arith.muli %mul3A_862, %add3A : i32
      %dma_wait3A_864 = arith.constant 1 : i32
      %dma_wait3A_865 = arith.constant 8 : i32
      %dma_wait3A_866 = arith.constant 0 : i32
      %dma_wait3A_867 = tpu.memref_slice %arg11[%dma_wait3A_865, %dma_wait3A_866] : memref<32x129xf32, #tpu.memory_space<vmem>> -> memref<8x128xf32, #tpu.memory_space<vmem>>
      %dma_wait3A_868 = arith.constant 0 : i32
      %dma_wait3A_869 = arith.constant 0 : i32
      %dma_wait3A_870 = tpu.memref_slice %arg5[%add3A_676, %dma_wait3A_864, %mul3A_863, %dma_wait3A_868, %dma_wait3A_869] : memref<50x4x128x8x128xf32, #tpu.memory_space<hbm>> -> memref<1x1x1x8x128xf32, #tpu.memory_space<hbm>>
      %dma_wait3A_871 = tpu.memref_squeeze %dma_wait3A_870 : memref<1x1x1x8x128xf32, #tpu.memory_space<hbm>> -> memref<8x128xf32, #tpu.memory_space<hbm>>
      %dma_wait3A_872 = arith.constant 0 : i32
      %dma_wait3A_873 = arith.constant 0 : i32
      %dma_wait3A_874 = tpu.memref_slice %arg5[%add3A_676, %dma_wait3A_864, %mul3A_863, %dma_wait3A_872, %dma_wait3A_873] : memref<50x4x128x8x128xf32, #tpu.memory_space<hbm>> -> memref<1x1x1x8x128xf32, #tpu.memory_space<hbm>>
      %dma_wait3A_875 = tpu.memref_squeeze %dma_wait3A_874 : memref<1x1x1x8x128xf32, #tpu.memory_space<hbm>> -> memref<8x128xf32, #tpu.memory_space<hbm>>
      %dma_wait3A_876 = arith.constant 8 : i32
      %dma_wait3A_877 = arith.constant 0 : i32
      %dma_wait3A_878 = tpu.memref_slice %arg11[%dma_wait3A_876, %dma_wait3A_877] : memref<32x129xf32, #tpu.memory_space<vmem>> -> memref<8x128xf32, #tpu.memory_space<vmem>>
      tpu.wait_dma2 semaphore(%arg15 : memref<!tpu.dma_semaphore, #tpu.memory_space<semaphore_mem>>) src(%dma_wait3A_878 : memref<8x128xf32, #tpu.memory_space<vmem>>) dst(%dma_wait3A_875 : memref<8x128xf32, #tpu.memory_space<hbm>>)
      %mul3A_879 = arith.constant 4 : i32
      %mul3A_880 = arith.muli %mul3A_879, %add3A : i32
      %dma_wait3A_881 = arith.constant 2 : i32
      %dma_wait3A_882 = arith.constant 16 : i32
      %dma_wait3A_883 = arith.constant 0 : i32
      %dma_wait3A_884 = tpu.memref_slice %arg11[%dma_wait3A_882, %dma_wait3A_883] : memref<32x129xf32, #tpu.memory_space<vmem>> -> memref<8x128xf32, #tpu.memory_space<vmem>>
      %dma_wait3A_885 = arith.constant 0 : i32
      %dma_wait3A_886 = arith.constant 0 : i32
      %dma_wait3A_887 = tpu.memref_slice %arg5[%add3A_676, %dma_wait3A_881, %mul3A_880, %dma_wait3A_885, %dma_wait3A_886] : memref<50x4x128x8x128xf32, #tpu.memory_space<hbm>> -> memref<1x1x1x8x128xf32, #tpu.memory_space<hbm>>
      %dma_wait3A_888 = tpu.memref_squeeze %dma_wait3A_887 : memref<1x1x1x8x128xf32, #tpu.memory_space<hbm>> -> memref<8x128xf32, #tpu.memory_space<hbm>>
      %dma_wait3A_889 = arith.constant 0 : i32
      %dma_wait3A_890 = arith.constant 0 : i32
      %dma_wait3A_891 = tpu.memref_slice %arg5[%add3A_676, %dma_wait3A_881, %mul3A_880, %dma_wait3A_889, %dma_wait3A_890] : memref<50x4x128x8x128xf32, #tpu.memory_space<hbm>> -> memref<1x1x1x8x128xf32, #tpu.memory_space<hbm>>
      %dma_wait3A_892 = tpu.memref_squeeze %dma_wait3A_891 : memref<1x1x1x8x128xf32, #tpu.memory_space<hbm>> -> memref<8x128xf32, #tpu.memory_space<hbm>>
      %dma_wait3A_893 = arith.constant 16 : i32
      %dma_wait3A_894 = arith.constant 0 : i32
      %dma_wait3A_895 = tpu.memref_slice %arg11[%dma_wait3A_893, %dma_wait3A_894] : memref<32x129xf32, #tpu.memory_space<vmem>> -> memref<8x128xf32, #tpu.memory_space<vmem>>
      tpu.wait_dma2 semaphore(%arg15 : memref<!tpu.dma_semaphore, #tpu.memory_space<semaphore_mem>>) src(%dma_wait3A_895 : memref<8x128xf32, #tpu.memory_space<vmem>>) dst(%dma_wait3A_892 : memref<8x128xf32, #tpu.memory_space<hbm>>)
      %mul3A_896 = arith.constant 4 : i32
      %mul3A_897 = arith.muli %mul3A_896, %add3A : i32
      %dma_wait3A_898 = arith.constant 3 : i32
      %dma_wait3A_899 = arith.constant 24 : i32
      %dma_wait3A_900 = arith.constant 0 : i32
      %dma_wait3A_901 = tpu.memref_slice %arg11[%dma_wait3A_899, %dma_wait3A_900] : memref<32x129xf32, #tpu.memory_space<vmem>> -> memref<8x128xf32, #tpu.memory_space<vmem>>
      %dma_wait3A_902 = arith.constant 0 : i32
      %dma_wait3A_903 = arith.constant 0 : i32
      %dma_wait3A_904 = tpu.memref_slice %arg5[%add3A_676, %dma_wait3A_898, %mul3A_897, %dma_wait3A_902, %dma_wait3A_903] : memref<50x4x128x8x128xf32, #tpu.memory_space<hbm>> -> memref<1x1x1x8x128xf32, #tpu.memory_space<hbm>>
      %dma_wait3A_905 = tpu.memref_squeeze %dma_wait3A_904 : memref<1x1x1x8x128xf32, #tpu.memory_space<hbm>> -> memref<8x128xf32, #tpu.memory_space<hbm>>
      %dma_wait3A_906 = arith.constant 0 : i32
      %dma_wait3A_907 = arith.constant 0 : i32
      %dma_wait3A_908 = tpu.memref_slice %arg5[%add3A_676, %dma_wait3A_898, %mul3A_897, %dma_wait3A_906, %dma_wait3A_907] : memref<50x4x128x8x128xf32, #tpu.memory_space<hbm>> -> memref<1x1x1x8x128xf32, #tpu.memory_space<hbm>>
      %dma_wait3A_909 = tpu.memref_squeeze %dma_wait3A_908 : memref<1x1x1x8x128xf32, #tpu.memory_space<hbm>> -> memref<8x128xf32, #tpu.memory_space<hbm>>
      %dma_wait3A_910 = arith.constant 24 : i32
      %dma_wait3A_911 = arith.constant 0 : i32
      %dma_wait3A_912 = tpu.memref_slice %arg11[%dma_wait3A_910, %dma_wait3A_911] : memref<32x129xf32, #tpu.memory_space<vmem>> -> memref<8x128xf32, #tpu.memory_space<vmem>>
      tpu.wait_dma2 semaphore(%arg15 : memref<!tpu.dma_semaphore, #tpu.memory_space<semaphore_mem>>) src(%dma_wait3A_912 : memref<8x128xf32, #tpu.memory_space<vmem>>) dst(%dma_wait3A_909 : memref<8x128xf32, #tpu.memory_space<hbm>>)
      %parallel_loop3A_913 = arith.constant 0 : i32
      %parallel_loop3A_914 = arith.constant 128 : i32
      %parallel_loop3A_915 = arith.constant 1 : i32
      scf.for %parallel_loop3A_1146 = %parallel_loop3A_913 to %parallel_loop3A_914 step %parallel_loop3A_915  : i32 {
        %parallel_loop3A_1147 = arith.constant 256 : i32
        %parallel_loop3A_1148 = arith.addi %parallel_loop3A_1147, %parallel_loop3A_1146 : i32
        %parallel_loop3A_1149 = arith.constant 0 : i32
        %parallel_loop3A_1150 = vector.broadcast %parallel_loop3A_1149 : i32 to vector<16xi32>
        %parallel_loop3A_1151 = vector.broadcast %parallel_loop3A_1146 : i32 to vector<16xi32>
        %parallel_loop3A_1152 = arith.addi %parallel_loop3A_1150, %parallel_loop3A_1151 : vector<16xi32>
        %parallel_loop3A_1153 = arith.index_cast %parallel_loop3A_1148 : i32 to index
        %parallel_loop3A_1154 = arith.constant 0 : index
        %parallel_loop3A_1155 = tpu.vector_load %arg9[%parallel_loop3A_1153, %parallel_loop3A_1154] {strides = array<i32>} : memref<512x32xf32, #tpu.memory_space<vmem>>, vector<16xf32>,
        %parallel_loop3A_1156 = arith.index_cast %parallel_loop3A_1148 : i32 to index
        %parallel_loop3A_1157 = arith.constant 0 : index
        %parallel_loop3A_1158 = tpu.vector_load %arg10[%parallel_loop3A_1156, %parallel_loop3A_1157] {strides = array<i32>} : memref<512x32xf32, #tpu.memory_space<vmem>>, vector<16xf32>,
        %parallel_loop3A_1159 = arith.addf %parallel_loop3A_1155, %parallel_loop3A_1158 : vector<16xf32>
        tpu.vector_store_idx %arg11[%iota3A, %parallel_loop3A_1152], %parallel_loop3A_1159 : memref<32x129xf32, #tpu.memory_space<vmem>>[vector<16xi32>, vector<16xi32>], vector<16xf32>,
        %parallel_loop3A_1160 = arith.index_cast %parallel_loop3A_1148 : i32 to index
        %parallel_loop3A_1161 = arith.constant 16 : index
        %parallel_loop3A_1162 = tpu.vector_load %arg9[%parallel_loop3A_1160, %parallel_loop3A_1161] {strides = array<i32>} : memref<512x32xf32, #tpu.memory_space<vmem>>, vector<16xf32>,
        %parallel_loop3A_1163 = arith.index_cast %parallel_loop3A_1148 : i32 to index
        %parallel_loop3A_1164 = arith.constant 16 : index
        %parallel_loop3A_1165 = tpu.vector_load %arg10[%parallel_loop3A_1163, %parallel_loop3A_1164] {strides = array<i32>} : memref<512x32xf32, #tpu.memory_space<vmem>>, vector<16xf32>,
        %parallel_loop3A_1166 = arith.addf %parallel_loop3A_1162, %parallel_loop3A_1165 : vector<16xf32>
        tpu.vector_store_idx %arg11[%add3A_5, %parallel_loop3A_1152], %parallel_loop3A_1166 : memref<32x129xf32, #tpu.memory_space<vmem>>[vector<16xi32>, vector<16xi32>], vector<16xf32>,
      } {sc.loop_unroll_factor = 4 : i64, sc.parallel_access}
      %mul3A_916 = arith.constant 4 : i32
      %mul3A_917 = arith.muli %mul3A_916, %add3A : i32
      %add3A_918 = arith.constant 2 : i32
      %add3A_919 = arith.addi %mul3A_917, %add3A_918 : i32
      %dma_start3A_920 = arith.constant 0 : i32
      %dma_start3A_921 = arith.constant 0 : i32
      %dma_start3A_922 = arith.constant 0 : i32
      %dma_start3A_923 = tpu.memref_slice %arg11[%dma_start3A_921, %dma_start3A_922] : memref<32x129xf32, #tpu.memory_space<vmem>> -> memref<8x128xf32, #tpu.memory_space<vmem>>
      %dma_start3A_924 = arith.constant 0 : i32
      %dma_start3A_925 = arith.constant 0 : i32
      %dma_start3A_926 = tpu.memref_slice %arg5[%add3A_676, %dma_start3A_920, %add3A_919, %dma_start3A_924, %dma_start3A_925] : memref<50x4x128x8x128xf32, #tpu.memory_space<hbm>> -> memref<1x1x1x8x128xf32, #tpu.memory_space<hbm>>
      %dma_start3A_927 = tpu.memref_squeeze %dma_start3A_926 : memref<1x1x1x8x128xf32, #tpu.memory_space<hbm>> -> memref<8x128xf32, #tpu.memory_space<hbm>>
      %dma_start3A_928 = arith.constant 0 : i32
      %dma_start3A_929 = arith.constant 0 : i32
      %dma_start3A_930 = tpu.memref_slice %arg5[%add3A_676, %dma_start3A_920, %add3A_919, %dma_start3A_928, %dma_start3A_929] : memref<50x4x128x8x128xf32, #tpu.memory_space<hbm>> -> memref<1x1x1x8x128xf32, #tpu.memory_space<hbm>>
      %dma_start3A_931 = tpu.memref_squeeze %dma_start3A_930 : memref<1x1x1x8x128xf32, #tpu.memory_space<hbm>> -> memref<8x128xf32, #tpu.memory_space<hbm>>
      %dma_start3A_932 = arith.constant 0 : i32
      %dma_start3A_933 = arith.constant 0 : i32
      %dma_start3A_934 = tpu.memref_slice %arg11[%dma_start3A_932, %dma_start3A_933] : memref<32x129xf32, #tpu.memory_space<vmem>> -> memref<8x128xf32, #tpu.memory_space<vmem>>
      tpu.enqueue_dma source(%dma_start3A_934 : memref<8x128xf32, #tpu.memory_space<vmem>>) target(%dma_start3A_931 : memref<8x128xf32, #tpu.memory_space<hbm>>) target_semaphore(%arg15 : memref<!tpu.dma_semaphore, #tpu.memory_space<semaphore_mem>>)
      %mul3A_935 = arith.constant 4 : i32
      %mul3A_936 = arith.muli %mul3A_935, %add3A : i32
      %add3A_937 = arith.constant 2 : i32
      %add3A_938 = arith.addi %mul3A_936, %add3A_937 : i32
      %dma_start3A_939 = arith.constant 1 : i32
      %dma_start3A_940 = arith.constant 8 : i32
      %dma_start3A_941 = arith.constant 0 : i32
      %dma_start3A_942 = tpu.memref_slice %arg11[%dma_start3A_940, %dma_start3A_941] : memref<32x129xf32, #tpu.memory_space<vmem>> -> memref<8x128xf32, #tpu.memory_space<vmem>>
      %dma_start3A_943 = arith.constant 0 : i32
      %dma_start3A_944 = arith.constant 0 : i32
      %dma_start3A_945 = tpu.memref_slice %arg5[%add3A_676, %dma_start3A_939, %add3A_938, %dma_start3A_943, %dma_start3A_944] : memref<50x4x128x8x128xf32, #tpu.memory_space<hbm>> -> memref<1x1x1x8x128xf32, #tpu.memory_space<hbm>>
      %dma_start3A_946 = tpu.memref_squeeze %dma_start3A_945 : memref<1x1x1x8x128xf32, #tpu.memory_space<hbm>> -> memref<8x128xf32, #tpu.memory_space<hbm>>
      %dma_start3A_947 = arith.constant 0 : i32
      %dma_start3A_948 = arith.constant 0 : i32
      %dma_start3A_949 = tpu.memref_slice %arg5[%add3A_676, %dma_start3A_939, %add3A_938, %dma_start3A_947, %dma_start3A_948] : memref<50x4x128x8x128xf32, #tpu.memory_space<hbm>> -> memref<1x1x1x8x128xf32, #tpu.memory_space<hbm>>
      %dma_start3A_950 = tpu.memref_squeeze %dma_start3A_949 : memref<1x1x1x8x128xf32, #tpu.memory_space<hbm>> -> memref<8x128xf32, #tpu.memory_space<hbm>>
      %dma_start3A_951 = arith.constant 8 : i32
      %dma_start3A_952 = arith.constant 0 : i32
      %dma_start3A_953 = tpu.memref_slice %arg11[%dma_start3A_951, %dma_start3A_952] : memref<32x129xf32, #tpu.memory_space<vmem>> -> memref<8x128xf32, #tpu.memory_space<vmem>>
      tpu.enqueue_dma source(%dma_start3A_953 : memref<8x128xf32, #tpu.memory_space<vmem>>) target(%dma_start3A_950 : memref<8x128xf32, #tpu.memory_space<hbm>>) target_semaphore(%arg15 : memref<!tpu.dma_semaphore, #tpu.memory_space<semaphore_mem>>)
      %mul3A_954 = arith.constant 4 : i32
      %mul3A_955 = arith.muli %mul3A_954, %add3A : i32
      %add3A_956 = arith.constant 2 : i32
      %add3A_957 = arith.addi %mul3A_955, %add3A_956 : i32
      %dma_start3A_958 = arith.constant 2 : i32
      %dma_start3A_959 = arith.constant 16 : i32
      %dma_start3A_960 = arith.constant 0 : i32
      %dma_start3A_961 = tpu.memref_slice %arg11[%dma_start3A_959, %dma_start3A_960] : memref<32x129xf32, #tpu.memory_space<vmem>> -> memref<8x128xf32, #tpu.memory_space<vmem>>
      %dma_start3A_962 = arith.constant 0 : i32
      %dma_start3A_963 = arith.constant 0 : i32
      %dma_start3A_964 = tpu.memref_slice %arg5[%add3A_676, %dma_start3A_958, %add3A_957, %dma_start3A_962, %dma_start3A_963] : memref<50x4x128x8x128xf32, #tpu.memory_space<hbm>> -> memref<1x1x1x8x128xf32, #tpu.memory_space<hbm>>
      %dma_start3A_965 = tpu.memref_squeeze %dma_start3A_964 : memref<1x1x1x8x128xf32, #tpu.memory_space<hbm>> -> memref<8x128xf32, #tpu.memory_space<hbm>>
      %dma_start3A_966 = arith.constant 0 : i32
      %dma_start3A_967 = arith.constant 0 : i32
      %dma_start3A_968 = tpu.memref_slice %arg5[%add3A_676, %dma_start3A_958, %add3A_957, %dma_start3A_966, %dma_start3A_967] : memref<50x4x128x8x128xf32, #tpu.memory_space<hbm>> -> memref<1x1x1x8x128xf32, #tpu.memory_space<hbm>>
      %dma_start3A_969 = tpu.memref_squeeze %dma_start3A_968 : memref<1x1x1x8x128xf32, #tpu.memory_space<hbm>> -> memref<8x128xf32, #tpu.memory_space<hbm>>
      %dma_start3A_970 = arith.constant 16 : i32
      %dma_start3A_971 = arith.constant 0 : i32
      %dma_start3A_972 = tpu.memref_slice %arg11[%dma_start3A_970, %dma_start3A_971] : memref<32x129xf32, #tpu.memory_space<vmem>> -> memref<8x128xf32, #tpu.memory_space<vmem>>
      tpu.enqueue_dma source(%dma_start3A_972 : memref<8x128xf32, #tpu.memory_space<vmem>>) target(%dma_start3A_969 : memref<8x128xf32, #tpu.memory_space<hbm>>) target_semaphore(%arg15 : memref<!tpu.dma_semaphore, #tpu.memory_space<semaphore_mem>>)
      %mul3A_973 = arith.constant 4 : i32
      %mul3A_974 = arith.muli %mul3A_973, %add3A : i32
      %add3A_975 = arith.constant 2 : i32
      %add3A_976 = arith.addi %mul3A_974, %add3A_975 : i32
      %dma_start3A_977 = arith.constant 3 : i32
      %dma_start3A_978 = arith.constant 24 : i32
      %dma_start3A_979 = arith.constant 0 : i32
      %dma_start3A_980 = tpu.memref_slice %arg11[%dma_start3A_978, %dma_start3A_979] : memref<32x129xf32, #tpu.memory_space<vmem>> -> memref<8x128xf32, #tpu.memory_space<vmem>>
      %dma_start3A_981 = arith.constant 0 : i32
      %dma_start3A_982 = arith.constant 0 : i32
      %dma_start3A_983 = tpu.memref_slice %arg5[%add3A_676, %dma_start3A_977, %add3A_976, %dma_start3A_981, %dma_start3A_982] : memref<50x4x128x8x128xf32, #tpu.memory_space<hbm>> -> memref<1x1x1x8x128xf32, #tpu.memory_space<hbm>>
      %dma_start3A_984 = tpu.memref_squeeze %dma_start3A_983 : memref<1x1x1x8x128xf32, #tpu.memory_space<hbm>> -> memref<8x128xf32, #tpu.memory_space<hbm>>
      %dma_start3A_985 = arith.constant 0 : i32
      %dma_start3A_986 = arith.constant 0 : i32
      %dma_start3A_987 = tpu.memref_slice %arg5[%add3A_676, %dma_start3A_977, %add3A_976, %dma_start3A_985, %dma_start3A_986] : memref<50x4x128x8x128xf32, #tpu.memory_space<hbm>> -> memref<1x1x1x8x128xf32, #tpu.memory_space<hbm>>
      %dma_start3A_988 = tpu.memref_squeeze %dma_start3A_987 : memref<1x1x1x8x128xf32, #tpu.memory_space<hbm>> -> memref<8x128xf32, #tpu.memory_space<hbm>>
      %dma_start3A_989 = arith.constant 24 : i32
      %dma_start3A_990 = arith.constant 0 : i32
      %dma_start3A_991 = tpu.memref_slice %arg11[%dma_start3A_989, %dma_start3A_990] : memref<32x129xf32, #tpu.memory_space<vmem>> -> memref<8x128xf32, #tpu.memory_space<vmem>>
      tpu.enqueue_dma source(%dma_start3A_991 : memref<8x128xf32, #tpu.memory_space<vmem>>) target(%dma_start3A_988 : memref<8x128xf32, #tpu.memory_space<hbm>>) target_semaphore(%arg15 : memref<!tpu.dma_semaphore, #tpu.memory_space<semaphore_mem>>)
      %mul3A_992 = arith.constant 4 : i32
      %mul3A_993 = arith.muli %mul3A_992, %add3A : i32
      %dma_wait3A_994 = arith.constant 0 : i32
      %dma_wait3A_995 = arith.constant 0 : i32
      %dma_wait3A_996 = arith.constant 0 : i32
      %dma_wait3A_997 = tpu.memref_slice %arg12[%dma_wait3A_995, %dma_wait3A_996] : memref<32x129xf32, #tpu.memory_space<vmem>> -> memref<8x128xf32, #tpu.memory_space<vmem>>
      %dma_wait3A_998 = arith.constant 0 : i32
      %dma_wait3A_999 = arith.constant 0 : i32
      %dma_wait3A_1000 = tpu.memref_slice %arg5[%add3A_676, %dma_wait3A_994, %mul3A_993, %dma_wait3A_998, %dma_wait3A_999] : memref<50x4x128x8x128xf32, #tpu.memory_space<hbm>> -> memref<1x1x1x8x128xf32, #tpu.memory_space<hbm>>
      %dma_wait3A_1001 = tpu.memref_squeeze %dma_wait3A_1000 : memref<1x1x1x8x128xf32, #tpu.memory_space<hbm>> -> memref<8x128xf32, #tpu.memory_space<hbm>>
      %dma_wait3A_1002 = arith.constant 0 : i32
      %dma_wait3A_1003 = arith.constant 0 : i32
      %dma_wait3A_1004 = tpu.memref_slice %arg5[%add3A_676, %dma_wait3A_994, %mul3A_993, %dma_wait3A_1002, %dma_wait3A_1003] : memref<50x4x128x8x128xf32, #tpu.memory_space<hbm>> -> memref<1x1x1x8x128xf32, #tpu.memory_space<hbm>>
      %dma_wait3A_1005 = tpu.memref_squeeze %dma_wait3A_1004 : memref<1x1x1x8x128xf32, #tpu.memory_space<hbm>> -> memref<8x128xf32, #tpu.memory_space<hbm>>
      %dma_wait3A_1006 = arith.constant 0 : i32
      %dma_wait3A_1007 = arith.constant 0 : i32
      %dma_wait3A_1008 = tpu.memref_slice %arg12[%dma_wait3A_1006, %dma_wait3A_1007] : memref<32x129xf32, #tpu.memory_space<vmem>> -> memref<8x128xf32, #tpu.memory_space<vmem>>
      tpu.wait_dma2 semaphore(%arg16 : memref<!tpu.dma_semaphore, #tpu.memory_space<semaphore_mem>>) src(%dma_wait3A_1008 : memref<8x128xf32, #tpu.memory_space<vmem>>) dst(%dma_wait3A_1005 : memref<8x128xf32, #tpu.memory_space<hbm>>)
      %mul3A_1009 = arith.constant 4 : i32
      %mul3A_1010 = arith.muli %mul3A_1009, %add3A : i32
      %dma_wait3A_1011 = arith.constant 1 : i32
      %dma_wait3A_1012 = arith.constant 8 : i32
      %dma_wait3A_1013 = arith.constant 0 : i32
      %dma_wait3A_1014 = tpu.memref_slice %arg12[%dma_wait3A_1012, %dma_wait3A_1013] : memref<32x129xf32, #tpu.memory_space<vmem>> -> memref<8x128xf32, #tpu.memory_space<vmem>>
      %dma_wait3A_1015 = arith.constant 0 : i32
      %dma_wait3A_1016 = arith.constant 0 : i32
      %dma_wait3A_1017 = tpu.memref_slice %arg5[%add3A_676, %dma_wait3A_1011, %mul3A_1010, %dma_wait3A_1015, %dma_wait3A_1016] : memref<50x4x128x8x128xf32, #tpu.memory_space<hbm>> -> memref<1x1x1x8x128xf32, #tpu.memory_space<hbm>>
      %dma_wait3A_1018 = tpu.memref_squeeze %dma_wait3A_1017 : memref<1x1x1x8x128xf32, #tpu.memory_space<hbm>> -> memref<8x128xf32, #tpu.memory_space<hbm>>
      %dma_wait3A_1019 = arith.constant 0 : i32
      %dma_wait3A_1020 = arith.constant 0 : i32
      %dma_wait3A_1021 = tpu.memref_slice %arg5[%add3A_676, %dma_wait3A_1011, %mul3A_1010, %dma_wait3A_1019, %dma_wait3A_1020] : memref<50x4x128x8x128xf32, #tpu.memory_space<hbm>> -> memref<1x1x1x8x128xf32, #tpu.memory_space<hbm>>
      %dma_wait3A_1022 = tpu.memref_squeeze %dma_wait3A_1021 : memref<1x1x1x8x128xf32, #tpu.memory_space<hbm>> -> memref<8x128xf32, #tpu.memory_space<hbm>>
      %dma_wait3A_1023 = arith.constant 8 : i32
      %dma_wait3A_1024 = arith.constant 0 : i32
      %dma_wait3A_1025 = tpu.memref_slice %arg12[%dma_wait3A_1023, %dma_wait3A_1024] : memref<32x129xf32, #tpu.memory_space<vmem>> -> memref<8x128xf32, #tpu.memory_space<vmem>>
      tpu.wait_dma2 semaphore(%arg16 : memref<!tpu.dma_semaphore, #tpu.memory_space<semaphore_mem>>) src(%dma_wait3A_1025 : memref<8x128xf32, #tpu.memory_space<vmem>>) dst(%dma_wait3A_1022 : memref<8x128xf32, #tpu.memory_space<hbm>>)
      %mul3A_1026 = arith.constant 4 : i32
      %mul3A_1027 = arith.muli %mul3A_1026, %add3A : i32
      %dma_wait3A_1028 = arith.constant 2 : i32
      %dma_wait3A_1029 = arith.constant 16 : i32
      %dma_wait3A_1030 = arith.constant 0 : i32
      %dma_wait3A_1031 = tpu.memref_slice %arg12[%dma_wait3A_1029, %dma_wait3A_1030] : memref<32x129xf32, #tpu.memory_space<vmem>> -> memref<8x128xf32, #tpu.memory_space<vmem>>
      %dma_wait3A_1032 = arith.constant 0 : i32
      %dma_wait3A_1033 = arith.constant 0 : i32
      %dma_wait3A_1034 = tpu.memref_slice %arg5[%add3A_676, %dma_wait3A_1028, %mul3A_1027, %dma_wait3A_1032, %dma_wait3A_1033] : memref<50x4x128x8x128xf32, #tpu.memory_space<hbm>> -> memref<1x1x1x8x128xf32, #tpu.memory_space<hbm>>
      %dma_wait3A_1035 = tpu.memref_squeeze %dma_wait3A_1034 : memref<1x1x1x8x128xf32, #tpu.memory_space<hbm>> -> memref<8x128xf32, #tpu.memory_space<hbm>>
      %dma_wait3A_1036 = arith.constant 0 : i32
      %dma_wait3A_1037 = arith.constant 0 : i32
      %dma_wait3A_1038 = tpu.memref_slice %arg5[%add3A_676, %dma_wait3A_1028, %mul3A_1027, %dma_wait3A_1036, %dma_wait3A_1037] : memref<50x4x128x8x128xf32, #tpu.memory_space<hbm>> -> memref<1x1x1x8x128xf32, #tpu.memory_space<hbm>>
      %dma_wait3A_1039 = tpu.memref_squeeze %dma_wait3A_1038 : memref<1x1x1x8x128xf32, #tpu.memory_space<hbm>> -> memref<8x128xf32, #tpu.memory_space<hbm>>
      %dma_wait3A_1040 = arith.constant 16 : i32
      %dma_wait3A_1041 = arith.constant 0 : i32
      %dma_wait3A_1042 = tpu.memref_slice %arg12[%dma_wait3A_1040, %dma_wait3A_1041] : memref<32x129xf32, #tpu.memory_space<vmem>> -> memref<8x128xf32, #tpu.memory_space<vmem>>
      tpu.wait_dma2 semaphore(%arg16 : memref<!tpu.dma_semaphore, #tpu.memory_space<semaphore_mem>>) src(%dma_wait3A_1042 : memref<8x128xf32, #tpu.memory_space<vmem>>) dst(%dma_wait3A_1039 : memref<8x128xf32, #tpu.memory_space<hbm>>)
      %mul3A_1043 = arith.constant 4 : i32
      %mul3A_1044 = arith.muli %mul3A_1043, %add3A : i32
      %dma_wait3A_1045 = arith.constant 3 : i32
      %dma_wait3A_1046 = arith.constant 24 : i32
      %dma_wait3A_1047 = arith.constant 0 : i32
      %dma_wait3A_1048 = tpu.memref_slice %arg12[%dma_wait3A_1046, %dma_wait3A_1047] : memref<32x129xf32, #tpu.memory_space<vmem>> -> memref<8x128xf32, #tpu.memory_space<vmem>>
      %dma_wait3A_1049 = arith.constant 0 : i32
      %dma_wait3A_1050 = arith.constant 0 : i32
      %dma_wait3A_1051 = tpu.memref_slice %arg5[%add3A_676, %dma_wait3A_1045, %mul3A_1044, %dma_wait3A_1049, %dma_wait3A_1050] : memref<50x4x128x8x128xf32, #tpu.memory_space<hbm>> -> memref<1x1x1x8x128xf32, #tpu.memory_space<hbm>>
      %dma_wait3A_1052 = tpu.memref_squeeze %dma_wait3A_1051 : memref<1x1x1x8x128xf32, #tpu.memory_space<hbm>> -> memref<8x128xf32, #tpu.memory_space<hbm>>
      %dma_wait3A_1053 = arith.constant 0 : i32
      %dma_wait3A_1054 = arith.constant 0 : i32
      %dma_wait3A_1055 = tpu.memref_slice %arg5[%add3A_676, %dma_wait3A_1045, %mul3A_1044, %dma_wait3A_1053, %dma_wait3A_1054] : memref<50x4x128x8x128xf32, #tpu.memory_space<hbm>> -> memref<1x1x1x8x128xf32, #tpu.memory_space<hbm>>
      %dma_wait3A_1056 = tpu.memref_squeeze %dma_wait3A_1055 : memref<1x1x1x8x128xf32, #tpu.memory_space<hbm>> -> memref<8x128xf32, #tpu.memory_space<hbm>>
      %dma_wait3A_1057 = arith.constant 24 : i32
      %dma_wait3A_1058 = arith.constant 0 : i32
      %dma_wait3A_1059 = tpu.memref_slice %arg12[%dma_wait3A_1057, %dma_wait3A_1058] : memref<32x129xf32, #tpu.memory_space<vmem>> -> memref<8x128xf32, #tpu.memory_space<vmem>>
      tpu.wait_dma2 semaphore(%arg16 : memref<!tpu.dma_semaphore, #tpu.memory_space<semaphore_mem>>) src(%dma_wait3A_1059 : memref<8x128xf32, #tpu.memory_space<vmem>>) dst(%dma_wait3A_1056 : memref<8x128xf32, #tpu.memory_space<hbm>>)
      %parallel_loop3A_1060 = arith.constant 0 : i32
      %parallel_loop3A_1061 = arith.constant 128 : i32
      %parallel_loop3A_1062 = arith.constant 1 : i32
      scf.for %parallel_loop3A_1146 = %parallel_loop3A_1060 to %parallel_loop3A_1061 step %parallel_loop3A_1062  : i32 {
        %parallel_loop3A_1147 = arith.constant 384 : i32
        %parallel_loop3A_1148 = arith.addi %parallel_loop3A_1147, %parallel_loop3A_1146 : i32
        %parallel_loop3A_1149 = arith.constant 0 : i32
        %parallel_loop3A_1150 = vector.broadcast %parallel_loop3A_1149 : i32 to vector<16xi32>
        %parallel_loop3A_1151 = vector.broadcast %parallel_loop3A_1146 : i32 to vector<16xi32>
        %parallel_loop3A_1152 = arith.addi %parallel_loop3A_1150, %parallel_loop3A_1151 : vector<16xi32>
        %parallel_loop3A_1153 = arith.index_cast %parallel_loop3A_1148 : i32 to index
        %parallel_loop3A_1154 = arith.constant 0 : index
        %parallel_loop3A_1155 = tpu.vector_load %arg9[%parallel_loop3A_1153, %parallel_loop3A_1154] {strides = array<i32>} : memref<512x32xf32, #tpu.memory_space<vmem>>, vector<16xf32>,
        %parallel_loop3A_1156 = arith.index_cast %parallel_loop3A_1148 : i32 to index
        %parallel_loop3A_1157 = arith.constant 0 : index
        %parallel_loop3A_1158 = tpu.vector_load %arg10[%parallel_loop3A_1156, %parallel_loop3A_1157] {strides = array<i32>} : memref<512x32xf32, #tpu.memory_space<vmem>>, vector<16xf32>,
        %parallel_loop3A_1159 = arith.addf %parallel_loop3A_1155, %parallel_loop3A_1158 : vector<16xf32>
        tpu.vector_store_idx %arg12[%iota3A, %parallel_loop3A_1152], %parallel_loop3A_1159 : memref<32x129xf32, #tpu.memory_space<vmem>>[vector<16xi32>, vector<16xi32>], vector<16xf32>,
        %parallel_loop3A_1160 = arith.index_cast %parallel_loop3A_1148 : i32 to index
        %parallel_loop3A_1161 = arith.constant 16 : index
        %parallel_loop3A_1162 = tpu.vector_load %arg9[%parallel_loop3A_1160, %parallel_loop3A_1161] {strides = array<i32>} : memref<512x32xf32, #tpu.memory_space<vmem>>, vector<16xf32>,
        %parallel_loop3A_1163 = arith.index_cast %parallel_loop3A_1148 : i32 to index
        %parallel_loop3A_1164 = arith.constant 16 : index
        %parallel_loop3A_1165 = tpu.vector_load %arg10[%parallel_loop3A_1163, %parallel_loop3A_1164] {strides = array<i32>} : memref<512x32xf32, #tpu.memory_space<vmem>>, vector<16xf32>,
        %parallel_loop3A_1166 = arith.addf %parallel_loop3A_1162, %parallel_loop3A_1165 : vector<16xf32>
        tpu.vector_store_idx %arg12[%add3A_5, %parallel_loop3A_1152], %parallel_loop3A_1166 : memref<32x129xf32, #tpu.memory_space<vmem>>[vector<16xi32>, vector<16xi32>], vector<16xf32>,
      } {sc.loop_unroll_factor = 4 : i64, sc.parallel_access}
      %mul3A_1063 = arith.constant 4 : i32
      %mul3A_1064 = arith.muli %mul3A_1063, %add3A : i32
      %add3A_1065 = arith.constant 3 : i32
      %add3A_1066 = arith.addi %mul3A_1064, %add3A_1065 : i32
      %dma_start3A_1067 = arith.constant 0 : i32
      %dma_start3A_1068 = arith.constant 0 : i32
      %dma_start3A_1069 = arith.constant 0 : i32
      %dma_start3A_1070 = tpu.memref_slice %arg12[%dma_start3A_1068, %dma_start3A_1069] : memref<32x129xf32, #tpu.memory_space<vmem>> -> memref<8x128xf32, #tpu.memory_space<vmem>>
      %dma_start3A_1071 = arith.constant 0 : i32
      %dma_start3A_1072 = arith.constant 0 : i32
      %dma_start3A_1073 = tpu.memref_slice %arg5[%add3A_676, %dma_start3A_1067, %add3A_1066, %dma_start3A_1071, %dma_start3A_1072] : memref<50x4x128x8x128xf32, #tpu.memory_space<hbm>> -> memref<1x1x1x8x128xf32, #tpu.memory_space<hbm>>
      %dma_start3A_1074 = tpu.memref_squeeze %dma_start3A_1073 : memref<1x1x1x8x128xf32, #tpu.memory_space<hbm>> -> memref<8x128xf32, #tpu.memory_space<hbm>>
      %dma_start3A_1075 = arith.constant 0 : i32
      %dma_start3A_1076 = arith.constant 0 : i32
      %dma_start3A_1077 = tpu.memref_slice %arg5[%add3A_676, %dma_start3A_1067, %add3A_1066, %dma_start3A_1075, %dma_start3A_1076] : memref<50x4x128x8x128xf32, #tpu.memory_space<hbm>> -> memref<1x1x1x8x128xf32, #tpu.memory_space<hbm>>
      %dma_start3A_1078 = tpu.memref_squeeze %dma_start3A_1077 : memref<1x1x1x8x128xf32, #tpu.memory_space<hbm>> -> memref<8x128xf32, #tpu.memory_space<hbm>>
      %dma_start3A_1079 = arith.constant 0 : i32
      %dma_start3A_1080 = arith.constant 0 : i32
      %dma_start3A_1081 = tpu.memref_slice %arg12[%dma_start3A_1079, %dma_start3A_1080] : memref<32x129xf32, #tpu.memory_space<vmem>> -> memref<8x128xf32, #tpu.memory_space<vmem>>
      tpu.enqueue_dma source(%dma_start3A_1081 : memref<8x128xf32, #tpu.memory_space<vmem>>) target(%dma_start3A_1078 : memref<8x128xf32, #tpu.memory_space<hbm>>) target_semaphore(%arg16 : memref<!tpu.dma_semaphore, #tpu.memory_space<semaphore_mem>>)
      %mul3A_1082 = arith.constant 4 : i32
      %mul3A_1083 = arith.muli %mul3A_1082, %add3A : i32
      %add3A_1084 = arith.constant 3 : i32
      %add3A_1085 = arith.addi %mul3A_1083, %add3A_1084 : i32
      %dma_start3A_1086 = arith.constant 1 : i32
      %dma_start3A_1087 = arith.constant 8 : i32
      %dma_start3A_1088 = arith.constant 0 : i32
      %dma_start3A_1089 = tpu.memref_slice %arg12[%dma_start3A_1087, %dma_start3A_1088] : memref<32x129xf32, #tpu.memory_space<vmem>> -> memref<8x128xf32, #tpu.memory_space<vmem>>
      %dma_start3A_1090 = arith.constant 0 : i32
      %dma_start3A_1091 = arith.constant 0 : i32
      %dma_start3A_1092 = tpu.memref_slice %arg5[%add3A_676, %dma_start3A_1086, %add3A_1085, %dma_start3A_1090, %dma_start3A_1091] : memref<50x4x128x8x128xf32, #tpu.memory_space<hbm>> -> memref<1x1x1x8x128xf32, #tpu.memory_space<hbm>>
      %dma_start3A_1093 = tpu.memref_squeeze %dma_start3A_1092 : memref<1x1x1x8x128xf32, #tpu.memory_space<hbm>> -> memref<8x128xf32, #tpu.memory_space<hbm>>
      %dma_start3A_1094 = arith.constant 0 : i32
      %dma_start3A_1095 = arith.constant 0 : i32
      %dma_start3A_1096 = tpu.memref_slice %arg5[%add3A_676, %dma_start3A_1086, %add3A_1085, %dma_start3A_1094, %dma_start3A_1095] : memref<50x4x128x8x128xf32, #tpu.memory_space<hbm>> -> memref<1x1x1x8x128xf32, #tpu.memory_space<hbm>>
      %dma_start3A_1097 = tpu.memref_squeeze %dma_start3A_1096 : memref<1x1x1x8x128xf32, #tpu.memory_space<hbm>> -> memref<8x128xf32, #tpu.memory_space<hbm>>
      %dma_start3A_1098 = arith.constant 8 : i32
      %dma_start3A_1099 = arith.constant 0 : i32
      %dma_start3A_1100 = tpu.memref_slice %arg12[%dma_start3A_1098, %dma_start3A_1099] : memref<32x129xf32, #tpu.memory_space<vmem>> -> memref<8x128xf32, #tpu.memory_space<vmem>>
      tpu.enqueue_dma source(%dma_start3A_1100 : memref<8x128xf32, #tpu.memory_space<vmem>>) target(%dma_start3A_1097 : memref<8x128xf32, #tpu.memory_space<hbm>>) target_semaphore(%arg16 : memref<!tpu.dma_semaphore, #tpu.memory_space<semaphore_mem>>)
      %mul3A_1101 = arith.constant 4 : i32
      %mul3A_1102 = arith.muli %mul3A_1101, %add3A : i32
      %add3A_1103 = arith.constant 3 : i32
      %add3A_1104 = arith.addi %mul3A_1102, %add3A_1103 : i32
      %dma_start3A_1105 = arith.constant 2 : i32
      %dma_start3A_1106 = arith.constant 16 : i32
      %dma_start3A_1107 = arith.constant 0 : i32
      %dma_start3A_1108 = tpu.memref_slice %arg12[%dma_start3A_1106, %dma_start3A_1107] : memref<32x129xf32, #tpu.memory_space<vmem>> -> memref<8x128xf32, #tpu.memory_space<vmem>>
      %dma_start3A_1109 = arith.constant 0 : i32
      %dma_start3A_1110 = arith.constant 0 : i32
      %dma_start3A_1111 = tpu.memref_slice %arg5[%add3A_676, %dma_start3A_1105, %add3A_1104, %dma_start3A_1109, %dma_start3A_1110] : memref<50x4x128x8x128xf32, #tpu.memory_space<hbm>> -> memref<1x1x1x8x128xf32, #tpu.memory_space<hbm>>
      %dma_start3A_1112 = tpu.memref_squeeze %dma_start3A_1111 : memref<1x1x1x8x128xf32, #tpu.memory_space<hbm>> -> memref<8x128xf32, #tpu.memory_space<hbm>>
      %dma_start3A_1113 = arith.constant 0 : i32
      %dma_start3A_1114 = arith.constant 0 : i32
      %dma_start3A_1115 = tpu.memref_slice %arg5[%add3A_676, %dma_start3A_1105, %add3A_1104, %dma_start3A_1113, %dma_start3A_1114] : memref<50x4x128x8x128xf32, #tpu.memory_space<hbm>> -> memref<1x1x1x8x128xf32, #tpu.memory_space<hbm>>
      %dma_start3A_1116 = tpu.memref_squeeze %dma_start3A_1115 : memref<1x1x1x8x128xf32, #tpu.memory_space<hbm>> -> memref<8x128xf32, #tpu.memory_space<hbm>>
      %dma_start3A_1117 = arith.constant 16 : i32
      %dma_start3A_1118 = arith.constant 0 : i32
      %dma_start3A_1119 = tpu.memref_slice %arg12[%dma_start3A_1117, %dma_start3A_1118] : memref<32x129xf32, #tpu.memory_space<vmem>> -> memref<8x128xf32, #tpu.memory_space<vmem>>
      tpu.enqueue_dma source(%dma_start3A_1119 : memref<8x128xf32, #tpu.memory_space<vmem>>) target(%dma_start3A_1116 : memref<8x128xf32, #tpu.memory_space<hbm>>) target_semaphore(%arg16 : memref<!tpu.dma_semaphore, #tpu.memory_space<semaphore_mem>>)
      %mul3A_1120 = arith.constant 4 : i32
      %mul3A_1121 = arith.muli %mul3A_1120, %add3A : i32
      %add3A_1122 = arith.constant 3 : i32
      %add3A_1123 = arith.addi %mul3A_1121, %add3A_1122 : i32
      %dma_start3A_1124 = arith.constant 3 : i32
      %dma_start3A_1125 = arith.constant 24 : i32
      %dma_start3A_1126 = arith.constant 0 : i32
      %dma_start3A_1127 = tpu.memref_slice %arg12[%dma_start3A_1125, %dma_start3A_1126] : memref<32x129xf32, #tpu.memory_space<vmem>> -> memref<8x128xf32, #tpu.memory_space<vmem>>
      %dma_start3A_1128 = arith.constant 0 : i32
      %dma_start3A_1129 = arith.constant 0 : i32
      %dma_start3A_1130 = tpu.memref_slice %arg5[%add3A_676, %dma_start3A_1124, %add3A_1123, %dma_start3A_1128, %dma_start3A_1129] : memref<50x4x128x8x128xf32, #tpu.memory_space<hbm>> -> memref<1x1x1x8x128xf32, #tpu.memory_space<hbm>>
      %dma_start3A_1131 = tpu.memref_squeeze %dma_start3A_1130 : memref<1x1x1x8x128xf32, #tpu.memory_space<hbm>> -> memref<8x128xf32, #tpu.memory_space<hbm>>
      %dma_start3A_1132 = arith.constant 0 : i32
      %dma_start3A_1133 = arith.constant 0 : i32
      %dma_start3A_1134 = tpu.memref_slice %arg5[%add3A_676, %dma_start3A_1124, %add3A_1123, %dma_start3A_1132, %dma_start3A_1133] : memref<50x4x128x8x128xf32, #tpu.memory_space<hbm>> -> memref<1x1x1x8x128xf32, #tpu.memory_space<hbm>>
      %dma_start3A_1135 = tpu.memref_squeeze %dma_start3A_1134 : memref<1x1x1x8x128xf32, #tpu.memory_space<hbm>> -> memref<8x128xf32, #tpu.memory_space<hbm>>
      %dma_start3A_1136 = arith.constant 24 : i32
      %dma_start3A_1137 = arith.constant 0 : i32
      %dma_start3A_1138 = tpu.memref_slice %arg12[%dma_start3A_1136, %dma_start3A_1137] : memref<32x129xf32, #tpu.memory_space<vmem>> -> memref<8x128xf32, #tpu.memory_space<vmem>>
      tpu.enqueue_dma source(%dma_start3A_1138 : memref<8x128xf32, #tpu.memory_space<vmem>>) target(%dma_start3A_1135 : memref<8x128xf32, #tpu.memory_space<hbm>>) target_semaphore(%arg16 : memref<!tpu.dma_semaphore, #tpu.memory_space<semaphore_mem>>)
      %add3A_1139 = arith.constant 3 : i32
      %add3A_1140 = arith.addi %add3A_184, %add3A_1139 : i32
      %lt3A_1141 = arith.constant 50 : i32
      %lt3A_1142 = arith.cmpi slt, %add3A_1140, %lt3A_1141 : i32
      %convert_element_type3A_1143 = arith.extui %lt3A_1142 : i1 to i32
      %cond3A_1144 = arith.constant 0 : i32
      %cond3A_1145 = arith.cmpi ne, %convert_element_type3A_1143, %cond3A_1144 : i32
      scf.if %cond3A_1145 {
        %add3A_1146 = arith.constant 3 : i32
        %add3A_1147 = arith.addi %add3A_184, %add3A_1146 : i32
        %dma_start3A_1148 = arith.constant 0 : i32
        %dma_start3A_1149 = tpu.memref_slice %arg6[%add3A_1147, %dma_start3A_1148] : memref<50x512xi32, #tpu.memory_space<vmem>> -> memref<1x512xi32, #tpu.memory_space<vmem>>
        %dma_start3A_1150 = tpu.memref_squeeze %dma_start3A_1149 : memref<1x512xi32, #tpu.memory_space<vmem>> -> memref<512xi32, #tpu.memory_space<vmem>>
        %dma_start3A_1151 = arith.constant 0 : i32
        %dma_start3A_1152 = arith.constant 0 : i32
        %dma_start3A_1153 = tpu.memref_slice %arg3[%dma_start3A_1151, %dma_start3A_1152] : memref<1000000x32xf32, #tpu.memory_space<hbm>> -> memref<1000000x32xf32, #tpu.memory_space<hbm>>
        tpu.enqueue_indirect_dma source(%dma_start3A_1153 : memref<1000000x32xf32, #tpu.memory_space<hbm>>) target(%arg9 : memref<512x32xf32, #tpu.memory_space<vmem>>) offsets(%dma_start3A_1150 : memref<512xi32, #tpu.memory_space<vmem>>) semaphore(%arg14 : memref<!tpu.dma_semaphore, #tpu.memory_space<semaphore_mem>>)
        %dma_start3A_1154 = arith.constant 0 : i32
        %dma_start3A_1155 = tpu.memref_slice %arg6[%add3A_1147, %dma_start3A_1154] : memref<50x512xi32, #tpu.memory_space<vmem>> -> memref<1x512xi32, #tpu.memory_space<vmem>>
        %dma_start3A_1156 = tpu.memref_squeeze %dma_start3A_1155 : memref<1x512xi32, #tpu.memory_space<vmem>> -> memref<512xi32, #tpu.memory_space<vmem>>
        %dma_start3A_1157 = arith.constant 0 : i32
        %dma_start3A_1158 = arith.constant 0 : i32
        %dma_start3A_1159 = tpu.memref_slice %arg4[%dma_start3A_1157, %dma_start3A_1158] : memref<1000000x32xf32, #tpu.memory_space<hbm>> -> memref<1000000x32xf32, #tpu.memory_space<hbm>>
        tpu.enqueue_indirect_dma source(%dma_start3A_1159 : memref<1000000x32xf32, #tpu.memory_space<hbm>>) target(%arg10 : memref<512x32xf32, #tpu.memory_space<vmem>>) offsets(%dma_start3A_1156 : memref<512xi32, #tpu.memory_space<vmem>>) semaphore(%arg14 : memref<!tpu.dma_semaphore, #tpu.memory_space<semaphore_mem>>)
      } else {
      }
    }
    %scan3A_36 = arith.constant 25 : i32
    %mul3A_37 = arith.constant 4 : i32
    %mul3A_38 = arith.muli %mul3A_37, %add3A : i32
    %dma_wait3A = arith.constant 49 : i32
    %dma_wait3A_39 = arith.constant 0 : i32
    %dma_wait3A_40 = arith.constant 0 : i32
    %dma_wait3A_41 = arith.constant 0 : i32
    %dma_wait3A_42 = tpu.memref_slice %arg11[%dma_wait3A_40, %dma_wait3A_41] : memref<32x129xf32, #tpu.memory_space<vmem>> -> memref<8x128xf32, #tpu.memory_space<vmem>>
    %dma_wait3A_43 = arith.constant 0 : i32
    %dma_wait3A_44 = arith.constant 0 : i32
    %dma_wait3A_45 = tpu.memref_slice %arg5[%dma_wait3A, %dma_wait3A_39, %mul3A_38, %dma_wait3A_43, %dma_wait3A_44] : memref<50x4x128x8x128xf32, #tpu.memory_space<hbm>> -> memref<1x1x1x8x128xf32, #tpu.memory_space<hbm>>
    %dma_wait3A_46 = tpu.memref_squeeze %dma_wait3A_45 : memref<1x1x1x8x128xf32, #tpu.memory_space<hbm>> -> memref<8x128xf32, #tpu.memory_space<hbm>>
    %dma_wait3A_47 = arith.constant 0 : i32
    %dma_wait3A_48 = arith.constant 0 : i32
    %dma_wait3A_49 = tpu.memref_slice %arg5[%dma_wait3A, %dma_wait3A_39, %mul3A_38, %dma_wait3A_47, %dma_wait3A_48] : memref<50x4x128x8x128xf32, #tpu.memory_space<hbm>> -> memref<1x1x1x8x128xf32, #tpu.memory_space<hbm>>
    %dma_wait3A_50 = tpu.memref_squeeze %dma_wait3A_49 : memref<1x1x1x8x128xf32, #tpu.memory_space<hbm>> -> memref<8x128xf32, #tpu.memory_space<hbm>>
    %dma_wait3A_51 = arith.constant 0 : i32
    %dma_wait3A_52 = arith.constant 0 : i32
    %dma_wait3A_53 = tpu.memref_slice %arg11[%dma_wait3A_51, %dma_wait3A_52] : memref<32x129xf32, #tpu.memory_space<vmem>> -> memref<8x128xf32, #tpu.memory_space<vmem>>
    tpu.wait_dma2 semaphore(%arg15 : memref<!tpu.dma_semaphore, #tpu.memory_space<semaphore_mem>>) src(%dma_wait3A_53 : memref<8x128xf32, #tpu.memory_space<vmem>>) dst(%dma_wait3A_50 : memref<8x128xf32, #tpu.memory_space<hbm>>)
    %mul3A_54 = arith.constant 4 : i32
    %mul3A_55 = arith.muli %mul3A_54, %add3A : i32
    %dma_wait3A_56 = arith.constant 49 : i32
    %dma_wait3A_57 = arith.constant 1 : i32
    %dma_wait3A_58 = arith.constant 8 : i32
    %dma_wait3A_59 = arith.constant 0 : i32
    %dma_wait3A_60 = tpu.memref_slice %arg11[%dma_wait3A_58, %dma_wait3A_59] : memref<32x129xf32, #tpu.memory_space<vmem>> -> memref<8x128xf32, #tpu.memory_space<vmem>>
    %dma_wait3A_61 = arith.constant 0 : i32
    %dma_wait3A_62 = arith.constant 0 : i32
    %dma_wait3A_63 = tpu.memref_slice %arg5[%dma_wait3A_56, %dma_wait3A_57, %mul3A_55, %dma_wait3A_61, %dma_wait3A_62] : memref<50x4x128x8x128xf32, #tpu.memory_space<hbm>> -> memref<1x1x1x8x128xf32, #tpu.memory_space<hbm>>
    %dma_wait3A_64 = tpu.memref_squeeze %dma_wait3A_63 : memref<1x1x1x8x128xf32, #tpu.memory_space<hbm>> -> memref<8x128xf32, #tpu.memory_space<hbm>>
    %dma_wait3A_65 = arith.constant 0 : i32
    %dma_wait3A_66 = arith.constant 0 : i32
    %dma_wait3A_67 = tpu.memref_slice %arg5[%dma_wait3A_56, %dma_wait3A_57, %mul3A_55, %dma_wait3A_65, %dma_wait3A_66] : memref<50x4x128x8x128xf32, #tpu.memory_space<hbm>> -> memref<1x1x1x8x128xf32, #tpu.memory_space<hbm>>
    %dma_wait3A_68 = tpu.memref_squeeze %dma_wait3A_67 : memref<1x1x1x8x128xf32, #tpu.memory_space<hbm>> -> memref<8x128xf32, #tpu.memory_space<hbm>>
    %dma_wait3A_69 = arith.constant 8 : i32
    %dma_wait3A_70 = arith.constant 0 : i32
    %dma_wait3A_71 = tpu.memref_slice %arg11[%dma_wait3A_69, %dma_wait3A_70] : memref<32x129xf32, #tpu.memory_space<vmem>> -> memref<8x128xf32, #tpu.memory_space<vmem>>
    tpu.wait_dma2 semaphore(%arg15 : memref<!tpu.dma_semaphore, #tpu.memory_space<semaphore_mem>>) src(%dma_wait3A_71 : memref<8x128xf32, #tpu.memory_space<vmem>>) dst(%dma_wait3A_68 : memref<8x128xf32, #tpu.memory_space<hbm>>)
    %mul3A_72 = arith.constant 4 : i32
    %mul3A_73 = arith.muli %mul3A_72, %add3A : i32
    %dma_wait3A_74 = arith.constant 49 : i32
    %dma_wait3A_75 = arith.constant 2 : i32
    %dma_wait3A_76 = arith.constant 16 : i32
    %dma_wait3A_77 = arith.constant 0 : i32
    %dma_wait3A_78 = tpu.memref_slice %arg11[%dma_wait3A_76, %dma_wait3A_77] : memref<32x129xf32, #tpu.memory_space<vmem>> -> memref<8x128xf32, #tpu.memory_space<vmem>>
    %dma_wait3A_79 = arith.constant 0 : i32
    %dma_wait3A_80 = arith.constant 0 : i32
    %dma_wait3A_81 = tpu.memref_slice %arg5[%dma_wait3A_74, %dma_wait3A_75, %mul3A_73, %dma_wait3A_79, %dma_wait3A_80] : memref<50x4x128x8x128xf32, #tpu.memory_space<hbm>> -> memref<1x1x1x8x128xf32, #tpu.memory_space<hbm>>
    %dma_wait3A_82 = tpu.memref_squeeze %dma_wait3A_81 : memref<1x1x1x8x128xf32, #tpu.memory_space<hbm>> -> memref<8x128xf32, #tpu.memory_space<hbm>>
    %dma_wait3A_83 = arith.constant 0 : i32
    %dma_wait3A_84 = arith.constant 0 : i32
    %dma_wait3A_85 = tpu.memref_slice %arg5[%dma_wait3A_74, %dma_wait3A_75, %mul3A_73, %dma_wait3A_83, %dma_wait3A_84] : memref<50x4x128x8x128xf32, #tpu.memory_space<hbm>> -> memref<1x1x1x8x128xf32, #tpu.memory_space<hbm>>
    %dma_wait3A_86 = tpu.memref_squeeze %dma_wait3A_85 : memref<1x1x1x8x128xf32, #tpu.memory_space<hbm>> -> memref<8x128xf32, #tpu.memory_space<hbm>>
    %dma_wait3A_87 = arith.constant 16 : i32
    %dma_wait3A_88 = arith.constant 0 : i32
    %dma_wait3A_89 = tpu.memref_slice %arg11[%dma_wait3A_87, %dma_wait3A_88] : memref<32x129xf32, #tpu.memory_space<vmem>> -> memref<8x128xf32, #tpu.memory_space<vmem>>
    tpu.wait_dma2 semaphore(%arg15 : memref<!tpu.dma_semaphore, #tpu.memory_space<semaphore_mem>>) src(%dma_wait3A_89 : memref<8x128xf32, #tpu.memory_space<vmem>>) dst(%dma_wait3A_86 : memref<8x128xf32, #tpu.memory_space<hbm>>)
    %mul3A_90 = arith.constant 4 : i32
    %mul3A_91 = arith.muli %mul3A_90, %add3A : i32
    %dma_wait3A_92 = arith.constant 49 : i32
    %dma_wait3A_93 = arith.constant 3 : i32
    %dma_wait3A_94 = arith.constant 24 : i32
    %dma_wait3A_95 = arith.constant 0 : i32
    %dma_wait3A_96 = tpu.memref_slice %arg11[%dma_wait3A_94, %dma_wait3A_95] : memref<32x129xf32, #tpu.memory_space<vmem>> -> memref<8x128xf32, #tpu.memory_space<vmem>>
    %dma_wait3A_97 = arith.constant 0 : i32
    %dma_wait3A_98 = arith.constant 0 : i32
    %dma_wait3A_99 = tpu.memref_slice %arg5[%dma_wait3A_92, %dma_wait3A_93, %mul3A_91, %dma_wait3A_97, %dma_wait3A_98] : memref<50x4x128x8x128xf32, #tpu.memory_space<hbm>> -> memref<1x1x1x8x128xf32, #tpu.memory_space<hbm>>
    %dma_wait3A_100 = tpu.memref_squeeze %dma_wait3A_99 : memref<1x1x1x8x128xf32, #tpu.memory_space<hbm>> -> memref<8x128xf32, #tpu.memory_space<hbm>>
    %dma_wait3A_101 = arith.constant 0 : i32
    %dma_wait3A_102 = arith.constant 0 : i32
    %dma_wait3A_103 = tpu.memref_slice %arg5[%dma_wait3A_92, %dma_wait3A_93, %mul3A_91, %dma_wait3A_101, %dma_wait3A_102] : memref<50x4x128x8x128xf32, #tpu.memory_space<hbm>> -> memref<1x1x1x8x128xf32, #tpu.memory_space<hbm>>
    %dma_wait3A_104 = tpu.memref_squeeze %dma_wait3A_103 : memref<1x1x1x8x128xf32, #tpu.memory_space<hbm>> -> memref<8x128xf32, #tpu.memory_space<hbm>>
    %dma_wait3A_105 = arith.constant 24 : i32
    %dma_wait3A_106 = arith.constant 0 : i32
    %dma_wait3A_107 = tpu.memref_slice %arg11[%dma_wait3A_105, %dma_wait3A_106] : memref<32x129xf32, #tpu.memory_space<vmem>> -> memref<8x128xf32, #tpu.memory_space<vmem>>
    tpu.wait_dma2 semaphore(%arg15 : memref<!tpu.dma_semaphore, #tpu.memory_space<semaphore_mem>>) src(%dma_wait3A_107 : memref<8x128xf32, #tpu.memory_space<vmem>>) dst(%dma_wait3A_104 : memref<8x128xf32, #tpu.memory_space<hbm>>)
    %mul3A_108 = arith.constant 4 : i32
    %mul3A_109 = arith.muli %mul3A_108, %add3A : i32
    %dma_wait3A_110 = arith.constant 49 : i32
    %dma_wait3A_111 = arith.constant 0 : i32
    %dma_wait3A_112 = arith.constant 0 : i32
    %dma_wait3A_113 = arith.constant 0 : i32
    %dma_wait3A_114 = tpu.memref_slice %arg12[%dma_wait3A_112, %dma_wait3A_113] : memref<32x129xf32, #tpu.memory_space<vmem>> -> memref<8x128xf32, #tpu.memory_space<vmem>>
    %dma_wait3A_115 = arith.constant 0 : i32
    %dma_wait3A_116 = arith.constant 0 : i32
    %dma_wait3A_117 = tpu.memref_slice %arg5[%dma_wait3A_110, %dma_wait3A_111, %mul3A_109, %dma_wait3A_115, %dma_wait3A_116] : memref<50x4x128x8x128xf32, #tpu.memory_space<hbm>> -> memref<1x1x1x8x128xf32, #tpu.memory_space<hbm>>
    %dma_wait3A_118 = tpu.memref_squeeze %dma_wait3A_117 : memref<1x1x1x8x128xf32, #tpu.memory_space<hbm>> -> memref<8x128xf32, #tpu.memory_space<hbm>>
    %dma_wait3A_119 = arith.constant 0 : i32
    %dma_wait3A_120 = arith.constant 0 : i32
    %dma_wait3A_121 = tpu.memref_slice %arg5[%dma_wait3A_110, %dma_wait3A_111, %mul3A_109, %dma_wait3A_119, %dma_wait3A_120] : memref<50x4x128x8x128xf32, #tpu.memory_space<hbm>> -> memref<1x1x1x8x128xf32, #tpu.memory_space<hbm>>
    %dma_wait3A_122 = tpu.memref_squeeze %dma_wait3A_121 : memref<1x1x1x8x128xf32, #tpu.memory_space<hbm>> -> memref<8x128xf32, #tpu.memory_space<hbm>>
    %dma_wait3A_123 = arith.constant 0 : i32
    %dma_wait3A_124 = arith.constant 0 : i32
    %dma_wait3A_125 = tpu.memref_slice %arg12[%dma_wait3A_123, %dma_wait3A_124] : memref<32x129xf32, #tpu.memory_space<vmem>> -> memref<8x128xf32, #tpu.memory_space<vmem>>
    tpu.wait_dma2 semaphore(%arg16 : memref<!tpu.dma_semaphore, #tpu.memory_space<semaphore_mem>>) src(%dma_wait3A_125 : memref<8x128xf32, #tpu.memory_space<vmem>>) dst(%dma_wait3A_122 : memref<8x128xf32, #tpu.memory_space<hbm>>)
    %mul3A_126 = arith.constant 4 : i32
    %mul3A_127 = arith.muli %mul3A_126, %add3A : i32
    %dma_wait3A_128 = arith.constant 49 : i32
    %dma_wait3A_129 = arith.constant 1 : i32
    %dma_wait3A_130 = arith.constant 8 : i32
    %dma_wait3A_131 = arith.constant 0 : i32
    %dma_wait3A_132 = tpu.memref_slice %arg12[%dma_wait3A_130, %dma_wait3A_131] : memref<32x129xf32, #tpu.memory_space<vmem>> -> memref<8x128xf32, #tpu.memory_space<vmem>>
    %dma_wait3A_133 = arith.constant 0 : i32
    %dma_wait3A_134 = arith.constant 0 : i32
    %dma_wait3A_135 = tpu.memref_slice %arg5[%dma_wait3A_128, %dma_wait3A_129, %mul3A_127, %dma_wait3A_133, %dma_wait3A_134] : memref<50x4x128x8x128xf32, #tpu.memory_space<hbm>> -> memref<1x1x1x8x128xf32, #tpu.memory_space<hbm>>
    %dma_wait3A_136 = tpu.memref_squeeze %dma_wait3A_135 : memref<1x1x1x8x128xf32, #tpu.memory_space<hbm>> -> memref<8x128xf32, #tpu.memory_space<hbm>>
    %dma_wait3A_137 = arith.constant 0 : i32
    %dma_wait3A_138 = arith.constant 0 : i32
    %dma_wait3A_139 = tpu.memref_slice %arg5[%dma_wait3A_128, %dma_wait3A_129, %mul3A_127, %dma_wait3A_137, %dma_wait3A_138] : memref<50x4x128x8x128xf32, #tpu.memory_space<hbm>> -> memref<1x1x1x8x128xf32, #tpu.memory_space<hbm>>
    %dma_wait3A_140 = tpu.memref_squeeze %dma_wait3A_139 : memref<1x1x1x8x128xf32, #tpu.memory_space<hbm>> -> memref<8x128xf32, #tpu.memory_space<hbm>>
    %dma_wait3A_141 = arith.constant 8 : i32
    %dma_wait3A_142 = arith.constant 0 : i32
    %dma_wait3A_143 = tpu.memref_slice %arg12[%dma_wait3A_141, %dma_wait3A_142] : memref<32x129xf32, #tpu.memory_space<vmem>> -> memref<8x128xf32, #tpu.memory_space<vmem>>
    tpu.wait_dma2 semaphore(%arg16 : memref<!tpu.dma_semaphore, #tpu.memory_space<semaphore_mem>>) src(%dma_wait3A_143 : memref<8x128xf32, #tpu.memory_space<vmem>>) dst(%dma_wait3A_140 : memref<8x128xf32, #tpu.memory_space<hbm>>)
    %mul3A_144 = arith.constant 4 : i32
    %mul3A_145 = arith.muli %mul3A_144, %add3A : i32
    %dma_wait3A_146 = arith.constant 49 : i32
    %dma_wait3A_147 = arith.constant 2 : i32
    %dma_wait3A_148 = arith.constant 16 : i32
    %dma_wait3A_149 = arith.constant 0 : i32
    %dma_wait3A_150 = tpu.memref_slice %arg12[%dma_wait3A_148, %dma_wait3A_149] : memref<32x129xf32, #tpu.memory_space<vmem>> -> memref<8x128xf32, #tpu.memory_space<vmem>>
    %dma_wait3A_151 = arith.constant 0 : i32
    %dma_wait3A_152 = arith.constant 0 : i32
    %dma_wait3A_153 = tpu.memref_slice %arg5[%dma_wait3A_146, %dma_wait3A_147, %mul3A_145, %dma_wait3A_151, %dma_wait3A_152] : memref<50x4x128x8x128xf32, #tpu.memory_space<hbm>> -> memref<1x1x1x8x128xf32, #tpu.memory_space<hbm>>
    %dma_wait3A_154 = tpu.memref_squeeze %dma_wait3A_153 : memref<1x1x1x8x128xf32, #tpu.memory_space<hbm>> -> memref<8x128xf32, #tpu.memory_space<hbm>>
    %dma_wait3A_155 = arith.constant 0 : i32
    %dma_wait3A_156 = arith.constant 0 : i32
    %dma_wait3A_157 = tpu.memref_slice %arg5[%dma_wait3A_146, %dma_wait3A_147, %mul3A_145, %dma_wait3A_155, %dma_wait3A_156] : memref<50x4x128x8x128xf32, #tpu.memory_space<hbm>> -> memref<1x1x1x8x128xf32, #tpu.memory_space<hbm>>
    %dma_wait3A_158 = tpu.memref_squeeze %dma_wait3A_157 : memref<1x1x1x8x128xf32, #tpu.memory_space<hbm>> -> memref<8x128xf32, #tpu.memory_space<hbm>>
    %dma_wait3A_159 = arith.constant 16 : i32
    %dma_wait3A_160 = arith.constant 0 : i32
    %dma_wait3A_161 = tpu.memref_slice %arg12[%dma_wait3A_159, %dma_wait3A_160] : memref<32x129xf32, #tpu.memory_space<vmem>> -> memref<8x128xf32, #tpu.memory_space<vmem>>
    tpu.wait_dma2 semaphore(%arg16 : memref<!tpu.dma_semaphore, #tpu.memory_space<semaphore_mem>>) src(%dma_wait3A_161 : memref<8x128xf32, #tpu.memory_space<vmem>>) dst(%dma_wait3A_158 : memref<8x128xf32, #tpu.memory_space<hbm>>)
    %mul3A_162 = arith.constant 4 : i32
    %mul3A_163 = arith.muli %mul3A_162, %add3A : i32
    %dma_wait3A_164 = arith.constant 49 : i32
    %dma_wait3A_165 = arith.constant 3 : i32
    %dma_wait3A_166 = arith.constant 24 : i32
    %dma_wait3A_167 = arith.constant 0 : i32
    %dma_wait3A_168 = tpu.memref_slice %arg12[%dma_wait3A_166, %dma_wait3A_167] : memref<32x129xf32, #tpu.memory_space<vmem>> -> memref<8x128xf32, #tpu.memory_space<vmem>>
    %dma_wait3A_169 = arith.constant 0 : i32
    %dma_wait3A_170 = arith.constant 0 : i32
    %dma_wait3A_171 = tpu.memref_slice %arg5[%dma_wait3A_164, %dma_wait3A_165, %mul3A_163, %dma_wait3A_169, %dma_wait3A_170] : memref<50x4x128x8x128xf32, #tpu.memory_space<hbm>> -> memref<1x1x1x8x128xf32, #tpu.memory_space<hbm>>
    %dma_wait3A_172 = tpu.memref_squeeze %dma_wait3A_171 : memref<1x1x1x8x128xf32, #tpu.memory_space<hbm>> -> memref<8x128xf32, #tpu.memory_space<hbm>>
    %dma_wait3A_173 = arith.constant 0 : i32
    %dma_wait3A_174 = arith.constant 0 : i32
    %dma_wait3A_175 = tpu.memref_slice %arg5[%dma_wait3A_164, %dma_wait3A_165, %mul3A_163, %dma_wait3A_173, %dma_wait3A_174] : memref<50x4x128x8x128xf32, #tpu.memory_space<hbm>> -> memref<1x1x1x8x128xf32, #tpu.memory_space<hbm>>
    %dma_wait3A_176 = tpu.memref_squeeze %dma_wait3A_175 : memref<1x1x1x8x128xf32, #tpu.memory_space<hbm>> -> memref<8x128xf32, #tpu.memory_space<hbm>>
    %dma_wait3A_177 = arith.constant 24 : i32
    %dma_wait3A_178 = arith.constant 0 : i32
    %dma_wait3A_179 = tpu.memref_slice %arg12[%dma_wait3A_177, %dma_wait3A_178] : memref<32x129xf32, #tpu.memory_space<vmem>> -> memref<8x128xf32, #tpu.memory_space<vmem>>
    tpu.wait_dma2 semaphore(%arg16 : memref<!tpu.dma_semaphore, #tpu.memory_space<semaphore_mem>>) src(%dma_wait3A_179 : memref<8x128xf32, #tpu.memory_space<vmem>>) dst(%dma_wait3A_176 : memref<8x128xf32, #tpu.memory_space<hbm>>)
    return
  }
}

</mosaic_0001>

<sc_bundles>
// kernel: kernel.4.cloned.1.call-start
scs
__scs_entry_jumppad:
0x0: {  	(pc) =	sbr.rel $0x88, $3  }
0x1: {  	(tag) =	ssettag $0x0;
	lr =	simm.s32 $0x1  }
0x2: {  	[smem:$0x3F9E] =	sst lr;
	_ =	strace $0xD0000000  }
0x3: {  	_ = 	snop  }
0x4: {  	_ = 	snop  }
0x5: {  	_ = 	snop  }
0x6: {  	_ = 	snop  }
0x7: {  	_ = 	snop  }
__scs_overlays_trampoline_lowered:
0x8: {  	[smem:$0x3FAD] =	sst s0  }
0x9: {  	[smem:$0x3FAE] =	sst s1  }
0xa: {  	[smem:$0x3FAF] =	sst s2  }
0xb: {  	[smem:$0x3FB0] =	sst s3  }
0xc: {  	[smem:$0x3FB1] =	sst s4  }
0xd: {  	[smem:$0x3FB2] =	sst s5  }
0xe: {  	[smem:$0x3FB3] =	sst s6  }
0xf: {  	[smem:$0x3FB4] =	sst s7  }
0x10: {  	[smem:$0x3FB5] =	sst s8  }
0x11: {  	[smem:$0x3FB6] =	sst s9;
	s0 =	simm.s32 @!p0 $0x0  }
0x12: {  	s1 =	sld [smem:$0x3F9C];
	s0 =	simm.s32 @p0 $0x1  }
0x13: {  	[smem:$0x3FB7] =	sst s0;
	s0 =	simm.s32 @!p1 $0x0  }
0x14: {  	s2 =	sld [smem:$0x3F9B];
	s0 =	simm.s32 @p1 $0x1  }
0x15: {  	[smem:$0x3FB8] =	sst s0;
	s0 =	simm.s32 @!p2 $0x0  }
0x16: {  	s3 =	sld [smem:$0x3FDB];
	s0 =	simm.s32 @p2 $0x1  }
0x17: {  	s4 =	simm.s32 $0x1BF5;
	[smem:$0x3FBA] =	sst s0  }
0x18: {  	s0 =	sld [smem:$0x3F9D];
	_ =	swait.ge [sflag:s4], $0x0  }
0x19: {  	s7 =	sld [smem:$0x3F9E]  }
0x1a: {  	s8 =	sadd.s32 $0xFFFFE003, lr  }
0x1b: {  	s9 =	sadd.s32 $0xFFFFFEF7, lr;
	s5 =	simm.s32 $0xFFFFFFFF;
	p2 =	slt.u32 s8, $0xFFFFF086  }
0x1c: {  	p1 =	slt.u32 s9, $0xF7A;
	s5 =	simm.s32 @!p2 $0x0  }
0x1d: {  	s5 =	simm.s32 @p1 $0x1;
	p0 =	seq.s32 s7, s2  }
0x1e: {  	s7 =	smul.u32 @!p0 $0xF7A, s2;
	p2 =	seq.s32 @!p0 s5, $0x0  }
0x1f: {  	s9 =	smul.u32 $0xF7A, s1;
	s8 =	simm.s32 @!p0 $0x1BF5;
	p2 =	por !p2, p0  }
0x20: {  	[sflag:s8] =	ssyncset.s32 @!p0 $0xFFFFF086;
	s6 =	sadd.s32 @!p0 s3, s7;
	s7 =	simm.s32 @!p0 $0x108  }
0x21: {  	s3 =	sadd.s32 s3, s9;
	s6 =	sadd.s32 @!p0 $0x88, s6;
	s7 =	simm.s32 @p2 $0x1082  }
0x22: {  	[simem:s7], [sflag:s8] =	dma.local @!p0 [hbm:s6], $0xF7A  }
0x23: {  	s9 =	sor.u32 $0xD0000000, s2;
	s6 =	simm.s32 $0x108;
	_ =	swait.ge @!p0 [sflag:s8], $0x0  }
0x24: {  	s3 =	sadd.s32 $0x88, s3;
	s6 =	simm.s32 @!p1 $0x1082;
	[sflag:s4] =	ssyncset.s32 $0xFFFFF086  }
0x25: {  	[simem:s6], [sflag:s4] =	dma.local [hbm:s3], $0xF7A  }
0x26: {  	[smem:$0x3F9E] =	sst s1;
	(tag) =	ssettag s2;
	_ =	strace s9  }
0x27: {  	s1 =	sld [smem:$0x3FAE]  }
0x28: {  	s2 =	sld [smem:$0x3FAF]  }
0x29: {  	s4 =	sld [smem:$0x3FB1]  }
0x2a: {  	p0 =	seq.s32 s5, $0x0;
	s5 =	sld [smem:$0x3FB2]  }
0x2b: {  	s6 =	sld [smem:$0x3FB3]  }
0x2c: {  	s7 =	sld [smem:$0x3FB4]  }
0x2d: {  	s3 =	simm.s32 $0x108;
	s8 =	sld [smem:$0x3FB5]  }
0x2e: {  	s3 =	simm.s32 @!p0 $0x1082;
	s9 =	sld [smem:$0x3FB6]  }
0x2f: {  	lr =	sadd.s32 s0, s3;
	s0 =	sld [smem:$0x3FAD]  }
0x30: {  	s3 =	sld [smem:$0x3FB0]  }
0x31: {  	[smem:$0x3FB9] =	sst s10  }
0x32: {  	s10 =	sld [smem:$0x3FB7];
	_ =	sdelay $0x3  }
0x33: {  	p0 =	seq.s32 s10, $0x1;
	s10 =	sld [smem:$0x3FB9];
	_ =	sdelay $0x3  }
0x34: {  	[smem:$0x3FB9] =	sst s10  }
0x35: {  	s10 =	sld [smem:$0x3FB8];
	_ =	sdelay $0x3  }
0x36: {  	p1 =	seq.s32 s10, $0x1;
	s10 =	sld [smem:$0x3FB9];
	_ =	sdelay $0x3  }
0x37: {  	[smem:$0x3FB9] =	sst s10  }
0x38: {  	s10 =	sld [smem:$0x3FBA]  }
0x39: {  	_ = 	snop;
	(pc) =	sbr.ind lr, $3  }
0x3a: {  	_ = 	snop  }
0x3b: {  	_ = 	snop  }
0x3c: {  	p2 =	seq.s32 s10, $0x1;
	s10 =	sld [smem:$0x3FB9]  }
0x3d: {  	_ =	shalt  }
0x3e: {  	_ =	shalt  }
0x3f: {  	_ =	shalt  }
0x40: {  	_ =	shalt  }
0x41: {  	_ =	shalt  }
0x42: {  	_ =	shalt  }
0x43: {  	_ =	shalt  }
0x44: {  	_ =	shalt  }
0x45: {  	_ =	shalt  }
0x46: {  	_ =	shalt  }
0x47: {  	_ =	shalt  }
0x48: {  	_ =	shalt  }
0x49: {  	_ =	shalt  }
0x4a: {  	_ =	shalt  }
0x4b: {  	_ =	shalt  }
0x4c: {  	_ =	shalt  }
0x4d: {  	_ =	shalt  }
0x4e: {  	_ =	shalt  }
0x4f: {  	_ =	shalt  }
0x50: {  	_ =	shalt  }
0x51: {  	_ =	shalt  }
0x52: {  	_ =	shalt  }
0x53: {  	_ =	shalt  }
0x54: {  	_ =	shalt  }
0x55: {  	_ =	shalt  }
0x56: {  	_ =	shalt  }
0x57: {  	_ =	shalt  }
0x58: {  	_ =	shalt  }
0x59: {  	_ =	shalt  }
0x5a: {  	_ =	shalt  }
0x5b: {  	_ =	shalt  }
0x5c: {  	_ =	shalt  }
0x5d: {  	_ =	shalt  }
0x5e: {  	_ =	shalt  }
0x5f: {  	_ =	shalt  }
0x60: {  	_ =	shalt  }
0x61: {  	_ =	shalt  }
0x62: {  	_ =	shalt  }
0x63: {  	_ =	shalt  }
0x64: {  	_ =	shalt  }
0x65: {  	_ =	shalt  }
0x66: {  	_ =	shalt  }
0x67: {  	_ =	shalt  }
0x68: {  	_ =	shalt  }
0x69: {  	_ =	shalt  }
0x6a: {  	_ =	shalt  }
0x6b: {  	_ =	shalt  }
0x6c: {  	_ =	shalt  }
0x6d: {  	_ =	shalt  }
0x6e: {  	_ =	shalt  }
0x6f: {  	_ =	shalt  }
0x70: {  	_ =	shalt  }
0x71: {  	_ =	shalt  }
0x72: {  	_ =	shalt  }
0x73: {  	_ =	shalt  }
0x74: {  	_ =	shalt  }
0x75: {  	_ =	shalt  }
0x76: {  	_ =	shalt  }
0x77: {  	_ =	shalt  }
0x78: {  	_ =	shalt  }
0x79: {  	_ =	shalt  }
0x7a: {  	_ =	shalt  }
0x7b: {  	_ =	shalt  }
0x7c: {  	_ =	shalt  }
0x7d: {  	_ =	shalt  }
0x7e: {  	_ =	shalt  }
0x7f: {  	_ =	shalt  }
0x80: {  	_ =	shalt  }
0x81: {  	_ =	shalt  }
0x82: {  	_ =	shalt  }
0x83: {  	_ =	shalt  }
0x84: {  	_ =	shalt  }
0x85: {  	_ =	shalt  }
0x86: {  	_ =	shalt  }
0x87: {  	_ =	shalt  }
.Lfunc_end0:
.L_simem_size_0:
called_computation_lowered:
.L_overlay_start_0:
0x88: {  	s2 =	sld [smem:$0x3FD9]  }
0x89: {  	s3 =	sld [smem:$0x3FFE];
	_ =	sdelay $0x1  }
0x8a: {  	s1 =	srdreg.scid  }
0x8b: {  	s0 =	sand.u32 $0x1, s1  }
0x8c: {  	s17 =	sshll.u32 s0, $0xA;
	s2 =	sadd.s32 s3, s2  }
0x8d: {  	s2 =	sadd.s32 s2, s17  }
0x8e: {  	[smem:$0x3FC5] =	sst s2  }
0x8f: {  	_ = 	snop  }
0x90: {  	s2 =	sld [smem:$0x3FC8]  }
0x91: {  	s18 =	sld [smem:$0x3FC7]  }
0x92: {  	s4 =	sld [smem:$0x3FD0];
	(tm) =	ssettm $0x1  }
0x93: {  	s5 =	sld [smem:$0x3FFB];
	_ =	sdelay $0x3  }
0x94: {  	_ =	strace s5  }
0x95: {  	s5 =	sld [smem:$0x3FFC];
	_ =	sdelay $0x3  }
0x96: {  	_ =	strace s5  }
0x97: {  	s5 =	sld [smem:$0x3FFD];
	_ =	sdelay $0x3  }
0x98: {  	_ =	strace s5  }
0x99: {  	_ =	strace $0x8FFFFFFF  }
0x9a: {  	s19 =	sld [smem:$0x3FDB];
	_ =	sdelay $0x1  }
0x9b: {  	s6 =	simm.s32 $_scs_section_size  }
0x9c: {  	s7 =	simm.s32 $_size__tile_overlayer_lowered;
	s8 =	simm.s32 $_tile_overlayer_lowered  }
0x9d: {  	s22 =	simm.s32 $0x1BFF;
	s21 =	sshll.u32 s8, $0x1;
	s5 =	sadd.s32 s6, s19  }
0x9e: {  	s9 =	simm.s32 $0x0;
	s20 =	sshll.u32 s7, $0x1;
	s7 =	sadd.s32 s21, s5  }
0x9f: {  	[timem:s9], [sflag:s22] =	dma.local [hbm:s7], s20  }
0xa0: {  	_ =	swait.ge [sflag:s22], s20  }
0xa1: {  	s6 =	ssub.s32 $0x0, s20;
	[sflag:s22] =	ssyncset.done $0x0  }
0xa2: {  	[sflag:s22] =	ssyncadd.s32 s6;
	_ =	sdelay $0x1  }
0xa3: {  	s23 =	simm.s32 $0x1B8B  }
0xa4: {  	_ =	swait.ge [sflag:s23], $0x1  }
0xa5: {  	[sflag:s23] =	ssyncset.done $0x0  }
0xa6: {  	s25 =	simm.s32 $0x1B8E;
	s24 =	sld [smem:$0x3FFE];
	[sflag:s23] =	ssyncadd.s32 $0xFFFFFFFF  }
0xa7: {  	s26 =	simm.s32 $execute0_lowered;
	[smem:$0x3FD2] =	sst s25  }
0xa8: {  	s7 =	sshll.u32 s26, $0x1;
	_ =	strace $0x80000046;
	[dreg:$0x1] =	wrdreg $0xFFFFFFFF  }
0xa9: {  	s28 =	simm.s32 $_size_execute0_lowered;
	s5 =	sadd.s32 s5, s7;
	[dreg:$0x0] =	wrdreg $0x0  }
0xaa: {  	s7 =	sshll.u32 s28, $0x1;
	[dreg:$0x2] =	wrdreg s5  }
0xab: {  	[dreg:$0x3] =	wrdreg s7  }
0xac: {  	[dreg:$0x4] =	wrdreg $0xC0  }
0xad: {  	_ =	task [dreg:s9], $0x5FFFF  }
0xae: {  	[dreg:$0x1] =	wrdreg $0xFFFFFFFF  }
0xaf: {  	[dreg:$0x0] =	wrdreg $0x60  }
0xb0: {  	[dreg:$0x2] =	wrdreg s2  }
0xb1: {  	[dreg:$0x3] =	wrdreg s18  }
0xb2: {  	[dreg:$0x4] =	wrdreg s4  }
0xb3: {  	[dreg:$0x5] =	wrdreg s24  }
0xb4: {  	[dreg:$0x6] =	wrdreg $0x9  }
0xb5: {  	_ =	task.clear_ibuf [dreg:s9], $0x7FFFF;
	_ =	strace $0x90000046  }
0xb6: {  	s29 =	simm.s32 $0x9;
	_ =	strace $0x80000048  }
0xb7: {  	_ =	swait.ge [sflag:s29], $0x1  }
0xb8: {  	[sflag:s29] =	ssyncadd.s32 $0xFFFFFFFF  }
0xb9: {  	_ =	strace $0x90000048  }
0xba: {  	_ =	sfence  }
0xbb: {  	s30 =	sld [smem:$0x0];
	_ =	sdelay $0x2  }
0xbc: {  	s31 =	sshll.u32 s1, $0xD;
	s1 =	sshrl.u32 s1, $0x2  }
0xbd: {  	s3 =	sand.u32 $0x4000, s31;
	s1 =	sadd.s32 s1, s30  }
0xbe: {  	s0 =	sor.u32 s3, s0;
	s1 =	sshll.u32 s1, $0x11  }
0xbf: {  	s0 =	sor.u32 s1, s0  }
0xc0: {  	s0 =	sadd.s32 $0x8F2B, s0  }
0xc1: {  	[sflag:s0] =	ssyncadd.remote.s32 $0x1  }
0xc2: {  	_ =	sfence.sel $0xFFFF  }
0xc3: {  	[dreg:$0x0] =	wrdreg $0xFFFFFFFF;
	(pc) =	sbr.abs _section_cstart, $3  }
0xc4: {  	[dreg:$0x1] =	wrdreg $0xFFFFFFFF  }
0xc5: {  	_ =	task.clear_ibuf [dreg:s9], $0x2FFFF;
	_ =	strace $0x9FFFFFFF  }
0xc6: {  	(tm) =	ssettm $0x7FFFFFFF  }
0xc7: {  	_ =	shalt  }
tec
execute0_lowered:
.L_overlay_start_1:
0x0: {  	(tag) =	ssettag $0x1  }
0x1: {  	s0 =	rddreg [dreg:$0x0]  }
0x2: {  	s1 =	rddreg [dreg:$0x1]  }
0x3: {  	s3 =	rddreg [dreg:$0x3];
	s2 =	simm.s32 $0x0  }
0x4: {  	v0 =	vimm.s32 $0xB80;
	s4 =	srdreg.scid;
	s5 =	stileid.u32;
	s30 =	simm.s32 $0x3800  }
0x5: {  	vm0 =	vcmask $0x300;
	v1 =	vimm.s32 $0x1B80;
	vm1 =	vcmask $0x704;
	s31 =	simm.s32 $0x1;
	s15 =	simm.s32 $0x0;
	[smem:$0x7FF] =	sst s2  }
0x6: {  	vm15 =	vcmask $0xB08;
	v0 =	vsel vm0, $0x0, v0;
	v1 =	vsel vm0, $0x1000, v1;
	s4 =	sand.u32 $0x1, s4;
	s5 =	sshll.u32 s5, $0x1;
	s7 =	sadd.s32 $0x3D1A00, s3  }
0x7: {  	s6 =	sadd.s32 $0xE00, s3;
	s10 =	sadd.s32 $0x2000, s0;
	s20 =	sadd.s32 $0x3D1800, s3;
	v0 =	vsel vm1, $0x80, v0;
	v1 =	vsel vm1, $0x1080, v1  }
0x8: {  	vm4 =	vcmask $0xF0C;
	s14 =	sadd.s32 $0x2000, s1;
	_ =	strace $0x80000047;
	[dreg:$0x5] =	wrdreg s6;
	v0 =	vsel vm15, $0x100, v0;
	v1 =	vsel vm15, $0x1100, v1  }
0x9: {  	vm5 =	vcmask $0x1310;
	s21 =	sadd.s32 $0x7A2200, s3;
	s8 =	ssub.s32 $0x2, s4;
	[dreg:$0x6] =	wrdreg s20;
	v0 =	vsel vm4, $0x180, v0;
	v1 =	vsel vm4, $0x1180, v1  }
0xa: {  	vm6 =	vcmask $0x1714;
	s5 =	sor.u32 s4, s5;
	s6 =	sadd.s32 $0x1000, s3;
	[dreg:$0x7] =	wrdreg s21;
	v0 =	vsel vm5, $0x200, v0;
	v1 =	vsel vm5, $0x1200, v1  }
0xb: {  	vm7 =	vcmask $0x1B18;
	s3 =	simm.s32 $0x2;
	s19 =	sshrl.u32 s8, $0x1;
	s11 =	sshll.u32 s5, $0x7;
	v0 =	vsel vm6, $0x280, v0;
	v1 =	vsel vm6, $0x1280, v1  }
0xc: {  	vm8 =	vcmask $0x1F1C;
	p0 =	sne.s32 s5, $0x0;
	s4 =	ssub.s32 s8, s19;
	s13 =	sor.u32 $0x1000, s11;
	v0 =	vsel vm7, $0x300, v0;
	v1 =	vsel vm7, $0x1300, v1  }
0xd: {  	vm9 =	vcmask $0x2320;
	s8 =	sadd.s32 s0, s11;
	s12 =	sadd.s32 s1, s11;
	s22 =	smax.u32 s4, $0x1;
	v0 =	vsel vm8, $0x380, v0;
	v1 =	vsel vm8, $0x1380, v1  }
0xe: {  	vm10 =	vcmask $0x2724;
	s11 =	simm.s32 $0x4;
	s23 =	sadd.s32 $0xF4280, s8;
	[dreg:$0x8] =	wrdreg s22;
	v0 =	vsel vm9, $0x800, v0;
	v1 =	vsel vm9, $0x1800, v1  }
0xf: {  	vm11 =	vcmask $0x2B28;
	s9 =	sadd.s32 s0, s13;
	s24 =	sadd.s32 $0x1E8500, s8;
	[dreg:$0x9] =	wrdreg s23;
	v0 =	vsel vm10, $0x880, v0;
	v1 =	vsel vm10, $0x1880, v1  }
.Ltmp0:
0x10: {  	vm12 =	vcmask $0x2F2C;
	s26 =	sadd.s32 $0x2DC780, s8;
	[dreg:$0xa] =	wrdreg s24;
	v0 =	vsel vm11, $0x900, v0;
	v1 =	vsel vm11, $0x1900, v1;
	(pc) =	sbr.rel .LBB2_1-.Ltmp0, $4  }
0x11: {  	vm13 =	vcmask $0x3330;
	s13 =	sadd.s32 s1, s13;
	s25 =	sadd.s32 $0x1E8500, s9;
	[dreg:$0xc] =	wrdreg s26;
	v0 =	vsel vm12, $0x980, v0;
	v1 =	vsel vm12, $0x1980, v1  }
0x12: {  	vm14 =	vcmask $0x3734;
	s0 =	simm.s32 $0x4000;
	s28 =	sadd.s32 $0xF4280, s9;
	[dreg:$0xb] =	wrdreg s25;
	v0 =	vsel vm13, $0xA00, v0;
	v1 =	vsel vm13, $0x1A00, v1  }
0x13: {  	vm15 =	vcmask $0x3B38;
	s1 =	simm.s32 $0x5000;
	s29 =	sadd.s32 $0x2DC780, s9;
	[dreg:$0xd] =	wrdreg s28;
	v0 =	vsel vm14, $0xA80, v0;
	v1 =	vsel vm14, $0x1A80, v1  }
0x14: {  	s4 =	simm.s32 $0x3;
	s26 =	simm.s32 $0x2000;
	[dreg:$0xe] =	wrdreg s29;
	v0 =	vsel vm15, $0xB00, v0;
	v1 =	vsel vm15, $0x1B00, v1  }
.LBB2_21:
0x15: {  	_ =	swait.ge [sflag:s4], $0x1000  }
0x16: {  	[sflag:s4] =	ssyncset.done $0x0  }
0x17: {  	[sflag:s4] =	ssyncadd.s32 $0xFFFFF000  }
0x18: {  	_ =	swait.ge [sflag:s11], $0x1000  }
0x19: {  	s16 =	simm.s32 @!p0 $0x0;
	[sflag:s11] =	ssyncset.done $0x0  }
0x1a: {  	s17 =	simm.s32 @!p0 $0x4000;
	s18 =	rddreg [dreg:$0x5];
	[sflag:s11] =	ssyncadd.s32 $0xFFFFF000  }
0x1b: {  	[tilespmem:s17], [sflag:$0x5] =	stream.linear.gather @!p0 [hbm4b:s18+s16], $0x800, $0x38;
	[tilespmem:$0x6000] =	vst v63  }
0x1c: {  	s18 =	simm.s32 @!p0 $0x5  }
0x1d: {  	_ =	swait.ge @!p0 [sflag:s18], $0x800  }
0x1e: {  	[sflag:s18] =	ssyncset.done @!p0 $0x0  }
0x1f: {  	s19 =	rddreg [dreg:$0x7];
	[sflag:s18] =	ssyncadd.s32 @!p0 $0xFFFFF800  }
0x20: {  	[hbm4b:s19+s16] =	stream.linear.scatter @!p0 [tilespmem:s17], [sflag:$0x5], $0x800, $0x38;
	[tilespmem:$0x6000] =	vst v63  }
0x21: {  	_ =	swait.ge @!p0 [sflag:s18], $0x800  }
0x22: {  	s15 =	sadd.s32 $0x1, s15;
	s29 =	rddreg [dreg:$0x8]  }
0x23: {  	p1 =	sne.s32 s15, s29  }
.Ltmp1:
0x24: {  	_ = 	snop;
	(pc) =	sbr.rel @!p1 .LBB2_22-.Ltmp1, $3  }
0x25: {  	_ =	sdelay $0x1  }
0x26: {  	[sflag:s18] =	ssyncset.done @!p0 $0x0  }
0x27: {  	[sflag:s18] =	ssyncadd.s32 @!p0 $0xFFFFF800  }
.LBB2_1:
0x28: {  	[tilespmem:s2], [sflag:$0x1] =	stream.linear.gather [hbm4b:s8+s2], $0x400, $0x38;
	[tilespmem:$0x6000] =	vst v63  }
0x29: {  	s16 =	rddreg [dreg:$0x9];
	s17 =	simm.s32 $0x800  }
0x2a: {  	[tilespmem:s17], [sflag:$0x1] =	stream.linear.gather [hbm4b:s16+s2], $0x400, $0x38;
	[tilespmem:$0x6000] =	vst v63  }
0x2b: {  	s19 =	rddreg [dreg:$0xa];
	s20 =	simm.s32 $0x1000  }
0x2c: {  	[tilespmem:s20], [sflag:$0x1] =	stream.linear.gather [hbm4b:s19+s2], $0x400, $0x38;
	[tilespmem:$0x6000] =	vst v63  }
0x2d: {  	s21 =	rddreg [dreg:$0xc];
	s22 =	simm.s32 $0x1800  }
0x2e: {  	[tilespmem:s22], [sflag:$0x1] =	stream.linear.gather [hbm4b:s21+s2], $0x400, $0x38;
	[tilespmem:$0x6000] =	vst v63  }
0x2f: {  	_ = 	snop  }
0x30: {  	[tilespmem:s26], [sflag:$0x2] =	stream.linear.gather [hbm4b:s9+s2], $0x400, $0x38;
	[tilespmem:$0x6000] =	vst v63  }
0x31: {  	s23 =	rddreg [dreg:$0xd];
	s24 =	simm.s32 $0x2800  }
0x32: {  	[tilespmem:s24], [sflag:$0x2] =	stream.linear.gather [hbm4b:s23+s2], $0x400, $0x38;
	[tilespmem:$0x6000] =	vst v63  }
.Ltmp2:
0x33: {  	_ = 	snop;
	(pc) =	sbr.rel .LBB2_2-.Ltmp2, $4  }
0x34: {  	s25 =	rddreg [dreg:$0xb];
	s28 =	simm.s32 $0x3000  }
0x35: {  	[tilespmem:s28], [sflag:$0x2] =	stream.linear.gather [hbm4b:s25+s2], $0x400, $0x38;
	[tilespmem:$0x6000] =	vst v63  }
0x36: {  	s29 =	rddreg [dreg:$0xe];
	s16 =	simm.s32 $0x0  }
0x37: {  	[tilespmem:s30], [sflag:$0x2] =	stream.linear.gather [hbm4b:s29+s2], $0x400, $0x38;
	[tilespmem:$0x6000] =	vst v63  }
.LBB2_10:
0x38: {  	s16 =	sadd.s32 $0x1, s16  }
0x39: {  	p1 =	sne.s32 s16, $0x7B  }
.Ltmp3:
0x3a: {  	_ = 	snop;
	(pc) =	sbr.rel @!p1 .LBB2_11-.Ltmp3, $1  }
0x3b: {  	_ =	sdelay $0x3  }
.LBB2_2:
0x3c: {  	s17 =	sshll.u32 s16, $0x6  }
0x3d: {  	s23 =	sor.u32 s5, s17  }
0x3e: {  	p2 =	sgt.u32 s23, $0x1E83  }
.Ltmp4:
0x3f: {  	_ = 	snop;
	(pc) =	sbr.rel @p2 .LBB2_6-.Ltmp4, $2  }
0x40: {  	_ =	sdelay $0x2  }
0x41: {  	p1 =	seq.s32 s16, $0x0  }
0x42: {  	_ =	swait.ge [sflag:s31], $0x1000;
	s19 =	simm.s32 $0x0  }
0x43: {  	s17 =	simm.s32 $0x7;
	[sflag:s31] =	ssyncset.done $0x0;
	v2 =	vor.u32 s19, v0  }
0x44: {  	s18 =	simm.s32 @!p1 $0x3;
	s24 =	simm.s32 $0x1;
	v3 =	vor.u32 s17, v0;
	[sflag:s31] =	ssyncadd.s32 $0xFFFFF000  }
0x45: {  	s25 =	simm.s32 $0x2;
	v4 =	vor.u32 s24, v0;
	_ =	swait.ge @!p1 [sflag:s18], $0x1000  }
0x46: {  	s20 =	simm.s32 $0x3;
	v5 =	vor.u32 s25, v0;
	[sflag:s18] =	ssyncset.done @!p1 $0x0  }
0x47: {  	s29 =	simm.s32 $0x4;
	v6 =	vor.u32 s20, v0;
	[sflag:s18] =	ssyncadd.s32 @!p1 $0xFFFFF000  }
0x48: {  	s21 =	simm.s32 $0x5;
	v7 =	vor.u32 s29, v0;
	v2 =	vld.idx.msk [tilespmem:v2+s2+$0x0], $0xffff  }
0x49: {  	s28 =	simm.s32 $0x6;
	v8 =	vor.u32 s21, v0;
	v3 =	vld.idx.msk [tilespmem:v3+s2+$0x0], $0xffff  }
0x4a: {  	v10 =	vor.u32 s28, v0;
	v4 =	vld.idx.msk [tilespmem:v4+s2+$0x0], $0xffff  }
0x4b: {  	v13 =	vor.u32 s24, v1;
	v5 =	vld.idx.msk [tilespmem:v5+s2+$0x0], $0xffff  }
0x4c: {  	v11 =	vor.u32 s17, v1;
	v6 =	vld.idx.msk [tilespmem:v6+s2+$0x0], $0xffff  }
0x4d: {  	v14 =	vor.u32 s25, v1;
	v15 =	vld.idx.msk [tilespmem:v7+s2+$0x0], $0xffff  }
0x4e: {  	s25 =	simm.s32 $0x4080;
	v16 =	vor.u32 s20, v1;
	v9 =	vld.idx.msk [tilespmem:v8+s2+$0x0], $0xffff  }
0x4f: {  	v12 =	vor.u32 s29, v1;
	v8 =	vld.idx.msk [tilespmem:v10+s2+$0x0], $0xffff;
	[tilespmem:s25+$0xFFFFFFA0] =	vst v4  }
0x50: {  	[tilespmem:s25+$0x60] =	vst v3;
	v4 =	vld.idx.msk [tilespmem:v13+s2+$0x0], $0xffff;
	v13 =	vor.u32 s21, v1  }
0x51: {  	s24 =	simm.s32 $0x8;
	[tilespmem:s25+$0xFFFFFFC0] =	vst v5;
	v7 =	vld.idx.msk [tilespmem:v11+s2+$0x0], $0xffff;
	v11 =	vor.u32 s28, v1  }
0x52: {  	[tilespmem:s25+$0xFFFFFFE0] =	vst v6;
	v3 =	vor.u32 s24, v0;
	v5 =	vld.idx.msk [tilespmem:v14+s2+$0x0], $0xffff  }
0x53: {  	s17 =	simm.s32 $0x10;
	s18 =	simm.s32 $0xF;
	v10 =	vor.u32 s19, v1;
	[tilespmem:s25+$0x0] =	vst v15;
	v6 =	vld.idx.msk [tilespmem:v16+s2+$0x0], $0xffff  }
.LBB2_4:
0x54: {  	p2 =	slt.u32 s17, $0x78;
	s19 =	sadd.s32 $0x1, s24;
	v14 =	vor.u32 s18, v0;
	v12 =	vld.idx.msk [tilespmem:v12+s2+$0x0], $0xffff;
	[tilespmem:s25+$0x20] =	vst v9  }
0x55: {  	s20 =	sadd.s32 $0x2, s24;
	v9 =	vor.u32 s19, v0;
	v13 =	vld.idx.msk [tilespmem:v13+s2+$0x0], $0xffff;
	[tilespmem:s25+$0x40] =	vst v8  }
0x56: {  	s21 =	sadd.s32 $0x3, s24;
	v8 =	vor.u32 s20, v0;
	v11 =	vld.idx.msk [tilespmem:v11+s2+$0x0], $0xffff;
	[tilespmem:s25+$0x70] =	vst v7  }
0x57: {  	s28 =	sadd.s32 $0x4, s24;
	v7 =	vor.u32 s21, v0;
	[tilespmem:s25+$0xFFFFFF80] =	vst v2;
	v2 =	vld.idx.msk [tilespmem:v3+s2+$0x0], $0xffff  }
0x58: {  	s22 =	sadd.s32 $0x5, s24;
	v3 =	vor.u32 s28, v0;
	v10 =	vld.idx.msk [tilespmem:v10+s2+$0x0], $0xffff;
	[tilespmem:s25+$0xFFFFFFB0] =	vst v4  }
0x59: {  	s29 =	sadd.s32 $0x6, s24;
	v4 =	vor.u32 s22, v0;
	v14 =	vld.idx.msk [tilespmem:v14+s2+$0x0], $0xffff;
	[tilespmem:s25+$0xFFFFFFD0] =	vst v5  }
0x5a: {  	v15 =	vor.u32 s29, v0;
	v5 =	vld.idx.msk [tilespmem:v9+s2+$0x0], $0xffff;
	[tilespmem:s25+$0xFFFFFFF0] =	vst v6  }
0x5b: {  	v16 =	vor.u32 s18, v1;
	v6 =	vld.idx.msk [tilespmem:v8+s2+$0x0], $0xffff;
	[tilespmem:s25+$0x10] =	vst v12  }
0x5c: {  	v17 =	vor.u32 s19, v1;
	v18 =	vld.idx.msk [tilespmem:v7+s2+$0x0], $0xffff;
	[tilespmem:s25+$0x30] =	vst v13  }
0x5d: {  	v19 =	vor.u32 s20, v1;
	v20 =	vld.idx.msk [tilespmem:v3+s2+$0x0], $0xffff;
	[tilespmem:s25+$0x50] =	vst v11  }
0x5e: {  	v21 =	vor.u32 s21, v1;
	v9 =	vld.idx.msk [tilespmem:v4+s2+$0x0], $0xffff;
	[tilespmem:s25+$0xFFFFFF90] =	vst v10;
	s25 =	sadd.s32 $0x100, s25  }
.Ltmp5:
0x5f: {  	v12 =	vor.u32 s28, v1;
	v8 =	vld.idx.msk [tilespmem:v15+s2+$0x0], $0xffff;
	[tilespmem:s25+$0x60] =	vst v14;
	(pc) =	sbr.rel @p2 .LBB2_4-.Ltmp5, $4  }
0x60: {  	v13 =	vor.u32 s22, v1;
	[tilespmem:s25+$0xFFFFFFA0] =	vst v5;
	v7 =	vld.idx.msk [tilespmem:v16+s2+$0x0], $0xffff  }
0x61: {  	v11 =	vor.u32 s29, v1;
	v4 =	vld.idx.msk [tilespmem:v17+s2+$0x0], $0xffff;
	[tilespmem:s25+$0xFFFFFFC0] =	vst v6  }
0x62: {  	v3 =	vor.u32 s17, v0;
	v5 =	vld.idx.msk [tilespmem:v19+s2+$0x0], $0xffff;
	[tilespmem:s25+$0xFFFFFFE0] =	vst v18  }
0x63: {  	s18 =	sadd.s32 $0x7, s17;
	v10 =	vor.u32 s24, v1;
	s24 =	smov.u32 s17;
	s17 =	sadd.s32 $0x8, s17;
	v6 =	vld.idx.msk [tilespmem:v21+s2+$0x0], $0xffff;
	[tilespmem:s25+$0x0] =	vst v20  }
0x64: {  	_ =	sdelay $0x1  }
0x65: {  	[tilespmem:s25+$0x20] =	vst v9  }
0x66: {  	[tilespmem:s25+$0x40] =	vst v8  }
0x67: {  	s17 =	sadd.s32 $0x1, s24;
	v41 =	vor.u32 s18, v0;
	v42 =	vld.idx.msk [tilespmem:v12+s2+$0x0], $0xffff;
	[tilespmem:s25+$0xFFFFFF80] =	vst v2  }
0x68: {  	s19 =	sadd.s32 $0x2, s24;
	v43 =	vor.u32 s17, v0;
	[tilespmem:s25+$0x70] =	vst v7;
	v44 =	vld.idx.msk [tilespmem:v13+s2+$0x0], $0xffff  }
0x69: {  	s20 =	sadd.s32 $0x3, s24;
	v45 =	vor.u32 s19, v0;
	v2 =	vld.idx.msk [tilespmem:v11+s2+$0x0], $0xffff;
	[tilespmem:s25+$0xFFFFFFB0] =	vst v4  }
0x6a: {  	s21 =	sadd.s32 $0x4, s24;
	v46 =	vor.u32 s20, v0;
	v10 =	vld.idx.msk [tilespmem:v10+s2+$0x0], $0xffff;
	[tilespmem:s25+$0xFFFFFFD0] =	vst v5  }
0x6b: {  	s22 =	sadd.s32 $0x5, s24;
	v3 =	vld.idx.msk [tilespmem:v3+s2+$0x0], $0xffff;
	v47 =	vor.u32 s21, v0;
	[tilespmem:s25+$0xFFFFFFF0] =	vst v6  }
0x6c: {  	s28 =	sadd.s32 $0x6, s24;
	v48 =	vor.u32 s22, v0;
	v9 =	vld.idx.msk [tilespmem:v41+s2+$0x0], $0xffff;
	[tilespmem:s25+$0x10] =	vst v42  }
0x6d: {  	v50 =	vor.u32 s28, v0;
	v49 =	vld.idx.msk [tilespmem:v43+s2+$0x0], $0xffff;
	[tilespmem:s25+$0x30] =	vst v44  }
0x6e: {  	v52 =	vor.u32 s18, v1;
	v51 =	vld.idx.msk [tilespmem:v45+s2+$0x0], $0xffff;
	[tilespmem:s25+$0x50] =	vst v2  }
0x6f: {  	v53 =	vld.idx.msk [tilespmem:v46+s2+$0x0], $0xffff;
	v2 =	vor.u32 s17, v1;
	[tilespmem:s25+$0xFFFFFF90] =	vst v10;
	s25 =	sadd.s32 $0x100, s25  }
0x70: {  	v54 =	vor.u32 s19, v1;
	v4 =	vld.idx.msk [tilespmem:v47+s2+$0x0], $0xffff;
	[tilespmem:s25+$0xFFFFFF80] =	vst v3  }
0x71: {  	v55 =	vor.u32 s20, v1;
	v5 =	vld.idx.msk [tilespmem:v48+s2+$0x0], $0xffff;
	[tilespmem:s25+$0x60] =	vst v9  }
0x72: {  	v57 =	vor.u32 s21, v1;
	v56 =	vld.idx.msk [tilespmem:v50+s2+$0x0], $0xffff;
	[tilespmem:s25+$0xFFFFFFA0] =	vst v49  }
0x73: {  	v59 =	vor.u32 s22, v1;
	v58 =	vld.idx.msk [tilespmem:v52+s2+$0x0], $0xffff;
	[tilespmem:s25+$0xFFFFFFC0] =	vst v51  }
0x74: {  	v60 =	vor.u32 s28, v1;
	[tilespmem:s25+$0xFFFFFFE0] =	vst v53;
	v2 =	vld.idx.msk [tilespmem:v2+s2+$0x0], $0xffff  }
0x75: {  	v62 =	vor.u32 s24, v1;
	[tilespmem:s25+$0x0] =	vst v4;
	v61 =	vld.idx.msk [tilespmem:v54+s2+$0x0], $0xffff  }
0x76: {  	[tilespmem:s25+$0x20] =	vst v5;
	v63 =	vld.idx.msk [tilespmem:v55+s2+$0x0], $0xffff  }
0x77: {  	[tilespmem:s25+$0x40] =	vst v56;
	v6 =	vld.idx.msk [tilespmem:v57+s2+$0x0], $0xffff  }
0x78: {  	v8 =	vld.idx.msk [tilespmem:v59+s2+$0x0], $0xffff;
	[tilespmem:s25+$0x70] =	vst v58  }
0x79: {  	v3 =	vld.idx.msk [tilespmem:v60+s2+$0x0], $0xffff;
	[tilespmem:s25+$0xFFFFFFB0] =	vst v2  }
0x7a: {  	v2 =	vld.idx.msk [tilespmem:v62+s2+$0x0], $0xffff;
	[tilespmem:s25+$0xFFFFFFD0] =	vst v61  }
0x7b: {  	[tilespmem:s25+$0xFFFFFFF0] =	vst v63  }
0x7c: {  	[tilespmem:s25+$0x10] =	vst v6  }
0x7d: {  	[tilespmem:s25+$0x30] =	vst v8  }
0x7e: {  	p2 =	sgt.u32 s23, $0x1E43;
	s28 =	sshll.u32 s23, $0x9;
	[tilespmem:s25+$0x50] =	vst v3  }
0x7f: {  	s29 =	sadd.s32 s6, s28;
	s17 =	sshll.u32 @!p2 s23, $0x7;
	[tilespmem:s25+$0xFFFFFF90] =	vst v2  }
0x80: {  	[hbm4b:s29+s2] =	stream.linear.scatter [tilespmem:s0], [sflag:$0x3], $0x1000, $0x38;
	[tilespmem:$0x6000] =	vst v63  }
0x81: {  	s18 =	simm.s32 @!p2 $0x0;
	s17 =	sadd.s32 @!p2 s17, s10  }
0x82: {  	[tilespmem:s18], [sflag:$0x1] =	stream.linear.gather @!p2 [hbm4b:s17+s18], $0x400, $0x38;
	[tilespmem:$0x6000] =	vst v63  }
0x83: {  	s20 =	simm.s32 @!p2 $0x800;
	s19 =	sadd.s32 @!p2 $0xF4280, s17  }
0x84: {  	[tilespmem:s20], [sflag:$0x1] =	stream.linear.gather @!p2 [hbm4b:s19+s18], $0x400, $0x38;
	[tilespmem:$0x6000] =	vst v63  }
0x85: {  	s19 =	sadd.s32 @!p2 $0x1E8500, s17;
	s20 =	simm.s32 @!p2 $0x1000  }
0x86: {  	[tilespmem:s20], [sflag:$0x1] =	stream.linear.gather @!p2 [hbm4b:s19+s18], $0x400, $0x38;
	[tilespmem:$0x6000] =	vst v63  }
0x87: {  	s17 =	sadd.s32 @!p2 $0x2DC780, s17;
	s19 =	simm.s32 @!p2 $0x1800  }
0x88: {  	[tilespmem:s19], [sflag:$0x1] =	stream.linear.gather @!p2 [hbm4b:s17+s18], $0x400, $0x38;
	[tilespmem:$0x6000] =	vst v63  }
.LBB2_6:
0x89: {  	s23 =	sor.u32 $0x20, s23  }
0x8a: {  	p2 =	sgt.u32 s23, $0x1E83  }
.Ltmp6:
0x8b: {  	_ = 	snop;
	(pc) =	sbr.rel @p2 .LBB2_10-.Ltmp6, $1  }
0x8c: {  	_ =	sdelay $0x3  }
0x8d: {  	_ =	swait.ge [sflag:s3], $0x1000;
	s19 =	simm.s32 $0x0  }
0x8e: {  	s17 =	simm.s32 $0x7;
	[sflag:s3] =	ssyncset.done $0x0;
	v2 =	vor.u32 s19, v0  }
0x8f: {  	s18 =	simm.s32 @!p1 $0x4;
	s20 =	simm.s32 $0x1;
	v3 =	vor.u32 s17, v0;
	[sflag:s3] =	ssyncadd.s32 $0xFFFFF000  }
0x90: {  	s21 =	simm.s32 $0x2;
	v4 =	vor.u32 s20, v0;
	_ =	swait.ge @!p1 [sflag:s18], $0x1000  }
0x91: {  	s22 =	simm.s32 $0x3;
	v5 =	vor.u32 s21, v0;
	[sflag:s18] =	ssyncset.done @!p1 $0x0  }
0x92: {  	s24 =	simm.s32 $0x4;
	v6 =	vor.u32 s22, v0;
	[sflag:s18] =	ssyncadd.s32 @!p1 $0xFFFFF000  }
0x93: {  	s28 =	simm.s32 $0x5;
	v7 =	vor.u32 s24, v0;
	v2 =	vld.idx.msk [tilespmem:v2+s26+$0x0], $0xffff  }
0x94: {  	s29 =	simm.s32 $0x6;
	v8 =	vor.u32 s28, v0;
	v3 =	vld.idx.msk [tilespmem:v3+s26+$0x0], $0xffff  }
0x95: {  	v10 =	vor.u32 s29, v0;
	v4 =	vld.idx.msk [tilespmem:v4+s26+$0x0], $0xffff  }
0x96: {  	v13 =	vor.u32 s20, v1;
	v5 =	vld.idx.msk [tilespmem:v5+s26+$0x0], $0xffff  }
0x97: {  	v11 =	vor.u32 s17, v1;
	v6 =	vld.idx.msk [tilespmem:v6+s26+$0x0], $0xffff  }
0x98: {  	v14 =	vor.u32 s21, v1;
	v15 =	vld.idx.msk [tilespmem:v7+s26+$0x0], $0xffff  }
0x99: {  	s25 =	simm.s32 $0x5080;
	v16 =	vor.u32 s22, v1;
	v9 =	vld.idx.msk [tilespmem:v8+s26+$0x0], $0xffff  }
0x9a: {  	v12 =	vor.u32 s24, v1;
	v8 =	vld.idx.msk [tilespmem:v10+s26+$0x0], $0xffff;
	[tilespmem:s25+$0xFFFFFFA0] =	vst v4  }
0x9b: {  	[tilespmem:s25+$0x60] =	vst v3;
	v4 =	vld.idx.msk [tilespmem:v13+s26+$0x0], $0xffff;
	v13 =	vor.u32 s28, v1  }
0x9c: {  	s24 =	simm.s32 $0x8;
	[tilespmem:s25+$0xFFFFFFC0] =	vst v5;
	v7 =	vld.idx.msk [tilespmem:v11+s26+$0x0], $0xffff;
	v11 =	vor.u32 s29, v1  }
0x9d: {  	[tilespmem:s25+$0xFFFFFFE0] =	vst v6;
	v3 =	vor.u32 s24, v0;
	v5 =	vld.idx.msk [tilespmem:v14+s26+$0x0], $0xffff  }
0x9e: {  	s17 =	simm.s32 $0x10;
	s18 =	simm.s32 $0xF;
	v10 =	vor.u32 s19, v1;
	[tilespmem:s25+$0x0] =	vst v15;
	v6 =	vld.idx.msk [tilespmem:v16+s26+$0x0], $0xffff  }
.LBB2_8:
0x9f: {  	p1 =	slt.u32 s17, $0x78;
	s19 =	sadd.s32 $0x1, s24;
	v14 =	vor.u32 s18, v0;
	v12 =	vld.idx.msk [tilespmem:v12+s26+$0x0], $0xffff;
	[tilespmem:s25+$0x20] =	vst v9  }
0xa0: {  	s20 =	sadd.s32 $0x2, s24;
	v9 =	vor.u32 s19, v0;
	v13 =	vld.idx.msk [tilespmem:v13+s26+$0x0], $0xffff;
	[tilespmem:s25+$0x40] =	vst v8  }
0xa1: {  	s21 =	sadd.s32 $0x3, s24;
	v8 =	vor.u32 s20, v0;
	v11 =	vld.idx.msk [tilespmem:v11+s26+$0x0], $0xffff;
	[tilespmem:s25+$0x70] =	vst v7  }
0xa2: {  	s22 =	sadd.s32 $0x4, s24;
	v7 =	vor.u32 s21, v0;
	[tilespmem:s25+$0xFFFFFF80] =	vst v2;
	v2 =	vld.idx.msk [tilespmem:v3+s26+$0x0], $0xffff  }
0xa3: {  	s28 =	sadd.s32 $0x5, s24;
	v3 =	vor.u32 s22, v0;
	v10 =	vld.idx.msk [tilespmem:v10+s26+$0x0], $0xffff;
	[tilespmem:s25+$0xFFFFFFB0] =	vst v4  }
0xa4: {  	s29 =	sadd.s32 $0x6, s24;
	v4 =	vor.u32 s28, v0;
	v14 =	vld.idx.msk [tilespmem:v14+s26+$0x0], $0xffff;
	[tilespmem:s25+$0xFFFFFFD0] =	vst v5  }
0xa5: {  	v15 =	vor.u32 s29, v0;
	v5 =	vld.idx.msk [tilespmem:v9+s26+$0x0], $0xffff;
	[tilespmem:s25+$0xFFFFFFF0] =	vst v6  }
0xa6: {  	v16 =	vor.u32 s18, v1;
	v6 =	vld.idx.msk [tilespmem:v8+s26+$0x0], $0xffff;
	[tilespmem:s25+$0x10] =	vst v12  }
0xa7: {  	v17 =	vor.u32 s19, v1;
	v18 =	vld.idx.msk [tilespmem:v7+s26+$0x0], $0xffff;
	[tilespmem:s25+$0x30] =	vst v13  }
0xa8: {  	v19 =	vor.u32 s20, v1;
	v20 =	vld.idx.msk [tilespmem:v3+s26+$0x0], $0xffff;
	[tilespmem:s25+$0x50] =	vst v11  }
0xa9: {  	v21 =	vor.u32 s21, v1;
	v9 =	vld.idx.msk [tilespmem:v4+s26+$0x0], $0xffff;
	[tilespmem:s25+$0xFFFFFF90] =	vst v10;
	s25 =	sadd.s32 $0x100, s25  }
.Ltmp7:
0xaa: {  	v12 =	vor.u32 s22, v1;
	v8 =	vld.idx.msk [tilespmem:v15+s26+$0x0], $0xffff;
	[tilespmem:s25+$0x60] =	vst v14;
	(pc) =	sbr.rel @p1 .LBB2_8-.Ltmp7, $4  }
0xab: {  	v13 =	vor.u32 s28, v1;
	[tilespmem:s25+$0xFFFFFFA0] =	vst v5;
	v7 =	vld.idx.msk [tilespmem:v16+s26+$0x0], $0xffff  }
0xac: {  	v11 =	vor.u32 s29, v1;
	v4 =	vld.idx.msk [tilespmem:v17+s26+$0x0], $0xffff;
	[tilespmem:s25+$0xFFFFFFC0] =	vst v6  }
0xad: {  	v3 =	vor.u32 s17, v0;
	v5 =	vld.idx.msk [tilespmem:v19+s26+$0x0], $0xffff;
	[tilespmem:s25+$0xFFFFFFE0] =	vst v18  }
0xae: {  	s18 =	sadd.s32 $0x7, s17;
	v10 =	vor.u32 s24, v1;
	s24 =	smov.u32 s17;
	s17 =	sadd.s32 $0x8, s17;
	v6 =	vld.idx.msk [tilespmem:v21+s26+$0x0], $0xffff;
	[tilespmem:s25+$0x0] =	vst v20  }
0xaf: {  	_ =	sdelay $0x1  }
0xb0: {  	[tilespmem:s25+$0x20] =	vst v9  }
0xb1: {  	[tilespmem:s25+$0x40] =	vst v8  }
0xb2: {  	s17 =	sadd.s32 $0x1, s24;
	v41 =	vor.u32 s18, v0;
	v42 =	vld.idx.msk [tilespmem:v12+s26+$0x0], $0xffff;
	[tilespmem:s25+$0xFFFFFF80] =	vst v2  }
0xb3: {  	s19 =	sadd.s32 $0x2, s24;
	v43 =	vor.u32 s17, v0;
	[tilespmem:s25+$0x70] =	vst v7;
	v44 =	vld.idx.msk [tilespmem:v13+s26+$0x0], $0xffff  }
0xb4: {  	s20 =	sadd.s32 $0x3, s24;
	v45 =	vor.u32 s19, v0;
	v2 =	vld.idx.msk [tilespmem:v11+s26+$0x0], $0xffff;
	[tilespmem:s25+$0xFFFFFFB0] =	vst v4  }
0xb5: {  	s21 =	sadd.s32 $0x4, s24;
	v46 =	vor.u32 s20, v0;
	v10 =	vld.idx.msk [tilespmem:v10+s26+$0x0], $0xffff;
	[tilespmem:s25+$0xFFFFFFD0] =	vst v5  }
0xb6: {  	s22 =	sadd.s32 $0x5, s24;
	v3 =	vld.idx.msk [tilespmem:v3+s26+$0x0], $0xffff;
	v47 =	vor.u32 s21, v0;
	[tilespmem:s25+$0xFFFFFFF0] =	vst v6  }
0xb7: {  	s28 =	sadd.s32 $0x6, s24;
	v48 =	vor.u32 s22, v0;
	v9 =	vld.idx.msk [tilespmem:v41+s26+$0x0], $0xffff;
	[tilespmem:s25+$0x10] =	vst v42  }
0xb8: {  	v50 =	vor.u32 s28, v0;
	v49 =	vld.idx.msk [tilespmem:v43+s26+$0x0], $0xffff;
	[tilespmem:s25+$0x30] =	vst v44  }
0xb9: {  	v52 =	vor.u32 s18, v1;
	v51 =	vld.idx.msk [tilespmem:v45+s26+$0x0], $0xffff;
	[tilespmem:s25+$0x50] =	vst v2  }
0xba: {  	v53 =	vld.idx.msk [tilespmem:v46+s26+$0x0], $0xffff;
	v2 =	vor.u32 s17, v1;
	[tilespmem:s25+$0xFFFFFF90] =	vst v10;
	s25 =	sadd.s32 $0x100, s25  }
0xbb: {  	v54 =	vor.u32 s19, v1;
	v4 =	vld.idx.msk [tilespmem:v47+s26+$0x0], $0xffff;
	[tilespmem:s25+$0xFFFFFF80] =	vst v3  }
0xbc: {  	v55 =	vor.u32 s20, v1;
	v5 =	vld.idx.msk [tilespmem:v48+s26+$0x0], $0xffff;
	[tilespmem:s25+$0x60] =	vst v9  }
0xbd: {  	v57 =	vor.u32 s21, v1;
	v56 =	vld.idx.msk [tilespmem:v50+s26+$0x0], $0xffff;
	[tilespmem:s25+$0xFFFFFFA0] =	vst v49  }
0xbe: {  	v59 =	vor.u32 s22, v1;
	v58 =	vld.idx.msk [tilespmem:v52+s26+$0x0], $0xffff;
	[tilespmem:s25+$0xFFFFFFC0] =	vst v51  }
0xbf: {  	v60 =	vor.u32 s28, v1;
	[tilespmem:s25+$0xFFFFFFE0] =	vst v53;
	v2 =	vld.idx.msk [tilespmem:v2+s26+$0x0], $0xffff  }
0xc0: {  	v62 =	vor.u32 s24, v1;
	[tilespmem:s25+$0x0] =	vst v4;
	v61 =	vld.idx.msk [tilespmem:v54+s26+$0x0], $0xffff  }
0xc1: {  	[tilespmem:s25+$0x20] =	vst v5;
	v63 =	vld.idx.msk [tilespmem:v55+s26+$0x0], $0xffff  }
0xc2: {  	[tilespmem:s25+$0x40] =	vst v56;
	v6 =	vld.idx.msk [tilespmem:v57+s26+$0x0], $0xffff  }
0xc3: {  	v8 =	vld.idx.msk [tilespmem:v59+s26+$0x0], $0xffff;
	[tilespmem:s25+$0x70] =	vst v58  }
0xc4: {  	v3 =	vld.idx.msk [tilespmem:v60+s26+$0x0], $0xffff;
	[tilespmem:s25+$0xFFFFFFB0] =	vst v2  }
0xc5: {  	v2 =	vld.idx.msk [tilespmem:v62+s26+$0x0], $0xffff;
	[tilespmem:s25+$0xFFFFFFD0] =	vst v61  }
0xc6: {  	[tilespmem:s25+$0xFFFFFFF0] =	vst v63  }
0xc7: {  	[tilespmem:s25+$0x10] =	vst v6  }
0xc8: {  	[tilespmem:s25+$0x30] =	vst v8  }
0xc9: {  	p1 =	sgt.u32 s23, $0x1E43;
	s28 =	sshll.u32 s23, $0x9;
	[tilespmem:s25+$0x50] =	vst v3  }
0xca: {  	s29 =	sadd.s32 s6, s28;
	s17 =	sshll.u32 @!p1 s23, $0x7;
	[tilespmem:s25+$0xFFFFFF90] =	vst v2  }
0xcb: {  	[hbm4b:s29+s2] =	stream.linear.scatter [tilespmem:s1], [sflag:$0x4], $0x1000, $0x38;
	[tilespmem:$0x6000] =	vst v63  }
0xcc: {  	s18 =	simm.s32 @!p1 $0x0;
	s19 =	simm.s32 @!p1 $0x2000;
	s17 =	sadd.s32 @!p1 s17, s10  }
0xcd: {  	[tilespmem:s19], [sflag:$0x2] =	stream.linear.gather @!p1 [hbm4b:s17+s18], $0x400, $0x38;
	[tilespmem:$0x6000] =	vst v63  }
0xce: {  	s20 =	simm.s32 @!p1 $0x2800;
	s19 =	sadd.s32 @!p1 $0xF4280, s17  }
0xcf: {  	[tilespmem:s20], [sflag:$0x2] =	stream.linear.gather @!p1 [hbm4b:s19+s18], $0x400, $0x38;
	[tilespmem:$0x6000] =	vst v63  }
.Ltmp8:
0xd0: {  	_ = 	snop;
	(pc) =	sbr.rel .LBB2_10-.Ltmp8, $4  }
0xd1: {  	s19 =	sadd.s32 @!p1 $0x1E8500, s17;
	s20 =	simm.s32 @!p1 $0x3000  }
0xd2: {  	[tilespmem:s20], [sflag:$0x2] =	stream.linear.gather @!p1 [hbm4b:s19+s18], $0x400, $0x38;
	[tilespmem:$0x6000] =	vst v63  }
0xd3: {  	s17 =	sadd.s32 @!p1 $0x2DC780, s17;
	s19 =	simm.s32 @!p1 $0x3800  }
0xd4: {  	[tilespmem:s19], [sflag:$0x2] =	stream.linear.gather @!p1 [hbm4b:s17+s18], $0x400, $0x38;
	[tilespmem:$0x6000] =	vst v63  }
.LBB2_11:
0xd5: {  	_ =	swait.ge [sflag:s4], $0x1000  }
0xd6: {  	[sflag:s4] =	ssyncset.done $0x0  }
0xd7: {  	[sflag:s4] =	ssyncadd.s32 $0xFFFFF000  }
0xd8: {  	_ =	swait.ge [sflag:s11], $0x1000  }
0xd9: {  	[sflag:s11] =	ssyncset.done $0x0  }
0xda: {  	[sflag:s11] =	ssyncadd.s32 $0xFFFFF000  }
0xdb: {  	s16 =	simm.s32 @!p0 $0x0;
	s17 =	simm.s32 @!p0 $0x4000;
	s18 =	rddreg [dreg:$0x2]  }
0xdc: {  	[tilespmem:s17], [sflag:$0x5] =	stream.linear.gather @!p0 [hbm4b:s18+s16], $0x800, $0x38;
	[tilespmem:$0x6000] =	vst v63  }
0xdd: {  	s18 =	simm.s32 @!p0 $0x5  }
0xde: {  	_ =	swait.ge @!p0 [sflag:s18], $0x800  }
0xdf: {  	[sflag:s18] =	ssyncset.done @!p0 $0x0  }
0xe0: {  	s19 =	rddreg [dreg:$0x6];
	[sflag:s18] =	ssyncadd.s32 @!p0 $0xFFFFF800  }
0xe1: {  	[hbm4b:s19+s16] =	stream.linear.scatter @!p0 [tilespmem:s17], [sflag:$0x5], $0x800, $0x38;
	[tilespmem:$0x6000] =	vst v63  }
0xe2: {  	_ =	swait.ge @!p0 [sflag:s18], $0x800  }
0xe3: {  	[sflag:s18] =	ssyncset.done @!p0 $0x0  }
0xe4: {  	s16 =	simm.s32 $0x0;
	[sflag:s18] =	ssyncadd.s32 @!p0 $0xFFFFF800  }
0xe5: {  	[tilespmem:s16], [sflag:$0x1] =	stream.linear.gather [hbm4b:s12+s16], $0x400, $0x38;
	[tilespmem:$0x6000] =	vst v63  }
0xe6: {  	s28 =	sadd.s32 $0xF4280, s12;
	s29 =	simm.s32 $0x800  }
0xe7: {  	[tilespmem:s29], [sflag:$0x1] =	stream.linear.gather [hbm4b:s28+s16], $0x400, $0x38;
	[tilespmem:$0x6000] =	vst v63  }
0xe8: {  	s20 =	simm.s32 $0x1000;
	s19 =	sadd.s32 $0x1E8500, s12  }
0xe9: {  	[tilespmem:s20], [sflag:$0x1] =	stream.linear.gather [hbm4b:s19+s16], $0x400, $0x38;
	[tilespmem:$0x6000] =	vst v63  }
0xea: {  	s21 =	sadd.s32 $0x2DC780, s12;
	s22 =	simm.s32 $0x1800  }
0xeb: {  	[tilespmem:s22], [sflag:$0x1] =	stream.linear.gather [hbm4b:s21+s16], $0x400, $0x38;
	[tilespmem:$0x6000] =	vst v63  }
0xec: {  	_ = 	snop  }
0xed: {  	[tilespmem:s26], [sflag:$0x2] =	stream.linear.gather [hbm4b:s13+s16], $0x400, $0x38;
	[tilespmem:$0x6000] =	vst v63  }
0xee: {  	s23 =	sadd.s32 $0xF4280, s13;
	s24 =	simm.s32 $0x2800  }
0xef: {  	[tilespmem:s24], [sflag:$0x2] =	stream.linear.gather [hbm4b:s23+s16], $0x400, $0x38;
	[tilespmem:$0x6000] =	vst v63  }
.Ltmp9:
0xf0: {  	_ = 	snop;
	(pc) =	sbr.rel .LBB2_12-.Ltmp9, $4  }
0xf1: {  	s25 =	sadd.s32 $0x1E8500, s13;
	s28 =	simm.s32 $0x3000  }
0xf2: {  	[tilespmem:s28], [sflag:$0x2] =	stream.linear.gather [hbm4b:s25+s16], $0x400, $0x38;
	[tilespmem:$0x6000] =	vst v63  }
0xf3: {  	s29 =	sadd.s32 $0x2DC780, s13  }
0xf4: {  	[tilespmem:s30], [sflag:$0x2] =	stream.linear.gather [hbm4b:s29+s16], $0x400, $0x38;
	[tilespmem:$0x6000] =	vst v63  }
.LBB2_20:
0xf5: {  	s16 =	sadd.s32 $0x1, s16  }
0xf6: {  	p1 =	sne.s32 s16, $0x7B  }
.Ltmp10:
0xf7: {  	_ = 	snop;
	(pc) =	sbr.rel @!p1 .LBB2_21-.Ltmp10, $1  }
0xf8: {  	_ =	sdelay $0x3  }
.LBB2_12:
0xf9: {  	s17 =	sshll.u32 s16, $0x6  }
0xfa: {  	s23 =	sor.u32 s5, s17  }
0xfb: {  	p2 =	sgt.u32 s23, $0x1E83  }
.Ltmp11:
0xfc: {  	_ = 	snop;
	(pc) =	sbr.rel @p2 .LBB2_16-.Ltmp11, $2  }
0xfd: {  	_ =	sdelay $0x2  }
0xfe: {  	p1 =	seq.s32 s16, $0x0  }
0xff: {  	_ =	swait.ge [sflag:s31], $0x1000;
	s19 =	simm.s32 $0x0  }
0x100: {  	s17 =	simm.s32 $0x7;
	[sflag:s31] =	ssyncset.done $0x0;
	v2 =	vor.u32 s19, v0  }
0x101: {  	s18 =	simm.s32 @!p1 $0x3;
	s20 =	simm.s32 $0x1;
	v3 =	vor.u32 s17, v0;
	[sflag:s31] =	ssyncadd.s32 $0xFFFFF000  }
0x102: {  	s21 =	simm.s32 $0x2;
	v4 =	vor.u32 s20, v0;
	_ =	swait.ge @!p1 [sflag:s18], $0x1000  }
0x103: {  	s22 =	simm.s32 $0x3;
	v5 =	vor.u32 s21, v0;
	[sflag:s18] =	ssyncset.done @!p1 $0x0  }
0x104: {  	s24 =	simm.s32 $0x4;
	v6 =	vor.u32 s22, v0;
	[sflag:s18] =	ssyncadd.s32 @!p1 $0xFFFFF000  }
0x105: {  	s28 =	simm.s32 $0x5;
	v7 =	vor.u32 s24, v0;
	v2 =	vld.idx.msk [tilespmem:v2+s2+$0x0], $0xffff  }
0x106: {  	s29 =	simm.s32 $0x6;
	v8 =	vor.u32 s28, v0;
	v3 =	vld.idx.msk [tilespmem:v3+s2+$0x0], $0xffff  }
0x107: {  	v10 =	vor.u32 s29, v0;
	v4 =	vld.idx.msk [tilespmem:v4+s2+$0x0], $0xffff  }
0x108: {  	v13 =	vor.u32 s20, v1;
	v5 =	vld.idx.msk [tilespmem:v5+s2+$0x0], $0xffff  }
0x109: {  	v11 =	vor.u32 s17, v1;
	v6 =	vld.idx.msk [tilespmem:v6+s2+$0x0], $0xffff  }
0x10a: {  	v14 =	vor.u32 s21, v1;
	v15 =	vld.idx.msk [tilespmem:v7+s2+$0x0], $0xffff  }
0x10b: {  	s25 =	simm.s32 $0x4080;
	v16 =	vor.u32 s22, v1;
	v9 =	vld.idx.msk [tilespmem:v8+s2+$0x0], $0xffff  }
0x10c: {  	v12 =	vor.u32 s24, v1;
	v8 =	vld.idx.msk [tilespmem:v10+s2+$0x0], $0xffff;
	[tilespmem:s25+$0xFFFFFFA0] =	vst v4  }
0x10d: {  	[tilespmem:s25+$0x60] =	vst v3;
	v4 =	vld.idx.msk [tilespmem:v13+s2+$0x0], $0xffff;
	v13 =	vor.u32 s28, v1  }
0x10e: {  	s24 =	simm.s32 $0x8;
	[tilespmem:s25+$0xFFFFFFC0] =	vst v5;
	v7 =	vld.idx.msk [tilespmem:v11+s2+$0x0], $0xffff;
	v11 =	vor.u32 s29, v1  }
0x10f: {  	[tilespmem:s25+$0xFFFFFFE0] =	vst v6;
	v3 =	vor.u32 s24, v0;
	v5 =	vld.idx.msk [tilespmem:v14+s2+$0x0], $0xffff  }
0x110: {  	s17 =	simm.s32 $0x10;
	s18 =	simm.s32 $0xF;
	v10 =	vor.u32 s19, v1;
	[tilespmem:s25+$0x0] =	vst v15;
	v6 =	vld.idx.msk [tilespmem:v16+s2+$0x0], $0xffff  }
.LBB2_14:
0x111: {  	p2 =	slt.u32 s17, $0x78;
	s19 =	sadd.s32 $0x1, s24;
	v14 =	vor.u32 s18, v0;
	v12 =	vld.idx.msk [tilespmem:v12+s2+$0x0], $0xffff;
	[tilespmem:s25+$0x20] =	vst v9  }
0x112: {  	s20 =	sadd.s32 $0x2, s24;
	v9 =	vor.u32 s19, v0;
	v13 =	vld.idx.msk [tilespmem:v13+s2+$0x0], $0xffff;
	[tilespmem:s25+$0x40] =	vst v8  }
0x113: {  	s21 =	sadd.s32 $0x3, s24;
	v8 =	vor.u32 s20, v0;
	v11 =	vld.idx.msk [tilespmem:v11+s2+$0x0], $0xffff;
	[tilespmem:s25+$0x70] =	vst v7  }
0x114: {  	s22 =	sadd.s32 $0x4, s24;
	v7 =	vor.u32 s21, v0;
	[tilespmem:s25+$0xFFFFFF80] =	vst v2;
	v2 =	vld.idx.msk [tilespmem:v3+s2+$0x0], $0xffff  }
0x115: {  	s28 =	sadd.s32 $0x5, s24;
	v3 =	vor.u32 s22, v0;
	v10 =	vld.idx.msk [tilespmem:v10+s2+$0x0], $0xffff;
	[tilespmem:s25+$0xFFFFFFB0] =	vst v4  }
0x116: {  	s29 =	sadd.s32 $0x6, s24;
	v4 =	vor.u32 s28, v0;
	v14 =	vld.idx.msk [tilespmem:v14+s2+$0x0], $0xffff;
	[tilespmem:s25+$0xFFFFFFD0] =	vst v5  }
0x117: {  	v15 =	vor.u32 s29, v0;
	v5 =	vld.idx.msk [tilespmem:v9+s2+$0x0], $0xffff;
	[tilespmem:s25+$0xFFFFFFF0] =	vst v6  }
0x118: {  	v16 =	vor.u32 s18, v1;
	v6 =	vld.idx.msk [tilespmem:v8+s2+$0x0], $0xffff;
	[tilespmem:s25+$0x10] =	vst v12  }
0x119: {  	v17 =	vor.u32 s19, v1;
	v18 =	vld.idx.msk [tilespmem:v7+s2+$0x0], $0xffff;
	[tilespmem:s25+$0x30] =	vst v13  }
0x11a: {  	v19 =	vor.u32 s20, v1;
	v20 =	vld.idx.msk [tilespmem:v3+s2+$0x0], $0xffff;
	[tilespmem:s25+$0x50] =	vst v11  }
0x11b: {  	v21 =	vor.u32 s21, v1;
	v9 =	vld.idx.msk [tilespmem:v4+s2+$0x0], $0xffff;
	[tilespmem:s25+$0xFFFFFF90] =	vst v10;
	s25 =	sadd.s32 $0x100, s25  }
.Ltmp12:
0x11c: {  	v12 =	vor.u32 s22, v1;
	v8 =	vld.idx.msk [tilespmem:v15+s2+$0x0], $0xffff;
	[tilespmem:s25+$0x60] =	vst v14;
	(pc) =	sbr.rel @p2 .LBB2_14-.Ltmp12, $4  }
0x11d: {  	v13 =	vor.u32 s28, v1;
	[tilespmem:s25+$0xFFFFFFA0] =	vst v5;
	v7 =	vld.idx.msk [tilespmem:v16+s2+$0x0], $0xffff  }
0x11e: {  	v11 =	vor.u32 s29, v1;
	v4 =	vld.idx.msk [tilespmem:v17+s2+$0x0], $0xffff;
	[tilespmem:s25+$0xFFFFFFC0] =	vst v6  }
0x11f: {  	v3 =	vor.u32 s17, v0;
	v5 =	vld.idx.msk [tilespmem:v19+s2+$0x0], $0xffff;
	[tilespmem:s25+$0xFFFFFFE0] =	vst v18  }
0x120: {  	s18 =	sadd.s32 $0x7, s17;
	v10 =	vor.u32 s24, v1;
	s24 =	smov.u32 s17;
	s17 =	sadd.s32 $0x8, s17;
	v6 =	vld.idx.msk [tilespmem:v21+s2+$0x0], $0xffff;
	[tilespmem:s25+$0x0] =	vst v20  }
0x121: {  	_ =	sdelay $0x1  }
0x122: {  	[tilespmem:s25+$0x20] =	vst v9  }
0x123: {  	[tilespmem:s25+$0x40] =	vst v8  }
0x124: {  	s17 =	sadd.s32 $0x1, s24;
	v41 =	vor.u32 s18, v0;
	v42 =	vld.idx.msk [tilespmem:v12+s2+$0x0], $0xffff;
	[tilespmem:s25+$0xFFFFFF80] =	vst v2  }
0x125: {  	s19 =	sadd.s32 $0x2, s24;
	v43 =	vor.u32 s17, v0;
	[tilespmem:s25+$0x70] =	vst v7;
	v44 =	vld.idx.msk [tilespmem:v13+s2+$0x0], $0xffff  }
0x126: {  	s20 =	sadd.s32 $0x3, s24;
	v45 =	vor.u32 s19, v0;
	v2 =	vld.idx.msk [tilespmem:v11+s2+$0x0], $0xffff;
	[tilespmem:s25+$0xFFFFFFB0] =	vst v4  }
0x127: {  	s21 =	sadd.s32 $0x4, s24;
	v46 =	vor.u32 s20, v0;
	v10 =	vld.idx.msk [tilespmem:v10+s2+$0x0], $0xffff;
	[tilespmem:s25+$0xFFFFFFD0] =	vst v5  }
0x128: {  	s22 =	sadd.s32 $0x5, s24;
	v3 =	vld.idx.msk [tilespmem:v3+s2+$0x0], $0xffff;
	v47 =	vor.u32 s21, v0;
	[tilespmem:s25+$0xFFFFFFF0] =	vst v6  }
0x129: {  	s28 =	sadd.s32 $0x6, s24;
	v48 =	vor.u32 s22, v0;
	v9 =	vld.idx.msk [tilespmem:v41+s2+$0x0], $0xffff;
	[tilespmem:s25+$0x10] =	vst v42  }
0x12a: {  	v50 =	vor.u32 s28, v0;
	v49 =	vld.idx.msk [tilespmem:v43+s2+$0x0], $0xffff;
	[tilespmem:s25+$0x30] =	vst v44  }
0x12b: {  	v52 =	vor.u32 s18, v1;
	v51 =	vld.idx.msk [tilespmem:v45+s2+$0x0], $0xffff;
	[tilespmem:s25+$0x50] =	vst v2  }
0x12c: {  	v53 =	vld.idx.msk [tilespmem:v46+s2+$0x0], $0xffff;
	v2 =	vor.u32 s17, v1;
	[tilespmem:s25+$0xFFFFFF90] =	vst v10;
	s25 =	sadd.s32 $0x100, s25  }
0x12d: {  	v54 =	vor.u32 s19, v1;
	v4 =	vld.idx.msk [tilespmem:v47+s2+$0x0], $0xffff;
	[tilespmem:s25+$0xFFFFFF80] =	vst v3  }
0x12e: {  	v55 =	vor.u32 s20, v1;
	v5 =	vld.idx.msk [tilespmem:v48+s2+$0x0], $0xffff;
	[tilespmem:s25+$0x60] =	vst v9  }
0x12f: {  	v57 =	vor.u32 s21, v1;
	v56 =	vld.idx.msk [tilespmem:v50+s2+$0x0], $0xffff;
	[tilespmem:s25+$0xFFFFFFA0] =	vst v49  }
0x130: {  	v59 =	vor.u32 s22, v1;
	v58 =	vld.idx.msk [tilespmem:v52+s2+$0x0], $0xffff;
	[tilespmem:s25+$0xFFFFFFC0] =	vst v51  }
0x131: {  	v60 =	vor.u32 s28, v1;
	[tilespmem:s25+$0xFFFFFFE0] =	vst v53;
	v2 =	vld.idx.msk [tilespmem:v2+s2+$0x0], $0xffff  }
0x132: {  	v62 =	vor.u32 s24, v1;
	[tilespmem:s25+$0x0] =	vst v4;
	v61 =	vld.idx.msk [tilespmem:v54+s2+$0x0], $0xffff  }
0x133: {  	[tilespmem:s25+$0x20] =	vst v5;
	v63 =	vld.idx.msk [tilespmem:v55+s2+$0x0], $0xffff  }
0x134: {  	[tilespmem:s25+$0x40] =	vst v56;
	v6 =	vld.idx.msk [tilespmem:v57+s2+$0x0], $0xffff  }
0x135: {  	v8 =	vld.idx.msk [tilespmem:v59+s2+$0x0], $0xffff;
	[tilespmem:s25+$0x70] =	vst v58  }
0x136: {  	v3 =	vld.idx.msk [tilespmem:v60+s2+$0x0], $0xffff;
	[tilespmem:s25+$0xFFFFFFB0] =	vst v2  }
0x137: {  	v2 =	vld.idx.msk [tilespmem:v62+s2+$0x0], $0xffff;
	[tilespmem:s25+$0xFFFFFFD0] =	vst v61  }
0x138: {  	[tilespmem:s25+$0xFFFFFFF0] =	vst v63  }
0x139: {  	[tilespmem:s25+$0x10] =	vst v6  }
0x13a: {  	[tilespmem:s25+$0x30] =	vst v8  }
0x13b: {  	p2 =	sgt.u32 s23, $0x1E43;
	s28 =	sshll.u32 s23, $0x9;
	[tilespmem:s25+$0x50] =	vst v3  }
0x13c: {  	s29 =	sadd.s32 s7, s28;
	s17 =	sshll.u32 @!p2 s23, $0x7;
	[tilespmem:s25+$0xFFFFFF90] =	vst v2  }
0x13d: {  	[hbm4b:s29+s2] =	stream.linear.scatter [tilespmem:s0], [sflag:$0x3], $0x1000, $0x38;
	[tilespmem:$0x6000] =	vst v63  }
0x13e: {  	s18 =	simm.s32 @!p2 $0x0;
	s17 =	sadd.s32 @!p2 s17, s14  }
0x13f: {  	[tilespmem:s18], [sflag:$0x1] =	stream.linear.gather @!p2 [hbm4b:s17+s18], $0x400, $0x38;
	[tilespmem:$0x6000] =	vst v63  }
0x140: {  	s20 =	simm.s32 @!p2 $0x800;
	s19 =	sadd.s32 @!p2 $0xF4280, s17  }
0x141: {  	[tilespmem:s20], [sflag:$0x1] =	stream.linear.gather @!p2 [hbm4b:s19+s18], $0x400, $0x38;
	[tilespmem:$0x6000] =	vst v63  }
0x142: {  	s19 =	sadd.s32 @!p2 $0x1E8500, s17;
	s20 =	simm.s32 @!p2 $0x1000  }
0x143: {  	[tilespmem:s20], [sflag:$0x1] =	stream.linear.gather @!p2 [hbm4b:s19+s18], $0x400, $0x38;
	[tilespmem:$0x6000] =	vst v63  }
0x144: {  	s17 =	sadd.s32 @!p2 $0x2DC780, s17;
	s19 =	simm.s32 @!p2 $0x1800  }
0x145: {  	[tilespmem:s19], [sflag:$0x1] =	stream.linear.gather @!p2 [hbm4b:s17+s18], $0x400, $0x38;
	[tilespmem:$0x6000] =	vst v63  }
.LBB2_16:
0x146: {  	s23 =	sor.u32 $0x20, s23  }
0x147: {  	p2 =	sgt.u32 s23, $0x1E83  }
.Ltmp13:
0x148: {  	_ = 	snop;
	(pc) =	sbr.rel @p2 .LBB2_20-.Ltmp13, $1  }
0x149: {  	_ =	sdelay $0x3  }
0x14a: {  	_ =	swait.ge [sflag:s3], $0x1000;
	s19 =	simm.s32 $0x0  }
0x14b: {  	s17 =	simm.s32 $0x7;
	[sflag:s3] =	ssyncset.done $0x0;
	v2 =	vor.u32 s19, v0  }
0x14c: {  	s18 =	simm.s32 @!p1 $0x4;
	s20 =	simm.s32 $0x1;
	v3 =	vor.u32 s17, v0;
	[sflag:s3] =	ssyncadd.s32 $0xFFFFF000  }
0x14d: {  	s21 =	simm.s32 $0x2;
	v4 =	vor.u32 s20, v0;
	_ =	swait.ge @!p1 [sflag:s18], $0x1000  }
0x14e: {  	s22 =	simm.s32 $0x3;
	v5 =	vor.u32 s21, v0;
	[sflag:s18] =	ssyncset.done @!p1 $0x0  }
0x14f: {  	s24 =	simm.s32 $0x4;
	v6 =	vor.u32 s22, v0;
	[sflag:s18] =	ssyncadd.s32 @!p1 $0xFFFFF000  }
0x150: {  	s28 =	simm.s32 $0x5;
	v7 =	vor.u32 s24, v0;
	v2 =	vld.idx.msk [tilespmem:v2+s26+$0x0], $0xffff  }
0x151: {  	s29 =	simm.s32 $0x6;
	v8 =	vor.u32 s28, v0;
	v3 =	vld.idx.msk [tilespmem:v3+s26+$0x0], $0xffff  }
0x152: {  	v10 =	vor.u32 s29, v0;
	v4 =	vld.idx.msk [tilespmem:v4+s26+$0x0], $0xffff  }
0x153: {  	v13 =	vor.u32 s20, v1;
	v5 =	vld.idx.msk [tilespmem:v5+s26+$0x0], $0xffff  }
0x154: {  	v11 =	vor.u32 s17, v1;
	v6 =	vld.idx.msk [tilespmem:v6+s26+$0x0], $0xffff  }
0x155: {  	v14 =	vor.u32 s21, v1;
	v15 =	vld.idx.msk [tilespmem:v7+s26+$0x0], $0xffff  }
0x156: {  	s25 =	simm.s32 $0x5080;
	v16 =	vor.u32 s22, v1;
	v9 =	vld.idx.msk [tilespmem:v8+s26+$0x0], $0xffff  }
0x157: {  	v12 =	vor.u32 s24, v1;
	v8 =	vld.idx.msk [tilespmem:v10+s26+$0x0], $0xffff;
	[tilespmem:s25+$0xFFFFFFA0] =	vst v4  }
0x158: {  	[tilespmem:s25+$0x60] =	vst v3;
	v4 =	vld.idx.msk [tilespmem:v13+s26+$0x0], $0xffff;
	v13 =	vor.u32 s28, v1  }
0x159: {  	s24 =	simm.s32 $0x8;
	[tilespmem:s25+$0xFFFFFFC0] =	vst v5;
	v7 =	vld.idx.msk [tilespmem:v11+s26+$0x0], $0xffff;
	v11 =	vor.u32 s29, v1  }
0x15a: {  	[tilespmem:s25+$0xFFFFFFE0] =	vst v6;
	v3 =	vor.u32 s24, v0;
	v5 =	vld.idx.msk [tilespmem:v14+s26+$0x0], $0xffff  }
0x15b: {  	s17 =	simm.s32 $0x10;
	s18 =	simm.s32 $0xF;
	v10 =	vor.u32 s19, v1;
	[tilespmem:s25+$0x0] =	vst v15;
	v6 =	vld.idx.msk [tilespmem:v16+s26+$0x0], $0xffff  }
.LBB2_18:
0x15c: {  	p1 =	slt.u32 s17, $0x78;
	s19 =	sadd.s32 $0x1, s24;
	v14 =	vor.u32 s18, v0;
	v12 =	vld.idx.msk [tilespmem:v12+s26+$0x0], $0xffff;
	[tilespmem:s25+$0x20] =	vst v9  }
0x15d: {  	s20 =	sadd.s32 $0x2, s24;
	v9 =	vor.u32 s19, v0;
	v13 =	vld.idx.msk [tilespmem:v13+s26+$0x0], $0xffff;
	[tilespmem:s25+$0x40] =	vst v8  }
0x15e: {  	s21 =	sadd.s32 $0x3, s24;
	v8 =	vor.u32 s20, v0;
	v11 =	vld.idx.msk [tilespmem:v11+s26+$0x0], $0xffff;
	[tilespmem:s25+$0x70] =	vst v7  }
0x15f: {  	s22 =	sadd.s32 $0x4, s24;
	v7 =	vor.u32 s21, v0;
	[tilespmem:s25+$0xFFFFFF80] =	vst v2;
	v2 =	vld.idx.msk [tilespmem:v3+s26+$0x0], $0xffff  }
0x160: {  	s28 =	sadd.s32 $0x5, s24;
	v3 =	vor.u32 s22, v0;
	v10 =	vld.idx.msk [tilespmem:v10+s26+$0x0], $0xffff;
	[tilespmem:s25+$0xFFFFFFB0] =	vst v4  }
0x161: {  	s29 =	sadd.s32 $0x6, s24;
	v4 =	vor.u32 s28, v0;
	v14 =	vld.idx.msk [tilespmem:v14+s26+$0x0], $0xffff;
	[tilespmem:s25+$0xFFFFFFD0] =	vst v5  }
0x162: {  	v15 =	vor.u32 s29, v0;
	v5 =	vld.idx.msk [tilespmem:v9+s26+$0x0], $0xffff;
	[tilespmem:s25+$0xFFFFFFF0] =	vst v6  }
0x163: {  	v16 =	vor.u32 s18, v1;
	v6 =	vld.idx.msk [tilespmem:v8+s26+$0x0], $0xffff;
	[tilespmem:s25+$0x10] =	vst v12  }
0x164: {  	v17 =	vor.u32 s19, v1;
	v18 =	vld.idx.msk [tilespmem:v7+s26+$0x0], $0xffff;
	[tilespmem:s25+$0x30] =	vst v13  }
0x165: {  	v19 =	vor.u32 s20, v1;
	v20 =	vld.idx.msk [tilespmem:v3+s26+$0x0], $0xffff;
	[tilespmem:s25+$0x50] =	vst v11  }
0x166: {  	v21 =	vor.u32 s21, v1;
	v9 =	vld.idx.msk [tilespmem:v4+s26+$0x0], $0xffff;
	[tilespmem:s25+$0xFFFFFF90] =	vst v10;
	s25 =	sadd.s32 $0x100, s25  }
.Ltmp14:
0x167: {  	v12 =	vor.u32 s22, v1;
	v8 =	vld.idx.msk [tilespmem:v15+s26+$0x0], $0xffff;
	[tilespmem:s25+$0x60] =	vst v14;
	(pc) =	sbr.rel @p1 .LBB2_18-.Ltmp14, $4  }
0x168: {  	v13 =	vor.u32 s28, v1;
	[tilespmem:s25+$0xFFFFFFA0] =	vst v5;
	v7 =	vld.idx.msk [tilespmem:v16+s26+$0x0], $0xffff  }
0x169: {  	v11 =	vor.u32 s29, v1;
	v4 =	vld.idx.msk [tilespmem:v17+s26+$0x0], $0xffff;
	[tilespmem:s25+$0xFFFFFFC0] =	vst v6  }
0x16a: {  	v3 =	vor.u32 s17, v0;
	v5 =	vld.idx.msk [tilespmem:v19+s26+$0x0], $0xffff;
	[tilespmem:s25+$0xFFFFFFE0] =	vst v18  }
0x16b: {  	s18 =	sadd.s32 $0x7, s17;
	v10 =	vor.u32 s24, v1;
	s24 =	smov.u32 s17;
	s17 =	sadd.s32 $0x8, s17;
	v6 =	vld.idx.msk [tilespmem:v21+s26+$0x0], $0xffff;
	[tilespmem:s25+$0x0] =	vst v20  }
0x16c: {  	_ =	sdelay $0x1  }
0x16d: {  	[tilespmem:s25+$0x20] =	vst v9  }
0x16e: {  	[tilespmem:s25+$0x40] =	vst v8  }
0x16f: {  	s17 =	sadd.s32 $0x1, s24;
	v41 =	vor.u32 s18, v0;
	v42 =	vld.idx.msk [tilespmem:v12+s26+$0x0], $0xffff;
	[tilespmem:s25+$0xFFFFFF80] =	vst v2  }
0x170: {  	s19 =	sadd.s32 $0x2, s24;
	v43 =	vor.u32 s17, v0;
	[tilespmem:s25+$0x70] =	vst v7;
	v44 =	vld.idx.msk [tilespmem:v13+s26+$0x0], $0xffff  }
0x171: {  	s20 =	sadd.s32 $0x3, s24;
	v45 =	vor.u32 s19, v0;
	v2 =	vld.idx.msk [tilespmem:v11+s26+$0x0], $0xffff;
	[tilespmem:s25+$0xFFFFFFB0] =	vst v4  }
0x172: {  	s21 =	sadd.s32 $0x4, s24;
	v46 =	vor.u32 s20, v0;
	v10 =	vld.idx.msk [tilespmem:v10+s26+$0x0], $0xffff;
	[tilespmem:s25+$0xFFFFFFD0] =	vst v5  }
0x173: {  	s22 =	sadd.s32 $0x5, s24;
	v3 =	vld.idx.msk [tilespmem:v3+s26+$0x0], $0xffff;
	v47 =	vor.u32 s21, v0;
	[tilespmem:s25+$0xFFFFFFF0] =	vst v6  }
0x174: {  	s28 =	sadd.s32 $0x6, s24;
	v48 =	vor.u32 s22, v0;
	v9 =	vld.idx.msk [tilespmem:v41+s26+$0x0], $0xffff;
	[tilespmem:s25+$0x10] =	vst v42  }
0x175: {  	v50 =	vor.u32 s28, v0;
	v49 =	vld.idx.msk [tilespmem:v43+s26+$0x0], $0xffff;
	[tilespmem:s25+$0x30] =	vst v44  }
0x176: {  	v52 =	vor.u32 s18, v1;
	v51 =	vld.idx.msk [tilespmem:v45+s26+$0x0], $0xffff;
	[tilespmem:s25+$0x50] =	vst v2  }
0x177: {  	v53 =	vld.idx.msk [tilespmem:v46+s26+$0x0], $0xffff;
	v2 =	vor.u32 s17, v1;
	[tilespmem:s25+$0xFFFFFF90] =	vst v10;
	s25 =	sadd.s32 $0x100, s25  }
0x178: {  	v54 =	vor.u32 s19, v1;
	v4 =	vld.idx.msk [tilespmem:v47+s26+$0x0], $0xffff;
	[tilespmem:s25+$0xFFFFFF80] =	vst v3  }
0x179: {  	v55 =	vor.u32 s20, v1;
	v5 =	vld.idx.msk [tilespmem:v48+s26+$0x0], $0xffff;
	[tilespmem:s25+$0x60] =	vst v9  }
0x17a: {  	v57 =	vor.u32 s21, v1;
	v56 =	vld.idx.msk [tilespmem:v50+s26+$0x0], $0xffff;
	[tilespmem:s25+$0xFFFFFFA0] =	vst v49  }
0x17b: {  	v59 =	vor.u32 s22, v1;
	v58 =	vld.idx.msk [tilespmem:v52+s26+$0x0], $0xffff;
	[tilespmem:s25+$0xFFFFFFC0] =	vst v51  }
0x17c: {  	v60 =	vor.u32 s28, v1;
	[tilespmem:s25+$0xFFFFFFE0] =	vst v53;
	v2 =	vld.idx.msk [tilespmem:v2+s26+$0x0], $0xffff  }
0x17d: {  	v62 =	vor.u32 s24, v1;
	[tilespmem:s25+$0x0] =	vst v4;
	v61 =	vld.idx.msk [tilespmem:v54+s26+$0x0], $0xffff  }
0x17e: {  	[tilespmem:s25+$0x20] =	vst v5;
	v63 =	vld.idx.msk [tilespmem:v55+s26+$0x0], $0xffff  }
0x17f: {  	[tilespmem:s25+$0x40] =	vst v56;
	v6 =	vld.idx.msk [tilespmem:v57+s26+$0x0], $0xffff  }
0x180: {  	v8 =	vld.idx.msk [tilespmem:v59+s26+$0x0], $0xffff;
	[tilespmem:s25+$0x70] =	vst v58  }
0x181: {  	v3 =	vld.idx.msk [tilespmem:v60+s26+$0x0], $0xffff;
	[tilespmem:s25+$0xFFFFFFB0] =	vst v2  }
0x182: {  	v2 =	vld.idx.msk [tilespmem:v62+s26+$0x0], $0xffff;
	[tilespmem:s25+$0xFFFFFFD0] =	vst v61  }
0x183: {  	[tilespmem:s25+$0xFFFFFFF0] =	vst v63  }
0x184: {  	[tilespmem:s25+$0x10] =	vst v6  }
0x185: {  	[tilespmem:s25+$0x30] =	vst v8  }
0x186: {  	p1 =	sgt.u32 s23, $0x1E43;
	s28 =	sshll.u32 s23, $0x9;
	[tilespmem:s25+$0x50] =	vst v3  }
0x187: {  	s29 =	sadd.s32 s7, s28;
	s17 =	sshll.u32 @!p1 s23, $0x7;
	[tilespmem:s25+$0xFFFFFF90] =	vst v2  }
0x188: {  	[hbm4b:s29+s2] =	stream.linear.scatter [tilespmem:s1], [sflag:$0x4], $0x1000, $0x38;
	[tilespmem:$0x6000] =	vst v63  }
0x189: {  	s18 =	simm.s32 @!p1 $0x0;
	s19 =	simm.s32 @!p1 $0x2000;
	s17 =	sadd.s32 @!p1 s17, s14  }
0x18a: {  	[tilespmem:s19], [sflag:$0x2] =	stream.linear.gather @!p1 [hbm4b:s17+s18], $0x400, $0x38;
	[tilespmem:$0x6000] =	vst v63  }
0x18b: {  	s20 =	simm.s32 @!p1 $0x2800;
	s19 =	sadd.s32 @!p1 $0xF4280, s17  }
0x18c: {  	[tilespmem:s20], [sflag:$0x2] =	stream.linear.gather @!p1 [hbm4b:s19+s18], $0x400, $0x38;
	[tilespmem:$0x6000] =	vst v63  }
.Ltmp15:
0x18d: {  	_ = 	snop;
	(pc) =	sbr.rel .LBB2_20-.Ltmp15, $4  }
0x18e: {  	s19 =	sadd.s32 @!p1 $0x1E8500, s17;
	s20 =	simm.s32 @!p1 $0x3000  }
0x18f: {  	[tilespmem:s20], [sflag:$0x2] =	stream.linear.gather @!p1 [hbm4b:s19+s18], $0x400, $0x38;
	[tilespmem:$0x6000] =	vst v63  }
0x190: {  	s17 =	sadd.s32 @!p1 $0x2DC780, s17;
	s19 =	simm.s32 @!p1 $0x3800  }
0x191: {  	[tilespmem:s19], [sflag:$0x2] =	stream.linear.gather @!p1 [hbm4b:s17+s18], $0x400, $0x38;
	[tilespmem:$0x6000] =	vst v63  }
.LBB2_22:
0x192: {  	_ =	sfence.sel $0x180000  }
0x193: {  	[bflag:$0x0] =	sbarrier.arrive $0xFFFF  }
0x194: {  	_ =	strace $0x90000047  }
0x195: {  	s0 =	stileid.u32;
	[bflag:$0x2] =	sbarrier.arrive $0xFFFF  }
0x196: {  	p0 =	sne.s32 s0, $0x0;
	s0 =	rddreg [dreg:$0x4]  }
0x197: {  	s0 =	sadd.s32 @!p0 $0x100000, s0  }
0x198: {  	[sflag:s0] =	ssyncadd.tile.s32 @!p0 $0x1;
	_ =	shalt  }
.Lfunc_end2:
_tile_overlayer_lowered:
.L_overlay_start_2:
0x199: {  	(tag) =	ssettag $0x2  }
0x19a: {  	s0 =	rddreg [dreg:$0x0];
	s2 =	stileid.u32  }
0x19b: {  	s1 =	rddreg [dreg:$0x1];
	p0 =	sne.s32 s2, $0x0  }
0x19c: {  	s3 =	rddreg [dreg:$0x2];
	[bflag:$0x3] =	sbarrier.arrive $0xFFFF;
	s2 =	simm.s32 @!p0 $0x1C05  }
0x19d: {  	[timem:s3], [sflag:s2] =	dma.local @!p0 [hbm:s0], s1  }
0x19e: {  	s0 =	simm.s32 @!p0 $0x5  }
0x19f: {  	_ =	swait.ge @!p0 [sflag:s0], s1  }
0x1a0: {  	s1 =	ssub.s32 @!p0 $0x0, s1;
	[sflag:s0] =	ssyncset.done @!p0 $0x0  }
0x1a1: {  	[sflag:s0] =	ssyncadd.s32 @!p0 s1  }
0x1a2: {  	[bflag:$0x3] =	sbarrier.arrive $0xFFFF  }
0x1a3: {  	_ =	shalt  }

// kernel: kernel.7.cloned.1.call-start
scs
__scs_entry_jumppad:
0x0: {  	(pc) =	sbr.rel $0x88, $3  }
0x1: {  	(tag) =	ssettag $0x0;
	lr =	simm.s32 $0x1  }
0x2: {  	[smem:$0x3F9E] =	sst lr;
	_ =	strace $0xD0000000  }
0x3: {  	_ = 	snop  }
0x4: {  	_ = 	snop  }
0x5: {  	_ = 	snop  }
0x6: {  	_ = 	snop  }
0x7: {  	_ = 	snop  }
__scs_overlays_trampoline_lowered:
0x8: {  	[smem:$0x3FAD] =	sst s0  }
0x9: {  	[smem:$0x3FAE] =	sst s1  }
0xa: {  	[smem:$0x3FAF] =	sst s2  }
0xb: {  	[smem:$0x3FB0] =	sst s3  }
0xc: {  	[smem:$0x3FB1] =	sst s4  }
0xd: {  	[smem:$0x3FB2] =	sst s5  }
0xe: {  	[smem:$0x3FB3] =	sst s6  }
0xf: {  	[smem:$0x3FB4] =	sst s7  }
0x10: {  	[smem:$0x3FB5] =	sst s8  }
0x11: {  	[smem:$0x3FB6] =	sst s9;
	s0 =	simm.s32 @!p0 $0x0  }
0x12: {  	s1 =	sld [smem:$0x3F9C];
	s0 =	simm.s32 @p0 $0x1  }
0x13: {  	[smem:$0x3FB7] =	sst s0;
	s0 =	simm.s32 @!p1 $0x0  }
0x14: {  	s2 =	sld [smem:$0x3F9B];
	s0 =	simm.s32 @p1 $0x1  }
0x15: {  	[smem:$0x3FB8] =	sst s0;
	s0 =	simm.s32 @!p2 $0x0  }
0x16: {  	s3 =	sld [smem:$0x3FDB];
	s0 =	simm.s32 @p2 $0x1  }
0x17: {  	s4 =	simm.s32 $0x1BF5;
	[smem:$0x3FBA] =	sst s0  }
0x18: {  	s0 =	sld [smem:$0x3F9D];
	_ =	swait.ge [sflag:s4], $0x0  }
0x19: {  	s7 =	sld [smem:$0x3F9E]  }
0x1a: {  	s8 =	sadd.s32 $0xFFFFE003, lr  }
0x1b: {  	s9 =	sadd.s32 $0xFFFFFEF7, lr;
	s5 =	simm.s32 $0xFFFFFFFF;
	p2 =	slt.u32 s8, $0xFFFFF086  }
0x1c: {  	p1 =	slt.u32 s9, $0xF7A;
	s5 =	simm.s32 @!p2 $0x0  }
0x1d: {  	s5 =	simm.s32 @p1 $0x1;
	p0 =	seq.s32 s7, s2  }
0x1e: {  	s7 =	smul.u32 @!p0 $0xF7A, s2;
	p2 =	seq.s32 @!p0 s5, $0x0  }
0x1f: {  	s9 =	smul.u32 $0xF7A, s1;
	s8 =	simm.s32 @!p0 $0x1BF5;
	p2 =	por !p2, p0  }
0x20: {  	[sflag:s8] =	ssyncset.s32 @!p0 $0xFFFFF086;
	s6 =	sadd.s32 @!p0 s3, s7;
	s7 =	simm.s32 @!p0 $0x108  }
0x21: {  	s3 =	sadd.s32 s3, s9;
	s6 =	sadd.s32 @!p0 $0x88, s6;
	s7 =	simm.s32 @p2 $0x1082  }
0x22: {  	[simem:s7], [sflag:s8] =	dma.local @!p0 [hbm:s6], $0xF7A  }
0x23: {  	s9 =	sor.u32 $0xD0000000, s2;
	s6 =	simm.s32 $0x108;
	_ =	swait.ge @!p0 [sflag:s8], $0x0  }
0x24: {  	s3 =	sadd.s32 $0x88, s3;
	s6 =	simm.s32 @!p1 $0x1082;
	[sflag:s4] =	ssyncset.s32 $0xFFFFF086  }
0x25: {  	[simem:s6], [sflag:s4] =	dma.local [hbm:s3], $0xF7A  }
0x26: {  	[smem:$0x3F9E] =	sst s1;
	(tag) =	ssettag s2;
	_ =	strace s9  }
0x27: {  	s1 =	sld [smem:$0x3FAE]  }
0x28: {  	s2 =	sld [smem:$0x3FAF]  }
0x29: {  	s4 =	sld [smem:$0x3FB1]  }
0x2a: {  	p0 =	seq.s32 s5, $0x0;
	s5 =	sld [smem:$0x3FB2]  }
0x2b: {  	s6 =	sld [smem:$0x3FB3]  }
0x2c: {  	s7 =	sld [smem:$0x3FB4]  }
0x2d: {  	s3 =	simm.s32 $0x108;
	s8 =	sld [smem:$0x3FB5]  }
0x2e: {  	s3 =	simm.s32 @!p0 $0x1082;
	s9 =	sld [smem:$0x3FB6]  }
0x2f: {  	lr =	sadd.s32 s0, s3;
	s0 =	sld [smem:$0x3FAD]  }
0x30: {  	s3 =	sld [smem:$0x3FB0]  }
0x31: {  	[smem:$0x3FB9] =	sst s10  }
0x32: {  	s10 =	sld [smem:$0x3FB7];
	_ =	sdelay $0x3  }
0x33: {  	p0 =	seq.s32 s10, $0x1;
	s10 =	sld [smem:$0x3FB9];
	_ =	sdelay $0x3  }
0x34: {  	[smem:$0x3FB9] =	sst s10  }
0x35: {  	s10 =	sld [smem:$0x3FB8];
	_ =	sdelay $0x3  }
0x36: {  	p1 =	seq.s32 s10, $0x1;
	s10 =	sld [smem:$0x3FB9];
	_ =	sdelay $0x3  }
0x37: {  	[smem:$0x3FB9] =	sst s10  }
0x38: {  	s10 =	sld [smem:$0x3FBA]  }
0x39: {  	_ = 	snop;
	(pc) =	sbr.ind lr, $3  }
0x3a: {  	_ = 	snop  }
0x3b: {  	_ = 	snop  }
0x3c: {  	p2 =	seq.s32 s10, $0x1;
	s10 =	sld [smem:$0x3FB9]  }
0x3d: {  	_ =	shalt  }
0x3e: {  	_ =	shalt  }
0x3f: {  	_ =	shalt  }
0x40: {  	_ =	shalt  }
0x41: {  	_ =	shalt  }
0x42: {  	_ =	shalt  }
0x43: {  	_ =	shalt  }
0x44: {  	_ =	shalt  }
0x45: {  	_ =	shalt  }
0x46: {  	_ =	shalt  }
0x47: {  	_ =	shalt  }
0x48: {  	_ =	shalt  }
0x49: {  	_ =	shalt  }
0x4a: {  	_ =	shalt  }
0x4b: {  	_ =	shalt  }
0x4c: {  	_ =	shalt  }
0x4d: {  	_ =	shalt  }
0x4e: {  	_ =	shalt  }
0x4f: {  	_ =	shalt  }
0x50: {  	_ =	shalt  }
0x51: {  	_ =	shalt  }
0x52: {  	_ =	shalt  }
0x53: {  	_ =	shalt  }
0x54: {  	_ =	shalt  }
0x55: {  	_ =	shalt  }
0x56: {  	_ =	shalt  }
0x57: {  	_ =	shalt  }
0x58: {  	_ =	shalt  }
0x59: {  	_ =	shalt  }
0x5a: {  	_ =	shalt  }
0x5b: {  	_ =	shalt  }
0x5c: {  	_ =	shalt  }
0x5d: {  	_ =	shalt  }
0x5e: {  	_ =	shalt  }
0x5f: {  	_ =	shalt  }
0x60: {  	_ =	shalt  }
0x61: {  	_ =	shalt  }
0x62: {  	_ =	shalt  }
0x63: {  	_ =	shalt  }
0x64: {  	_ =	shalt  }
0x65: {  	_ =	shalt  }
0x66: {  	_ =	shalt  }
0x67: {  	_ =	shalt  }
0x68: {  	_ =	shalt  }
0x69: {  	_ =	shalt  }
0x6a: {  	_ =	shalt  }
0x6b: {  	_ =	shalt  }
0x6c: {  	_ =	shalt  }
0x6d: {  	_ =	shalt  }
0x6e: {  	_ =	shalt  }
0x6f: {  	_ =	shalt  }
0x70: {  	_ =	shalt  }
0x71: {  	_ =	shalt  }
0x72: {  	_ =	shalt  }
0x73: {  	_ =	shalt  }
0x74: {  	_ =	shalt  }
0x75: {  	_ =	shalt  }
0x76: {  	_ =	shalt  }
0x77: {  	_ =	shalt  }
0x78: {  	_ =	shalt  }
0x79: {  	_ =	shalt  }
0x7a: {  	_ =	shalt  }
0x7b: {  	_ =	shalt  }
0x7c: {  	_ =	shalt  }
0x7d: {  	_ =	shalt  }
0x7e: {  	_ =	shalt  }
0x7f: {  	_ =	shalt  }
0x80: {  	_ =	shalt  }
0x81: {  	_ =	shalt  }
0x82: {  	_ =	shalt  }
0x83: {  	_ =	shalt  }
0x84: {  	_ =	shalt  }
0x85: {  	_ =	shalt  }
0x86: {  	_ =	shalt  }
0x87: {  	_ =	shalt  }
.Lfunc_end0:
.L_simem_size_0:
called_computation.1_lowered:
.L_overlay_start_0:
0x88: {  	s2 =	sld [smem:$0x3FD9]  }
0x89: {  	s3 =	sld [smem:$0x3FFE];
	_ =	sdelay $0x1  }
0x8a: {  	s1 =	srdreg.scid  }
0x8b: {  	s0 =	sand.u32 $0x1, s1  }
0x8c: {  	s17 =	sshll.u32 s0, $0xA;
	s2 =	sadd.s32 s3, s2  }
0x8d: {  	s2 =	sadd.s32 s2, s17  }
0x8e: {  	[smem:$0x3FC5] =	sst s2  }
0x8f: {  	_ = 	snop  }
0x90: {  	s2 =	sld [smem:$0x3FD0];
	(tm) =	ssettm $0x1  }
0x91: {  	s18 =	sld [smem:$0x3FFB];
	_ =	sdelay $0x3  }
0x92: {  	_ =	strace s18  }
0x93: {  	s3 =	sld [smem:$0x3FFC];
	_ =	sdelay $0x3  }
0x94: {  	_ =	strace s3  }
0x95: {  	s3 =	sld [smem:$0x3FFD];
	_ =	sdelay $0x3  }
0x96: {  	_ =	strace s3  }
0x97: {  	_ =	strace $0x8FFFFFFF  }
0x98: {  	s19 =	sld [smem:$0x3FDB];
	_ =	sdelay $0x1  }
0x99: {  	s4 =	simm.s32 $_scs_section_size  }
0x9a: {  	s5 =	simm.s32 $_size__tile_overlayer_lowered;
	s6 =	simm.s32 $_tile_overlayer_lowered  }
0x9b: {  	s22 =	simm.s32 $0x1BFF;
	s21 =	sshll.u32 s6, $0x1;
	s3 =	sadd.s32 s4, s19  }
0x9c: {  	s7 =	simm.s32 $0x0;
	s20 =	sshll.u32 s5, $0x1;
	s5 =	sadd.s32 s21, s3  }
0x9d: {  	[timem:s7], [sflag:s22] =	dma.local [hbm:s5], s20  }
0x9e: {  	_ =	swait.ge [sflag:s22], s20  }
0x9f: {  	s4 =	ssub.s32 $0x0, s20;
	[sflag:s22] =	ssyncset.done $0x0  }
0xa0: {  	[sflag:s22] =	ssyncadd.s32 s4;
	_ =	sdelay $0x1  }
0xa1: {  	s23 =	simm.s32 $0x1B8B  }
0xa2: {  	_ =	swait.ge [sflag:s23], $0x1  }
0xa3: {  	[sflag:s23] =	ssyncset.done $0x0  }
0xa4: {  	s25 =	simm.s32 $0x1B8E;
	s24 =	sld [smem:$0x3FFE];
	[sflag:s23] =	ssyncadd.s32 $0xFFFFFFFF  }
0xa5: {  	s26 =	simm.s32 $execute0_lowered;
	[smem:$0x3FD2] =	sst s25  }
0xa6: {  	s5 =	sshll.u32 s26, $0x1;
	_ =	strace $0x80000049;
	[dreg:$0x1] =	wrdreg $0xFFFFFFFF  }
0xa7: {  	s28 =	simm.s32 $_size_execute0_lowered;
	s3 =	sadd.s32 s3, s5;
	[dreg:$0x0] =	wrdreg $0x0  }
0xa8: {  	s5 =	sshll.u32 s28, $0x1;
	[dreg:$0x2] =	wrdreg s3  }
0xa9: {  	[dreg:$0x3] =	wrdreg s5  }
0xaa: {  	[dreg:$0x4] =	wrdreg $0xC0  }
0xab: {  	_ =	task [dreg:s7], $0x5FFFF  }
0xac: {  	[dreg:$0x1] =	wrdreg $0xFFFFFFFF  }
0xad: {  	[dreg:$0x0] =	wrdreg $0x60  }
0xae: {  	[dreg:$0x2] =	wrdreg s24  }
0xaf: {  	[dreg:$0x3] =	wrdreg s2  }
0xb0: {  	[dreg:$0x4] =	wrdreg $0x9  }
0xb1: {  	_ =	task.clear_ibuf [dreg:s7], $0x5FFFF;
	_ =	strace $0x90000049  }
0xb2: {  	s29 =	simm.s32 $0x9;
	_ =	strace $0x8000004B  }
0xb3: {  	_ =	swait.ge [sflag:s29], $0x1  }
0xb4: {  	[sflag:s29] =	ssyncadd.s32 $0xFFFFFFFF  }
0xb5: {  	_ =	strace $0x9000004B  }
0xb6: {  	_ =	sfence  }
0xb7: {  	s30 =	sld [smem:$0x0];
	_ =	sdelay $0x2  }
0xb8: {  	s31 =	sshll.u32 s1, $0xD;
	s1 =	sshrl.u32 s1, $0x2  }
0xb9: {  	s3 =	sand.u32 $0x4000, s31;
	s1 =	sadd.s32 s1, s30  }
0xba: {  	s0 =	sor.u32 s3, s0;
	s1 =	sshll.u32 s1, $0x11  }
0xbb: {  	s0 =	sor.u32 s1, s0  }
0xbc: {  	s0 =	sadd.s32 $0x8F2B, s0  }
0xbd: {  	[sflag:s0] =	ssyncadd.remote.s32 $0x1  }
0xbe: {  	_ =	sfence.sel $0xFFFF  }
0xbf: {  	[dreg:$0x0] =	wrdreg $0xFFFFFFFF;
	(pc) =	sbr.abs _section_cstart, $3  }
0xc0: {  	[dreg:$0x1] =	wrdreg $0xFFFFFFFF  }
0xc1: {  	_ =	task.clear_ibuf [dreg:s7], $0x2FFFF;
	_ =	strace $0x9FFFFFFF  }
0xc2: {  	(tm) =	ssettm $0x7FFFFFFF  }
0xc3: {  	_ =	shalt  }
tec
execute0_lowered:
.L_overlay_start_1:
0x0: {  	(tag) =	ssettag $0x1  }
0x1: {  	s0 =	rddreg [dreg:$0x0]  }
0x2: {  	s2 =	rddreg [dreg:$0x1]  }
0x3: {  	s1 =	srdreg.scid;
	s4 =	stileid.u32;
	s3 =	simm.s32 $0x0  }
0x4: {  	s31 =	simm.s32 $0x17500;
	s11 =	simm.s32 $0x17E90;
	s12 =	simm.s32 $0x17F18  }
0x5: {  	s13 =	simm.s32 $0x17FA0;
	s28 =	simm.s32 $0x181C0;
	s29 =	simm.s32 $0x18248  }
0x6: {  	s30 =	simm.s32 $0x182D0;
	s16 =	simm.s32 $0x18468;
	s14 =	simm.s32 $0x4  }
0x7: {  	s17 =	simm.s32 $0x2;
	[smem:$0x7FF] =	sst s3;
	s6 =	sadd.s32 $0x1000, s0  }
0x8: {  	s22 =	sadd.s32 $0x4000, s2;
	_ =	strace $0x8000004A;
	[dreg:$0x3] =	wrdreg s6  }
0x9: {  	s1 =	sand.u32 $0x1, s1;
	s23 =	sadd.s32 $0x8000, s2;
	[dreg:$0x7] =	wrdreg s22  }
0xa: {  	s4 =	sshll.u32 s4, $0x1;
	s24 =	sadd.s32 $0xC000, s2;
	[dreg:$0x8] =	wrdreg s23  }
0xb: {  	s4 =	sor.u32 s1, s4;
	s1 =	ssub.s32 $0x2, s1;
	[dreg:$0x9] =	wrdreg s24  }
0xc: {  	s22 =	simm.s32 $0x1;
	s23 =	simm.s32 $0x16400;
	s24 =	simm.s32 $0x18028  }
0xd: {  	s6 =	simm.s32 $0x3;
	s5 =	sshll.u32 s4, $0x6;
	s21 =	sshll.u32 s4, $0xC  }
0xe: {  	s5 =	sadd.s32 s5, s0;
	s0 =	sadd.s32 $0x3D1A00, s0;
	[dreg:$0x6] =	wrdreg s21  }
0xf: {  	s18 =	sshrl.u32 s1, $0x1;
	s25 =	sor.u32 $0x400, s21;
	[dreg:$0x4] =	wrdreg s0  }
0x10: {  	s19 =	ssub.s32 s1, s18;
	s26 =	sor.u32 $0x800, s21;
	[dreg:$0xa] =	wrdreg s25  }
.Ltmp0:
0x11: {  	s1 =	sor.u32 $0xC00, s21;
	[dreg:$0xb] =	wrdreg s26;
	(pc) =	sbr.rel .LBB2_1-.Ltmp0, $4  }
0x12: {  	v0 =	vlaneseq.u32;
	s18 =	simm.s32 $0x184F0;
	s20 =	sadd.s32 $0x7A2400, s5;
	[dreg:$0xc] =	wrdreg s1  }
0x13: {  	v0 =	vmul.u32 $0x88, v0;
	s0 =	smax.u32 s19, $0x1;
	s25 =	simm.s32 $0x180B0;
	s26 =	simm.s32 $0x18138  }
0x14: {  	s1 =	simm.s32 $0x183E0;
	s19 =	simm.s32 $0x18578;
	[dreg:$0x5] =	wrdreg s20  }
0x15: {  	v1 =	vadd.s32 $0x880, v0;
	s5 =	simm.s32 $0x0;
	[dreg:$0xd] =	wrdreg s0;
	s0 =	simm.s32 $0x18358  }
.LBB2_20:
0x16: {  	_ =	swait.ge [sflag:s6], $0x400  }
0x17: {  	[sflag:s6] =	ssyncset.done $0x0  }
0x18: {  	[sflag:s6] =	ssyncadd.s32 $0xFFFFFC00  }
0x19: {  	_ =	swait.ge [sflag:s6], $0x400  }
0x1a: {  	[sflag:s6] =	ssyncset.done $0x0  }
0x1b: {  	[sflag:s6] =	ssyncadd.s32 $0xFFFFFC00  }
0x1c: {  	_ =	swait.ge [sflag:s6], $0x400  }
0x1d: {  	[sflag:s6] =	ssyncset.done $0x0  }
0x1e: {  	[sflag:s6] =	ssyncadd.s32 $0xFFFFFC00  }
0x1f: {  	_ =	swait.ge [sflag:s6], $0x400  }
0x20: {  	[sflag:s6] =	ssyncset.done $0x0  }
0x21: {  	[sflag:s6] =	ssyncadd.s32 $0xFFFFFC00  }
0x22: {  	_ =	swait.ge [sflag:s14], $0x400  }
0x23: {  	[sflag:s14] =	ssyncset.done $0x0  }
0x24: {  	[sflag:s14] =	ssyncadd.s32 $0xFFFFFC00  }
0x25: {  	_ =	swait.ge [sflag:s14], $0x400  }
0x26: {  	[sflag:s14] =	ssyncset.done $0x0  }
0x27: {  	[sflag:s14] =	ssyncadd.s32 $0xFFFFFC00  }
0x28: {  	_ =	swait.ge [sflag:s14], $0x400  }
0x29: {  	[sflag:s14] =	ssyncset.done $0x0  }
0x2a: {  	[sflag:s14] =	ssyncadd.s32 $0xFFFFFC00  }
0x2b: {  	_ =	swait.ge [sflag:s14], $0x400  }
0x2c: {  	s5 =	rddreg [dreg:$0xe]  }
0x2d: {  	s4 =	rddreg [dreg:$0xd];
	s5 =	sadd.s32 $0x1, s5  }
0x2e: {  	p0 =	sne.s32 s5, s4  }
.Ltmp1:
0x2f: {  	_ = 	snop;
	(pc) =	sbr.rel @!p0 .LBB2_21-.Ltmp1, $3  }
0x30: {  	_ =	sdelay $0x1  }
0x31: {  	[sflag:s14] =	ssyncset.done $0x0  }
0x32: {  	[sflag:s14] =	ssyncadd.s32 $0xFFFFFC00  }
.LBB2_1:
0x33: {  	[dreg:$0xe] =	wrdreg s5  }
0x34: {  	s4 =	rddreg [dreg:$0x5]  }
0x35: {  	s7 =	simm.s32 $0x200;
	s21 =	simm.s32 $0x4000;
	s8 =	simm.s32 $0x5  }
0x36: {  	[tilespmem:s3], [sflag:$0x5] =	stream.strided.gather [hbm4b:s4+s7], $0x6400, s21, s7, $0x38;
	[tilespmem:$0x18600] =	vst v63  }
0x37: {  	_ =	swait.ge [sflag:s8], $0x6400  }
0x38: {  	[sflag:s8] =	ssyncset.done $0x0  }
0x39: {  	s10 =	simm.s32 $0x6400;
	s9 =	rddreg [dreg:$0x3];
	[sflag:s8] =	ssyncadd.s32 $0xFFFF9C00  }
0x3a: {  	[tilespmem:s10], [sflag:$0x1] =	stream.indirect.gather [hbm4b:s9+s7], $0x20, s3, s7, $0xb8;
	[tilespmem:$0x18600] =	vst v63  }
0x3b: {  	s15 =	rddreg [dreg:$0x4];
	s8 =	simm.s32 $0xA400  }
0x3c: {  	[tilespmem:s8], [sflag:$0x1] =	stream.indirect.gather [hbm4b:s15+s7], $0x20, s3, s7, $0xb8;
	[tilespmem:$0x18600] =	vst v63  }
0x3d: {  	s20 =	simm.s32 $0xE400  }
0x3e: {  	[tilespmem:s20], [sflag:$0x2] =	stream.indirect.gather [hbm4b:s9+s7], $0x20, s7, s7, $0xb8;
	[tilespmem:$0x18600] =	vst v63  }
0x3f: {  	s21 =	simm.s32 $0x12400;
	s4 =	simm.s32 $0x0  }
0x40: {  	[tilespmem:s21], [sflag:$0x2] =	stream.indirect.gather [hbm4b:s15+s7], $0x20, s7, s7, $0xb8;
	[tilespmem:$0x18600] =	vst v63  }
.LBB2_2:
0x41: {  	_ =	swait.ge [sflag:s22], $0x4000  }
0x42: {  	[sflag:s22] =	ssyncset.done $0x0  }
0x43: {  	[sflag:s22] =	ssyncadd.s32 $0xFFFFC000  }
0x44: {  	_ =	swait.ge [sflag:s22], $0x4000  }
0x45: {  	p0 =	seq.s32 s4, $0x0;
	[sflag:s22] =	ssyncset.done $0x0  }
0x46: {  	s5 =	simm.s32 @!p0 $0x3;
	[sflag:s22] =	ssyncadd.s32 $0xFFFFC000  }
0x47: {  	_ =	swait.ge @!p0 [sflag:s5], $0x400  }
0x48: {  	[sflag:s5] =	ssyncset.done @!p0 $0x0  }
0x49: {  	[sflag:s5] =	ssyncadd.s32 @!p0 $0xFFFFFC00  }
0x4a: {  	_ =	swait.ge @!p0 [sflag:s5], $0x400  }
0x4b: {  	[sflag:s5] =	ssyncset.done @!p0 $0x0  }
0x4c: {  	[sflag:s5] =	ssyncadd.s32 @!p0 $0xFFFFFC00  }
0x4d: {  	_ =	swait.ge @!p0 [sflag:s5], $0x400  }
0x4e: {  	[sflag:s5] =	ssyncset.done @!p0 $0x0  }
0x4f: {  	[sflag:s5] =	ssyncadd.s32 @!p0 $0xFFFFFC00  }
0x50: {  	_ =	swait.ge @!p0 [sflag:s5], $0x400  }
0x51: {  	[sflag:s5] =	ssyncset.done @!p0 $0x0  }
0x52: {  	s9 =	simm.s32 $0x6440;
	[sflag:s5] =	ssyncadd.s32 @!p0 $0xFFFFFC00  }
0x53: {  	s21 =	simm.s32 $0xA440;
	s8 =	simm.s32 $0x3;
	v2 =	vld [tilespmem:s9+$0x20]  }
0x54: {  	v3 =	vmov s8;
	v4 =	vld [tilespmem:s21+$0x20]  }
0x55: {  	s10 =	simm.s32 $0x0;
	v3 =	vand.u32 $0x7F, v3;
	v5 =	vld [tilespmem:s9+$0xFFFFFFC0]  }
0x56: {  	v6 =	vmov s10;
	v8 =	vadd.s32 v0, v3;
	v7 =	vld [tilespmem:s21+$0xFFFFFFC0]  }
0x57: {  	s15 =	simm.s32 $0x1;
	v6 =	vand.u32 $0x7C, v6;
	v9 =	vld [tilespmem:s9+$0xFFFFFFE0]  }
0x58: {  	v11 =	vmov s15;
	v10 =	vadd.s32 v0, v6;
	v12 =	vld [tilespmem:s21+$0xFFFFFFE0]  }
0x59: {  	v11 =	vand.u32 $0x7D, v11;
	v4 =	vadd.f32 v4, v2  }
0x5a: {  	s20 =	simm.s32 $0x2;
	v14 =	vadd.s32 v0, v11;
	v13 =	vld [tilespmem:s9+$0x0]  }
0x5b: {  	v15 =	vld [tilespmem:s21+$0x0];
	v2 =	vmov s20;
	v5 =	vadd.f32 v7, v5;
	[tilespmem:v8+s23+$0x0] =	vst.idx.msk $0xffff, v4  }
0x5c: {  	v2 =	vand.u32 $0x7E, v2;
	v8 =	vld [tilespmem:s9+$0x30]  }
0x5d: {  	v7 =	vadd.s32 v0, v2;
	[tilespmem:v10+s23+$0x0] =	vst.idx.msk $0xffff, v5;
	v4 =	vadd.f32 v12, v9;
	v9 =	vld [tilespmem:s21+$0x30]  }
0x5e: {  	v61 =	vld [tilespmem:s9+$0xFFFFFFD0]  }
0x5f: {  	v62 =	vadd.s32 v1, v3;
	v16 =	vld [tilespmem:s21+$0xFFFFFFD0];
	[tilespmem:v14+s23+$0x0] =	vst.idx.msk $0xffff, v4  }
0x60: {  	v10 =	vadd.f32 v15, v13;
	v4 =	vld [tilespmem:s9+$0xFFFFFFF0]  }
0x61: {  	s15 =	simm.s32 $0xA4C0;
	v6 =	vadd.s32 v1, v6;
	v5 =	vld [tilespmem:s21+$0xFFFFFFF0]  }
0x62: {  	[tilespmem:v7+s23+$0x0] =	vst.idx.msk $0xffff, v10;
	v10 =	vld [tilespmem:s15+$0x20];
	v63 =	vadd.f32 v9, v8  }
0x63: {  	s5 =	simm.s32 $0x64C0;
	v7 =	vadd.s32 v1, v11;
	v3 =	vld [tilespmem:s9+$0x10];
	s9 =	simm.s32 $0x7  }
0x64: {  	s8 =	simm.s32 $0x4;
	s20 =	sshll.u32 s4, $0xC;
	v8 =	vld [tilespmem:s5+$0x20];
	v9 =	vadd.f32 v16, v61;
	v11 =	vmov s9;
	s9 =	simm.s32 $0x8;
	[tilespmem:v62+s23+$0x0] =	vst.idx.msk $0xffff, v63  }
.LBB2_3:
0x65: {  	p1 =	slt.u32 s9, $0x7C;
	v12 =	vld [tilespmem:s5+$0xFFFFFFC0];
	v11 =	vand.u32 $0x7F, v11  }
0x66: {  	v13 =	vmov s8;
	v14 =	vld [tilespmem:s15+$0xFFFFFFC0];
	v15 =	vadd.s32 v0, v11;
	[tilespmem:v6+s23+$0x0] =	vst.idx.msk $0xffff, v9;
	v4 =	vadd.f32 v5, v4  }
0x67: {  	s10 =	sadd.s32 $0x1, s8;
	v5 =	vand.u32 $0x7C, v13;
	v6 =	vld [tilespmem:s5+$0xFFFFFFE0]  }
0x68: {  	v13 =	vmov s10;
	v9 =	vadd.s32 v0, v5;
	v16 =	vld [tilespmem:s15+$0xFFFFFFE0];
	[tilespmem:v7+s23+$0x0] =	vst.idx.msk $0xffff, v4  }
0x69: {  	s10 =	sadd.s32 $0x2, s8;
	s8 =	smov.u32 s9;
	v7 =	vand.u32 $0x7D, v13;
	v4 =	vld [tilespmem:s5+$0x0];
	v8 =	vadd.f32 v10, v8  }
0x6a: {  	v13 =	vmov s10;
	v10 =	vadd.s32 v0, v7;
	v17 =	vld [tilespmem:s15+$0x0]  }
0x6b: {  	v13 =	vand.u32 $0x7E, v13;
	v12 =	vadd.f32 v14, v12;
	[tilespmem:v15+s23+$0x0] =	vst.idx.msk $0xffff, v8;
	v8 =	vld [tilespmem:s21+$0x10];
	s21 =	smov.u32 s15  }
0x6c: {  	v14 =	vadd.s32 v0, v13;
	v15 =	vld [tilespmem:s5+$0x30]  }
0x6d: {  	[tilespmem:v9+s23+$0x0] =	vst.idx.msk $0xffff, v12;
	v6 =	vadd.f32 v16, v6;
	v9 =	vld [tilespmem:s15+$0x30];
	v12 =	vadd.s32 v1, v2;
	v2 =	vmov v13  }
0x6e: {  	v13 =	vld [tilespmem:s5+$0xFFFFFFD0]  }
0x6f: {  	v16 =	vld [tilespmem:s15+$0xFFFFFFD0];
	[tilespmem:v10+s23+$0x0] =	vst.idx.msk $0xffff, v6;
	v10 =	vadd.f32 v17, v4;
	v17 =	vadd.s32 v1, v11  }
.Ltmp2:
0x70: {  	v4 =	vld [tilespmem:s5+$0xFFFFFFF0];
	v8 =	vadd.f32 v8, v3;
	(pc) =	sbr.rel @p1 .LBB2_3-.Ltmp2, $4  }
0x71: {  	v6 =	vadd.s32 v1, v5;
	v5 =	vld [tilespmem:s15+$0xFFFFFFF0];
	[tilespmem:v14+s23+$0x0] =	vst.idx.msk $0xffff, v10  }
0x72: {  	v3 =	vld [tilespmem:s5+$0x10];
	v14 =	vadd.f32 v9, v15;
	s5 =	sadd.s32 $0x80, s5;
	[tilespmem:v12+s23+$0x0] =	vst.idx.msk $0xffff, v8  }
0x73: {  	s10 =	sadd.s32 $0x3, s9;
	v7 =	vadd.s32 v1, v7;
	s15 =	sadd.s32 $0x80, s15;
	v8 =	vld [tilespmem:s5+$0x20]  }
0x74: {  	s9 =	sadd.s32 $0x4, s9;
	v11 =	vmov s10;
	v10 =	vld [tilespmem:s15+$0x20];
	v9 =	vadd.f32 v16, v13;
	[tilespmem:v17+s23+$0x0] =	vst.idx.msk $0xffff, v14  }
0x75: {  	v12 =	vld [tilespmem:s5+$0xFFFFFFC0];
	v11 =	vand.u32 $0x7F, v11  }
0x76: {  	v13 =	vmov s8;
	v14 =	vld [tilespmem:s15+$0xFFFFFFC0];
	v15 =	vadd.s32 v0, v11  }
0x77: {  	s9 =	sadd.s32 $0x1, s8;
	v16 =	vld [tilespmem:s5+$0xFFFFFFE0];
	v13 =	vand.u32 $0x7C, v13  }
0x78: {  	v19 =	vld [tilespmem:s15+$0xFFFFFFE0];
	v18 =	vmov s9;
	v17 =	vadd.s32 v0, v13  }
0x79: {  	v20 =	vld [tilespmem:s5+$0x0];
	s9 =	sadd.s32 $0x2, s8;
	v18 =	vand.u32 $0x7D, v18;
	v8 =	vadd.f32 v10, v8  }
0x7a: {  	v22 =	vld [tilespmem:s15+$0x0];
	v21 =	vmov s9;
	v10 =	vadd.s32 v0, v18  }
0x7b: {  	v47 =	vand.u32 $0x7E, v21;
	v12 =	vadd.f32 v14, v12;
	[tilespmem:v15+s23+$0x0] =	vst.idx.msk $0xffff, v8;
	v8 =	vld [tilespmem:s21+$0x10]  }
0x7c: {  	v48 =	vadd.s32 v0, v47;
	v49 =	vld [tilespmem:s5+$0x30]  }
0x7d: {  	v50 =	vadd.f32 v19, v16;
	[tilespmem:v17+s23+$0x0] =	vst.idx.msk $0xffff, v12;
	v51 =	vld [tilespmem:s15+$0x30]  }
0x7e: {  	v17 =	vld [tilespmem:s5+$0xFFFFFFD0]  }
0x7f: {  	v2 =	vadd.s32 v1, v2;
	v52 =	vadd.f32 v22, v20;
	[tilespmem:v10+s23+$0x0] =	vst.idx.msk $0xffff, v50;
	v10 =	vld [tilespmem:s15+$0xFFFFFFD0]  }
0x80: {  	v11 =	vadd.s32 v1, v11;
	v53 =	vld [tilespmem:s5+$0xFFFFFFF0]  }
0x81: {  	v4 =	vadd.f32 v5, v4;
	v5 =	vadd.s32 v1, v13;
	[tilespmem:v48+s23+$0x0] =	vst.idx.msk $0xffff, v52;
	v54 =	vld [tilespmem:s15+$0xFFFFFFF0]  }
0x82: {  	[tilespmem:v6+s23+$0x0] =	vst.idx.msk $0xffff, v9;
	v15 =	vld [tilespmem:s5+$0x10];
	v3 =	vadd.f32 v8, v3  }
0x83: {  	[tilespmem:v7+s23+$0x0] =	vst.idx.msk $0xffff, v4;
	v55 =	vld [tilespmem:s15+$0x10];
	v4 =	vadd.f32 v51, v49  }
0x84: {  	v6 =	vadd.s32 v1, v18;
	[tilespmem:v2+s23+$0x0] =	vst.idx.msk $0xffff, v3;
	v2 =	vadd.f32 v10, v17  }
0x85: {  	v7 =	vadd.s32 v1, v47;
	[tilespmem:v11+s23+$0x0] =	vst.idx.msk $0xffff, v4  }
0x86: {  	[tilespmem:v5+s23+$0x0] =	vst.idx.msk $0xffff, v2  }
0x87: {  	s21 =	sshll.u32 s4, $0x14;
	v3 =	vadd.f32 v54, v53;
	s10 =	rddreg [dreg:$0x6]  }
0x88: {  	v2 =	vadd.f32 v55, v15;
	s5 =	sor.u32 s10, s21  }
0x89: {  	[tilespmem:v6+s23+$0x0] =	vst.idx.msk $0xffff, v3;
	s5 =	sshrl.u32 s5, $0x3  }
0x8a: {  	[tilespmem:v7+s23+$0x0] =	vst.idx.msk $0xffff, v2;
	s8 =	sadd.s32 s2, s5  }
0x8b: {  	[hbm4b:s8+s3] =	stream.linear.scatter [tilespmem:s23], [sflag:$0x3], $0x80, $0x38;
	[tilespmem:$0x18600] =	vst v63  }
0x8c: {  	s7 =	simm.s32 $0x16488;
	s15 =	sadd.s32 $0x10, s8  }
0x8d: {  	[hbm4b:s15+s3] =	stream.linear.scatter [tilespmem:s7], [sflag:$0x3], $0x80, $0x38;
	[tilespmem:$0x18600] =	vst v63  }
0x8e: {  	s10 =	sadd.s32 $0x20, s8;
	s15 =	simm.s32 $0x16510  }
0x8f: {  	[hbm4b:s10+s3] =	stream.linear.scatter [tilespmem:s15], [sflag:$0x3], $0x80, $0x38;
	[tilespmem:$0x18600] =	vst v63  }
0x90: {  	s10 =	sadd.s32 $0x30, s8;
	s15 =	simm.s32 $0x16598  }
0x91: {  	[hbm4b:s10+s3] =	stream.linear.scatter [tilespmem:s15], [sflag:$0x3], $0x80, $0x38;
	[tilespmem:$0x18600] =	vst v63  }
0x92: {  	s10 =	sadd.s32 $0x40, s8;
	s15 =	simm.s32 $0x16620  }
0x93: {  	[hbm4b:s10+s3] =	stream.linear.scatter [tilespmem:s15], [sflag:$0x3], $0x80, $0x38;
	[tilespmem:$0x18600] =	vst v63  }
0x94: {  	s10 =	sadd.s32 $0x50, s8;
	s15 =	simm.s32 $0x166A8  }
0x95: {  	[hbm4b:s10+s3] =	stream.linear.scatter [tilespmem:s15], [sflag:$0x3], $0x80, $0x38;
	[tilespmem:$0x18600] =	vst v63  }
0x96: {  	s7 =	sadd.s32 $0x60, s8;
	s10 =	simm.s32 $0x16730  }
0x97: {  	[hbm4b:s7+s3] =	stream.linear.scatter [tilespmem:s10], [sflag:$0x3], $0x80, $0x38;
	[tilespmem:$0x18600] =	vst v63  }
0x98: {  	s8 =	sadd.s32 $0x70, s8;
	s15 =	simm.s32 $0x167B8  }
0x99: {  	[hbm4b:s8+s3] =	stream.linear.scatter [tilespmem:s15], [sflag:$0x3], $0x80, $0x38;
	[tilespmem:$0x18600] =	vst v63  }
0x9a: {  	s8 =	rddreg [dreg:$0x7]  }
0x9b: {  	s9 =	simm.s32 $0x16840;
	s8 =	sadd.s32 s5, s8  }
0x9c: {  	[hbm4b:s8+s3] =	stream.linear.scatter [tilespmem:s9], [sflag:$0x3], $0x80, $0x38;
	[tilespmem:$0x18600] =	vst v63  }
0x9d: {  	s15 =	simm.s32 $0x168C8;
	s10 =	sadd.s32 $0x10, s8  }
0x9e: {  	[hbm4b:s10+s3] =	stream.linear.scatter [tilespmem:s15], [sflag:$0x3], $0x80, $0x38;
	[tilespmem:$0x18600] =	vst v63  }
0x9f: {  	s10 =	sadd.s32 $0x20, s8;
	s15 =	simm.s32 $0x16950  }
0xa0: {  	[hbm4b:s10+s3] =	stream.linear.scatter [tilespmem:s15], [sflag:$0x3], $0x80, $0x38;
	[tilespmem:$0x18600] =	vst v63  }
0xa1: {  	s10 =	sadd.s32 $0x30, s8;
	s15 =	simm.s32 $0x169D8  }
0xa2: {  	[hbm4b:s10+s3] =	stream.linear.scatter [tilespmem:s15], [sflag:$0x3], $0x80, $0x38;
	[tilespmem:$0x18600] =	vst v63  }
0xa3: {  	s10 =	sadd.s32 $0x40, s8;
	s15 =	simm.s32 $0x16A60  }
0xa4: {  	[hbm4b:s10+s3] =	stream.linear.scatter [tilespmem:s15], [sflag:$0x3], $0x80, $0x38;
	[tilespmem:$0x18600] =	vst v63  }
0xa5: {  	s10 =	sadd.s32 $0x50, s8;
	s15 =	simm.s32 $0x16AE8  }
0xa6: {  	[hbm4b:s10+s3] =	stream.linear.scatter [tilespmem:s15], [sflag:$0x3], $0x80, $0x38;
	[tilespmem:$0x18600] =	vst v63  }
0xa7: {  	s7 =	sadd.s32 $0x60, s8;
	s10 =	simm.s32 $0x16B70  }
0xa8: {  	[hbm4b:s7+s3] =	stream.linear.scatter [tilespmem:s10], [sflag:$0x3], $0x80, $0x38;
	[tilespmem:$0x18600] =	vst v63  }
0xa9: {  	s8 =	sadd.s32 $0x70, s8;
	s15 =	simm.s32 $0x16BF8  }
0xaa: {  	[hbm4b:s8+s3] =	stream.linear.scatter [tilespmem:s15], [sflag:$0x3], $0x80, $0x38;
	[tilespmem:$0x18600] =	vst v63  }
0xab: {  	s8 =	rddreg [dreg:$0x8]  }
0xac: {  	s9 =	simm.s32 $0x16C80;
	s8 =	sadd.s32 s5, s8  }
0xad: {  	[hbm4b:s8+s3] =	stream.linear.scatter [tilespmem:s9], [sflag:$0x3], $0x80, $0x38;
	[tilespmem:$0x18600] =	vst v63  }
0xae: {  	s15 =	simm.s32 $0x16D08;
	s10 =	sadd.s32 $0x10, s8  }
0xaf: {  	[hbm4b:s10+s3] =	stream.linear.scatter [tilespmem:s15], [sflag:$0x3], $0x80, $0x38;
	[tilespmem:$0x18600] =	vst v63  }
0xb0: {  	s10 =	sadd.s32 $0x20, s8;
	s15 =	simm.s32 $0x16D90  }
0xb1: {  	[hbm4b:s10+s3] =	stream.linear.scatter [tilespmem:s15], [sflag:$0x3], $0x80, $0x38;
	[tilespmem:$0x18600] =	vst v63  }
0xb2: {  	s10 =	sadd.s32 $0x30, s8;
	s15 =	simm.s32 $0x16E18  }
0xb3: {  	[hbm4b:s10+s3] =	stream.linear.scatter [tilespmem:s15], [sflag:$0x3], $0x80, $0x38;
	[tilespmem:$0x18600] =	vst v63  }
0xb4: {  	s10 =	sadd.s32 $0x40, s8;
	s15 =	simm.s32 $0x16EA0  }
0xb5: {  	[hbm4b:s10+s3] =	stream.linear.scatter [tilespmem:s15], [sflag:$0x3], $0x80, $0x38;
	[tilespmem:$0x18600] =	vst v63  }
0xb6: {  	s10 =	sadd.s32 $0x50, s8;
	s15 =	simm.s32 $0x16F28  }
0xb7: {  	[hbm4b:s10+s3] =	stream.linear.scatter [tilespmem:s15], [sflag:$0x3], $0x80, $0x38;
	[tilespmem:$0x18600] =	vst v63  }
0xb8: {  	s7 =	sadd.s32 $0x60, s8;
	s10 =	simm.s32 $0x16FB0  }
0xb9: {  	[hbm4b:s7+s3] =	stream.linear.scatter [tilespmem:s10], [sflag:$0x3], $0x80, $0x38;
	[tilespmem:$0x18600] =	vst v63  }
0xba: {  	s8 =	sadd.s32 $0x70, s8;
	s15 =	simm.s32 $0x17038  }
0xbb: {  	[hbm4b:s8+s3] =	stream.linear.scatter [tilespmem:s15], [sflag:$0x3], $0x80, $0x38;
	[tilespmem:$0x18600] =	vst v63  }
0xbc: {  	s8 =	rddreg [dreg:$0x9]  }
0xbd: {  	s9 =	simm.s32 $0x170C0;
	s5 =	sadd.s32 s5, s8  }
0xbe: {  	[hbm4b:s5+s3] =	stream.linear.scatter [tilespmem:s9], [sflag:$0x3], $0x80, $0x38;
	[tilespmem:$0x18600] =	vst v63  }
0xbf: {  	s15 =	simm.s32 $0x17148;
	s10 =	sadd.s32 $0x10, s5  }
0xc0: {  	[hbm4b:s10+s3] =	stream.linear.scatter [tilespmem:s15], [sflag:$0x3], $0x80, $0x38;
	[tilespmem:$0x18600] =	vst v63  }
0xc1: {  	s7 =	sadd.s32 $0x20, s5;
	s9 =	simm.s32 $0x171D0  }
0xc2: {  	[hbm4b:s7+s3] =	stream.linear.scatter [tilespmem:s9], [sflag:$0x3], $0x80, $0x38;
	[tilespmem:$0x18600] =	vst v63  }
0xc3: {  	s10 =	sadd.s32 $0x30, s5;
	s15 =	simm.s32 $0x17258  }
0xc4: {  	[hbm4b:s10+s3] =	stream.linear.scatter [tilespmem:s15], [sflag:$0x3], $0x80, $0x38;
	[tilespmem:$0x18600] =	vst v63  }
0xc5: {  	s7 =	sadd.s32 $0x40, s5;
	s9 =	simm.s32 $0x172E0  }
0xc6: {  	[hbm4b:s7+s3] =	stream.linear.scatter [tilespmem:s9], [sflag:$0x3], $0x80, $0x38;
	[tilespmem:$0x18600] =	vst v63  }
0xc7: {  	s10 =	sadd.s32 $0x50, s5;
	s15 =	simm.s32 $0x17368  }
0xc8: {  	[hbm4b:s10+s3] =	stream.linear.scatter [tilespmem:s15], [sflag:$0x3], $0x80, $0x38;
	[tilespmem:$0x18600] =	vst v63  }
0xc9: {  	s7 =	sadd.s32 $0x60, s5;
	s9 =	simm.s32 $0x173F0  }
0xca: {  	[hbm4b:s7+s3] =	stream.linear.scatter [tilespmem:s9], [sflag:$0x3], $0x80, $0x38;
	[tilespmem:$0x18600] =	vst v63  }
0xcb: {  	s5 =	sadd.s32 $0x70, s5;
	s10 =	simm.s32 $0x17478  }
0xcc: {  	[hbm4b:s5+s3] =	stream.linear.scatter [tilespmem:s10], [sflag:$0x3], $0x80, $0x38;
	[tilespmem:$0x18600] =	vst v63  }
0xcd: {  	s5 =	simm.s32 @!p0 $0x4  }
0xce: {  	_ =	swait.ge @!p0 [sflag:s5], $0x400  }
0xcf: {  	[sflag:s5] =	ssyncset.done @!p0 $0x0  }
0xd0: {  	[sflag:s5] =	ssyncadd.s32 @!p0 $0xFFFFFC00  }
0xd1: {  	_ =	swait.ge @!p0 [sflag:s5], $0x400  }
0xd2: {  	[sflag:s5] =	ssyncset.done @!p0 $0x0  }
0xd3: {  	[sflag:s5] =	ssyncadd.s32 @!p0 $0xFFFFFC00  }
0xd4: {  	_ =	swait.ge @!p0 [sflag:s5], $0x400  }
0xd5: {  	[sflag:s5] =	ssyncset.done @!p0 $0x0  }
0xd6: {  	[sflag:s5] =	ssyncadd.s32 @!p0 $0xFFFFFC00  }
0xd7: {  	_ =	swait.ge @!p0 [sflag:s5], $0x400  }
0xd8: {  	[sflag:s5] =	ssyncset.done @!p0 $0x0  }
0xd9: {  	s8 =	simm.s32 $0x7470;
	[sflag:s5] =	ssyncadd.s32 @!p0 $0xFFFFFC00  }
0xda: {  	s15 =	simm.s32 $0x3;
	s5 =	simm.s32 $0xB470;
	v2 =	vld [tilespmem:s8+$0xFFFFFFF0]  }
0xdb: {  	v3 =	vmov s15;
	v4 =	vld [tilespmem:s5+$0xFFFFFFF0]  }
0xdc: {  	s7 =	simm.s32 $0x0;
	v3 =	vand.u32 $0x7F, v3;
	v5 =	vld [tilespmem:s8+$0xFFFFFF90]  }
0xdd: {  	v6 =	vmov s7;
	v8 =	vadd.s32 v0, v3;
	v7 =	vld [tilespmem:s5+$0xFFFFFF90]  }
0xde: {  	v6 =	vand.u32 $0x7C, v6;
	s10 =	simm.s32 $0x1;
	v9 =	vld [tilespmem:s8+$0xFFFFFFB0]  }
0xdf: {  	v10 =	vadd.s32 v0, v6;
	v11 =	vmov s10;
	v56 =	vld [tilespmem:s5+$0xFFFFFFB0]  }
0xe0: {  	s15 =	simm.s32 $0x2;
	v11 =	vand.u32 $0x7D, v11;
	v57 =	vld [tilespmem:s8+$0xFFFFFFD0];
	v4 =	vadd.f32 v4, v2  }
0xe1: {  	v58 =	vadd.s32 v0, v11;
	v59 =	vld [tilespmem:s5+$0xFFFFFFD0];
	v2 =	vmov s15  }
0xe2: {  	v5 =	vadd.f32 v7, v5;
	v2 =	vand.u32 $0x7E, v2;
	[tilespmem:v8+s31+$0x0] =	vst.idx.msk $0xffff, v4  }
0xe3: {  	v7 =	vadd.s32 v0, v2;
	v8 =	vld [tilespmem:s8+$0x0]  }
0xe4: {  	[tilespmem:v10+s31+$0x0] =	vst.idx.msk $0xffff, v5;
	v4 =	vadd.f32 v56, v9;
	v9 =	vld [tilespmem:s5+$0x0]  }
0xe5: {  	v60 =	vld [tilespmem:s8+$0xFFFFFFA0]  }
0xe6: {  	v62 =	vadd.s32 v1, v3;
	v10 =	vadd.f32 v59, v57;
	v61 =	vld [tilespmem:s5+$0xFFFFFFA0];
	[tilespmem:v58+s31+$0x0] =	vst.idx.msk $0xffff, v4  }
0xe7: {  	v4 =	vld [tilespmem:s8+$0xFFFFFFC0]  }
0xe8: {  	v6 =	vadd.s32 v1, v6;
	v5 =	vld [tilespmem:s5+$0xFFFFFFC0];
	[tilespmem:v7+s31+$0x0] =	vst.idx.msk $0xffff, v10  }
0xe9: {  	s15 =	simm.s32 $0x74F0;
	v3 =	vld [tilespmem:s8+$0xFFFFFFE0];
	v63 =	vadd.f32 v9, v8  }
0xea: {  	s10 =	simm.s32 $0x7;
	v7 =	vadd.s32 v1, v11;
	v8 =	vld [tilespmem:s15+$0xFFFFFFF0];
	s8 =	simm.s32 $0xB4F0  }
0xeb: {  	s9 =	simm.s32 $0x4;
	v11 =	vmov s10;
	s10 =	simm.s32 $0x8;
	v9 =	vadd.f32 v61, v60;
	v10 =	vld [tilespmem:s8+$0xFFFFFFF0];
	[tilespmem:v62+s31+$0x0] =	vst.idx.msk $0xffff, v63  }
.LBB2_5:
0xec: {  	p0 =	slt.u32 s10, $0x7C;
	v12 =	vld [tilespmem:s15+$0xFFFFFF90];
	v11 =	vand.u32 $0x7F, v11  }
0xed: {  	v13 =	vmov s9;
	v14 =	vld [tilespmem:s8+$0xFFFFFF90];
	v15 =	vadd.s32 v0, v11;
	[tilespmem:v6+s31+$0x0] =	vst.idx.msk $0xffff, v9;
	v4 =	vadd.f32 v5, v4  }
0xee: {  	s7 =	sadd.s32 $0x1, s9;
	v5 =	vand.u32 $0x7C, v13;
	v6 =	vld [tilespmem:s15+$0xFFFFFFB0]  }
0xef: {  	v13 =	vmov s7;
	v9 =	vadd.s32 v0, v5;
	v16 =	vld [tilespmem:s8+$0xFFFFFFB0];
	[tilespmem:v7+s31+$0x0] =	vst.idx.msk $0xffff, v4  }
0xf0: {  	s7 =	sadd.s32 $0x2, s9;
	s9 =	smov.u32 s10;
	v7 =	vand.u32 $0x7D, v13;
	v4 =	vld [tilespmem:s15+$0xFFFFFFD0];
	v8 =	vadd.f32 v10, v8  }
0xf1: {  	v13 =	vmov s7;
	v10 =	vadd.s32 v0, v7;
	v17 =	vld [tilespmem:s8+$0xFFFFFFD0]  }
0xf2: {  	v13 =	vand.u32 $0x7E, v13;
	v12 =	vadd.f32 v14, v12;
	[tilespmem:v15+s31+$0x0] =	vst.idx.msk $0xffff, v8;
	v8 =	vld [tilespmem:s5+$0xFFFFFFE0];
	s5 =	smov.u32 s8  }
0xf3: {  	v14 =	vadd.s32 v0, v13;
	v15 =	vld [tilespmem:s15+$0x0]  }
0xf4: {  	[tilespmem:v9+s31+$0x0] =	vst.idx.msk $0xffff, v12;
	v6 =	vadd.f32 v16, v6;
	v9 =	vld [tilespmem:s8+$0x0];
	v12 =	vadd.s32 v1, v2;
	v2 =	vmov v13  }
0xf5: {  	v13 =	vld [tilespmem:s15+$0xFFFFFFA0]  }
0xf6: {  	v16 =	vld [tilespmem:s8+$0xFFFFFFA0];
	[tilespmem:v10+s31+$0x0] =	vst.idx.msk $0xffff, v6;
	v10 =	vadd.f32 v17, v4;
	v17 =	vadd.s32 v1, v11  }
.Ltmp3:
0xf7: {  	v4 =	vld [tilespmem:s15+$0xFFFFFFC0];
	v8 =	vadd.f32 v8, v3;
	(pc) =	sbr.rel @p0 .LBB2_5-.Ltmp3, $4  }
0xf8: {  	v6 =	vadd.s32 v1, v5;
	v5 =	vld [tilespmem:s8+$0xFFFFFFC0];
	[tilespmem:v14+s31+$0x0] =	vst.idx.msk $0xffff, v10  }
0xf9: {  	v3 =	vld [tilespmem:s15+$0xFFFFFFE0];
	v14 =	vadd.f32 v9, v15;
	s15 =	sadd.s32 $0x80, s15;
	[tilespmem:v12+s31+$0x0] =	vst.idx.msk $0xffff, v8  }
0xfa: {  	s7 =	sadd.s32 $0x3, s10;
	v7 =	vadd.s32 v1, v7;
	s8 =	sadd.s32 $0x80, s8;
	v8 =	vld [tilespmem:s15+$0xFFFFFFF0]  }
0xfb: {  	s10 =	sadd.s32 $0x4, s10;
	v11 =	vmov s7;
	v10 =	vld [tilespmem:s8+$0xFFFFFFF0];
	v9 =	vadd.f32 v16, v13;
	[tilespmem:v17+s31+$0x0] =	vst.idx.msk $0xffff, v14  }
0xfc: {  	v12 =	vld [tilespmem:s15+$0xFFFFFF90]  }
0xfd: {  	v14 =	vld [tilespmem:s8+$0xFFFFFF90]  }
0xfe: {  	v11 =	vand.u32 $0x7F, v11;
	v16 =	vld [tilespmem:s15+$0xFFFFFFB0]  }
0xff: {  	v13 =	vmov s9;
	s7 =	sadd.s32 $0x1, s9;
	s9 =	sadd.s32 $0x2, s9;
	v20 =	vld [tilespmem:s15+$0xFFFFFFD0];
	v15 =	vadd.s32 v0, v11  }
0x100: {  	v22 =	vld [tilespmem:s8+$0xFFFFFFD0];
	v13 =	vand.u32 $0x7C, v13;
	v21 =	vmov s9  }
0x101: {  	v19 =	vld [tilespmem:s8+$0xFFFFFFB0];
	v18 =	vmov s7;
	v17 =	vadd.s32 v0, v13;
	v47 =	vand.u32 $0x7E, v21  }
0x102: {  	v18 =	vand.u32 $0x7D, v18;
	v48 =	vadd.s32 v0, v47;
	v8 =	vadd.f32 v10, v8  }
0x103: {  	v10 =	vadd.s32 v0, v18  }
0x104: {  	v12 =	vadd.f32 v14, v12;
	[tilespmem:v15+s31+$0x0] =	vst.idx.msk $0xffff, v8;
	v8 =	vld [tilespmem:s5+$0xFFFFFFE0]  }
0x105: {  	v52 =	vadd.f32 v22, v20;
	v49 =	vld [tilespmem:s15+$0x0]  }
0x106: {  	v50 =	vadd.f32 v19, v16;
	[tilespmem:v17+s31+$0x0] =	vst.idx.msk $0xffff, v12;
	v51 =	vld [tilespmem:s8+$0x0]  }
0x107: {  	v17 =	vld [tilespmem:s15+$0xFFFFFFA0];
	[tilespmem:v48+s31+$0x0] =	vst.idx.msk $0xffff, v52  }
0x108: {  	v2 =	vadd.s32 v1, v2;
	[tilespmem:v10+s31+$0x0] =	vst.idx.msk $0xffff, v50;
	v10 =	vld [tilespmem:s8+$0xFFFFFFA0]  }
0x109: {  	v11 =	vadd.s32 v1, v11;
	v15 =	vld [tilespmem:s15+$0xFFFFFFE0]  }
0x10a: {  	v4 =	vadd.f32 v5, v4;
	v5 =	vadd.s32 v1, v13;
	v53 =	vld [tilespmem:s15+$0xFFFFFFC0]  }
0x10b: {  	[tilespmem:v6+s31+$0x0] =	vst.idx.msk $0xffff, v9;
	v54 =	vld [tilespmem:s8+$0xFFFFFFC0];
	v3 =	vadd.f32 v8, v3  }
0x10c: {  	[tilespmem:v7+s31+$0x0] =	vst.idx.msk $0xffff, v4;
	v55 =	vld [tilespmem:s8+$0xFFFFFFE0];
	v4 =	vadd.f32 v51, v49  }
0x10d: {  	v6 =	vadd.s32 v1, v18;
	[tilespmem:v2+s31+$0x0] =	vst.idx.msk $0xffff, v3;
	v2 =	vadd.f32 v10, v17  }
0x10e: {  	v7 =	vadd.s32 v1, v47;
	[tilespmem:v11+s31+$0x0] =	vst.idx.msk $0xffff, v4  }
0x10f: {  	[tilespmem:v5+s31+$0x0] =	vst.idx.msk $0xffff, v2  }
0x110: {  	v3 =	vadd.f32 v54, v53;
	s10 =	rddreg [dreg:$0xa]  }
0x111: {  	v2 =	vadd.f32 v55, v15;
	s5 =	sor.u32 s10, s21  }
0x112: {  	[tilespmem:v6+s31+$0x0] =	vst.idx.msk $0xffff, v3;
	s5 =	sshrl.u32 s5, $0x3  }
0x113: {  	s8 =	simm.s32 $0x0;
	[tilespmem:v7+s31+$0x0] =	vst.idx.msk $0xffff, v2;
	s7 =	sadd.s32 s2, s5  }
0x114: {  	[hbm4b:s7+s8] =	stream.linear.scatter [tilespmem:s31], [sflag:$0x4], $0x80, $0x38;
	[tilespmem:$0x18600] =	vst v63  }
0x115: {  	s10 =	simm.s32 $0x17588;
	s15 =	sadd.s32 $0x10, s7  }
0x116: {  	[hbm4b:s15+s8] =	stream.linear.scatter [tilespmem:s10], [sflag:$0x4], $0x80, $0x38;
	[tilespmem:$0x18600] =	vst v63  }
0x117: {  	s10 =	sadd.s32 $0x20, s7;
	s15 =	simm.s32 $0x17610  }
0x118: {  	[hbm4b:s10+s8] =	stream.linear.scatter [tilespmem:s15], [sflag:$0x4], $0x80, $0x38;
	[tilespmem:$0x18600] =	vst v63  }
0x119: {  	s10 =	sadd.s32 $0x30, s7;
	s15 =	simm.s32 $0x17698  }
0x11a: {  	[hbm4b:s10+s8] =	stream.linear.scatter [tilespmem:s15], [sflag:$0x4], $0x80, $0x38;
	[tilespmem:$0x18600] =	vst v63  }
0x11b: {  	s10 =	sadd.s32 $0x40, s7;
	s15 =	simm.s32 $0x17720  }
0x11c: {  	[hbm4b:s10+s8] =	stream.linear.scatter [tilespmem:s15], [sflag:$0x4], $0x80, $0x38;
	[tilespmem:$0x18600] =	vst v63  }
0x11d: {  	s10 =	sadd.s32 $0x50, s7;
	s15 =	simm.s32 $0x177A8  }
0x11e: {  	[hbm4b:s10+s8] =	stream.linear.scatter [tilespmem:s15], [sflag:$0x4], $0x80, $0x38;
	[tilespmem:$0x18600] =	vst v63  }
0x11f: {  	s10 =	sadd.s32 $0x60, s7;
	s15 =	simm.s32 $0x17830  }
0x120: {  	[hbm4b:s10+s8] =	stream.linear.scatter [tilespmem:s15], [sflag:$0x4], $0x80, $0x38;
	[tilespmem:$0x18600] =	vst v63  }
0x121: {  	s7 =	sadd.s32 $0x70, s7;
	s15 =	simm.s32 $0x178B8;
	s10 =	sor.u32 $0x4000, s5  }
0x122: {  	[hbm4b:s7+s8] =	stream.linear.scatter [tilespmem:s15], [sflag:$0x4], $0x80, $0x38;
	[tilespmem:$0x18600] =	vst v63  }
0x123: {  	s7 =	sadd.s32 s2, s10;
	s15 =	simm.s32 $0x17940  }
0x124: {  	[hbm4b:s7+s8] =	stream.linear.scatter [tilespmem:s15], [sflag:$0x4], $0x80, $0x38;
	[tilespmem:$0x18600] =	vst v63  }
0x125: {  	s10 =	sadd.s32 $0x10, s7;
	s15 =	simm.s32 $0x179C8  }
0x126: {  	[hbm4b:s10+s8] =	stream.linear.scatter [tilespmem:s15], [sflag:$0x4], $0x80, $0x38;
	[tilespmem:$0x18600] =	vst v63  }
0x127: {  	s10 =	sadd.s32 $0x20, s7;
	s15 =	simm.s32 $0x17A50  }
0x128: {  	[hbm4b:s10+s8] =	stream.linear.scatter [tilespmem:s15], [sflag:$0x4], $0x80, $0x38;
	[tilespmem:$0x18600] =	vst v63  }
0x129: {  	s10 =	sadd.s32 $0x30, s7;
	s15 =	simm.s32 $0x17AD8  }
0x12a: {  	[hbm4b:s10+s8] =	stream.linear.scatter [tilespmem:s15], [sflag:$0x4], $0x80, $0x38;
	[tilespmem:$0x18600] =	vst v63  }
0x12b: {  	s10 =	sadd.s32 $0x40, s7;
	s15 =	simm.s32 $0x17B60  }
0x12c: {  	[hbm4b:s10+s8] =	stream.linear.scatter [tilespmem:s15], [sflag:$0x4], $0x80, $0x38;
	[tilespmem:$0x18600] =	vst v63  }
0x12d: {  	s10 =	sadd.s32 $0x50, s7;
	s15 =	simm.s32 $0x17BE8  }
0x12e: {  	[hbm4b:s10+s8] =	stream.linear.scatter [tilespmem:s15], [sflag:$0x4], $0x80, $0x38;
	[tilespmem:$0x18600] =	vst v63  }
0x12f: {  	s10 =	sadd.s32 $0x60, s7;
	s15 =	simm.s32 $0x17C70  }
0x130: {  	[hbm4b:s10+s8] =	stream.linear.scatter [tilespmem:s15], [sflag:$0x4], $0x80, $0x38;
	[tilespmem:$0x18600] =	vst v63  }
0x131: {  	s7 =	sadd.s32 $0x70, s7;
	s15 =	simm.s32 $0x17CF8;
	s10 =	sor.u32 $0x8000, s5  }
0x132: {  	[hbm4b:s7+s8] =	stream.linear.scatter [tilespmem:s15], [sflag:$0x4], $0x80, $0x38;
	[tilespmem:$0x18600] =	vst v63  }
0x133: {  	s7 =	sadd.s32 s2, s10;
	s15 =	simm.s32 $0x17D80  }
0x134: {  	[hbm4b:s7+s8] =	stream.linear.scatter [tilespmem:s15], [sflag:$0x4], $0x80, $0x38;
	[tilespmem:$0x18600] =	vst v63  }
0x135: {  	s10 =	sadd.s32 $0x10, s7;
	s15 =	simm.s32 $0x17E08  }
0x136: {  	[hbm4b:s10+s8] =	stream.linear.scatter [tilespmem:s15], [sflag:$0x4], $0x80, $0x38;
	[tilespmem:$0x18600] =	vst v63  }
0x137: {  	s15 =	sadd.s32 $0x20, s7  }
0x138: {  	[hbm4b:s15+s8] =	stream.linear.scatter [tilespmem:s11], [sflag:$0x4], $0x80, $0x38;
	[tilespmem:$0x18600] =	vst v63  }
0x139: {  	s10 =	sadd.s32 $0x30, s7  }
0x13a: {  	[hbm4b:s10+s8] =	stream.linear.scatter [tilespmem:s12], [sflag:$0x4], $0x80, $0x38;
	[tilespmem:$0x18600] =	vst v63  }
0x13b: {  	s15 =	sadd.s32 $0x40, s7  }
0x13c: {  	[hbm4b:s15+s8] =	stream.linear.scatter [tilespmem:s13], [sflag:$0x4], $0x80, $0x38;
	[tilespmem:$0x18600] =	vst v63  }
0x13d: {  	s10 =	sadd.s32 $0x50, s7  }
0x13e: {  	[hbm4b:s10+s8] =	stream.linear.scatter [tilespmem:s24], [sflag:$0x4], $0x80, $0x38;
	[tilespmem:$0x18600] =	vst v63  }
0x13f: {  	s15 =	sadd.s32 $0x60, s7  }
0x140: {  	[hbm4b:s15+s8] =	stream.linear.scatter [tilespmem:s25], [sflag:$0x4], $0x80, $0x38;
	[tilespmem:$0x18600] =	vst v63  }
0x141: {  	s5 =	sor.u32 $0xC000, s5;
	s7 =	sadd.s32 $0x70, s7  }
0x142: {  	[hbm4b:s7+s8] =	stream.linear.scatter [tilespmem:s26], [sflag:$0x4], $0x80, $0x38;
	[tilespmem:$0x18600] =	vst v63  }
0x143: {  	s5 =	sadd.s32 s2, s5  }
0x144: {  	[hbm4b:s5+s8] =	stream.linear.scatter [tilespmem:s28], [sflag:$0x4], $0x80, $0x38;
	[tilespmem:$0x18600] =	vst v63  }
0x145: {  	s10 =	sadd.s32 $0x10, s5  }
0x146: {  	[hbm4b:s10+s8] =	stream.linear.scatter [tilespmem:s29], [sflag:$0x4], $0x80, $0x38;
	[tilespmem:$0x18600] =	vst v63  }
0x147: {  	s15 =	sadd.s32 $0x20, s5  }
0x148: {  	[hbm4b:s15+s8] =	stream.linear.scatter [tilespmem:s30], [sflag:$0x4], $0x80, $0x38;
	[tilespmem:$0x18600] =	vst v63  }
0x149: {  	s9 =	sadd.s32 $0x30, s5  }
0x14a: {  	[hbm4b:s9+s8] =	stream.linear.scatter [tilespmem:s0], [sflag:$0x4], $0x80, $0x38;
	[tilespmem:$0x18600] =	vst v63  }
0x14b: {  	s10 =	sadd.s32 $0x40, s5  }
0x14c: {  	[hbm4b:s10+s8] =	stream.linear.scatter [tilespmem:s1], [sflag:$0x4], $0x80, $0x38;
	[tilespmem:$0x18600] =	vst v63  }
0x14d: {  	s15 =	sadd.s32 $0x50, s5  }
0x14e: {  	[hbm4b:s15+s8] =	stream.linear.scatter [tilespmem:s16], [sflag:$0x4], $0x80, $0x38;
	[tilespmem:$0x18600] =	vst v63  }
0x14f: {  	s9 =	sadd.s32 $0x60, s5  }
0x150: {  	[hbm4b:s9+s8] =	stream.linear.scatter [tilespmem:s18], [sflag:$0x4], $0x80, $0x38;
	[tilespmem:$0x18600] =	vst v63  }
0x151: {  	s5 =	sadd.s32 $0x70, s5  }
0x152: {  	[hbm4b:s5+s8] =	stream.linear.scatter [tilespmem:s19], [sflag:$0x4], $0x80, $0x38;
	[tilespmem:$0x18600] =	vst v63  }
0x153: {  	_ =	swait.ge [sflag:s6], $0x400  }
0x154: {  	[sflag:s6] =	ssyncset.done $0x0  }
0x155: {  	[sflag:s6] =	ssyncadd.s32 $0xFFFFFC00  }
0x156: {  	_ =	swait.ge [sflag:s6], $0x400  }
0x157: {  	[sflag:s6] =	ssyncset.done $0x0  }
0x158: {  	[sflag:s6] =	ssyncadd.s32 $0xFFFFFC00  }
0x159: {  	_ =	swait.ge [sflag:s6], $0x400  }
0x15a: {  	[sflag:s6] =	ssyncset.done $0x0  }
0x15b: {  	[sflag:s6] =	ssyncadd.s32 $0xFFFFFC00  }
0x15c: {  	_ =	swait.ge [sflag:s6], $0x400  }
0x15d: {  	[sflag:s6] =	ssyncset.done $0x0  }
0x15e: {  	s7 =	simm.s32 $0x8470;
	[sflag:s6] =	ssyncadd.s32 $0xFFFFFC00  }
0x15f: {  	s10 =	simm.s32 $0x3;
	s5 =	simm.s32 $0xC470;
	v2 =	vld [tilespmem:s7+$0xFFFFFFF0]  }
0x160: {  	v3 =	vmov s10;
	v4 =	vld [tilespmem:s5+$0xFFFFFFF0]  }
0x161: {  	v3 =	vand.u32 $0x7F, v3;
	v5 =	vld [tilespmem:s7+$0xFFFFFF90]  }
0x162: {  	v6 =	vmov s8;
	v8 =	vadd.s32 v0, v3;
	v7 =	vld [tilespmem:s5+$0xFFFFFF90]  }
0x163: {  	v6 =	vand.u32 $0x7C, v6;
	s15 =	simm.s32 $0x1;
	v9 =	vld [tilespmem:s7+$0xFFFFFFB0]  }
0x164: {  	v10 =	vadd.s32 v0, v6;
	v11 =	vmov s15;
	v56 =	vld [tilespmem:s5+$0xFFFFFFB0]  }
0x165: {  	v11 =	vand.u32 $0x7D, v11;
	v4 =	vadd.f32 v4, v2  }
0x166: {  	s9 =	simm.s32 $0x2;
	v58 =	vadd.s32 v0, v11;
	v57 =	vld [tilespmem:s7+$0xFFFFFFD0]  }
0x167: {  	v59 =	vld [tilespmem:s5+$0xFFFFFFD0];
	v2 =	vmov s9;
	v5 =	vadd.f32 v7, v5;
	[tilespmem:v8+s23+$0x0] =	vst.idx.msk $0xffff, v4  }
0x168: {  	v2 =	vand.u32 $0x7E, v2;
	v8 =	vld [tilespmem:s7+$0x0]  }
0x169: {  	v7 =	vadd.s32 v0, v2;
	[tilespmem:v10+s23+$0x0] =	vst.idx.msk $0xffff, v5;
	v4 =	vadd.f32 v56, v9;
	v9 =	vld [tilespmem:s5+$0x0]  }
0x16a: {  	v60 =	vld [tilespmem:s7+$0xFFFFFFA0]  }
0x16b: {  	v62 =	vadd.s32 v1, v3;
	v61 =	vld [tilespmem:s5+$0xFFFFFFA0];
	[tilespmem:v58+s23+$0x0] =	vst.idx.msk $0xffff, v4  }
0x16c: {  	v10 =	vadd.f32 v59, v57;
	v4 =	vld [tilespmem:s7+$0xFFFFFFC0]  }
0x16d: {  	v6 =	vadd.s32 v1, v6;
	s8 =	simm.s32 $0xC4F0;
	v5 =	vld [tilespmem:s5+$0xFFFFFFC0]  }
0x16e: {  	[tilespmem:v7+s23+$0x0] =	vst.idx.msk $0xffff, v10;
	v10 =	vld [tilespmem:s8+$0xFFFFFFF0];
	v63 =	vadd.f32 v9, v8  }
0x16f: {  	s10 =	simm.s32 $0x7;
	s15 =	simm.s32 $0x84F0;
	v7 =	vadd.s32 v1, v11;
	v3 =	vld [tilespmem:s7+$0xFFFFFFE0]  }
0x170: {  	s9 =	simm.s32 $0x4;
	v11 =	vmov s10;
	s10 =	simm.s32 $0x8;
	v8 =	vld [tilespmem:s15+$0xFFFFFFF0];
	v9 =	vadd.f32 v61, v60;
	[tilespmem:v62+s23+$0x0] =	vst.idx.msk $0xffff, v63  }
.LBB2_7:
0x171: {  	p0 =	slt.u32 s10, $0x7C;
	v12 =	vld [tilespmem:s15+$0xFFFFFF90];
	v11 =	vand.u32 $0x7F, v11  }
0x172: {  	v13 =	vmov s9;
	v14 =	vld [tilespmem:s8+$0xFFFFFF90];
	v15 =	vadd.s32 v0, v11;
	[tilespmem:v6+s23+$0x0] =	vst.idx.msk $0xffff, v9;
	v4 =	vadd.f32 v5, v4  }
0x173: {  	s7 =	sadd.s32 $0x1, s9;
	v5 =	vand.u32 $0x7C, v13;
	v6 =	vld [tilespmem:s15+$0xFFFFFFB0]  }
0x174: {  	v13 =	vmov s7;
	v9 =	vadd.s32 v0, v5;
	v16 =	vld [tilespmem:s8+$0xFFFFFFB0];
	[tilespmem:v7+s23+$0x0] =	vst.idx.msk $0xffff, v4  }
0x175: {  	s7 =	sadd.s32 $0x2, s9;
	s9 =	smov.u32 s10;
	v7 =	vand.u32 $0x7D, v13;
	v4 =	vld [tilespmem:s15+$0xFFFFFFD0];
	v8 =	vadd.f32 v10, v8  }
0x176: {  	v13 =	vmov s7;
	v10 =	vadd.s32 v0, v7;
	v17 =	vld [tilespmem:s8+$0xFFFFFFD0]  }
0x177: {  	v13 =	vand.u32 $0x7E, v13;
	v12 =	vadd.f32 v14, v12;
	[tilespmem:v15+s23+$0x0] =	vst.idx.msk $0xffff, v8;
	v8 =	vld [tilespmem:s5+$0xFFFFFFE0];
	s5 =	smov.u32 s8  }
0x178: {  	v14 =	vadd.s32 v0, v13;
	v15 =	vld [tilespmem:s15+$0x0]  }
0x179: {  	[tilespmem:v9+s23+$0x0] =	vst.idx.msk $0xffff, v12;
	v6 =	vadd.f32 v16, v6;
	v9 =	vld [tilespmem:s8+$0x0];
	v12 =	vadd.s32 v1, v2;
	v2 =	vmov v13  }
0x17a: {  	v13 =	vld [tilespmem:s15+$0xFFFFFFA0]  }
0x17b: {  	v16 =	vld [tilespmem:s8+$0xFFFFFFA0];
	[tilespmem:v10+s23+$0x0] =	vst.idx.msk $0xffff, v6;
	v10 =	vadd.f32 v17, v4;
	v17 =	vadd.s32 v1, v11  }
.Ltmp4:
0x17c: {  	v4 =	vld [tilespmem:s15+$0xFFFFFFC0];
	v8 =	vadd.f32 v8, v3;
	(pc) =	sbr.rel @p0 .LBB2_7-.Ltmp4, $4  }
0x17d: {  	v6 =	vadd.s32 v1, v5;
	v5 =	vld [tilespmem:s8+$0xFFFFFFC0];
	[tilespmem:v14+s23+$0x0] =	vst.idx.msk $0xffff, v10  }
0x17e: {  	v3 =	vld [tilespmem:s15+$0xFFFFFFE0];
	v14 =	vadd.f32 v9, v15;
	s15 =	sadd.s32 $0x80, s15;
	[tilespmem:v12+s23+$0x0] =	vst.idx.msk $0xffff, v8  }
0x17f: {  	s7 =	sadd.s32 $0x3, s10;
	v7 =	vadd.s32 v1, v7;
	s8 =	sadd.s32 $0x80, s8;
	v8 =	vld [tilespmem:s15+$0xFFFFFFF0]  }
0x180: {  	s10 =	sadd.s32 $0x4, s10;
	v11 =	vmov s7;
	v10 =	vld [tilespmem:s8+$0xFFFFFFF0];
	v9 =	vadd.f32 v16, v13;
	[tilespmem:v17+s23+$0x0] =	vst.idx.msk $0xffff, v14  }
0x181: {  	v12 =	vld [tilespmem:s15+$0xFFFFFF90]  }
0x182: {  	v14 =	vld [tilespmem:s8+$0xFFFFFF90]  }
0x183: {  	v11 =	vand.u32 $0x7F, v11;
	v16 =	vld [tilespmem:s15+$0xFFFFFFB0]  }
0x184: {  	v13 =	vmov s9;
	s7 =	sadd.s32 $0x1, s9;
	s9 =	sadd.s32 $0x2, s9;
	v20 =	vld [tilespmem:s15+$0xFFFFFFD0];
	v15 =	vadd.s32 v0, v11  }
0x185: {  	v22 =	vld [tilespmem:s8+$0xFFFFFFD0];
	v13 =	vand.u32 $0x7C, v13;
	v21 =	vmov s9  }
0x186: {  	v19 =	vld [tilespmem:s8+$0xFFFFFFB0];
	v18 =	vmov s7;
	v17 =	vadd.s32 v0, v13;
	v47 =	vand.u32 $0x7E, v21  }
0x187: {  	v18 =	vand.u32 $0x7D, v18;
	v48 =	vadd.s32 v0, v47;
	v8 =	vadd.f32 v10, v8  }
0x188: {  	v10 =	vadd.s32 v0, v18  }
0x189: {  	v12 =	vadd.f32 v14, v12;
	[tilespmem:v15+s23+$0x0] =	vst.idx.msk $0xffff, v8;
	v8 =	vld [tilespmem:s5+$0xFFFFFFE0]  }
0x18a: {  	v52 =	vadd.f32 v22, v20;
	v49 =	vld [tilespmem:s15+$0x0]  }
0x18b: {  	v50 =	vadd.f32 v19, v16;
	[tilespmem:v17+s23+$0x0] =	vst.idx.msk $0xffff, v12;
	v51 =	vld [tilespmem:s8+$0x0]  }
0x18c: {  	v17 =	vld [tilespmem:s15+$0xFFFFFFA0];
	[tilespmem:v48+s23+$0x0] =	vst.idx.msk $0xffff, v52  }
0x18d: {  	v2 =	vadd.s32 v1, v2;
	[tilespmem:v10+s23+$0x0] =	vst.idx.msk $0xffff, v50;
	v10 =	vld [tilespmem:s8+$0xFFFFFFA0]  }
0x18e: {  	v11 =	vadd.s32 v1, v11;
	v15 =	vld [tilespmem:s15+$0xFFFFFFE0]  }
0x18f: {  	v4 =	vadd.f32 v5, v4;
	v5 =	vadd.s32 v1, v13;
	v53 =	vld [tilespmem:s15+$0xFFFFFFC0]  }
0x190: {  	[tilespmem:v6+s23+$0x0] =	vst.idx.msk $0xffff, v9;
	v54 =	vld [tilespmem:s8+$0xFFFFFFC0];
	v3 =	vadd.f32 v8, v3  }
0x191: {  	[tilespmem:v7+s23+$0x0] =	vst.idx.msk $0xffff, v4;
	v55 =	vld [tilespmem:s8+$0xFFFFFFE0];
	v4 =	vadd.f32 v51, v49  }
0x192: {  	v6 =	vadd.s32 v1, v18;
	[tilespmem:v2+s23+$0x0] =	vst.idx.msk $0xffff, v3;
	v2 =	vadd.f32 v10, v17  }
0x193: {  	v7 =	vadd.s32 v1, v47;
	[tilespmem:v11+s23+$0x0] =	vst.idx.msk $0xffff, v4  }
0x194: {  	[tilespmem:v5+s23+$0x0] =	vst.idx.msk $0xffff, v2  }
0x195: {  	v3 =	vadd.f32 v54, v53;
	s10 =	rddreg [dreg:$0xb]  }
0x196: {  	v2 =	vadd.f32 v55, v15;
	s5 =	sor.u32 s10, s21  }
0x197: {  	[tilespmem:v6+s23+$0x0] =	vst.idx.msk $0xffff, v3;
	s5 =	sshrl.u32 s5, $0x3  }
0x198: {  	s8 =	simm.s32 $0x0;
	[tilespmem:v7+s23+$0x0] =	vst.idx.msk $0xffff, v2;
	s7 =	sadd.s32 s2, s5  }
0x199: {  	[hbm4b:s7+s8] =	stream.linear.scatter [tilespmem:s23], [sflag:$0x3], $0x80, $0x38;
	[tilespmem:$0x18600] =	vst v63  }
0x19a: {  	s10 =	simm.s32 $0x16488;
	s15 =	sadd.s32 $0x10, s7  }
0x19b: {  	[hbm4b:s15+s8] =	stream.linear.scatter [tilespmem:s10], [sflag:$0x3], $0x80, $0x38;
	[tilespmem:$0x18600] =	vst v63  }
0x19c: {  	s10 =	sadd.s32 $0x20, s7;
	s15 =	simm.s32 $0x16510  }
0x19d: {  	[hbm4b:s10+s8] =	stream.linear.scatter [tilespmem:s15], [sflag:$0x3], $0x80, $0x38;
	[tilespmem:$0x18600] =	vst v63  }
0x19e: {  	s10 =	sadd.s32 $0x30, s7;
	s15 =	simm.s32 $0x16598  }
0x19f: {  	[hbm4b:s10+s8] =	stream.linear.scatter [tilespmem:s15], [sflag:$0x3], $0x80, $0x38;
	[tilespmem:$0x18600] =	vst v63  }
0x1a0: {  	s10 =	sadd.s32 $0x40, s7;
	s15 =	simm.s32 $0x16620  }
0x1a1: {  	[hbm4b:s10+s8] =	stream.linear.scatter [tilespmem:s15], [sflag:$0x3], $0x80, $0x38;
	[tilespmem:$0x18600] =	vst v63  }
0x1a2: {  	s10 =	sadd.s32 $0x50, s7;
	s15 =	simm.s32 $0x166A8  }
0x1a3: {  	[hbm4b:s10+s8] =	stream.linear.scatter [tilespmem:s15], [sflag:$0x3], $0x80, $0x38;
	[tilespmem:$0x18600] =	vst v63  }
0x1a4: {  	s10 =	sadd.s32 $0x60, s7;
	s15 =	simm.s32 $0x16730  }
0x1a5: {  	[hbm4b:s10+s8] =	stream.linear.scatter [tilespmem:s15], [sflag:$0x3], $0x80, $0x38;
	[tilespmem:$0x18600] =	vst v63  }
0x1a6: {  	s7 =	sadd.s32 $0x70, s7;
	s15 =	simm.s32 $0x167B8;
	s10 =	sor.u32 $0x4000, s5  }
0x1a7: {  	[hbm4b:s7+s8] =	stream.linear.scatter [tilespmem:s15], [sflag:$0x3], $0x80, $0x38;
	[tilespmem:$0x18600] =	vst v63  }
0x1a8: {  	s7 =	sadd.s32 s2, s10;
	s15 =	simm.s32 $0x16840  }
0x1a9: {  	[hbm4b:s7+s8] =	stream.linear.scatter [tilespmem:s15], [sflag:$0x3], $0x80, $0x38;
	[tilespmem:$0x18600] =	vst v63  }
0x1aa: {  	s10 =	sadd.s32 $0x10, s7;
	s15 =	simm.s32 $0x168C8  }
0x1ab: {  	[hbm4b:s10+s8] =	stream.linear.scatter [tilespmem:s15], [sflag:$0x3], $0x80, $0x38;
	[tilespmem:$0x18600] =	vst v63  }
0x1ac: {  	s10 =	sadd.s32 $0x20, s7;
	s15 =	simm.s32 $0x16950  }
0x1ad: {  	[hbm4b:s10+s8] =	stream.linear.scatter [tilespmem:s15], [sflag:$0x3], $0x80, $0x38;
	[tilespmem:$0x18600] =	vst v63  }
0x1ae: {  	s10 =	sadd.s32 $0x30, s7;
	s15 =	simm.s32 $0x169D8  }
0x1af: {  	[hbm4b:s10+s8] =	stream.linear.scatter [tilespmem:s15], [sflag:$0x3], $0x80, $0x38;
	[tilespmem:$0x18600] =	vst v63  }
0x1b0: {  	s10 =	sadd.s32 $0x40, s7;
	s15 =	simm.s32 $0x16A60  }
0x1b1: {  	[hbm4b:s10+s8] =	stream.linear.scatter [tilespmem:s15], [sflag:$0x3], $0x80, $0x38;
	[tilespmem:$0x18600] =	vst v63  }
0x1b2: {  	s10 =	sadd.s32 $0x50, s7;
	s15 =	simm.s32 $0x16AE8  }
0x1b3: {  	[hbm4b:s10+s8] =	stream.linear.scatter [tilespmem:s15], [sflag:$0x3], $0x80, $0x38;
	[tilespmem:$0x18600] =	vst v63  }
0x1b4: {  	s10 =	sadd.s32 $0x60, s7;
	s15 =	simm.s32 $0x16B70  }
0x1b5: {  	[hbm4b:s10+s8] =	stream.linear.scatter [tilespmem:s15], [sflag:$0x3], $0x80, $0x38;
	[tilespmem:$0x18600] =	vst v63  }
0x1b6: {  	s7 =	sadd.s32 $0x70, s7;
	s15 =	simm.s32 $0x16BF8;
	s10 =	sor.u32 $0x8000, s5  }
0x1b7: {  	[hbm4b:s7+s8] =	stream.linear.scatter [tilespmem:s15], [sflag:$0x3], $0x80, $0x38;
	[tilespmem:$0x18600] =	vst v63  }
0x1b8: {  	s7 =	sadd.s32 s2, s10;
	s15 =	simm.s32 $0x16C80  }
0x1b9: {  	[hbm4b:s7+s8] =	stream.linear.scatter [tilespmem:s15], [sflag:$0x3], $0x80, $0x38;
	[tilespmem:$0x18600] =	vst v63  }
0x1ba: {  	s10 =	sadd.s32 $0x10, s7;
	s15 =	simm.s32 $0x16D08  }
0x1bb: {  	[hbm4b:s10+s8] =	stream.linear.scatter [tilespmem:s15], [sflag:$0x3], $0x80, $0x38;
	[tilespmem:$0x18600] =	vst v63  }
0x1bc: {  	s10 =	sadd.s32 $0x20, s7;
	s15 =	simm.s32 $0x16D90  }
0x1bd: {  	[hbm4b:s10+s8] =	stream.linear.scatter [tilespmem:s15], [sflag:$0x3], $0x80, $0x38;
	[tilespmem:$0x18600] =	vst v63  }
0x1be: {  	s10 =	sadd.s32 $0x30, s7;
	s15 =	simm.s32 $0x16E18  }
0x1bf: {  	[hbm4b:s10+s8] =	stream.linear.scatter [tilespmem:s15], [sflag:$0x3], $0x80, $0x38;
	[tilespmem:$0x18600] =	vst v63  }
0x1c0: {  	s10 =	sadd.s32 $0x40, s7;
	s15 =	simm.s32 $0x16EA0  }
0x1c1: {  	[hbm4b:s10+s8] =	stream.linear.scatter [tilespmem:s15], [sflag:$0x3], $0x80, $0x38;
	[tilespmem:$0x18600] =	vst v63  }
0x1c2: {  	s10 =	sadd.s32 $0x50, s7;
	s15 =	simm.s32 $0x16F28  }
0x1c3: {  	[hbm4b:s10+s8] =	stream.linear.scatter [tilespmem:s15], [sflag:$0x3], $0x80, $0x38;
	[tilespmem:$0x18600] =	vst v63  }
0x1c4: {  	s10 =	sadd.s32 $0x60, s7;
	s15 =	simm.s32 $0x16FB0  }
0x1c5: {  	[hbm4b:s10+s8] =	stream.linear.scatter [tilespmem:s15], [sflag:$0x3], $0x80, $0x38;
	[tilespmem:$0x18600] =	vst v63  }
0x1c6: {  	s5 =	sor.u32 $0xC000, s5;
	s7 =	sadd.s32 $0x70, s7;
	s15 =	simm.s32 $0x17038  }
0x1c7: {  	[hbm4b:s7+s8] =	stream.linear.scatter [tilespmem:s15], [sflag:$0x3], $0x80, $0x38;
	[tilespmem:$0x18600] =	vst v63  }
0x1c8: {  	s9 =	simm.s32 $0x170C0;
	s5 =	sadd.s32 s2, s5  }
0x1c9: {  	[hbm4b:s5+s8] =	stream.linear.scatter [tilespmem:s9], [sflag:$0x3], $0x80, $0x38;
	[tilespmem:$0x18600] =	vst v63  }
0x1ca: {  	s10 =	sadd.s32 $0x10, s5;
	s15 =	simm.s32 $0x17148  }
0x1cb: {  	[hbm4b:s10+s8] =	stream.linear.scatter [tilespmem:s15], [sflag:$0x3], $0x80, $0x38;
	[tilespmem:$0x18600] =	vst v63  }
0x1cc: {  	s10 =	sadd.s32 $0x20, s5;
	s15 =	simm.s32 $0x171D0  }
0x1cd: {  	[hbm4b:s10+s8] =	stream.linear.scatter [tilespmem:s15], [sflag:$0x3], $0x80, $0x38;
	[tilespmem:$0x18600] =	vst v63  }
0x1ce: {  	s10 =	sadd.s32 $0x30, s5;
	s15 =	simm.s32 $0x17258  }
0x1cf: {  	[hbm4b:s10+s8] =	stream.linear.scatter [tilespmem:s15], [sflag:$0x3], $0x80, $0x38;
	[tilespmem:$0x18600] =	vst v63  }
0x1d0: {  	s10 =	sadd.s32 $0x40, s5;
	s15 =	simm.s32 $0x172E0  }
0x1d1: {  	[hbm4b:s10+s8] =	stream.linear.scatter [tilespmem:s15], [sflag:$0x3], $0x80, $0x38;
	[tilespmem:$0x18600] =	vst v63  }
0x1d2: {  	s10 =	sadd.s32 $0x50, s5;
	s15 =	simm.s32 $0x17368  }
0x1d3: {  	[hbm4b:s10+s8] =	stream.linear.scatter [tilespmem:s15], [sflag:$0x3], $0x80, $0x38;
	[tilespmem:$0x18600] =	vst v63  }
0x1d4: {  	s10 =	sadd.s32 $0x60, s5;
	s15 =	simm.s32 $0x173F0  }
0x1d5: {  	[hbm4b:s10+s8] =	stream.linear.scatter [tilespmem:s15], [sflag:$0x3], $0x80, $0x38;
	[tilespmem:$0x18600] =	vst v63  }
0x1d6: {  	s9 =	simm.s32 $0x17478;
	s5 =	sadd.s32 $0x70, s5  }
0x1d7: {  	[hbm4b:s5+s8] =	stream.linear.scatter [tilespmem:s9], [sflag:$0x3], $0x80, $0x38;
	[tilespmem:$0x18600] =	vst v63  }
0x1d8: {  	_ =	swait.ge [sflag:s14], $0x400  }
0x1d9: {  	[sflag:s14] =	ssyncset.done $0x0  }
0x1da: {  	[sflag:s14] =	ssyncadd.s32 $0xFFFFFC00  }
0x1db: {  	_ =	swait.ge [sflag:s14], $0x400  }
0x1dc: {  	[sflag:s14] =	ssyncset.done $0x0  }
0x1dd: {  	[sflag:s14] =	ssyncadd.s32 $0xFFFFFC00  }
0x1de: {  	_ =	swait.ge [sflag:s14], $0x400  }
0x1df: {  	[sflag:s14] =	ssyncset.done $0x0  }
0x1e0: {  	[sflag:s14] =	ssyncadd.s32 $0xFFFFFC00  }
0x1e1: {  	_ =	swait.ge [sflag:s14], $0x400  }
0x1e2: {  	[sflag:s14] =	ssyncset.done $0x0  }
0x1e3: {  	s7 =	simm.s32 $0x9470;
	[sflag:s14] =	ssyncadd.s32 $0xFFFFFC00  }
0x1e4: {  	s10 =	simm.s32 $0x3;
	s5 =	simm.s32 $0xD470;
	v2 =	vld [tilespmem:s7+$0xFFFFFFF0]  }
0x1e5: {  	v3 =	vmov s10;
	v4 =	vld [tilespmem:s5+$0xFFFFFFF0]  }
0x1e6: {  	v3 =	vand.u32 $0x7F, v3;
	v5 =	vld [tilespmem:s7+$0xFFFFFF90]  }
0x1e7: {  	v6 =	vmov s8;
	v8 =	vadd.s32 v0, v3;
	v7 =	vld [tilespmem:s5+$0xFFFFFF90]  }
0x1e8: {  	v6 =	vand.u32 $0x7C, v6;
	s15 =	simm.s32 $0x1;
	v9 =	vld [tilespmem:s7+$0xFFFFFFB0]  }
0x1e9: {  	v10 =	vadd.s32 v0, v6;
	v11 =	vmov s15;
	v56 =	vld [tilespmem:s5+$0xFFFFFFB0]  }
0x1ea: {  	v11 =	vand.u32 $0x7D, v11;
	v4 =	vadd.f32 v4, v2  }
0x1eb: {  	s9 =	simm.s32 $0x2;
	v58 =	vadd.s32 v0, v11;
	v57 =	vld [tilespmem:s7+$0xFFFFFFD0]  }
0x1ec: {  	v59 =	vld [tilespmem:s5+$0xFFFFFFD0];
	v2 =	vmov s9;
	v5 =	vadd.f32 v7, v5;
	[tilespmem:v8+s31+$0x0] =	vst.idx.msk $0xffff, v4  }
0x1ed: {  	v2 =	vand.u32 $0x7E, v2;
	v8 =	vld [tilespmem:s7+$0x0]  }
0x1ee: {  	v7 =	vadd.s32 v0, v2;
	[tilespmem:v10+s31+$0x0] =	vst.idx.msk $0xffff, v5;
	v4 =	vadd.f32 v56, v9;
	v9 =	vld [tilespmem:s5+$0x0]  }
0x1ef: {  	v60 =	vld [tilespmem:s7+$0xFFFFFFA0]  }
0x1f0: {  	v62 =	vadd.s32 v1, v3;
	v61 =	vld [tilespmem:s5+$0xFFFFFFA0];
	[tilespmem:v58+s31+$0x0] =	vst.idx.msk $0xffff, v4  }
0x1f1: {  	v10 =	vadd.f32 v59, v57;
	v4 =	vld [tilespmem:s7+$0xFFFFFFC0]  }
0x1f2: {  	v6 =	vadd.s32 v1, v6;
	s8 =	simm.s32 $0xD4F0;
	v5 =	vld [tilespmem:s5+$0xFFFFFFC0]  }
0x1f3: {  	[tilespmem:v7+s31+$0x0] =	vst.idx.msk $0xffff, v10;
	v10 =	vld [tilespmem:s8+$0xFFFFFFF0];
	v63 =	vadd.f32 v9, v8  }
0x1f4: {  	s15 =	simm.s32 $0x94F0;
	s10 =	simm.s32 $0x7;
	v7 =	vadd.s32 v1, v11;
	v3 =	vld [tilespmem:s7+$0xFFFFFFE0]  }
0x1f5: {  	s9 =	simm.s32 $0x4;
	v11 =	vmov s10;
	s10 =	simm.s32 $0x8;
	v8 =	vld [tilespmem:s15+$0xFFFFFFF0];
	v9 =	vadd.f32 v61, v60;
	[tilespmem:v62+s31+$0x0] =	vst.idx.msk $0xffff, v63  }
.LBB2_9:
0x1f6: {  	p0 =	slt.u32 s10, $0x7C;
	v12 =	vld [tilespmem:s15+$0xFFFFFF90];
	v11 =	vand.u32 $0x7F, v11  }
0x1f7: {  	v13 =	vmov s9;
	v14 =	vld [tilespmem:s8+$0xFFFFFF90];
	v15 =	vadd.s32 v0, v11;
	[tilespmem:v6+s31+$0x0] =	vst.idx.msk $0xffff, v9;
	v4 =	vadd.f32 v5, v4  }
0x1f8: {  	s7 =	sadd.s32 $0x1, s9;
	v5 =	vand.u32 $0x7C, v13;
	v6 =	vld [tilespmem:s15+$0xFFFFFFB0]  }
0x1f9: {  	v13 =	vmov s7;
	v9 =	vadd.s32 v0, v5;
	v16 =	vld [tilespmem:s8+$0xFFFFFFB0];
	[tilespmem:v7+s31+$0x0] =	vst.idx.msk $0xffff, v4  }
0x1fa: {  	s7 =	sadd.s32 $0x2, s9;
	s9 =	smov.u32 s10;
	v7 =	vand.u32 $0x7D, v13;
	v4 =	vld [tilespmem:s15+$0xFFFFFFD0];
	v8 =	vadd.f32 v10, v8  }
0x1fb: {  	v13 =	vmov s7;
	v10 =	vadd.s32 v0, v7;
	v17 =	vld [tilespmem:s8+$0xFFFFFFD0]  }
0x1fc: {  	v13 =	vand.u32 $0x7E, v13;
	v12 =	vadd.f32 v14, v12;
	[tilespmem:v15+s31+$0x0] =	vst.idx.msk $0xffff, v8;
	v8 =	vld [tilespmem:s5+$0xFFFFFFE0];
	s5 =	smov.u32 s8  }
0x1fd: {  	v14 =	vadd.s32 v0, v13;
	v15 =	vld [tilespmem:s15+$0x0]  }
0x1fe: {  	[tilespmem:v9+s31+$0x0] =	vst.idx.msk $0xffff, v12;
	v6 =	vadd.f32 v16, v6;
	v9 =	vld [tilespmem:s8+$0x0];
	v12 =	vadd.s32 v1, v2;
	v2 =	vmov v13  }
0x1ff: {  	v13 =	vld [tilespmem:s15+$0xFFFFFFA0]  }
0x200: {  	v16 =	vld [tilespmem:s8+$0xFFFFFFA0];
	[tilespmem:v10+s31+$0x0] =	vst.idx.msk $0xffff, v6;
	v10 =	vadd.f32 v17, v4;
	v17 =	vadd.s32 v1, v11  }
.Ltmp5:
0x201: {  	v4 =	vld [tilespmem:s15+$0xFFFFFFC0];
	v8 =	vadd.f32 v8, v3;
	(pc) =	sbr.rel @p0 .LBB2_9-.Ltmp5, $4  }
0x202: {  	v6 =	vadd.s32 v1, v5;
	v5 =	vld [tilespmem:s8+$0xFFFFFFC0];
	[tilespmem:v14+s31+$0x0] =	vst.idx.msk $0xffff, v10  }
0x203: {  	v3 =	vld [tilespmem:s15+$0xFFFFFFE0];
	v14 =	vadd.f32 v9, v15;
	s15 =	sadd.s32 $0x80, s15;
	[tilespmem:v12+s31+$0x0] =	vst.idx.msk $0xffff, v8  }
0x204: {  	s7 =	sadd.s32 $0x3, s10;
	v7 =	vadd.s32 v1, v7;
	s8 =	sadd.s32 $0x80, s8;
	v8 =	vld [tilespmem:s15+$0xFFFFFFF0]  }
0x205: {  	s10 =	sadd.s32 $0x4, s10;
	v11 =	vmov s7;
	v10 =	vld [tilespmem:s8+$0xFFFFFFF0];
	v9 =	vadd.f32 v16, v13;
	[tilespmem:v17+s31+$0x0] =	vst.idx.msk $0xffff, v14  }
0x206: {  	v12 =	vld [tilespmem:s15+$0xFFFFFF90]  }
0x207: {  	v14 =	vld [tilespmem:s8+$0xFFFFFF90]  }
0x208: {  	v11 =	vand.u32 $0x7F, v11;
	v16 =	vld [tilespmem:s15+$0xFFFFFFB0]  }
0x209: {  	v13 =	vmov s9;
	s10 =	sadd.s32 $0x2, s9;
	v20 =	vld [tilespmem:s15+$0xFFFFFFD0];
	v15 =	vadd.s32 v0, v11  }
0x20a: {  	s7 =	sadd.s32 $0x1, s9;
	v22 =	vld [tilespmem:s8+$0xFFFFFFD0];
	v13 =	vand.u32 $0x7C, v13;
	v21 =	vmov s10  }
0x20b: {  	v19 =	vld [tilespmem:s8+$0xFFFFFFB0];
	v18 =	vmov s7;
	v17 =	vadd.s32 v0, v13;
	v47 =	vand.u32 $0x7E, v21  }
0x20c: {  	v18 =	vand.u32 $0x7D, v18;
	v48 =	vadd.s32 v0, v47;
	v8 =	vadd.f32 v10, v8  }
0x20d: {  	v10 =	vadd.s32 v0, v18  }
0x20e: {  	v12 =	vadd.f32 v14, v12;
	[tilespmem:v15+s31+$0x0] =	vst.idx.msk $0xffff, v8;
	v8 =	vld [tilespmem:s5+$0xFFFFFFE0]  }
0x20f: {  	v52 =	vadd.f32 v22, v20;
	v49 =	vld [tilespmem:s15+$0x0]  }
0x210: {  	v50 =	vadd.f32 v19, v16;
	[tilespmem:v17+s31+$0x0] =	vst.idx.msk $0xffff, v12;
	v51 =	vld [tilespmem:s8+$0x0]  }
0x211: {  	v17 =	vld [tilespmem:s15+$0xFFFFFFA0];
	[tilespmem:v48+s31+$0x0] =	vst.idx.msk $0xffff, v52  }
0x212: {  	v2 =	vadd.s32 v1, v2;
	[tilespmem:v10+s31+$0x0] =	vst.idx.msk $0xffff, v50;
	v10 =	vld [tilespmem:s8+$0xFFFFFFA0]  }
0x213: {  	v11 =	vadd.s32 v1, v11;
	v15 =	vld [tilespmem:s15+$0xFFFFFFE0]  }
0x214: {  	v4 =	vadd.f32 v5, v4;
	v5 =	vadd.s32 v1, v13;
	v53 =	vld [tilespmem:s15+$0xFFFFFFC0]  }
0x215: {  	[tilespmem:v6+s31+$0x0] =	vst.idx.msk $0xffff, v9;
	v54 =	vld [tilespmem:s8+$0xFFFFFFC0];
	v3 =	vadd.f32 v8, v3  }
0x216: {  	[tilespmem:v7+s31+$0x0] =	vst.idx.msk $0xffff, v4;
	v55 =	vld [tilespmem:s8+$0xFFFFFFE0];
	v4 =	vadd.f32 v51, v49  }
0x217: {  	v6 =	vadd.s32 v1, v18;
	[tilespmem:v2+s31+$0x0] =	vst.idx.msk $0xffff, v3;
	v2 =	vadd.f32 v10, v17  }
0x218: {  	v7 =	vadd.s32 v1, v47;
	[tilespmem:v11+s31+$0x0] =	vst.idx.msk $0xffff, v4  }
0x219: {  	[tilespmem:v5+s31+$0x0] =	vst.idx.msk $0xffff, v2  }
0x21a: {  	v3 =	vadd.f32 v54, v53;
	s9 =	rddreg [dreg:$0xc]  }
0x21b: {  	v2 =	vadd.f32 v55, v15;
	s5 =	sor.u32 s9, s21  }
0x21c: {  	[tilespmem:v6+s31+$0x0] =	vst.idx.msk $0xffff, v3;
	s5 =	sshrl.u32 s5, $0x3  }
0x21d: {  	[tilespmem:v7+s31+$0x0] =	vst.idx.msk $0xffff, v2;
	s7 =	sadd.s32 s2, s5  }
0x21e: {  	[hbm4b:s7+s3] =	stream.linear.scatter [tilespmem:s31], [sflag:$0x4], $0x80, $0x38;
	[tilespmem:$0x18600] =	vst v63  }
0x21f: {  	s15 =	simm.s32 $0x17588;
	s10 =	sadd.s32 $0x10, s7  }
0x220: {  	[hbm4b:s10+s3] =	stream.linear.scatter [tilespmem:s15], [sflag:$0x4], $0x80, $0x38;
	[tilespmem:$0x18600] =	vst v63  }
0x221: {  	s10 =	sadd.s32 $0x20, s7;
	s15 =	simm.s32 $0x17610  }
0x222: {  	[hbm4b:s10+s3] =	stream.linear.scatter [tilespmem:s15], [sflag:$0x4], $0x80, $0x38;
	[tilespmem:$0x18600] =	vst v63  }
0x223: {  	s10 =	sadd.s32 $0x30, s7;
	s15 =	simm.s32 $0x17698  }
0x224: {  	[hbm4b:s10+s3] =	stream.linear.scatter [tilespmem:s15], [sflag:$0x4], $0x80, $0x38;
	[tilespmem:$0x18600] =	vst v63  }
0x225: {  	s10 =	sadd.s32 $0x40, s7;
	s15 =	simm.s32 $0x17720  }
0x226: {  	[hbm4b:s10+s3] =	stream.linear.scatter [tilespmem:s15], [sflag:$0x4], $0x80, $0x38;
	[tilespmem:$0x18600] =	vst v63  }
0x227: {  	s10 =	sadd.s32 $0x50, s7;
	s15 =	simm.s32 $0x177A8  }
0x228: {  	[hbm4b:s10+s3] =	stream.linear.scatter [tilespmem:s15], [sflag:$0x4], $0x80, $0x38;
	[tilespmem:$0x18600] =	vst v63  }
0x229: {  	s9 =	sadd.s32 $0x60, s7;
	s10 =	simm.s32 $0x17830  }
0x22a: {  	[hbm4b:s9+s3] =	stream.linear.scatter [tilespmem:s10], [sflag:$0x4], $0x80, $0x38;
	[tilespmem:$0x18600] =	vst v63  }
0x22b: {  	s8 =	sor.u32 $0x4000, s5;
	s7 =	sadd.s32 $0x70, s7;
	s15 =	simm.s32 $0x178B8  }
0x22c: {  	[hbm4b:s7+s3] =	stream.linear.scatter [tilespmem:s15], [sflag:$0x4], $0x80, $0x38;
	[tilespmem:$0x18600] =	vst v63  }
0x22d: {  	s9 =	simm.s32 $0x17940;
	s7 =	sadd.s32 s2, s8  }
0x22e: {  	[hbm4b:s7+s3] =	stream.linear.scatter [tilespmem:s9], [sflag:$0x4], $0x80, $0x38;
	[tilespmem:$0x18600] =	vst v63  }
0x22f: {  	s15 =	simm.s32 $0x179C8;
	s10 =	sadd.s32 $0x10, s7  }
0x230: {  	[hbm4b:s10+s3] =	stream.linear.scatter [tilespmem:s15], [sflag:$0x4], $0x80, $0x38;
	[tilespmem:$0x18600] =	vst v63  }
0x231: {  	s10 =	sadd.s32 $0x20, s7;
	s15 =	simm.s32 $0x17A50  }
0x232: {  	[hbm4b:s10+s3] =	stream.linear.scatter [tilespmem:s15], [sflag:$0x4], $0x80, $0x38;
	[tilespmem:$0x18600] =	vst v63  }
0x233: {  	s10 =	sadd.s32 $0x30, s7;
	s15 =	simm.s32 $0x17AD8  }
0x234: {  	[hbm4b:s10+s3] =	stream.linear.scatter [tilespmem:s15], [sflag:$0x4], $0x80, $0x38;
	[tilespmem:$0x18600] =	vst v63  }
0x235: {  	s10 =	sadd.s32 $0x40, s7;
	s15 =	simm.s32 $0x17B60  }
0x236: {  	[hbm4b:s10+s3] =	stream.linear.scatter [tilespmem:s15], [sflag:$0x4], $0x80, $0x38;
	[tilespmem:$0x18600] =	vst v63  }
0x237: {  	s10 =	sadd.s32 $0x50, s7;
	s15 =	simm.s32 $0x17BE8  }
0x238: {  	[hbm4b:s10+s3] =	stream.linear.scatter [tilespmem:s15], [sflag:$0x4], $0x80, $0x38;
	[tilespmem:$0x18600] =	vst v63  }
0x239: {  	s9 =	sadd.s32 $0x60, s7;
	s10 =	simm.s32 $0x17C70  }
0x23a: {  	[hbm4b:s9+s3] =	stream.linear.scatter [tilespmem:s10], [sflag:$0x4], $0x80, $0x38;
	[tilespmem:$0x18600] =	vst v63  }
0x23b: {  	s8 =	sor.u32 $0x8000, s5;
	s7 =	sadd.s32 $0x70, s7;
	s15 =	simm.s32 $0x17CF8  }
0x23c: {  	[hbm4b:s7+s3] =	stream.linear.scatter [tilespmem:s15], [sflag:$0x4], $0x80, $0x38;
	[tilespmem:$0x18600] =	vst v63  }
0x23d: {  	s9 =	simm.s32 $0x17D80;
	s7 =	sadd.s32 s2, s8  }
0x23e: {  	[hbm4b:s7+s3] =	stream.linear.scatter [tilespmem:s9], [sflag:$0x4], $0x80, $0x38;
	[tilespmem:$0x18600] =	vst v63  }
0x23f: {  	s15 =	simm.s32 $0x17E08;
	s10 =	sadd.s32 $0x10, s7  }
0x240: {  	[hbm4b:s10+s3] =	stream.linear.scatter [tilespmem:s15], [sflag:$0x4], $0x80, $0x38;
	[tilespmem:$0x18600] =	vst v63  }
0x241: {  	s9 =	sadd.s32 $0x20, s7  }
0x242: {  	[hbm4b:s9+s3] =	stream.linear.scatter [tilespmem:s11], [sflag:$0x4], $0x80, $0x38;
	[tilespmem:$0x18600] =	vst v63  }
0x243: {  	s10 =	sadd.s32 $0x30, s7  }
0x244: {  	[hbm4b:s10+s3] =	stream.linear.scatter [tilespmem:s12], [sflag:$0x4], $0x80, $0x38;
	[tilespmem:$0x18600] =	vst v63  }
0x245: {  	s15 =	sadd.s32 $0x40, s7  }
0x246: {  	[hbm4b:s15+s3] =	stream.linear.scatter [tilespmem:s13], [sflag:$0x4], $0x80, $0x38;
	[tilespmem:$0x18600] =	vst v63  }
0x247: {  	s9 =	sadd.s32 $0x50, s7  }
0x248: {  	[hbm4b:s9+s3] =	stream.linear.scatter [tilespmem:s24], [sflag:$0x4], $0x80, $0x38;
	[tilespmem:$0x18600] =	vst v63  }
0x249: {  	s10 =	sadd.s32 $0x60, s7  }
0x24a: {  	[hbm4b:s10+s3] =	stream.linear.scatter [tilespmem:s25], [sflag:$0x4], $0x80, $0x38;
	[tilespmem:$0x18600] =	vst v63  }
0x24b: {  	s5 =	sor.u32 $0xC000, s5;
	s7 =	sadd.s32 $0x70, s7  }
0x24c: {  	[hbm4b:s7+s3] =	stream.linear.scatter [tilespmem:s26], [sflag:$0x4], $0x80, $0x38;
	[tilespmem:$0x18600] =	vst v63  }
0x24d: {  	s5 =	sadd.s32 s2, s5  }
0x24e: {  	[hbm4b:s5+s3] =	stream.linear.scatter [tilespmem:s28], [sflag:$0x4], $0x80, $0x38;
	[tilespmem:$0x18600] =	vst v63  }
0x24f: {  	s15 =	sadd.s32 $0x10, s5  }
0x250: {  	[hbm4b:s15+s3] =	stream.linear.scatter [tilespmem:s29], [sflag:$0x4], $0x80, $0x38;
	[tilespmem:$0x18600] =	vst v63  }
0x251: {  	s8 =	sadd.s32 $0x20, s5  }
0x252: {  	[hbm4b:s8+s3] =	stream.linear.scatter [tilespmem:s30], [sflag:$0x4], $0x80, $0x38;
	[tilespmem:$0x18600] =	vst v63  }
0x253: {  	s9 =	sadd.s32 $0x30, s5  }
0x254: {  	[hbm4b:s9+s3] =	stream.linear.scatter [tilespmem:s0], [sflag:$0x4], $0x80, $0x38;
	[tilespmem:$0x18600] =	vst v63  }
0x255: {  	s10 =	sadd.s32 $0x40, s5  }
0x256: {  	[hbm4b:s10+s3] =	stream.linear.scatter [tilespmem:s1], [sflag:$0x4], $0x80, $0x38;
	[tilespmem:$0x18600] =	vst v63  }
0x257: {  	s15 =	sadd.s32 $0x50, s5  }
0x258: {  	[hbm4b:s15+s3] =	stream.linear.scatter [tilespmem:s16], [sflag:$0x4], $0x80, $0x38;
	[tilespmem:$0x18600] =	vst v63  }
0x259: {  	s8 =	sadd.s32 $0x60, s5  }
0x25a: {  	[hbm4b:s8+s3] =	stream.linear.scatter [tilespmem:s18], [sflag:$0x4], $0x80, $0x38;
	[tilespmem:$0x18600] =	vst v63  }
0x25b: {  	p0 =	seq.s32 s4, $0x18;
	s5 =	sadd.s32 $0x70, s5  }
0x25c: {  	[hbm4b:s5+s3] =	stream.linear.scatter [tilespmem:s19], [sflag:$0x4], $0x80, $0x38;
	[tilespmem:$0x18600] =	vst v63  }
0x25d: {  	s7 =	simm.s32 @!p0 $0x200;
	s5 =	sshrl.u32 @!p0 s20, $0x2  }
0x25e: {  	s9 =	rddreg [dreg:$0x3];
	s8 =	simm.s32 @!p0 $0x6400;
	s5 =	sadd.s32 @!p0 $0x400, s5  }
0x25f: {  	[tilespmem:s8], [sflag:$0x1] =	stream.indirect.gather @!p0 [hbm4b:s9+s7], $0x20, s5, s7, $0xb8;
	[tilespmem:$0x18600] =	vst v63  }
0x260: {  	s8 =	simm.s32 @!p0 $0xA400;
	s9 =	rddreg [dreg:$0x4]  }
0x261: {  	[tilespmem:s8], [sflag:$0x1] =	stream.indirect.gather @!p0 [hbm4b:s9+s7], $0x20, s5, s7, $0xb8;
	[tilespmem:$0x18600] =	vst v63  }
0x262: {  	_ =	swait.ge [sflag:s17], $0x4000  }
0x263: {  	[sflag:s17] =	ssyncset.done $0x0  }
0x264: {  	[sflag:s17] =	ssyncadd.s32 $0xFFFFC000  }
0x265: {  	_ =	swait.ge [sflag:s17], $0x4000  }
0x266: {  	[sflag:s17] =	ssyncset.done $0x0  }
0x267: {  	[sflag:s17] =	ssyncadd.s32 $0xFFFFC000  }
0x268: {  	_ =	swait.ge [sflag:s6], $0x400  }
0x269: {  	[sflag:s6] =	ssyncset.done $0x0  }
0x26a: {  	[sflag:s6] =	ssyncadd.s32 $0xFFFFFC00  }
0x26b: {  	_ =	swait.ge [sflag:s6], $0x400  }
0x26c: {  	[sflag:s6] =	ssyncset.done $0x0  }
0x26d: {  	[sflag:s6] =	ssyncadd.s32 $0xFFFFFC00  }
0x26e: {  	_ =	swait.ge [sflag:s6], $0x400  }
0x26f: {  	[sflag:s6] =	ssyncset.done $0x0  }
0x270: {  	[sflag:s6] =	ssyncadd.s32 $0xFFFFFC00  }
0x271: {  	_ =	swait.ge [sflag:s6], $0x400  }
0x272: {  	[sflag:s6] =	ssyncset.done $0x0  }
0x273: {  	s7 =	simm.s32 $0xE440;
	[sflag:s6] =	ssyncadd.s32 $0xFFFFFC00  }
0x274: {  	s5 =	simm.s32 $0x12440;
	s9 =	simm.s32 $0x3;
	v2 =	vld [tilespmem:s7+$0x20]  }
0x275: {  	v3 =	vmov s9;
	v4 =	vld [tilespmem:s5+$0x20]  }
0x276: {  	s10 =	simm.s32 $0x0;
	v3 =	vand.u32 $0x7F, v3;
	v5 =	vld [tilespmem:s7+$0xFFFFFFC0]  }
0x277: {  	v6 =	vmov s10;
	v8 =	vadd.s32 v0, v3;
	v7 =	vld [tilespmem:s5+$0xFFFFFFC0]  }
0x278: {  	v6 =	vand.u32 $0x7C, v6;
	s15 =	simm.s32 $0x1;
	v9 =	vld [tilespmem:s7+$0xFFFFFFE0]  }
0x279: {  	v10 =	vadd.s32 v0, v6;
	v11 =	vmov s15;
	v56 =	vld [tilespmem:s5+$0xFFFFFFE0]  }
0x27a: {  	v11 =	vand.u32 $0x7D, v11;
	v4 =	vadd.f32 v4, v2  }
0x27b: {  	v58 =	vadd.s32 v0, v11;
	s9 =	simm.s32 $0x2;
	v57 =	vld [tilespmem:s7+$0x0]  }
0x27c: {  	v59 =	vld [tilespmem:s5+$0x0];
	v2 =	vmov s9;
	v5 =	vadd.f32 v7, v5;
	[tilespmem:v8+s23+$0x0] =	vst.idx.msk $0xffff, v4  }
0x27d: {  	v2 =	vand.u32 $0x7E, v2;
	v8 =	vld [tilespmem:s7+$0x30]  }
0x27e: {  	v7 =	vadd.s32 v0, v2;
	[tilespmem:v10+s23+$0x0] =	vst.idx.msk $0xffff, v5;
	v4 =	vadd.f32 v56, v9;
	v9 =	vld [tilespmem:s5+$0x30]  }
0x27f: {  	v60 =	vld [tilespmem:s7+$0xFFFFFFD0]  }
0x280: {  	v62 =	vadd.s32 v1, v3;
	v61 =	vld [tilespmem:s5+$0xFFFFFFD0];
	[tilespmem:v58+s23+$0x0] =	vst.idx.msk $0xffff, v4  }
0x281: {  	v10 =	vadd.f32 v59, v57;
	v4 =	vld [tilespmem:s7+$0xFFFFFFF0]  }
0x282: {  	v6 =	vadd.s32 v1, v6;
	s8 =	simm.s32 $0x124C0;
	v5 =	vld [tilespmem:s5+$0xFFFFFFF0]  }
0x283: {  	[tilespmem:v7+s23+$0x0] =	vst.idx.msk $0xffff, v10;
	v10 =	vld [tilespmem:s8+$0x20];
	v63 =	vadd.f32 v9, v8  }
0x284: {  	s10 =	simm.s32 $0x7;
	s15 =	simm.s32 $0xE4C0;
	v7 =	vadd.s32 v1, v11;
	v3 =	vld [tilespmem:s7+$0x10]  }
0x285: {  	s9 =	simm.s32 $0x4;
	v11 =	vmov s10;
	s10 =	simm.s32 $0x8;
	v8 =	vld [tilespmem:s15+$0x20];
	v9 =	vadd.f32 v61, v60;
	[tilespmem:v62+s23+$0x0] =	vst.idx.msk $0xffff, v63  }
.LBB2_11:
0x286: {  	p1 =	slt.u32 s10, $0x7C;
	v12 =	vld [tilespmem:s15+$0xFFFFFFC0];
	v11 =	vand.u32 $0x7F, v11  }
0x287: {  	v13 =	vmov s9;
	v14 =	vld [tilespmem:s8+$0xFFFFFFC0];
	v15 =	vadd.s32 v0, v11;
	[tilespmem:v6+s23+$0x0] =	vst.idx.msk $0xffff, v9;
	v4 =	vadd.f32 v5, v4  }
0x288: {  	s7 =	sadd.s32 $0x1, s9;
	v5 =	vand.u32 $0x7C, v13;
	v6 =	vld [tilespmem:s15+$0xFFFFFFE0]  }
0x289: {  	v13 =	vmov s7;
	v9 =	vadd.s32 v0, v5;
	v16 =	vld [tilespmem:s8+$0xFFFFFFE0];
	[tilespmem:v7+s23+$0x0] =	vst.idx.msk $0xffff, v4  }
0x28a: {  	s7 =	sadd.s32 $0x2, s9;
	s9 =	smov.u32 s10;
	v7 =	vand.u32 $0x7D, v13;
	v4 =	vld [tilespmem:s15+$0x0];
	v8 =	vadd.f32 v10, v8  }
0x28b: {  	v13 =	vmov s7;
	v10 =	vadd.s32 v0, v7;
	v17 =	vld [tilespmem:s8+$0x0]  }
0x28c: {  	v13 =	vand.u32 $0x7E, v13;
	v12 =	vadd.f32 v14, v12;
	[tilespmem:v15+s23+$0x0] =	vst.idx.msk $0xffff, v8;
	v8 =	vld [tilespmem:s5+$0x10];
	s5 =	smov.u32 s8  }
0x28d: {  	v14 =	vadd.s32 v0, v13;
	v15 =	vld [tilespmem:s15+$0x30]  }
0x28e: {  	[tilespmem:v9+s23+$0x0] =	vst.idx.msk $0xffff, v12;
	v6 =	vadd.f32 v16, v6;
	v9 =	vld [tilespmem:s8+$0x30];
	v12 =	vadd.s32 v1, v2;
	v2 =	vmov v13  }
0x28f: {  	v13 =	vld [tilespmem:s15+$0xFFFFFFD0]  }
0x290: {  	v16 =	vld [tilespmem:s8+$0xFFFFFFD0];
	[tilespmem:v10+s23+$0x0] =	vst.idx.msk $0xffff, v6;
	v10 =	vadd.f32 v17, v4;
	v17 =	vadd.s32 v1, v11  }
.Ltmp6:
0x291: {  	v4 =	vld [tilespmem:s15+$0xFFFFFFF0];
	v8 =	vadd.f32 v8, v3;
	(pc) =	sbr.rel @p1 .LBB2_11-.Ltmp6, $4  }
0x292: {  	v6 =	vadd.s32 v1, v5;
	v5 =	vld [tilespmem:s8+$0xFFFFFFF0];
	[tilespmem:v14+s23+$0x0] =	vst.idx.msk $0xffff, v10  }
0x293: {  	v3 =	vld [tilespmem:s15+$0x10];
	v14 =	vadd.f32 v9, v15;
	s15 =	sadd.s32 $0x80, s15;
	[tilespmem:v12+s23+$0x0] =	vst.idx.msk $0xffff, v8  }
0x294: {  	s7 =	sadd.s32 $0x3, s10;
	v7 =	vadd.s32 v1, v7;
	s8 =	sadd.s32 $0x80, s8;
	v8 =	vld [tilespmem:s15+$0x20]  }
0x295: {  	s10 =	sadd.s32 $0x4, s10;
	v11 =	vmov s7;
	v10 =	vld [tilespmem:s8+$0x20];
	v9 =	vadd.f32 v16, v13;
	[tilespmem:v17+s23+$0x0] =	vst.idx.msk $0xffff, v14  }
0x296: {  	v12 =	vld [tilespmem:s15+$0xFFFFFFC0]  }
0x297: {  	v14 =	vld [tilespmem:s8+$0xFFFFFFC0]  }
0x298: {  	v11 =	vand.u32 $0x7F, v11;
	v16 =	vld [tilespmem:s15+$0xFFFFFFE0]  }
0x299: {  	v13 =	vmov s9;
	s7 =	sadd.s32 $0x1, s9;
	s9 =	sadd.s32 $0x2, s9;
	v20 =	vld [tilespmem:s15+$0x0];
	v15 =	vadd.s32 v0, v11  }
0x29a: {  	v22 =	vld [tilespmem:s8+$0x0];
	v13 =	vand.u32 $0x7C, v13;
	v21 =	vmov s9  }
0x29b: {  	v19 =	vld [tilespmem:s8+$0xFFFFFFE0];
	v18 =	vmov s7;
	v17 =	vadd.s32 v0, v13;
	v47 =	vand.u32 $0x7E, v21  }
0x29c: {  	v18 =	vand.u32 $0x7D, v18;
	v48 =	vadd.s32 v0, v47;
	v8 =	vadd.f32 v10, v8  }
0x29d: {  	v10 =	vadd.s32 v0, v18  }
0x29e: {  	v12 =	vadd.f32 v14, v12;
	[tilespmem:v15+s23+$0x0] =	vst.idx.msk $0xffff, v8;
	v8 =	vld [tilespmem:s5+$0x10]  }
0x29f: {  	v52 =	vadd.f32 v22, v20;
	v49 =	vld [tilespmem:s15+$0x30]  }
0x2a0: {  	v50 =	vadd.f32 v19, v16;
	[tilespmem:v17+s23+$0x0] =	vst.idx.msk $0xffff, v12;
	v51 =	vld [tilespmem:s8+$0x30]  }
0x2a1: {  	v17 =	vld [tilespmem:s15+$0xFFFFFFD0];
	[tilespmem:v48+s23+$0x0] =	vst.idx.msk $0xffff, v52  }
0x2a2: {  	v2 =	vadd.s32 v1, v2;
	[tilespmem:v10+s23+$0x0] =	vst.idx.msk $0xffff, v50;
	v10 =	vld [tilespmem:s8+$0xFFFFFFD0]  }
0x2a3: {  	v11 =	vadd.s32 v1, v11;
	v15 =	vld [tilespmem:s15+$0x10]  }
0x2a4: {  	v4 =	vadd.f32 v5, v4;
	v5 =	vadd.s32 v1, v13;
	v53 =	vld [tilespmem:s15+$0xFFFFFFF0]  }
0x2a5: {  	[tilespmem:v6+s23+$0x0] =	vst.idx.msk $0xffff, v9;
	v54 =	vld [tilespmem:s8+$0xFFFFFFF0];
	v3 =	vadd.f32 v8, v3  }
0x2a6: {  	[tilespmem:v7+s23+$0x0] =	vst.idx.msk $0xffff, v4;
	v55 =	vld [tilespmem:s8+$0x10];
	v4 =	vadd.f32 v51, v49  }
0x2a7: {  	v6 =	vadd.s32 v1, v18;
	[tilespmem:v2+s23+$0x0] =	vst.idx.msk $0xffff, v3;
	v2 =	vadd.f32 v10, v17  }
0x2a8: {  	v7 =	vadd.s32 v1, v47;
	[tilespmem:v11+s23+$0x0] =	vst.idx.msk $0xffff, v4  }
0x2a9: {  	[tilespmem:v5+s23+$0x0] =	vst.idx.msk $0xffff, v2  }
0x2aa: {  	s21 =	sor.u32 $0x80000, s21;
	v3 =	vadd.f32 v54, v53;
	s10 =	rddreg [dreg:$0x6]  }
0x2ab: {  	v2 =	vadd.f32 v55, v15;
	s5 =	sor.u32 s10, s21  }
0x2ac: {  	[tilespmem:v6+s23+$0x0] =	vst.idx.msk $0xffff, v3;
	s5 =	sshrl.u32 s5, $0x3  }
0x2ad: {  	s8 =	simm.s32 $0x0;
	[tilespmem:v7+s23+$0x0] =	vst.idx.msk $0xffff, v2;
	s7 =	sadd.s32 s2, s5  }
0x2ae: {  	[hbm4b:s7+s8] =	stream.linear.scatter [tilespmem:s23], [sflag:$0x3], $0x80, $0x38;
	[tilespmem:$0x18600] =	vst v63  }
0x2af: {  	s10 =	simm.s32 $0x16488;
	s15 =	sadd.s32 $0x10, s7  }
0x2b0: {  	[hbm4b:s15+s8] =	stream.linear.scatter [tilespmem:s10], [sflag:$0x3], $0x80, $0x38;
	[tilespmem:$0x18600] =	vst v63  }
0x2b1: {  	s10 =	sadd.s32 $0x20, s7;
	s15 =	simm.s32 $0x16510  }
0x2b2: {  	[hbm4b:s10+s8] =	stream.linear.scatter [tilespmem:s15], [sflag:$0x3], $0x80, $0x38;
	[tilespmem:$0x18600] =	vst v63  }
0x2b3: {  	s10 =	sadd.s32 $0x30, s7;
	s15 =	simm.s32 $0x16598  }
0x2b4: {  	[hbm4b:s10+s8] =	stream.linear.scatter [tilespmem:s15], [sflag:$0x3], $0x80, $0x38;
	[tilespmem:$0x18600] =	vst v63  }
0x2b5: {  	s10 =	sadd.s32 $0x40, s7;
	s15 =	simm.s32 $0x16620  }
0x2b6: {  	[hbm4b:s10+s8] =	stream.linear.scatter [tilespmem:s15], [sflag:$0x3], $0x80, $0x38;
	[tilespmem:$0x18600] =	vst v63  }
0x2b7: {  	s10 =	sadd.s32 $0x50, s7;
	s15 =	simm.s32 $0x166A8  }
0x2b8: {  	[hbm4b:s10+s8] =	stream.linear.scatter [tilespmem:s15], [sflag:$0x3], $0x80, $0x38;
	[tilespmem:$0x18600] =	vst v63  }
0x2b9: {  	s10 =	sadd.s32 $0x60, s7;
	s15 =	simm.s32 $0x16730  }
0x2ba: {  	[hbm4b:s10+s8] =	stream.linear.scatter [tilespmem:s15], [sflag:$0x3], $0x80, $0x38;
	[tilespmem:$0x18600] =	vst v63  }
0x2bb: {  	s7 =	sadd.s32 $0x70, s7;
	s15 =	simm.s32 $0x167B8;
	s10 =	rddreg [dreg:$0x7]  }
0x2bc: {  	[hbm4b:s7+s8] =	stream.linear.scatter [tilespmem:s15], [sflag:$0x3], $0x80, $0x38;
	[tilespmem:$0x18600] =	vst v63  }
0x2bd: {  	s7 =	sadd.s32 s5, s10;
	s15 =	simm.s32 $0x16840  }
0x2be: {  	[hbm4b:s7+s8] =	stream.linear.scatter [tilespmem:s15], [sflag:$0x3], $0x80, $0x38;
	[tilespmem:$0x18600] =	vst v63  }
0x2bf: {  	s10 =	sadd.s32 $0x10, s7;
	s15 =	simm.s32 $0x168C8  }
0x2c0: {  	[hbm4b:s10+s8] =	stream.linear.scatter [tilespmem:s15], [sflag:$0x3], $0x80, $0x38;
	[tilespmem:$0x18600] =	vst v63  }
0x2c1: {  	s10 =	sadd.s32 $0x20, s7;
	s15 =	simm.s32 $0x16950  }
0x2c2: {  	[hbm4b:s10+s8] =	stream.linear.scatter [tilespmem:s15], [sflag:$0x3], $0x80, $0x38;
	[tilespmem:$0x18600] =	vst v63  }
0x2c3: {  	s10 =	sadd.s32 $0x30, s7;
	s15 =	simm.s32 $0x169D8  }
0x2c4: {  	[hbm4b:s10+s8] =	stream.linear.scatter [tilespmem:s15], [sflag:$0x3], $0x80, $0x38;
	[tilespmem:$0x18600] =	vst v63  }
0x2c5: {  	s10 =	sadd.s32 $0x40, s7;
	s15 =	simm.s32 $0x16A60  }
0x2c6: {  	[hbm4b:s10+s8] =	stream.linear.scatter [tilespmem:s15], [sflag:$0x3], $0x80, $0x38;
	[tilespmem:$0x18600] =	vst v63  }
0x2c7: {  	s10 =	sadd.s32 $0x50, s7;
	s15 =	simm.s32 $0x16AE8  }
0x2c8: {  	[hbm4b:s10+s8] =	stream.linear.scatter [tilespmem:s15], [sflag:$0x3], $0x80, $0x38;
	[tilespmem:$0x18600] =	vst v63  }
0x2c9: {  	s10 =	sadd.s32 $0x60, s7;
	s15 =	simm.s32 $0x16B70  }
0x2ca: {  	[hbm4b:s10+s8] =	stream.linear.scatter [tilespmem:s15], [sflag:$0x3], $0x80, $0x38;
	[tilespmem:$0x18600] =	vst v63  }
0x2cb: {  	s7 =	sadd.s32 $0x70, s7;
	s15 =	simm.s32 $0x16BF8;
	s10 =	rddreg [dreg:$0x8]  }
0x2cc: {  	[hbm4b:s7+s8] =	stream.linear.scatter [tilespmem:s15], [sflag:$0x3], $0x80, $0x38;
	[tilespmem:$0x18600] =	vst v63  }
0x2cd: {  	s7 =	sadd.s32 s5, s10;
	s15 =	simm.s32 $0x16C80  }
0x2ce: {  	[hbm4b:s7+s8] =	stream.linear.scatter [tilespmem:s15], [sflag:$0x3], $0x80, $0x38;
	[tilespmem:$0x18600] =	vst v63  }
0x2cf: {  	s10 =	sadd.s32 $0x10, s7;
	s15 =	simm.s32 $0x16D08  }
0x2d0: {  	[hbm4b:s10+s8] =	stream.linear.scatter [tilespmem:s15], [sflag:$0x3], $0x80, $0x38;
	[tilespmem:$0x18600] =	vst v63  }
0x2d1: {  	s10 =	sadd.s32 $0x20, s7;
	s15 =	simm.s32 $0x16D90  }
0x2d2: {  	[hbm4b:s10+s8] =	stream.linear.scatter [tilespmem:s15], [sflag:$0x3], $0x80, $0x38;
	[tilespmem:$0x18600] =	vst v63  }
0x2d3: {  	s10 =	sadd.s32 $0x30, s7;
	s15 =	simm.s32 $0x16E18  }
0x2d4: {  	[hbm4b:s10+s8] =	stream.linear.scatter [tilespmem:s15], [sflag:$0x3], $0x80, $0x38;
	[tilespmem:$0x18600] =	vst v63  }
0x2d5: {  	s10 =	sadd.s32 $0x40, s7;
	s15 =	simm.s32 $0x16EA0  }
0x2d6: {  	[hbm4b:s10+s8] =	stream.linear.scatter [tilespmem:s15], [sflag:$0x3], $0x80, $0x38;
	[tilespmem:$0x18600] =	vst v63  }
0x2d7: {  	s10 =	sadd.s32 $0x50, s7;
	s15 =	simm.s32 $0x16F28  }
0x2d8: {  	[hbm4b:s10+s8] =	stream.linear.scatter [tilespmem:s15], [sflag:$0x3], $0x80, $0x38;
	[tilespmem:$0x18600] =	vst v63  }
0x2d9: {  	s10 =	sadd.s32 $0x60, s7;
	s15 =	simm.s32 $0x16FB0  }
0x2da: {  	[hbm4b:s10+s8] =	stream.linear.scatter [tilespmem:s15], [sflag:$0x3], $0x80, $0x38;
	[tilespmem:$0x18600] =	vst v63  }
0x2db: {  	s7 =	sadd.s32 $0x70, s7;
	s10 =	simm.s32 $0x17038;
	s15 =	rddreg [dreg:$0x9]  }
0x2dc: {  	[hbm4b:s7+s8] =	stream.linear.scatter [tilespmem:s10], [sflag:$0x3], $0x80, $0x38;
	[tilespmem:$0x18600] =	vst v63  }
0x2dd: {  	s9 =	simm.s32 $0x170C0;
	s5 =	sadd.s32 s5, s15  }
0x2de: {  	[hbm4b:s5+s8] =	stream.linear.scatter [tilespmem:s9], [sflag:$0x3], $0x80, $0x38;
	[tilespmem:$0x18600] =	vst v63  }
0x2df: {  	s15 =	simm.s32 $0x17148;
	s10 =	sadd.s32 $0x10, s5  }
0x2e0: {  	[hbm4b:s10+s8] =	stream.linear.scatter [tilespmem:s15], [sflag:$0x3], $0x80, $0x38;
	[tilespmem:$0x18600] =	vst v63  }
0x2e1: {  	s10 =	sadd.s32 $0x20, s5;
	s15 =	simm.s32 $0x171D0  }
0x2e2: {  	[hbm4b:s10+s8] =	stream.linear.scatter [tilespmem:s15], [sflag:$0x3], $0x80, $0x38;
	[tilespmem:$0x18600] =	vst v63  }
0x2e3: {  	s10 =	sadd.s32 $0x30, s5;
	s15 =	simm.s32 $0x17258  }
0x2e4: {  	[hbm4b:s10+s8] =	stream.linear.scatter [tilespmem:s15], [sflag:$0x3], $0x80, $0x38;
	[tilespmem:$0x18600] =	vst v63  }
0x2e5: {  	s10 =	sadd.s32 $0x40, s5;
	s15 =	simm.s32 $0x172E0  }
0x2e6: {  	[hbm4b:s10+s8] =	stream.linear.scatter [tilespmem:s15], [sflag:$0x3], $0x80, $0x38;
	[tilespmem:$0x18600] =	vst v63  }
0x2e7: {  	s10 =	sadd.s32 $0x50, s5;
	s15 =	simm.s32 $0x17368  }
0x2e8: {  	[hbm4b:s10+s8] =	stream.linear.scatter [tilespmem:s15], [sflag:$0x3], $0x80, $0x38;
	[tilespmem:$0x18600] =	vst v63  }
0x2e9: {  	s10 =	sadd.s32 $0x60, s5;
	s15 =	simm.s32 $0x173F0  }
0x2ea: {  	[hbm4b:s10+s8] =	stream.linear.scatter [tilespmem:s15], [sflag:$0x3], $0x80, $0x38;
	[tilespmem:$0x18600] =	vst v63  }
0x2eb: {  	s9 =	simm.s32 $0x17478;
	s5 =	sadd.s32 $0x70, s5  }
0x2ec: {  	[hbm4b:s5+s8] =	stream.linear.scatter [tilespmem:s9], [sflag:$0x3], $0x80, $0x38;
	[tilespmem:$0x18600] =	vst v63  }
0x2ed: {  	_ =	swait.ge [sflag:s14], $0x400  }
0x2ee: {  	[sflag:s14] =	ssyncset.done $0x0  }
0x2ef: {  	[sflag:s14] =	ssyncadd.s32 $0xFFFFFC00  }
0x2f0: {  	_ =	swait.ge [sflag:s14], $0x400  }
0x2f1: {  	[sflag:s14] =	ssyncset.done $0x0  }
0x2f2: {  	[sflag:s14] =	ssyncadd.s32 $0xFFFFFC00  }
0x2f3: {  	_ =	swait.ge [sflag:s14], $0x400  }
0x2f4: {  	[sflag:s14] =	ssyncset.done $0x0  }
0x2f5: {  	[sflag:s14] =	ssyncadd.s32 $0xFFFFFC00  }
0x2f6: {  	_ =	swait.ge [sflag:s14], $0x400  }
0x2f7: {  	[sflag:s14] =	ssyncset.done $0x0  }
0x2f8: {  	s7 =	simm.s32 $0xF470;
	[sflag:s14] =	ssyncadd.s32 $0xFFFFFC00  }
0x2f9: {  	s10 =	simm.s32 $0x3;
	s5 =	simm.s32 $0x13470;
	v2 =	vld [tilespmem:s7+$0xFFFFFFF0]  }
0x2fa: {  	v3 =	vmov s10;
	v4 =	vld [tilespmem:s5+$0xFFFFFFF0]  }
0x2fb: {  	v3 =	vand.u32 $0x7F, v3;
	v5 =	vld [tilespmem:s7+$0xFFFFFF90]  }
0x2fc: {  	v6 =	vmov s8;
	v8 =	vadd.s32 v0, v3;
	v7 =	vld [tilespmem:s5+$0xFFFFFF90]  }
0x2fd: {  	v6 =	vand.u32 $0x7C, v6;
	s15 =	simm.s32 $0x1;
	v9 =	vld [tilespmem:s7+$0xFFFFFFB0]  }
0x2fe: {  	v10 =	vadd.s32 v0, v6;
	v11 =	vmov s15;
	v56 =	vld [tilespmem:s5+$0xFFFFFFB0]  }
0x2ff: {  	v11 =	vand.u32 $0x7D, v11;
	v4 =	vadd.f32 v4, v2  }
0x300: {  	s9 =	simm.s32 $0x2;
	v58 =	vadd.s32 v0, v11;
	v57 =	vld [tilespmem:s7+$0xFFFFFFD0]  }
0x301: {  	v59 =	vld [tilespmem:s5+$0xFFFFFFD0];
	v2 =	vmov s9;
	v5 =	vadd.f32 v7, v5;
	[tilespmem:v8+s31+$0x0] =	vst.idx.msk $0xffff, v4  }
0x302: {  	v2 =	vand.u32 $0x7E, v2;
	v8 =	vld [tilespmem:s7+$0x0]  }
0x303: {  	v7 =	vadd.s32 v0, v2;
	[tilespmem:v10+s31+$0x0] =	vst.idx.msk $0xffff, v5;
	v4 =	vadd.f32 v56, v9;
	v9 =	vld [tilespmem:s5+$0x0]  }
0x304: {  	v60 =	vld [tilespmem:s7+$0xFFFFFFA0]  }
0x305: {  	v62 =	vadd.s32 v1, v3;
	v61 =	vld [tilespmem:s5+$0xFFFFFFA0];
	[tilespmem:v58+s31+$0x0] =	vst.idx.msk $0xffff, v4  }
0x306: {  	v10 =	vadd.f32 v59, v57;
	v4 =	vld [tilespmem:s7+$0xFFFFFFC0]  }
0x307: {  	v6 =	vadd.s32 v1, v6;
	s8 =	simm.s32 $0x134F0;
	v5 =	vld [tilespmem:s5+$0xFFFFFFC0]  }
0x308: {  	[tilespmem:v7+s31+$0x0] =	vst.idx.msk $0xffff, v10;
	v10 =	vld [tilespmem:s8+$0xFFFFFFF0];
	v63 =	vadd.f32 v9, v8  }
0x309: {  	s15 =	simm.s32 $0xF4F0;
	s10 =	simm.s32 $0x7;
	v7 =	vadd.s32 v1, v11;
	v3 =	vld [tilespmem:s7+$0xFFFFFFE0]  }
0x30a: {  	s9 =	simm.s32 $0x4;
	v11 =	vmov s10;
	s10 =	simm.s32 $0x8;
	v8 =	vld [tilespmem:s15+$0xFFFFFFF0];
	v9 =	vadd.f32 v61, v60;
	[tilespmem:v62+s31+$0x0] =	vst.idx.msk $0xffff, v63  }
.LBB2_13:
0x30b: {  	p1 =	slt.u32 s10, $0x7C;
	v12 =	vld [tilespmem:s15+$0xFFFFFF90];
	v11 =	vand.u32 $0x7F, v11  }
0x30c: {  	v13 =	vmov s9;
	v14 =	vld [tilespmem:s8+$0xFFFFFF90];
	v15 =	vadd.s32 v0, v11;
	[tilespmem:v6+s31+$0x0] =	vst.idx.msk $0xffff, v9;
	v4 =	vadd.f32 v5, v4  }
0x30d: {  	s7 =	sadd.s32 $0x1, s9;
	v5 =	vand.u32 $0x7C, v13;
	v6 =	vld [tilespmem:s15+$0xFFFFFFB0]  }
0x30e: {  	v13 =	vmov s7;
	v9 =	vadd.s32 v0, v5;
	v16 =	vld [tilespmem:s8+$0xFFFFFFB0];
	[tilespmem:v7+s31+$0x0] =	vst.idx.msk $0xffff, v4  }
0x30f: {  	s7 =	sadd.s32 $0x2, s9;
	s9 =	smov.u32 s10;
	v7 =	vand.u32 $0x7D, v13;
	v4 =	vld [tilespmem:s15+$0xFFFFFFD0];
	v8 =	vadd.f32 v10, v8  }
0x310: {  	v13 =	vmov s7;
	v10 =	vadd.s32 v0, v7;
	v17 =	vld [tilespmem:s8+$0xFFFFFFD0]  }
0x311: {  	v13 =	vand.u32 $0x7E, v13;
	v12 =	vadd.f32 v14, v12;
	[tilespmem:v15+s31+$0x0] =	vst.idx.msk $0xffff, v8;
	v8 =	vld [tilespmem:s5+$0xFFFFFFE0];
	s5 =	smov.u32 s8  }
0x312: {  	v14 =	vadd.s32 v0, v13;
	v15 =	vld [tilespmem:s15+$0x0]  }
0x313: {  	[tilespmem:v9+s31+$0x0] =	vst.idx.msk $0xffff, v12;
	v6 =	vadd.f32 v16, v6;
	v9 =	vld [tilespmem:s8+$0x0];
	v12 =	vadd.s32 v1, v2;
	v2 =	vmov v13  }
0x314: {  	v13 =	vld [tilespmem:s15+$0xFFFFFFA0]  }
0x315: {  	v16 =	vld [tilespmem:s8+$0xFFFFFFA0];
	[tilespmem:v10+s31+$0x0] =	vst.idx.msk $0xffff, v6;
	v10 =	vadd.f32 v17, v4;
	v17 =	vadd.s32 v1, v11  }
.Ltmp7:
0x316: {  	v4 =	vld [tilespmem:s15+$0xFFFFFFC0];
	v8 =	vadd.f32 v8, v3;
	(pc) =	sbr.rel @p1 .LBB2_13-.Ltmp7, $4  }
0x317: {  	v6 =	vadd.s32 v1, v5;
	v5 =	vld [tilespmem:s8+$0xFFFFFFC0];
	[tilespmem:v14+s31+$0x0] =	vst.idx.msk $0xffff, v10  }
0x318: {  	v3 =	vld [tilespmem:s15+$0xFFFFFFE0];
	v14 =	vadd.f32 v9, v15;
	s15 =	sadd.s32 $0x80, s15;
	[tilespmem:v12+s31+$0x0] =	vst.idx.msk $0xffff, v8  }
0x319: {  	s7 =	sadd.s32 $0x3, s10;
	v7 =	vadd.s32 v1, v7;
	s8 =	sadd.s32 $0x80, s8;
	v8 =	vld [tilespmem:s15+$0xFFFFFFF0]  }
0x31a: {  	s10 =	sadd.s32 $0x4, s10;
	v11 =	vmov s7;
	v10 =	vld [tilespmem:s8+$0xFFFFFFF0];
	v9 =	vadd.f32 v16, v13;
	[tilespmem:v17+s31+$0x0] =	vst.idx.msk $0xffff, v14  }
0x31b: {  	v12 =	vld [tilespmem:s15+$0xFFFFFF90]  }
0x31c: {  	v14 =	vld [tilespmem:s8+$0xFFFFFF90]  }
0x31d: {  	v11 =	vand.u32 $0x7F, v11;
	v16 =	vld [tilespmem:s15+$0xFFFFFFB0]  }
0x31e: {  	v13 =	vmov s9;
	s7 =	sadd.s32 $0x1, s9;
	s9 =	sadd.s32 $0x2, s9;
	v20 =	vld [tilespmem:s15+$0xFFFFFFD0];
	v15 =	vadd.s32 v0, v11  }
0x31f: {  	v22 =	vld [tilespmem:s8+$0xFFFFFFD0];
	v13 =	vand.u32 $0x7C, v13;
	v21 =	vmov s9  }
0x320: {  	v19 =	vld [tilespmem:s8+$0xFFFFFFB0];
	v18 =	vmov s7;
	v17 =	vadd.s32 v0, v13;
	v47 =	vand.u32 $0x7E, v21  }
0x321: {  	v18 =	vand.u32 $0x7D, v18;
	v48 =	vadd.s32 v0, v47;
	v8 =	vadd.f32 v10, v8  }
0x322: {  	v10 =	vadd.s32 v0, v18  }
0x323: {  	v12 =	vadd.f32 v14, v12;
	[tilespmem:v15+s31+$0x0] =	vst.idx.msk $0xffff, v8;
	v8 =	vld [tilespmem:s5+$0xFFFFFFE0]  }
0x324: {  	v52 =	vadd.f32 v22, v20;
	v49 =	vld [tilespmem:s15+$0x0]  }
0x325: {  	v50 =	vadd.f32 v19, v16;
	[tilespmem:v17+s31+$0x0] =	vst.idx.msk $0xffff, v12;
	v51 =	vld [tilespmem:s8+$0x0]  }
0x326: {  	v17 =	vld [tilespmem:s15+$0xFFFFFFA0];
	[tilespmem:v48+s31+$0x0] =	vst.idx.msk $0xffff, v52  }
0x327: {  	v2 =	vadd.s32 v1, v2;
	[tilespmem:v10+s31+$0x0] =	vst.idx.msk $0xffff, v50;
	v10 =	vld [tilespmem:s8+$0xFFFFFFA0]  }
0x328: {  	v11 =	vadd.s32 v1, v11;
	v15 =	vld [tilespmem:s15+$0xFFFFFFE0]  }
0x329: {  	v4 =	vadd.f32 v5, v4;
	v5 =	vadd.s32 v1, v13;
	v53 =	vld [tilespmem:s15+$0xFFFFFFC0]  }
0x32a: {  	[tilespmem:v6+s31+$0x0] =	vst.idx.msk $0xffff, v9;
	v54 =	vld [tilespmem:s8+$0xFFFFFFC0];
	v3 =	vadd.f32 v8, v3  }
0x32b: {  	[tilespmem:v7+s31+$0x0] =	vst.idx.msk $0xffff, v4;
	v55 =	vld [tilespmem:s8+$0xFFFFFFE0];
	v4 =	vadd.f32 v51, v49  }
0x32c: {  	v6 =	vadd.s32 v1, v18;
	[tilespmem:v2+s31+$0x0] =	vst.idx.msk $0xffff, v3;
	v2 =	vadd.f32 v10, v17  }
0x32d: {  	v7 =	vadd.s32 v1, v47;
	[tilespmem:v11+s31+$0x0] =	vst.idx.msk $0xffff, v4  }
0x32e: {  	[tilespmem:v5+s31+$0x0] =	vst.idx.msk $0xffff, v2  }
0x32f: {  	v3 =	vadd.f32 v54, v53;
	s10 =	rddreg [dreg:$0xa]  }
0x330: {  	v2 =	vadd.f32 v55, v15;
	s5 =	sor.u32 s10, s21  }
0x331: {  	[tilespmem:v6+s31+$0x0] =	vst.idx.msk $0xffff, v3;
	s5 =	sshrl.u32 s5, $0x3  }
0x332: {  	s8 =	simm.s32 $0x0;
	[tilespmem:v7+s31+$0x0] =	vst.idx.msk $0xffff, v2;
	s7 =	sadd.s32 s2, s5  }
0x333: {  	[hbm4b:s7+s8] =	stream.linear.scatter [tilespmem:s31], [sflag:$0x4], $0x80, $0x38;
	[tilespmem:$0x18600] =	vst v63  }
0x334: {  	s10 =	simm.s32 $0x17588;
	s15 =	sadd.s32 $0x10, s7  }
0x335: {  	[hbm4b:s15+s8] =	stream.linear.scatter [tilespmem:s10], [sflag:$0x4], $0x80, $0x38;
	[tilespmem:$0x18600] =	vst v63  }
0x336: {  	s10 =	sadd.s32 $0x20, s7;
	s15 =	simm.s32 $0x17610  }
0x337: {  	[hbm4b:s10+s8] =	stream.linear.scatter [tilespmem:s15], [sflag:$0x4], $0x80, $0x38;
	[tilespmem:$0x18600] =	vst v63  }
0x338: {  	s10 =	sadd.s32 $0x30, s7;
	s15 =	simm.s32 $0x17698  }
0x339: {  	[hbm4b:s10+s8] =	stream.linear.scatter [tilespmem:s15], [sflag:$0x4], $0x80, $0x38;
	[tilespmem:$0x18600] =	vst v63  }
0x33a: {  	s10 =	sadd.s32 $0x40, s7;
	s15 =	simm.s32 $0x17720  }
0x33b: {  	[hbm4b:s10+s8] =	stream.linear.scatter [tilespmem:s15], [sflag:$0x4], $0x80, $0x38;
	[tilespmem:$0x18600] =	vst v63  }
0x33c: {  	s10 =	sadd.s32 $0x50, s7;
	s15 =	simm.s32 $0x177A8  }
0x33d: {  	[hbm4b:s10+s8] =	stream.linear.scatter [tilespmem:s15], [sflag:$0x4], $0x80, $0x38;
	[tilespmem:$0x18600] =	vst v63  }
0x33e: {  	s10 =	sadd.s32 $0x60, s7;
	s15 =	simm.s32 $0x17830  }
0x33f: {  	[hbm4b:s10+s8] =	stream.linear.scatter [tilespmem:s15], [sflag:$0x4], $0x80, $0x38;
	[tilespmem:$0x18600] =	vst v63  }
0x340: {  	s7 =	sadd.s32 $0x70, s7;
	s15 =	simm.s32 $0x178B8;
	s10 =	sor.u32 $0x4000, s5  }
0x341: {  	[hbm4b:s7+s8] =	stream.linear.scatter [tilespmem:s15], [sflag:$0x4], $0x80, $0x38;
	[tilespmem:$0x18600] =	vst v63  }
0x342: {  	s7 =	sadd.s32 s2, s10;
	s15 =	simm.s32 $0x17940  }
0x343: {  	[hbm4b:s7+s8] =	stream.linear.scatter [tilespmem:s15], [sflag:$0x4], $0x80, $0x38;
	[tilespmem:$0x18600] =	vst v63  }
0x344: {  	s10 =	sadd.s32 $0x10, s7;
	s15 =	simm.s32 $0x179C8  }
0x345: {  	[hbm4b:s10+s8] =	stream.linear.scatter [tilespmem:s15], [sflag:$0x4], $0x80, $0x38;
	[tilespmem:$0x18600] =	vst v63  }
0x346: {  	s10 =	sadd.s32 $0x20, s7;
	s15 =	simm.s32 $0x17A50  }
0x347: {  	[hbm4b:s10+s8] =	stream.linear.scatter [tilespmem:s15], [sflag:$0x4], $0x80, $0x38;
	[tilespmem:$0x18600] =	vst v63  }
0x348: {  	s10 =	sadd.s32 $0x30, s7;
	s15 =	simm.s32 $0x17AD8  }
0x349: {  	[hbm4b:s10+s8] =	stream.linear.scatter [tilespmem:s15], [sflag:$0x4], $0x80, $0x38;
	[tilespmem:$0x18600] =	vst v63  }
0x34a: {  	s10 =	sadd.s32 $0x40, s7;
	s15 =	simm.s32 $0x17B60  }
0x34b: {  	[hbm4b:s10+s8] =	stream.linear.scatter [tilespmem:s15], [sflag:$0x4], $0x80, $0x38;
	[tilespmem:$0x18600] =	vst v63  }
0x34c: {  	s10 =	sadd.s32 $0x50, s7;
	s15 =	simm.s32 $0x17BE8  }
0x34d: {  	[hbm4b:s10+s8] =	stream.linear.scatter [tilespmem:s15], [sflag:$0x4], $0x80, $0x38;
	[tilespmem:$0x18600] =	vst v63  }
0x34e: {  	s10 =	sadd.s32 $0x60, s7;
	s15 =	simm.s32 $0x17C70  }
0x34f: {  	[hbm4b:s10+s8] =	stream.linear.scatter [tilespmem:s15], [sflag:$0x4], $0x80, $0x38;
	[tilespmem:$0x18600] =	vst v63  }
0x350: {  	s7 =	sadd.s32 $0x70, s7;
	s15 =	simm.s32 $0x17CF8;
	s10 =	sor.u32 $0x8000, s5  }
0x351: {  	[hbm4b:s7+s8] =	stream.linear.scatter [tilespmem:s15], [sflag:$0x4], $0x80, $0x38;
	[tilespmem:$0x18600] =	vst v63  }
0x352: {  	s7 =	sadd.s32 s2, s10;
	s15 =	simm.s32 $0x17D80  }
0x353: {  	[hbm4b:s7+s8] =	stream.linear.scatter [tilespmem:s15], [sflag:$0x4], $0x80, $0x38;
	[tilespmem:$0x18600] =	vst v63  }
0x354: {  	s10 =	sadd.s32 $0x10, s7;
	s15 =	simm.s32 $0x17E08  }
0x355: {  	[hbm4b:s10+s8] =	stream.linear.scatter [tilespmem:s15], [sflag:$0x4], $0x80, $0x38;
	[tilespmem:$0x18600] =	vst v63  }
0x356: {  	s15 =	sadd.s32 $0x20, s7  }
0x357: {  	[hbm4b:s15+s8] =	stream.linear.scatter [tilespmem:s11], [sflag:$0x4], $0x80, $0x38;
	[tilespmem:$0x18600] =	vst v63  }
0x358: {  	s10 =	sadd.s32 $0x30, s7  }
0x359: {  	[hbm4b:s10+s8] =	stream.linear.scatter [tilespmem:s12], [sflag:$0x4], $0x80, $0x38;
	[tilespmem:$0x18600] =	vst v63  }
0x35a: {  	s15 =	sadd.s32 $0x40, s7  }
0x35b: {  	[hbm4b:s15+s8] =	stream.linear.scatter [tilespmem:s13], [sflag:$0x4], $0x80, $0x38;
	[tilespmem:$0x18600] =	vst v63  }
0x35c: {  	s10 =	sadd.s32 $0x50, s7  }
0x35d: {  	[hbm4b:s10+s8] =	stream.linear.scatter [tilespmem:s24], [sflag:$0x4], $0x80, $0x38;
	[tilespmem:$0x18600] =	vst v63  }
0x35e: {  	s15 =	sadd.s32 $0x60, s7  }
0x35f: {  	[hbm4b:s15+s8] =	stream.linear.scatter [tilespmem:s25], [sflag:$0x4], $0x80, $0x38;
	[tilespmem:$0x18600] =	vst v63  }
0x360: {  	s5 =	sor.u32 $0xC000, s5;
	s7 =	sadd.s32 $0x70, s7  }
0x361: {  	[hbm4b:s7+s8] =	stream.linear.scatter [tilespmem:s26], [sflag:$0x4], $0x80, $0x38;
	[tilespmem:$0x18600] =	vst v63  }
0x362: {  	s5 =	sadd.s32 s2, s5  }
0x363: {  	[hbm4b:s5+s8] =	stream.linear.scatter [tilespmem:s28], [sflag:$0x4], $0x80, $0x38;
	[tilespmem:$0x18600] =	vst v63  }
0x364: {  	s10 =	sadd.s32 $0x10, s5  }
0x365: {  	[hbm4b:s10+s8] =	stream.linear.scatter [tilespmem:s29], [sflag:$0x4], $0x80, $0x38;
	[tilespmem:$0x18600] =	vst v63  }
0x366: {  	s15 =	sadd.s32 $0x20, s5  }
0x367: {  	[hbm4b:s15+s8] =	stream.linear.scatter [tilespmem:s30], [sflag:$0x4], $0x80, $0x38;
	[tilespmem:$0x18600] =	vst v63  }
0x368: {  	s9 =	sadd.s32 $0x30, s5  }
0x369: {  	[hbm4b:s9+s8] =	stream.linear.scatter [tilespmem:s0], [sflag:$0x4], $0x80, $0x38;
	[tilespmem:$0x18600] =	vst v63  }
0x36a: {  	s10 =	sadd.s32 $0x40, s5  }
0x36b: {  	[hbm4b:s10+s8] =	stream.linear.scatter [tilespmem:s1], [sflag:$0x4], $0x80, $0x38;
	[tilespmem:$0x18600] =	vst v63  }
0x36c: {  	s15 =	sadd.s32 $0x50, s5  }
0x36d: {  	[hbm4b:s15+s8] =	stream.linear.scatter [tilespmem:s16], [sflag:$0x4], $0x80, $0x38;
	[tilespmem:$0x18600] =	vst v63  }
0x36e: {  	s9 =	sadd.s32 $0x60, s5  }
0x36f: {  	[hbm4b:s9+s8] =	stream.linear.scatter [tilespmem:s18], [sflag:$0x4], $0x80, $0x38;
	[tilespmem:$0x18600] =	vst v63  }
0x370: {  	s5 =	sadd.s32 $0x70, s5  }
0x371: {  	[hbm4b:s5+s8] =	stream.linear.scatter [tilespmem:s19], [sflag:$0x4], $0x80, $0x38;
	[tilespmem:$0x18600] =	vst v63  }
0x372: {  	_ =	swait.ge [sflag:s6], $0x400  }
0x373: {  	[sflag:s6] =	ssyncset.done $0x0  }
0x374: {  	[sflag:s6] =	ssyncadd.s32 $0xFFFFFC00  }
0x375: {  	_ =	swait.ge [sflag:s6], $0x400  }
0x376: {  	[sflag:s6] =	ssyncset.done $0x0  }
0x377: {  	[sflag:s6] =	ssyncadd.s32 $0xFFFFFC00  }
0x378: {  	_ =	swait.ge [sflag:s6], $0x400  }
0x379: {  	[sflag:s6] =	ssyncset.done $0x0  }
0x37a: {  	[sflag:s6] =	ssyncadd.s32 $0xFFFFFC00  }
0x37b: {  	_ =	swait.ge [sflag:s6], $0x400  }
0x37c: {  	[sflag:s6] =	ssyncset.done $0x0  }
0x37d: {  	s7 =	simm.s32 $0x10470;
	[sflag:s6] =	ssyncadd.s32 $0xFFFFFC00  }
0x37e: {  	s10 =	simm.s32 $0x3;
	s5 =	simm.s32 $0x14470;
	v2 =	vld [tilespmem:s7+$0xFFFFFFF0]  }
0x37f: {  	v3 =	vmov s10;
	v4 =	vld [tilespmem:s5+$0xFFFFFFF0]  }
0x380: {  	v3 =	vand.u32 $0x7F, v3;
	v5 =	vld [tilespmem:s7+$0xFFFFFF90]  }
0x381: {  	v6 =	vmov s8;
	v8 =	vadd.s32 v0, v3;
	v7 =	vld [tilespmem:s5+$0xFFFFFF90]  }
0x382: {  	v6 =	vand.u32 $0x7C, v6;
	s15 =	simm.s32 $0x1;
	v9 =	vld [tilespmem:s7+$0xFFFFFFB0]  }
0x383: {  	v10 =	vadd.s32 v0, v6;
	v11 =	vmov s15;
	v56 =	vld [tilespmem:s5+$0xFFFFFFB0]  }
0x384: {  	v11 =	vand.u32 $0x7D, v11;
	v4 =	vadd.f32 v4, v2  }
0x385: {  	s9 =	simm.s32 $0x2;
	v58 =	vadd.s32 v0, v11;
	v57 =	vld [tilespmem:s7+$0xFFFFFFD0]  }
0x386: {  	v59 =	vld [tilespmem:s5+$0xFFFFFFD0];
	v2 =	vmov s9;
	v5 =	vadd.f32 v7, v5;
	[tilespmem:v8+s23+$0x0] =	vst.idx.msk $0xffff, v4  }
0x387: {  	v2 =	vand.u32 $0x7E, v2;
	v8 =	vld [tilespmem:s7+$0x0]  }
0x388: {  	v7 =	vadd.s32 v0, v2;
	[tilespmem:v10+s23+$0x0] =	vst.idx.msk $0xffff, v5;
	v4 =	vadd.f32 v56, v9;
	v9 =	vld [tilespmem:s5+$0x0]  }
0x389: {  	v60 =	vld [tilespmem:s7+$0xFFFFFFA0]  }
0x38a: {  	v62 =	vadd.s32 v1, v3;
	v61 =	vld [tilespmem:s5+$0xFFFFFFA0];
	[tilespmem:v58+s23+$0x0] =	vst.idx.msk $0xffff, v4  }
0x38b: {  	v10 =	vadd.f32 v59, v57;
	v4 =	vld [tilespmem:s7+$0xFFFFFFC0]  }
0x38c: {  	v6 =	vadd.s32 v1, v6;
	s8 =	simm.s32 $0x144F0;
	v5 =	vld [tilespmem:s5+$0xFFFFFFC0]  }
0x38d: {  	[tilespmem:v7+s23+$0x0] =	vst.idx.msk $0xffff, v10;
	v10 =	vld [tilespmem:s8+$0xFFFFFFF0];
	v63 =	vadd.f32 v9, v8  }
0x38e: {  	s10 =	simm.s32 $0x7;
	s15 =	simm.s32 $0x104F0;
	v7 =	vadd.s32 v1, v11;
	v3 =	vld [tilespmem:s7+$0xFFFFFFE0]  }
0x38f: {  	s9 =	simm.s32 $0x4;
	v11 =	vmov s10;
	s10 =	simm.s32 $0x8;
	v8 =	vld [tilespmem:s15+$0xFFFFFFF0];
	v9 =	vadd.f32 v61, v60;
	[tilespmem:v62+s23+$0x0] =	vst.idx.msk $0xffff, v63  }
.LBB2_15:
0x390: {  	p1 =	slt.u32 s10, $0x7C;
	v12 =	vld [tilespmem:s15+$0xFFFFFF90];
	v11 =	vand.u32 $0x7F, v11  }
0x391: {  	v13 =	vmov s9;
	v14 =	vld [tilespmem:s8+$0xFFFFFF90];
	v15 =	vadd.s32 v0, v11;
	[tilespmem:v6+s23+$0x0] =	vst.idx.msk $0xffff, v9;
	v4 =	vadd.f32 v5, v4  }
0x392: {  	s7 =	sadd.s32 $0x1, s9;
	v5 =	vand.u32 $0x7C, v13;
	v6 =	vld [tilespmem:s15+$0xFFFFFFB0]  }
0x393: {  	v13 =	vmov s7;
	v9 =	vadd.s32 v0, v5;
	v16 =	vld [tilespmem:s8+$0xFFFFFFB0];
	[tilespmem:v7+s23+$0x0] =	vst.idx.msk $0xffff, v4  }
0x394: {  	s7 =	sadd.s32 $0x2, s9;
	s9 =	smov.u32 s10;
	v7 =	vand.u32 $0x7D, v13;
	v4 =	vld [tilespmem:s15+$0xFFFFFFD0];
	v8 =	vadd.f32 v10, v8  }
0x395: {  	v13 =	vmov s7;
	v10 =	vadd.s32 v0, v7;
	v17 =	vld [tilespmem:s8+$0xFFFFFFD0]  }
0x396: {  	v13 =	vand.u32 $0x7E, v13;
	v12 =	vadd.f32 v14, v12;
	[tilespmem:v15+s23+$0x0] =	vst.idx.msk $0xffff, v8;
	v8 =	vld [tilespmem:s5+$0xFFFFFFE0];
	s5 =	smov.u32 s8  }
0x397: {  	v14 =	vadd.s32 v0, v13;
	v15 =	vld [tilespmem:s15+$0x0]  }
0x398: {  	[tilespmem:v9+s23+$0x0] =	vst.idx.msk $0xffff, v12;
	v6 =	vadd.f32 v16, v6;
	v9 =	vld [tilespmem:s8+$0x0];
	v12 =	vadd.s32 v1, v2;
	v2 =	vmov v13  }
0x399: {  	v13 =	vld [tilespmem:s15+$0xFFFFFFA0]  }
0x39a: {  	v16 =	vld [tilespmem:s8+$0xFFFFFFA0];
	[tilespmem:v10+s23+$0x0] =	vst.idx.msk $0xffff, v6;
	v10 =	vadd.f32 v17, v4;
	v17 =	vadd.s32 v1, v11  }
.Ltmp8:
0x39b: {  	v4 =	vld [tilespmem:s15+$0xFFFFFFC0];
	v8 =	vadd.f32 v8, v3;
	(pc) =	sbr.rel @p1 .LBB2_15-.Ltmp8, $4  }
0x39c: {  	v6 =	vadd.s32 v1, v5;
	v5 =	vld [tilespmem:s8+$0xFFFFFFC0];
	[tilespmem:v14+s23+$0x0] =	vst.idx.msk $0xffff, v10  }
0x39d: {  	v3 =	vld [tilespmem:s15+$0xFFFFFFE0];
	v14 =	vadd.f32 v9, v15;
	s15 =	sadd.s32 $0x80, s15;
	[tilespmem:v12+s23+$0x0] =	vst.idx.msk $0xffff, v8  }
0x39e: {  	s7 =	sadd.s32 $0x3, s10;
	v7 =	vadd.s32 v1, v7;
	s8 =	sadd.s32 $0x80, s8;
	v8 =	vld [tilespmem:s15+$0xFFFFFFF0]  }
0x39f: {  	s10 =	sadd.s32 $0x4, s10;
	v11 =	vmov s7;
	v10 =	vld [tilespmem:s8+$0xFFFFFFF0];
	v9 =	vadd.f32 v16, v13;
	[tilespmem:v17+s23+$0x0] =	vst.idx.msk $0xffff, v14  }
0x3a0: {  	v12 =	vld [tilespmem:s15+$0xFFFFFF90]  }
0x3a1: {  	v14 =	vld [tilespmem:s8+$0xFFFFFF90]  }
0x3a2: {  	v11 =	vand.u32 $0x7F, v11;
	v16 =	vld [tilespmem:s15+$0xFFFFFFB0]  }
0x3a3: {  	v13 =	vmov s9;
	s7 =	sadd.s32 $0x1, s9;
	s9 =	sadd.s32 $0x2, s9;
	v20 =	vld [tilespmem:s15+$0xFFFFFFD0];
	v15 =	vadd.s32 v0, v11  }
0x3a4: {  	v22 =	vld [tilespmem:s8+$0xFFFFFFD0];
	v13 =	vand.u32 $0x7C, v13;
	v21 =	vmov s9  }
0x3a5: {  	v19 =	vld [tilespmem:s8+$0xFFFFFFB0];
	v18 =	vmov s7;
	v17 =	vadd.s32 v0, v13;
	v47 =	vand.u32 $0x7E, v21  }
0x3a6: {  	v18 =	vand.u32 $0x7D, v18;
	v48 =	vadd.s32 v0, v47;
	v8 =	vadd.f32 v10, v8  }
0x3a7: {  	v10 =	vadd.s32 v0, v18  }
0x3a8: {  	v12 =	vadd.f32 v14, v12;
	[tilespmem:v15+s23+$0x0] =	vst.idx.msk $0xffff, v8;
	v8 =	vld [tilespmem:s5+$0xFFFFFFE0]  }
0x3a9: {  	v52 =	vadd.f32 v22, v20;
	v49 =	vld [tilespmem:s15+$0x0]  }
0x3aa: {  	v50 =	vadd.f32 v19, v16;
	[tilespmem:v17+s23+$0x0] =	vst.idx.msk $0xffff, v12;
	v51 =	vld [tilespmem:s8+$0x0]  }
0x3ab: {  	v17 =	vld [tilespmem:s15+$0xFFFFFFA0];
	[tilespmem:v48+s23+$0x0] =	vst.idx.msk $0xffff, v52  }
0x3ac: {  	v2 =	vadd.s32 v1, v2;
	[tilespmem:v10+s23+$0x0] =	vst.idx.msk $0xffff, v50;
	v10 =	vld [tilespmem:s8+$0xFFFFFFA0]  }
0x3ad: {  	v11 =	vadd.s32 v1, v11;
	v15 =	vld [tilespmem:s15+$0xFFFFFFE0]  }
0x3ae: {  	v4 =	vadd.f32 v5, v4;
	v5 =	vadd.s32 v1, v13;
	v53 =	vld [tilespmem:s15+$0xFFFFFFC0]  }
0x3af: {  	[tilespmem:v6+s23+$0x0] =	vst.idx.msk $0xffff, v9;
	v54 =	vld [tilespmem:s8+$0xFFFFFFC0];
	v3 =	vadd.f32 v8, v3  }
0x3b0: {  	[tilespmem:v7+s23+$0x0] =	vst.idx.msk $0xffff, v4;
	v55 =	vld [tilespmem:s8+$0xFFFFFFE0];
	v4 =	vadd.f32 v51, v49  }
0x3b1: {  	v6 =	vadd.s32 v1, v18;
	[tilespmem:v2+s23+$0x0] =	vst.idx.msk $0xffff, v3;
	v2 =	vadd.f32 v10, v17  }
0x3b2: {  	v7 =	vadd.s32 v1, v47;
	[tilespmem:v11+s23+$0x0] =	vst.idx.msk $0xffff, v4  }
0x3b3: {  	[tilespmem:v5+s23+$0x0] =	vst.idx.msk $0xffff, v2  }
0x3b4: {  	v3 =	vadd.f32 v54, v53;
	s10 =	rddreg [dreg:$0xb]  }
0x3b5: {  	v2 =	vadd.f32 v55, v15;
	s5 =	sor.u32 s10, s21  }
0x3b6: {  	[tilespmem:v6+s23+$0x0] =	vst.idx.msk $0xffff, v3;
	s5 =	sshrl.u32 s5, $0x3  }
0x3b7: {  	s8 =	simm.s32 $0x0;
	[tilespmem:v7+s23+$0x0] =	vst.idx.msk $0xffff, v2;
	s7 =	sadd.s32 s2, s5  }
0x3b8: {  	[hbm4b:s7+s8] =	stream.linear.scatter [tilespmem:s23], [sflag:$0x3], $0x80, $0x38;
	[tilespmem:$0x18600] =	vst v63  }
0x3b9: {  	s10 =	simm.s32 $0x16488;
	s15 =	sadd.s32 $0x10, s7  }
0x3ba: {  	[hbm4b:s15+s8] =	stream.linear.scatter [tilespmem:s10], [sflag:$0x3], $0x80, $0x38;
	[tilespmem:$0x18600] =	vst v63  }
0x3bb: {  	s10 =	sadd.s32 $0x20, s7;
	s15 =	simm.s32 $0x16510  }
0x3bc: {  	[hbm4b:s10+s8] =	stream.linear.scatter [tilespmem:s15], [sflag:$0x3], $0x80, $0x38;
	[tilespmem:$0x18600] =	vst v63  }
0x3bd: {  	s10 =	sadd.s32 $0x30, s7;
	s15 =	simm.s32 $0x16598  }
0x3be: {  	[hbm4b:s10+s8] =	stream.linear.scatter [tilespmem:s15], [sflag:$0x3], $0x80, $0x38;
	[tilespmem:$0x18600] =	vst v63  }
0x3bf: {  	s10 =	sadd.s32 $0x40, s7;
	s15 =	simm.s32 $0x16620  }
0x3c0: {  	[hbm4b:s10+s8] =	stream.linear.scatter [tilespmem:s15], [sflag:$0x3], $0x80, $0x38;
	[tilespmem:$0x18600] =	vst v63  }
0x3c1: {  	s10 =	sadd.s32 $0x50, s7;
	s15 =	simm.s32 $0x166A8  }
0x3c2: {  	[hbm4b:s10+s8] =	stream.linear.scatter [tilespmem:s15], [sflag:$0x3], $0x80, $0x38;
	[tilespmem:$0x18600] =	vst v63  }
0x3c3: {  	s10 =	sadd.s32 $0x60, s7;
	s15 =	simm.s32 $0x16730  }
0x3c4: {  	[hbm4b:s10+s8] =	stream.linear.scatter [tilespmem:s15], [sflag:$0x3], $0x80, $0x38;
	[tilespmem:$0x18600] =	vst v63  }
0x3c5: {  	s7 =	sadd.s32 $0x70, s7;
	s15 =	simm.s32 $0x167B8;
	s10 =	sor.u32 $0x4000, s5  }
0x3c6: {  	[hbm4b:s7+s8] =	stream.linear.scatter [tilespmem:s15], [sflag:$0x3], $0x80, $0x38;
	[tilespmem:$0x18600] =	vst v63  }
0x3c7: {  	s7 =	sadd.s32 s2, s10;
	s15 =	simm.s32 $0x16840  }
0x3c8: {  	[hbm4b:s7+s8] =	stream.linear.scatter [tilespmem:s15], [sflag:$0x3], $0x80, $0x38;
	[tilespmem:$0x18600] =	vst v63  }
0x3c9: {  	s10 =	sadd.s32 $0x10, s7;
	s15 =	simm.s32 $0x168C8  }
0x3ca: {  	[hbm4b:s10+s8] =	stream.linear.scatter [tilespmem:s15], [sflag:$0x3], $0x80, $0x38;
	[tilespmem:$0x18600] =	vst v63  }
0x3cb: {  	s10 =	sadd.s32 $0x20, s7;
	s15 =	simm.s32 $0x16950  }
0x3cc: {  	[hbm4b:s10+s8] =	stream.linear.scatter [tilespmem:s15], [sflag:$0x3], $0x80, $0x38;
	[tilespmem:$0x18600] =	vst v63  }
0x3cd: {  	s10 =	sadd.s32 $0x30, s7;
	s15 =	simm.s32 $0x169D8  }
0x3ce: {  	[hbm4b:s10+s8] =	stream.linear.scatter [tilespmem:s15], [sflag:$0x3], $0x80, $0x38;
	[tilespmem:$0x18600] =	vst v63  }
0x3cf: {  	s10 =	sadd.s32 $0x40, s7;
	s15 =	simm.s32 $0x16A60  }
0x3d0: {  	[hbm4b:s10+s8] =	stream.linear.scatter [tilespmem:s15], [sflag:$0x3], $0x80, $0x38;
	[tilespmem:$0x18600] =	vst v63  }
0x3d1: {  	s10 =	sadd.s32 $0x50, s7;
	s15 =	simm.s32 $0x16AE8  }
0x3d2: {  	[hbm4b:s10+s8] =	stream.linear.scatter [tilespmem:s15], [sflag:$0x3], $0x80, $0x38;
	[tilespmem:$0x18600] =	vst v63  }
0x3d3: {  	s10 =	sadd.s32 $0x60, s7;
	s15 =	simm.s32 $0x16B70  }
0x3d4: {  	[hbm4b:s10+s8] =	stream.linear.scatter [tilespmem:s15], [sflag:$0x3], $0x80, $0x38;
	[tilespmem:$0x18600] =	vst v63  }
0x3d5: {  	s7 =	sadd.s32 $0x70, s7;
	s15 =	simm.s32 $0x16BF8;
	s10 =	sor.u32 $0x8000, s5  }
0x3d6: {  	[hbm4b:s7+s8] =	stream.linear.scatter [tilespmem:s15], [sflag:$0x3], $0x80, $0x38;
	[tilespmem:$0x18600] =	vst v63  }
0x3d7: {  	s7 =	sadd.s32 s2, s10;
	s15 =	simm.s32 $0x16C80  }
0x3d8: {  	[hbm4b:s7+s8] =	stream.linear.scatter [tilespmem:s15], [sflag:$0x3], $0x80, $0x38;
	[tilespmem:$0x18600] =	vst v63  }
0x3d9: {  	s10 =	sadd.s32 $0x10, s7;
	s15 =	simm.s32 $0x16D08  }
0x3da: {  	[hbm4b:s10+s8] =	stream.linear.scatter [tilespmem:s15], [sflag:$0x3], $0x80, $0x38;
	[tilespmem:$0x18600] =	vst v63  }
0x3db: {  	s10 =	sadd.s32 $0x20, s7;
	s15 =	simm.s32 $0x16D90  }
0x3dc: {  	[hbm4b:s10+s8] =	stream.linear.scatter [tilespmem:s15], [sflag:$0x3], $0x80, $0x38;
	[tilespmem:$0x18600] =	vst v63  }
0x3dd: {  	s10 =	sadd.s32 $0x30, s7;
	s15 =	simm.s32 $0x16E18  }
0x3de: {  	[hbm4b:s10+s8] =	stream.linear.scatter [tilespmem:s15], [sflag:$0x3], $0x80, $0x38;
	[tilespmem:$0x18600] =	vst v63  }
0x3df: {  	s10 =	sadd.s32 $0x40, s7;
	s15 =	simm.s32 $0x16EA0  }
0x3e0: {  	[hbm4b:s10+s8] =	stream.linear.scatter [tilespmem:s15], [sflag:$0x3], $0x80, $0x38;
	[tilespmem:$0x18600] =	vst v63  }
0x3e1: {  	s10 =	sadd.s32 $0x50, s7;
	s15 =	simm.s32 $0x16F28  }
0x3e2: {  	[hbm4b:s10+s8] =	stream.linear.scatter [tilespmem:s15], [sflag:$0x3], $0x80, $0x38;
	[tilespmem:$0x18600] =	vst v63  }
0x3e3: {  	s10 =	sadd.s32 $0x60, s7;
	s15 =	simm.s32 $0x16FB0  }
0x3e4: {  	[hbm4b:s10+s8] =	stream.linear.scatter [tilespmem:s15], [sflag:$0x3], $0x80, $0x38;
	[tilespmem:$0x18600] =	vst v63  }
0x3e5: {  	s5 =	sor.u32 $0xC000, s5;
	s7 =	sadd.s32 $0x70, s7;
	s15 =	simm.s32 $0x17038  }
0x3e6: {  	[hbm4b:s7+s8] =	stream.linear.scatter [tilespmem:s15], [sflag:$0x3], $0x80, $0x38;
	[tilespmem:$0x18600] =	vst v63  }
0x3e7: {  	s9 =	simm.s32 $0x170C0;
	s5 =	sadd.s32 s2, s5  }
0x3e8: {  	[hbm4b:s5+s8] =	stream.linear.scatter [tilespmem:s9], [sflag:$0x3], $0x80, $0x38;
	[tilespmem:$0x18600] =	vst v63  }
0x3e9: {  	s10 =	sadd.s32 $0x10, s5;
	s15 =	simm.s32 $0x17148  }
0x3ea: {  	[hbm4b:s10+s8] =	stream.linear.scatter [tilespmem:s15], [sflag:$0x3], $0x80, $0x38;
	[tilespmem:$0x18600] =	vst v63  }
0x3eb: {  	s10 =	sadd.s32 $0x20, s5;
	s15 =	simm.s32 $0x171D0  }
0x3ec: {  	[hbm4b:s10+s8] =	stream.linear.scatter [tilespmem:s15], [sflag:$0x3], $0x80, $0x38;
	[tilespmem:$0x18600] =	vst v63  }
0x3ed: {  	s10 =	sadd.s32 $0x30, s5;
	s15 =	simm.s32 $0x17258  }
0x3ee: {  	[hbm4b:s10+s8] =	stream.linear.scatter [tilespmem:s15], [sflag:$0x3], $0x80, $0x38;
	[tilespmem:$0x18600] =	vst v63  }
0x3ef: {  	s10 =	sadd.s32 $0x40, s5;
	s15 =	simm.s32 $0x172E0  }
0x3f0: {  	[hbm4b:s10+s8] =	stream.linear.scatter [tilespmem:s15], [sflag:$0x3], $0x80, $0x38;
	[tilespmem:$0x18600] =	vst v63  }
0x3f1: {  	s10 =	sadd.s32 $0x50, s5;
	s15 =	simm.s32 $0x17368  }
0x3f2: {  	[hbm4b:s10+s8] =	stream.linear.scatter [tilespmem:s15], [sflag:$0x3], $0x80, $0x38;
	[tilespmem:$0x18600] =	vst v63  }
0x3f3: {  	s10 =	sadd.s32 $0x60, s5;
	s15 =	simm.s32 $0x173F0  }
0x3f4: {  	[hbm4b:s10+s8] =	stream.linear.scatter [tilespmem:s15], [sflag:$0x3], $0x80, $0x38;
	[tilespmem:$0x18600] =	vst v63  }
0x3f5: {  	s9 =	simm.s32 $0x17478;
	s5 =	sadd.s32 $0x70, s5  }
0x3f6: {  	[hbm4b:s5+s8] =	stream.linear.scatter [tilespmem:s9], [sflag:$0x3], $0x80, $0x38;
	[tilespmem:$0x18600] =	vst v63  }
0x3f7: {  	_ =	swait.ge [sflag:s14], $0x400  }
0x3f8: {  	[sflag:s14] =	ssyncset.done $0x0  }
0x3f9: {  	[sflag:s14] =	ssyncadd.s32 $0xFFFFFC00  }
0x3fa: {  	_ =	swait.ge [sflag:s14], $0x400  }
0x3fb: {  	[sflag:s14] =	ssyncset.done $0x0  }
0x3fc: {  	[sflag:s14] =	ssyncadd.s32 $0xFFFFFC00  }
0x3fd: {  	_ =	swait.ge [sflag:s14], $0x400  }
0x3fe: {  	[sflag:s14] =	ssyncset.done $0x0  }
0x3ff: {  	[sflag:s14] =	ssyncadd.s32 $0xFFFFFC00  }
0x400: {  	_ =	swait.ge [sflag:s14], $0x400  }
0x401: {  	[sflag:s14] =	ssyncset.done $0x0  }
0x402: {  	s7 =	simm.s32 $0x11470;
	[sflag:s14] =	ssyncadd.s32 $0xFFFFFC00  }
0x403: {  	s10 =	simm.s32 $0x3;
	s5 =	simm.s32 $0x15470;
	v2 =	vld [tilespmem:s7+$0xFFFFFFF0]  }
0x404: {  	v3 =	vmov s10;
	v4 =	vld [tilespmem:s5+$0xFFFFFFF0]  }
0x405: {  	v3 =	vand.u32 $0x7F, v3;
	v5 =	vld [tilespmem:s7+$0xFFFFFF90]  }
0x406: {  	v6 =	vmov s8;
	v8 =	vadd.s32 v0, v3;
	v7 =	vld [tilespmem:s5+$0xFFFFFF90]  }
0x407: {  	v6 =	vand.u32 $0x7C, v6;
	s15 =	simm.s32 $0x1;
	v9 =	vld [tilespmem:s7+$0xFFFFFFB0]  }
0x408: {  	v10 =	vadd.s32 v0, v6;
	v11 =	vmov s15;
	v56 =	vld [tilespmem:s5+$0xFFFFFFB0]  }
0x409: {  	v11 =	vand.u32 $0x7D, v11;
	v4 =	vadd.f32 v4, v2  }
0x40a: {  	s9 =	simm.s32 $0x2;
	v58 =	vadd.s32 v0, v11;
	v57 =	vld [tilespmem:s7+$0xFFFFFFD0]  }
0x40b: {  	v59 =	vld [tilespmem:s5+$0xFFFFFFD0];
	v2 =	vmov s9;
	v5 =	vadd.f32 v7, v5;
	[tilespmem:v8+s31+$0x0] =	vst.idx.msk $0xffff, v4  }
0x40c: {  	v2 =	vand.u32 $0x7E, v2;
	v8 =	vld [tilespmem:s7+$0x0]  }
0x40d: {  	v7 =	vadd.s32 v0, v2;
	[tilespmem:v10+s31+$0x0] =	vst.idx.msk $0xffff, v5;
	v4 =	vadd.f32 v56, v9;
	v9 =	vld [tilespmem:s5+$0x0]  }
0x40e: {  	v60 =	vld [tilespmem:s7+$0xFFFFFFA0]  }
0x40f: {  	v62 =	vadd.s32 v1, v3;
	v61 =	vld [tilespmem:s5+$0xFFFFFFA0];
	[tilespmem:v58+s31+$0x0] =	vst.idx.msk $0xffff, v4  }
0x410: {  	v10 =	vadd.f32 v59, v57;
	v4 =	vld [tilespmem:s7+$0xFFFFFFC0]  }
0x411: {  	v6 =	vadd.s32 v1, v6;
	s8 =	simm.s32 $0x154F0;
	v5 =	vld [tilespmem:s5+$0xFFFFFFC0]  }
0x412: {  	[tilespmem:v7+s31+$0x0] =	vst.idx.msk $0xffff, v10;
	v10 =	vld [tilespmem:s8+$0xFFFFFFF0];
	v63 =	vadd.f32 v9, v8  }
0x413: {  	s15 =	simm.s32 $0x114F0;
	s10 =	simm.s32 $0x7;
	v7 =	vadd.s32 v1, v11;
	v3 =	vld [tilespmem:s7+$0xFFFFFFE0]  }
0x414: {  	s9 =	simm.s32 $0x4;
	v11 =	vmov s10;
	s10 =	simm.s32 $0x8;
	v8 =	vld [tilespmem:s15+$0xFFFFFFF0];
	v9 =	vadd.f32 v61, v60;
	[tilespmem:v62+s31+$0x0] =	vst.idx.msk $0xffff, v63  }
.LBB2_17:
0x415: {  	p1 =	slt.u32 s10, $0x7C;
	v12 =	vld [tilespmem:s15+$0xFFFFFF90];
	v11 =	vand.u32 $0x7F, v11  }
0x416: {  	v13 =	vmov s9;
	v14 =	vld [tilespmem:s8+$0xFFFFFF90];
	v15 =	vadd.s32 v0, v11;
	[tilespmem:v6+s31+$0x0] =	vst.idx.msk $0xffff, v9;
	v4 =	vadd.f32 v5, v4  }
0x417: {  	s7 =	sadd.s32 $0x1, s9;
	v5 =	vand.u32 $0x7C, v13;
	v6 =	vld [tilespmem:s15+$0xFFFFFFB0]  }
0x418: {  	v13 =	vmov s7;
	v9 =	vadd.s32 v0, v5;
	v16 =	vld [tilespmem:s8+$0xFFFFFFB0];
	[tilespmem:v7+s31+$0x0] =	vst.idx.msk $0xffff, v4  }
0x419: {  	s7 =	sadd.s32 $0x2, s9;
	s9 =	smov.u32 s10;
	v7 =	vand.u32 $0x7D, v13;
	v4 =	vld [tilespmem:s15+$0xFFFFFFD0];
	v8 =	vadd.f32 v10, v8  }
0x41a: {  	v13 =	vmov s7;
	v10 =	vadd.s32 v0, v7;
	v17 =	vld [tilespmem:s8+$0xFFFFFFD0]  }
0x41b: {  	v13 =	vand.u32 $0x7E, v13;
	v12 =	vadd.f32 v14, v12;
	[tilespmem:v15+s31+$0x0] =	vst.idx.msk $0xffff, v8;
	v8 =	vld [tilespmem:s5+$0xFFFFFFE0];
	s5 =	smov.u32 s8  }
0x41c: {  	v14 =	vadd.s32 v0, v13;
	v15 =	vld [tilespmem:s15+$0x0]  }
0x41d: {  	[tilespmem:v9+s31+$0x0] =	vst.idx.msk $0xffff, v12;
	v6 =	vadd.f32 v16, v6;
	v9 =	vld [tilespmem:s8+$0x0];
	v12 =	vadd.s32 v1, v2;
	v2 =	vmov v13  }
0x41e: {  	v13 =	vld [tilespmem:s15+$0xFFFFFFA0]  }
0x41f: {  	v16 =	vld [tilespmem:s8+$0xFFFFFFA0];
	[tilespmem:v10+s31+$0x0] =	vst.idx.msk $0xffff, v6;
	v10 =	vadd.f32 v17, v4;
	v17 =	vadd.s32 v1, v11  }
.Ltmp9:
0x420: {  	v4 =	vld [tilespmem:s15+$0xFFFFFFC0];
	v8 =	vadd.f32 v8, v3;
	(pc) =	sbr.rel @p1 .LBB2_17-.Ltmp9, $4  }
0x421: {  	v6 =	vadd.s32 v1, v5;
	v5 =	vld [tilespmem:s8+$0xFFFFFFC0];
	[tilespmem:v14+s31+$0x0] =	vst.idx.msk $0xffff, v10  }
0x422: {  	v3 =	vld [tilespmem:s15+$0xFFFFFFE0];
	v14 =	vadd.f32 v9, v15;
	s15 =	sadd.s32 $0x80, s15;
	[tilespmem:v12+s31+$0x0] =	vst.idx.msk $0xffff, v8  }
0x423: {  	s7 =	sadd.s32 $0x3, s10;
	v7 =	vadd.s32 v1, v7;
	s8 =	sadd.s32 $0x80, s8;
	v8 =	vld [tilespmem:s15+$0xFFFFFFF0]  }
0x424: {  	s10 =	sadd.s32 $0x4, s10;
	v11 =	vmov s7;
	v10 =	vld [tilespmem:s8+$0xFFFFFFF0];
	v9 =	vadd.f32 v16, v13;
	[tilespmem:v17+s31+$0x0] =	vst.idx.msk $0xffff, v14  }
0x425: {  	v12 =	vld [tilespmem:s15+$0xFFFFFF90];
	v11 =	vand.u32 $0x7F, v11  }
0x426: {  	v13 =	vmov s9;
	v14 =	vld [tilespmem:s8+$0xFFFFFF90];
	v15 =	vadd.s32 v0, v11  }
0x427: {  	s7 =	sadd.s32 $0x1, s9;
	v16 =	vld [tilespmem:s15+$0xFFFFFFB0];
	v13 =	vand.u32 $0x7C, v13  }
0x428: {  	v19 =	vld [tilespmem:s8+$0xFFFFFFB0];
	v17 =	vmov s7;
	v18 =	vadd.s32 v0, v13  }
0x429: {  	s10 =	sadd.s32 $0x2, s9;
	v20 =	vld [tilespmem:s15+$0xFFFFFFD0];
	v17 =	vand.u32 $0x7D, v17;
	v8 =	vadd.f32 v10, v8  }
0x42a: {  	v22 =	vld [tilespmem:s8+$0xFFFFFFD0];
	v50 =	vmov s10;
	v21 =	vadd.s32 v0, v17  }
0x42b: {  	v23 =	vld [tilespmem:s5+$0xFFFFFFE0];
	v10 =	vand.u32 $0x7E, v50;
	v12 =	vadd.f32 v14, v12;
	[tilespmem:v15+s31+$0x0] =	vst.idx.msk $0xffff, v8  }
0x42c: {  	v51 =	vadd.s32 v0, v10;
	v52 =	vld [tilespmem:s15+$0x0]  }
0x42d: {  	v53 =	vadd.f32 v19, v16;
	[tilespmem:v18+s31+$0x0] =	vst.idx.msk $0xffff, v12;
	v15 =	vld [tilespmem:s8+$0x0]  }
0x42e: {  	v54 =	vld [tilespmem:s15+$0xFFFFFFA0]  }
0x42f: {  	v2 =	vadd.s32 v1, v2;
	v56 =	vadd.f32 v22, v20;
	[tilespmem:v21+s31+$0x0] =	vst.idx.msk $0xffff, v53;
	v55 =	vld [tilespmem:s8+$0xFFFFFFA0]  }
0x430: {  	v11 =	vadd.s32 v1, v11;
	v57 =	vld [tilespmem:s15+$0xFFFFFFC0]  }
0x431: {  	v4 =	vadd.f32 v5, v4;
	v59 =	vadd.s32 v1, v13;
	v58 =	vld [tilespmem:s8+$0xFFFFFFC0];
	[tilespmem:v51+s31+$0x0] =	vst.idx.msk $0xffff, v56  }
0x432: {  	[tilespmem:v6+s31+$0x0] =	vst.idx.msk $0xffff, v9;
	v3 =	vadd.f32 v23, v3;
	v18 =	vld [tilespmem:s15+$0xFFFFFFE0]  }
0x433: {  	[tilespmem:v7+s31+$0x0] =	vst.idx.msk $0xffff, v4;
	v60 =	vld [tilespmem:s8+$0xFFFFFFE0];
	v62 =	vadd.f32 v15, v52  }
0x434: {  	v61 =	vadd.s32 v1, v17;
	[tilespmem:v2+s31+$0x0] =	vst.idx.msk $0xffff, v3;
	v2 =	vadd.f32 v55, v54  }
0x435: {  	v63 =	vadd.s32 v1, v10;
	[tilespmem:v11+s31+$0x0] =	vst.idx.msk $0xffff, v62  }
0x436: {  	[tilespmem:v59+s31+$0x0] =	vst.idx.msk $0xffff, v2  }
0x437: {  	v3 =	vadd.f32 v58, v57;
	s8 =	rddreg [dreg:$0xc]  }
0x438: {  	v2 =	vadd.f32 v60, v18;
	s5 =	sor.u32 s8, s21  }
0x439: {  	[tilespmem:v61+s31+$0x0] =	vst.idx.msk $0xffff, v3;
	s5 =	sshrl.u32 s5, $0x3  }
0x43a: {  	[tilespmem:v63+s31+$0x0] =	vst.idx.msk $0xffff, v2;
	s7 =	sadd.s32 s2, s5  }
0x43b: {  	[hbm4b:s7+s3] =	stream.linear.scatter [tilespmem:s31], [sflag:$0x4], $0x80, $0x38;
	[tilespmem:$0x18600] =	vst v63  }
0x43c: {  	s10 =	simm.s32 $0x17588;
	s9 =	sadd.s32 $0x10, s7  }
0x43d: {  	[hbm4b:s9+s3] =	stream.linear.scatter [tilespmem:s10], [sflag:$0x4], $0x80, $0x38;
	[tilespmem:$0x18600] =	vst v63  }
0x43e: {  	s21 =	simm.s32 $0x17610;
	s15 =	sadd.s32 $0x20, s7  }
0x43f: {  	[hbm4b:s15+s3] =	stream.linear.scatter [tilespmem:s21], [sflag:$0x4], $0x80, $0x38;
	[tilespmem:$0x18600] =	vst v63  }
0x440: {  	s9 =	sadd.s32 $0x30, s7;
	s10 =	simm.s32 $0x17698  }
0x441: {  	[hbm4b:s9+s3] =	stream.linear.scatter [tilespmem:s10], [sflag:$0x4], $0x80, $0x38;
	[tilespmem:$0x18600] =	vst v63  }
0x442: {  	s15 =	sadd.s32 $0x40, s7;
	s21 =	simm.s32 $0x17720  }
0x443: {  	[hbm4b:s15+s3] =	stream.linear.scatter [tilespmem:s21], [sflag:$0x4], $0x80, $0x38;
	[tilespmem:$0x18600] =	vst v63  }
0x444: {  	s9 =	sadd.s32 $0x50, s7;
	s10 =	simm.s32 $0x177A8  }
0x445: {  	[hbm4b:s9+s3] =	stream.linear.scatter [tilespmem:s10], [sflag:$0x4], $0x80, $0x38;
	[tilespmem:$0x18600] =	vst v63  }
0x446: {  	s15 =	sadd.s32 $0x60, s7;
	s21 =	simm.s32 $0x17830  }
0x447: {  	[hbm4b:s15+s3] =	stream.linear.scatter [tilespmem:s21], [sflag:$0x4], $0x80, $0x38;
	[tilespmem:$0x18600] =	vst v63  }
0x448: {  	s7 =	sadd.s32 $0x70, s7;
	s10 =	simm.s32 $0x178B8;
	s15 =	sor.u32 $0x4000, s5  }
0x449: {  	[hbm4b:s7+s3] =	stream.linear.scatter [tilespmem:s10], [sflag:$0x4], $0x80, $0x38;
	[tilespmem:$0x18600] =	vst v63  }
0x44a: {  	s21 =	simm.s32 $0x17940;
	s7 =	sadd.s32 s2, s15  }
0x44b: {  	[hbm4b:s7+s3] =	stream.linear.scatter [tilespmem:s21], [sflag:$0x4], $0x80, $0x38;
	[tilespmem:$0x18600] =	vst v63  }
0x44c: {  	s10 =	simm.s32 $0x179C8;
	s9 =	sadd.s32 $0x10, s7  }
0x44d: {  	[hbm4b:s9+s3] =	stream.linear.scatter [tilespmem:s10], [sflag:$0x4], $0x80, $0x38;
	[tilespmem:$0x18600] =	vst v63  }
0x44e: {  	s15 =	sadd.s32 $0x20, s7;
	s21 =	simm.s32 $0x17A50  }
0x44f: {  	[hbm4b:s15+s3] =	stream.linear.scatter [tilespmem:s21], [sflag:$0x4], $0x80, $0x38;
	[tilespmem:$0x18600] =	vst v63  }
0x450: {  	s9 =	sadd.s32 $0x30, s7;
	s10 =	simm.s32 $0x17AD8  }
0x451: {  	[hbm4b:s9+s3] =	stream.linear.scatter [tilespmem:s10], [sflag:$0x4], $0x80, $0x38;
	[tilespmem:$0x18600] =	vst v63  }
0x452: {  	s15 =	sadd.s32 $0x40, s7;
	s21 =	simm.s32 $0x17B60  }
0x453: {  	[hbm4b:s15+s3] =	stream.linear.scatter [tilespmem:s21], [sflag:$0x4], $0x80, $0x38;
	[tilespmem:$0x18600] =	vst v63  }
0x454: {  	s9 =	sadd.s32 $0x50, s7;
	s10 =	simm.s32 $0x17BE8  }
0x455: {  	[hbm4b:s9+s3] =	stream.linear.scatter [tilespmem:s10], [sflag:$0x4], $0x80, $0x38;
	[tilespmem:$0x18600] =	vst v63  }
0x456: {  	s15 =	sadd.s32 $0x60, s7;
	s21 =	simm.s32 $0x17C70  }
0x457: {  	[hbm4b:s15+s3] =	stream.linear.scatter [tilespmem:s21], [sflag:$0x4], $0x80, $0x38;
	[tilespmem:$0x18600] =	vst v63  }
0x458: {  	s7 =	sadd.s32 $0x70, s7;
	s10 =	simm.s32 $0x17CF8;
	s15 =	sor.u32 $0x8000, s5  }
0x459: {  	[hbm4b:s7+s3] =	stream.linear.scatter [tilespmem:s10], [sflag:$0x4], $0x80, $0x38;
	[tilespmem:$0x18600] =	vst v63  }
0x45a: {  	s21 =	simm.s32 $0x17D80;
	s7 =	sadd.s32 s2, s15  }
0x45b: {  	[hbm4b:s7+s3] =	stream.linear.scatter [tilespmem:s21], [sflag:$0x4], $0x80, $0x38;
	[tilespmem:$0x18600] =	vst v63  }
0x45c: {  	s10 =	simm.s32 $0x17E08;
	s9 =	sadd.s32 $0x10, s7  }
0x45d: {  	[hbm4b:s9+s3] =	stream.linear.scatter [tilespmem:s10], [sflag:$0x4], $0x80, $0x38;
	[tilespmem:$0x18600] =	vst v63  }
0x45e: {  	s15 =	sadd.s32 $0x20, s7  }
0x45f: {  	[hbm4b:s15+s3] =	stream.linear.scatter [tilespmem:s11], [sflag:$0x4], $0x80, $0x38;
	[tilespmem:$0x18600] =	vst v63  }
0x460: {  	s21 =	sadd.s32 $0x30, s7  }
0x461: {  	[hbm4b:s21+s3] =	stream.linear.scatter [tilespmem:s12], [sflag:$0x4], $0x80, $0x38;
	[tilespmem:$0x18600] =	vst v63  }
0x462: {  	s9 =	sadd.s32 $0x40, s7  }
0x463: {  	[hbm4b:s9+s3] =	stream.linear.scatter [tilespmem:s13], [sflag:$0x4], $0x80, $0x38;
	[tilespmem:$0x18600] =	vst v63  }
0x464: {  	s10 =	sadd.s32 $0x50, s7  }
0x465: {  	[hbm4b:s10+s3] =	stream.linear.scatter [tilespmem:s24], [sflag:$0x4], $0x80, $0x38;
	[tilespmem:$0x18600] =	vst v63  }
0x466: {  	s15 =	sadd.s32 $0x60, s7  }
0x467: {  	[hbm4b:s15+s3] =	stream.linear.scatter [tilespmem:s25], [sflag:$0x4], $0x80, $0x38;
	[tilespmem:$0x18600] =	vst v63  }
0x468: {  	s5 =	sor.u32 $0xC000, s5;
	s7 =	sadd.s32 $0x70, s7  }
0x469: {  	[hbm4b:s7+s3] =	stream.linear.scatter [tilespmem:s26], [sflag:$0x4], $0x80, $0x38;
	[tilespmem:$0x18600] =	vst v63  }
0x46a: {  	s5 =	sadd.s32 s2, s5  }
0x46b: {  	[hbm4b:s5+s3] =	stream.linear.scatter [tilespmem:s28], [sflag:$0x4], $0x80, $0x38;
	[tilespmem:$0x18600] =	vst v63  }
0x46c: {  	s21 =	sadd.s32 $0x10, s5  }
0x46d: {  	[hbm4b:s21+s3] =	stream.linear.scatter [tilespmem:s29], [sflag:$0x4], $0x80, $0x38;
	[tilespmem:$0x18600] =	vst v63  }
0x46e: {  	s8 =	sadd.s32 $0x20, s5  }
0x46f: {  	[hbm4b:s8+s3] =	stream.linear.scatter [tilespmem:s30], [sflag:$0x4], $0x80, $0x38;
	[tilespmem:$0x18600] =	vst v63  }
0x470: {  	s9 =	sadd.s32 $0x30, s5  }
0x471: {  	[hbm4b:s9+s3] =	stream.linear.scatter [tilespmem:s0], [sflag:$0x4], $0x80, $0x38;
	[tilespmem:$0x18600] =	vst v63  }
0x472: {  	s10 =	sadd.s32 $0x40, s5  }
0x473: {  	[hbm4b:s10+s3] =	stream.linear.scatter [tilespmem:s1], [sflag:$0x4], $0x80, $0x38;
	[tilespmem:$0x18600] =	vst v63  }
0x474: {  	s15 =	sadd.s32 $0x50, s5  }
0x475: {  	[hbm4b:s15+s3] =	stream.linear.scatter [tilespmem:s16], [sflag:$0x4], $0x80, $0x38;
	[tilespmem:$0x18600] =	vst v63  }
.Ltmp10:
0x476: {  	_ = 	snop;
	(pc) =	sbr.rel @p0 .LBB2_20-.Ltmp10, $4  }
0x477: {  	s21 =	sadd.s32 $0x60, s5  }
0x478: {  	[hbm4b:s21+s3] =	stream.linear.scatter [tilespmem:s18], [sflag:$0x4], $0x80, $0x38;
	[tilespmem:$0x18600] =	vst v63  }
0x479: {  	s5 =	sadd.s32 $0x70, s5  }
0x47a: {  	[hbm4b:s5+s3] =	stream.linear.scatter [tilespmem:s19], [sflag:$0x4], $0x80, $0x38;
	[tilespmem:$0x18600] =	vst v63  }
.Ltmp11:
0x47b: {  	s5 =	sshrl.u32 s20, $0x2;
	s7 =	rddreg [dreg:$0x3];
	(pc) =	sbr.rel .LBB2_2-.Ltmp11, $4  }
0x47c: {  	s8 =	simm.s32 $0x200;
	s9 =	simm.s32 $0xE400;
	s5 =	sadd.s32 $0x600, s5  }
0x47d: {  	[tilespmem:s9], [sflag:$0x2] =	stream.indirect.gather [hbm4b:s7+s8], $0x20, s5, s8, $0xb8;
	[tilespmem:$0x18600] =	vst v63  }
0x47e: {  	s20 =	rddreg [dreg:$0x4];
	s21 =	simm.s32 $0x12400;
	s4 =	sadd.s32 $0x1, s4  }
0x47f: {  	[tilespmem:s21], [sflag:$0x2] =	stream.indirect.gather [hbm4b:s20+s8], $0x20, s5, s8, $0xb8;
	[tilespmem:$0x18600] =	vst v63  }
.LBB2_21:
0x480: {  	_ =	sfence.sel $0x180000  }
0x481: {  	[bflag:$0x0] =	sbarrier.arrive $0xFFFF  }
0x482: {  	_ =	strace $0x9000004A  }
0x483: {  	s0 =	stileid.u32;
	[bflag:$0x2] =	sbarrier.arrive $0xFFFF  }
0x484: {  	p0 =	sne.s32 s0, $0x0;
	s0 =	rddreg [dreg:$0x2]  }
0x485: {  	s0 =	sadd.s32 @!p0 $0x100000, s0  }
0x486: {  	[sflag:s0] =	ssyncadd.tile.s32 @!p0 $0x1;
	_ =	shalt  }
.Lfunc_end2:
_tile_overlayer_lowered:
.L_overlay_start_2:
0x487: {  	(tag) =	ssettag $0x2  }
0x488: {  	s0 =	rddreg [dreg:$0x0];
	s2 =	stileid.u32  }
0x489: {  	s1 =	rddreg [dreg:$0x1];
	p0 =	sne.s32 s2, $0x0  }
0x48a: {  	s3 =	rddreg [dreg:$0x2];
	[bflag:$0x3] =	sbarrier.arrive $0xFFFF;
	s2 =	simm.s32 @!p0 $0x1C05  }
0x48b: {  	[timem:s3], [sflag:s2] =	dma.local @!p0 [hbm:s0], s1  }
0x48c: {  	s0 =	simm.s32 @!p0 $0x5  }
0x48d: {  	_ =	swait.ge @!p0 [sflag:s0], s1  }
0x48e: {  	s1 =	ssub.s32 @!p0 $0x0, s1;
	[sflag:s0] =	ssyncset.done @!p0 $0x0  }
0x48f: {  	[sflag:s0] =	ssyncadd.s32 @!p0 s1  }
0x490: {  	[bflag:$0x3] =	sbarrier.arrive $0xFFFF  }
0x491: {  	_ =	shalt  }

</sc_bundles>
